<compile_context>
chip_gen: v7x
topology: tpu7x:2x2x1
jax: 0.10.2.dev20260603
libtpu: 0.0.44.dev20260713+nightly
codegen_flags: <defaults>
</compile_context>

<pallas_src>
import functools

import jax
import jax.numpy as jnp
from jax import lax
from jax.experimental import pallas as pl
from jax.experimental.pallas import tpu as pltpu
from jax.experimental.pallas import tpu_sc as plsc

D = 32
B = 16384
L = 16

_info = plsc.get_sparse_core_info()
NC = _info.num_cores
NS = _info.num_subcores
NW = NC * NS
BPW = B // NW
GROUPS = BPW // L

MARGIN = 1.0
EPS = 1e-6


def _sqrt16(x):
    x = jnp.maximum(x, jnp.float32(1e-30))
    i = lax.bitcast_convert_type(x, jnp.int32)
    i = jnp.int32(0x1FBD1DF5) + lax.shift_right_arithmetic(i, 1)
    y = lax.bitcast_convert_type(i, jnp.float32)
    for _ in range(3):
        y = jnp.float32(0.5) * (y + x / y)
    return y


HB = BPW // 2
HG = GROUPS // 2
WP = 33


def _tec_body(a_hbm, p_hbm, n_hbm, w_hbm, out_hbm,
              idx_a, idx_p, idx_n, g_ea, g_ep, g_en, p_ea, p_ep, p_en,
              part_v, sem):
    wid = lax.axis_index("s") * NC + lax.axis_index("c")
    base = wid * BPW

    lanes = lax.iota(jnp.int32, L)
    loss_vec = jnp.zeros((L,), jnp.float32)

    for h in range(2):
        bh = base + h * HB
        pltpu.sync_copy(a_hbm.at[pl.ds(bh, HB)], idx_a)
        pltpu.sync_copy(p_hbm.at[pl.ds(bh * 3, HB * 3)], idx_p)
        pltpu.sync_copy(n_hbm.at[pl.ds(bh * 3, HB * 3)], idx_n)
        cp_a = pltpu.async_copy(w_hbm.at[idx_a], g_ea, sem)
        cp_p = pltpu.async_copy(w_hbm.at[idx_p], g_ep, sem)
        cp_n = pltpu.async_copy(w_hbm.at[idx_n], g_en, sem)
        cp_a.wait()
        cp_p.wait()
        cp_n.wait()

        for src_ref, dst_ref, nrows in ((g_ea, p_ea, HB),
                                        (g_ep, p_ep, HB * 3),
                                        (g_en, p_en, HB * 3)):
            @plsc.parallel_loop(0, nrows, step=4, unroll=4)
            def _(r, _src=src_ref, _dst=dst_ref):
                for u in range(4):
                    rr = r + u
                    _dst[pl.ds(rr * WP, L)] = _src[rr, pl.ds(0, L)]
                    _dst[pl.ds(rr * WP + L, L)] = _src[rr, pl.ds(L, L)]

        @plsc.parallel_loop(0, HG, carry=loss_vec)
        def loss_vec(g, acc_loss):
            rows_a = (g * L + lanes) * WP
            rows3 = (g * L + lanes) * 3 * WP
            xrows = (rows3, rows3 + WP, rows3 + 2 * WP,
                     rows3, rows3 + WP, rows3 + 2 * WP)
            xrefs = (p_ep, p_ep, p_ep, p_en, p_en, p_en)
            acc = [jnp.zeros((L,), jnp.float32) for _ in range(6)]
            for d in range(D):
                ea_d = plsc.load_gather(p_ea, [rows_a + d]) + jnp.float32(EPS)
                for j in range(6):
                    t = ea_d - plsc.load_gather(xrefs[j], [xrows[j] + d])
                    acc[j] = acc[j] + t * t
            dist = [_sqrt16(acc[j]) for j in range(6)]
            for k in range(5):
                acc_loss = acc_loss + jnp.maximum(
                    dist[k] - dist[k + 1] + jnp.float32(MARGIN),
                    jnp.float32(0.0))
            return acc_loss

    part_v[...] = loss_vec
    pltpu.sync_copy(part_v, out_hbm.at[wid])


CPW = 244
CHUNK = 4
STEPS = CPW // CHUNK
CN = CHUNK * 128
JG = CN // L
SP = 33
TAIL_START = CPW * NW * 128
TAIL_ROWS = 1000000 - TAIL_START
TPR = TAIL_ROWS // NW


def _detile_body(w3_hbm, tail_hbm, out_hbm, in0_v, in1_v, pad_v, pk0_v, pk1_v,
                 tail_v, isem0, isem1, osem0, osem1):
    ins = (in0_v, in1_v)
    pks = (pk0_v, pk1_v)
    isems = (isem0, isem1)
    osems = (osem0, osem1)
    wid = lax.axis_index("s") * NC + lax.axis_index("c")
    col0 = wid * CPW
    lanes_sp = lax.iota(jnp.int32, L) * SP

    def fire_in(g, b):
        c = (col0 + g * CHUNK) * 128
        pltpu.async_copy(w3_hbm.at[:, :, pl.ds(c, CN)], ins[b], isems[b])

    def wait_in(g, b):
        c = (col0 + g * CHUNK) * 128
        pltpu.make_async_copy(w3_hbm.at[:, :, pl.ds(c, CN)], ins[b],
                              isems[b]).wait()

    def fire_out(g, b):
        c = (col0 + g * CHUNK) * 128
        pltpu.async_copy(pk_v := pks[b], out_hbm.at[pl.ds(c * D, CN * D)],
                         osems[b])

    def wait_out(g, b):
        c = (col0 + g * CHUNK) * 128
        pltpu.make_async_copy(pks[b], out_hbm.at[pl.ds(c * D, CN * D)],
                              osems[b]).wait()

    def compute(b):
        @plsc.parallel_loop(0, JG, unroll=8)
        def _(j):
            jb = lanes_sp + j * (L * SP)
            for s in range(4):
                for d in range(8):
                    v = ins[b][s, d, pl.ds(j * L, L)]
                    plsc.store_scatter(pad_v, [jb + (s * 8 + d)], v)

        @plsc.parallel_loop(0, CN, step=4, unroll=4)
        def _(n):
            for u in range(4):
                nn = n + u
                pks[b][pl.ds(nn * D, L)] = pad_v[pl.ds(nn * SP, L)]
                pks[b][pl.ds(nn * D + L, L)] = pad_v[pl.ds(nn * SP + L, L)]

    fire_in(0, 0)
    fire_in(1, 1)

    def step2(i, carry):
        g = i * 2
        for b in range(2):
            ge = g + b
            wait_in(ge, b)

            @pl.when(ge >= 2)
            def _():
                wait_out(ge - 2, b)

            compute(b)
            fire_out(ge, b)

            @pl.when(ge + 2 < STEPS)
            def _():
                fire_in(ge + 2, b)
        return carry

    lax.fori_loop(0, (STEPS - 1) // 2, step2, 0)
    wait_in(STEPS - 1, 0)
    wait_out(STEPS - 3, 0)
    compute(0)
    fire_out(STEPS - 1, 0)
    wait_out(STEPS - 2, 1)
    wait_out(STEPS - 1, 0)
    pltpu.sync_copy(tail_hbm.at[pl.ds(wid * TPR * D, TPR * D)], tail_v)
    pltpu.sync_copy(tail_v,
                    out_hbm.at[pl.ds((TAIL_START + wid * TPR) * D, TPR * D)])


@functools.partial(jax.jit, static_argnums=())
def _detile(w3, tail_flat):
    mesh = plsc.VectorSubcoreMesh(core_axis_name="c", subcore_axis_name="s")
    f = pl.kernel(
        _detile_body,
        mesh=mesh,
        compiler_params=pltpu.CompilerParams(needs_layout_passes=False),
        out_type=jax.ShapeDtypeStruct((1000000 * D,), jnp.float32),
        scratch_types=[
            pltpu.VMEM((4, 8, CN), jnp.float32),
            pltpu.VMEM((4, 8, CN), jnp.float32),
            pltpu.VMEM((CN * SP,), jnp.float32),
            pltpu.VMEM((CN * D,), jnp.float32),
            pltpu.VMEM((CN * D,), jnp.float32),
            pltpu.VMEM((TPR * D,), jnp.float32),
            pltpu.SemaphoreType.DMA,
            pltpu.SemaphoreType.DMA,
            pltpu.SemaphoreType.DMA,
            pltpu.SemaphoreType.DMA,
        ],
    )
    return f(w3, tail_flat)


@functools.partial(jax.jit, static_argnums=())
def _partial_losses(a, p_flat, n_flat, w):
    mesh = plsc.VectorSubcoreMesh(core_axis_name="c", subcore_axis_name="s")
    f = pl.kernel(
        _tec_body,
        mesh=mesh,
        compiler_params=pltpu.CompilerParams(
            needs_layout_passes=False, use_tc_tiling_on_sc=False),
        out_type=jax.ShapeDtypeStruct((NW, L), jnp.float32),
        scratch_types=[
            pltpu.VMEM((HB,), jnp.int32),
            pltpu.VMEM((HB * 3,), jnp.int32),
            pltpu.VMEM((HB * 3,), jnp.int32),
            pltpu.VMEM((HB, D), jnp.float32),
            pltpu.VMEM((HB * 3, D), jnp.float32),
            pltpu.VMEM((HB * 3, D), jnp.float32),
            pltpu.VMEM((HB * WP,), jnp.float32),
            pltpu.VMEM((HB * 3 * WP,), jnp.float32),
            pltpu.VMEM((HB * 3 * WP,), jnp.float32),
            pltpu.VMEM((L,), jnp.float32),
            pltpu.SemaphoreType.DMA,
        ],
    )
    return f(a, p_flat, n_flat, w)


def kernel(a, p, n, W):
    w3 = W.T.reshape(4, 8, 1000000)
    tail_flat = jax.lax.slice(W, (TAIL_START, 0), (1000000, D)).reshape(-1)
    wlin = _detile(w3, tail_flat)
    parts = _partial_losses(a, p.reshape(-1), n.reshape(-1),
                            wlin.reshape(1000000, D))
    return jnp.sum(parts) / jnp.float32(B)

# --- scband reference (transcript-rebuilt; emitter-appended) ---
"""Pipeline reference for scband-triplet-embedding-model-74491912782050 (READ-ONLY COPY).

The authoritative reference and input builder live on the scoring server;
editing this copy changes nothing except your own understanding.
"""

import jax, jax.numpy as jnp
import numpy as np

N_NODES = 1000000
N_DIMS = 32
BATCH = 16384


def setup_inputs(seed: int = 0) -> dict:
    key = jax.random.key(seed)
    k1, k2, k3, k4 = jax.random.split(key, 4)
    a = jax.random.randint(k1, (BATCH,), 0, N_NODES, dtype=jnp.int32)
    p = jax.random.randint(k2, (BATCH, 3), 0, N_NODES, dtype=jnp.int32)
    n = jax.random.randint(k3, (BATCH, 3), 0, N_NODES, dtype=jnp.int32)
    W = jax.random.normal(k4, (N_NODES, N_DIMS), dtype=jnp.float32)
    return {"a": a, "p": p, "n": n, "W": W}


def _triplet_margin_loss(anchor, positive, negative, margin=1.0, eps=1e-6):
    # Faithful to torch.nn.TripletMarginLoss defaults: p=2, margin=1.0,
    # pairwise_distance adds eps to the difference, reduction='mean'.
    dp = jnp.sqrt(jnp.sum((anchor - positive + eps) ** 2, axis=-1))
    dn = jnp.sqrt(jnp.sum((anchor - negative + eps) ** 2, axis=-1))
    return jnp.mean(jnp.maximum(dp - dn + margin, 0.0))


def reference(a, p, n, W):
    # Embedding lookups (SparseCore-friendly gathers)
    ea = jnp.take(W, a, axis=0)            # [B, D]
    ep = jnp.take(W, p, axis=0)            # [B, 3, D]
    en = jnp.take(W, n, axis=0)            # [B, 3, D]
    loss = _triplet_margin_loss(ea, ep[:, 0, :], ep[:, 1, :])
    loss = loss + _triplet_margin_loss(ea, ep[:, 1, :], ep[:, 2, :])
    loss = loss + _triplet_margin_loss(ea, ep[:, 2, :], en[:, 0, :])
    loss = loss + _triplet_margin_loss(ea, en[:, 0, :], en[:, 1, :])
    loss = loss + _triplet_margin_loss(ea, en[:, 1, :], en[:, 2, :])
    return loss

if __name__ == "__main__":
    import jax
    _d = setup_inputs()
    print(jax.jit(kernel)(*tuple(_d.values())))

</pallas_src>

<mosaic_0001>
#map = affine_map<(d0, d1) -> (0, 0, 0)>
#map1 = affine_map<(d0, d1) -> (0)>
module attributes {stable_mosaic.version = 14 : i64} {
  func.func @_detile_body(%arg0: i32, %arg1: i32, %arg2: memref<4x8x1000000xf32, #tpu.memory_space<hbm>>, %arg3: memref<18432xf32, #tpu.memory_space<hbm>>, %arg4: memref<32000000xf32, #tpu.memory_space<hbm>>, %arg5: memref<4x8x512xf32, #tpu.memory_space<vmem>>, %arg6: memref<4x8x512xf32, #tpu.memory_space<vmem>>, %arg7: memref<16896xf32, #tpu.memory_space<vmem>>, %arg8: memref<16384xf32, #tpu.memory_space<vmem>>, %arg9: memref<16384xf32, #tpu.memory_space<vmem>>, %arg10: memref<576xf32, #tpu.memory_space<vmem>>, %arg11: memref<!tpu.dma_semaphore, #tpu.memory_space<semaphore_mem>>, %arg12: memref<!tpu.dma_semaphore, #tpu.memory_space<semaphore_mem>>, %arg13: memref<!tpu.dma_semaphore, #tpu.memory_space<semaphore_mem>>, %arg14: memref<!tpu.dma_semaphore, #tpu.memory_space<semaphore_mem>>) attributes {dimension_semantics = [#tpu.dimension_semantics<core_parallel>, #tpu.dimension_semantics<subcore_parallel>], iteration_bounds = array<i64: 2, 16>, scalar_prefetch = 0 : i64, scratch_operands = 10 : i64, tpu.core_type = #tpu.core_type<sc_vector_subcore>, window_params = [{transform_indices = #map}, {transform_indices = #map1}, {transform_indices = #map1}]} {
    %mul3A = arith.constant 2 : i32
    %mul3A_0 = arith.muli %arg1, %mul3A : i32
    %add3A = arith.addi %mul3A_0, %arg0 : i32
    %mul3A_1 = arith.constant 244 : i32
    %mul3A_2 = arith.muli %add3A, %mul3A_1 : i32
    %iota3A = tpu.iota {dimensions = array<i32: 0>} : vector<16xi32>
    %mul3A_3 = arith.constant 33 : i32
    %mul3A_4 = vector.broadcast %mul3A_3 : i32 to vector<16xi32>
    %mul3A_5 = arith.muli %iota3A, %mul3A_4 : vector<16xi32>
    %add3A_6 = arith.constant 0 : i32
    %add3A_7 = arith.addi %mul3A_2, %add3A_6 : i32
    %mul3A_8 = arith.constant 128 : i32
    %mul3A_9 = arith.muli %add3A_7, %mul3A_8 : i32
    %dma_start3A = arith.constant 0 : i32
    %dma_start3A_10 = arith.constant 0 : i32
    %dma_start3A_11 = tpu.memref_slice %arg2[%dma_start3A, %dma_start3A_10, %mul3A_9] : memref<4x8x1000000xf32, #tpu.memory_space<hbm>> -> memref<4x8x512xf32, #tpu.memory_space<hbm>>
    %dma_start3A_12 = arith.constant 0 : i32
    %dma_start3A_13 = arith.constant 0 : i32
    %dma_start3A_14 = tpu.memref_slice %arg2[%dma_start3A_12, %dma_start3A_13, %mul3A_9] : memref<4x8x1000000xf32, #tpu.memory_space<hbm>> -> memref<4x8x512xf32, #tpu.memory_space<hbm>>
    tpu.enqueue_dma source(%dma_start3A_14 : memref<4x8x512xf32, #tpu.memory_space<hbm>>) target(%arg5 : memref<4x8x512xf32, #tpu.memory_space<vmem>>) target_semaphore(%arg11 : memref<!tpu.dma_semaphore, #tpu.memory_space<semaphore_mem>>)
    %add3A_15 = arith.constant 4 : i32
    %add3A_16 = arith.addi %mul3A_2, %add3A_15 : i32
    %mul3A_17 = arith.constant 128 : i32
    %mul3A_18 = arith.muli %add3A_16, %mul3A_17 : i32
    %dma_start3A_19 = arith.constant 0 : i32
    %dma_start3A_20 = arith.constant 0 : i32
    %dma_start3A_21 = tpu.memref_slice %arg2[%dma_start3A_19, %dma_start3A_20, %mul3A_18] : memref<4x8x1000000xf32, #tpu.memory_space<hbm>> -> memref<4x8x512xf32, #tpu.memory_space<hbm>>
    %dma_start3A_22 = arith.constant 0 : i32
    %dma_start3A_23 = arith.constant 0 : i32
    %dma_start3A_24 = tpu.memref_slice %arg2[%dma_start3A_22, %dma_start3A_23, %mul3A_18] : memref<4x8x1000000xf32, #tpu.memory_space<hbm>> -> memref<4x8x512xf32, #tpu.memory_space<hbm>>
    tpu.enqueue_dma source(%dma_start3A_24 : memref<4x8x512xf32, #tpu.memory_space<hbm>>) target(%arg6 : memref<4x8x512xf32, #tpu.memory_space<vmem>>) target_semaphore(%arg12 : memref<!tpu.dma_semaphore, #tpu.memory_space<semaphore_mem>>)
    %scan3A = arith.constant 0 : i32
    %scan3A_25 = arith.constant 0 : i32
    %scan3A_26 = arith.constant 30 : i32
    %scan3A_27 = arith.addi %scan3A_25, %scan3A_26 : i32
    %scan3A_28 = arith.constant 1 : i32
    scf.for %scan3A_86 = %scan3A_25 to %scan3A_27 step %scan3A_28  : i32 {
      %mul3A_87 = arith.constant 2 : i32
      %mul3A_88 = arith.muli %scan3A_86, %mul3A_87 : i32
      %add3A_89 = arith.constant 0 : i32
      %add3A_90 = arith.addi %mul3A_88, %add3A_89 : i32
      %mul3A_91 = arith.constant 4 : i32
      %mul3A_92 = arith.muli %add3A_90, %mul3A_91 : i32
      %add3A_93 = arith.addi %mul3A_2, %mul3A_92 : i32
      %mul3A_94 = arith.constant 128 : i32
      %mul3A_95 = arith.muli %add3A_93, %mul3A_94 : i32
      %dma_wait3A_96 = arith.constant 0 : i32
      %dma_wait3A_97 = arith.constant 0 : i32
      %dma_wait3A_98 = tpu.memref_slice %arg2[%dma_wait3A_96, %dma_wait3A_97, %mul3A_95] : memref<4x8x1000000xf32, #tpu.memory_space<hbm>> -> memref<4x8x512xf32, #tpu.memory_space<hbm>>
      %dma_wait3A_99 = arith.constant 0 : i32
      %dma_wait3A_100 = arith.constant 0 : i32
      %dma_wait3A_101 = tpu.memref_slice %arg2[%dma_wait3A_99, %dma_wait3A_100, %mul3A_95] : memref<4x8x1000000xf32, #tpu.memory_space<hbm>> -> memref<4x8x512xf32, #tpu.memory_space<hbm>>
      tpu.wait_dma2 semaphore(%arg11 : memref<!tpu.dma_semaphore, #tpu.memory_space<semaphore_mem>>) src(%dma_wait3A_101 : memref<4x8x512xf32, #tpu.memory_space<hbm>>) dst(%arg5 : memref<4x8x512xf32, #tpu.memory_space<vmem>>)
      %ge3A = arith.constant 2 : i32
      %ge3A_102 = arith.cmpi sge, %add3A_90, %ge3A : i32
      %convert_element_type3A = arith.extui %ge3A_102 : i1 to i32
      %cond3A = arith.constant 0 : i32
      %cond3A_103 = arith.cmpi ne, %convert_element_type3A, %cond3A : i32
      scf.if %cond3A_103 {
        %sub3A = arith.constant 2 : i32
        %sub3A_165 = arith.subi %add3A_90, %sub3A : i32
        %mul3A_166 = arith.constant 4 : i32
        %mul3A_167 = arith.muli %sub3A_165, %mul3A_166 : i32
        %add3A_168 = arith.addi %mul3A_2, %mul3A_167 : i32
        %mul3A_169 = arith.constant 128 : i32
        %mul3A_170 = arith.muli %add3A_168, %mul3A_169 : i32
        %mul3A_171 = arith.constant 32 : i32
        %mul3A_172 = arith.muli %mul3A_170, %mul3A_171 : i32
        %dma_wait3A_173 = tpu.memref_slice %arg4[%mul3A_172] : memref<32000000xf32, #tpu.memory_space<hbm>> -> memref<16384xf32, #tpu.memory_space<hbm>>
        %dma_wait3A_174 = tpu.memref_slice %arg4[%mul3A_172] : memref<32000000xf32, #tpu.memory_space<hbm>> -> memref<16384xf32, #tpu.memory_space<hbm>>
        tpu.wait_dma2 semaphore(%arg13 : memref<!tpu.dma_semaphore, #tpu.memory_space<semaphore_mem>>) src(%arg8 : memref<16384xf32, #tpu.memory_space<vmem>>) dst(%dma_wait3A_174 : memref<16384xf32, #tpu.memory_space<hbm>>)
      } else {
      }
      %parallel_loop3A_104 = arith.constant 0 : i32
      %parallel_loop3A_105 = arith.constant 32 : i32
      %parallel_loop3A_106 = arith.constant 1 : i32
      scf.for %parallel_loop3A_165 = %parallel_loop3A_104 to %parallel_loop3A_105 step %parallel_loop3A_106  : i32 {
        %parallel_loop3A_166 = arith.constant 528 : i32
        %parallel_loop3A_167 = arith.muli %parallel_loop3A_165, %parallel_loop3A_166 : i32
        %parallel_loop3A_168 = vector.broadcast %parallel_loop3A_167 : i32 to vector<16xi32>
        %parallel_loop3A_169 = arith.addi %mul3A_5, %parallel_loop3A_168 : vector<16xi32>
        %parallel_loop3A_170 = arith.constant 16 : i32
        %parallel_loop3A_171 = arith.muli %parallel_loop3A_165, %parallel_loop3A_170 : i32
        %parallel_loop3A_172 = arith.constant 0 : i32
        %parallel_loop3A_173 = arith.constant 0 : i32
        %parallel_loop3A_174 = arith.index_cast %parallel_loop3A_172 : i32 to index
        %parallel_loop3A_175 = arith.index_cast %parallel_loop3A_173 : i32 to index
        %parallel_loop3A_176 = arith.index_cast %parallel_loop3A_171 : i32 to index
        %parallel_loop3A_177 = tpu.vector_load %arg5[%parallel_loop3A_174, %parallel_loop3A_175, %parallel_loop3A_176] {strides = array<i32>} : memref<4x8x512xf32, #tpu.memory_space<vmem>>, vector<16xf32>,
        %parallel_loop3A_178 = arith.constant 0 : i32
        %parallel_loop3A_179 = vector.broadcast %parallel_loop3A_178 : i32 to vector<16xi32>
        %parallel_loop3A_180 = arith.addi %parallel_loop3A_169, %parallel_loop3A_179 : vector<16xi32>
        tpu.vector_store_idx %arg7[%parallel_loop3A_180], %parallel_loop3A_177 : memref<16896xf32, #tpu.memory_space<vmem>>[vector<16xi32>], vector<16xf32>,
        %parallel_loop3A_181 = arith.constant 16 : i32
        %parallel_loop3A_182 = arith.muli %parallel_loop3A_165, %parallel_loop3A_181 : i32
        %parallel_loop3A_183 = arith.constant 0 : i32
        %parallel_loop3A_184 = arith.constant 1 : i32
        %parallel_loop3A_185 = arith.index_cast %parallel_loop3A_183 : i32 to index
        %parallel_loop3A_186 = arith.index_cast %parallel_loop3A_184 : i32 to index
        %parallel_loop3A_187 = arith.index_cast %parallel_loop3A_182 : i32 to index
        %parallel_loop3A_188 = tpu.vector_load %arg5[%parallel_loop3A_185, %parallel_loop3A_186, %parallel_loop3A_187] {strides = array<i32>} : memref<4x8x512xf32, #tpu.memory_space<vmem>>, vector<16xf32>,
        %parallel_loop3A_189 = arith.constant 1 : i32
        %parallel_loop3A_190 = vector.broadcast %parallel_loop3A_189 : i32 to vector<16xi32>
        %parallel_loop3A_191 = arith.addi %parallel_loop3A_169, %parallel_loop3A_190 : vector<16xi32>
        tpu.vector_store_idx %arg7[%parallel_loop3A_191], %parallel_loop3A_188 : memref<16896xf32, #tpu.memory_space<vmem>>[vector<16xi32>], vector<16xf32>,
        %parallel_loop3A_192 = arith.constant 16 : i32
        %parallel_loop3A_193 = arith.muli %parallel_loop3A_165, %parallel_loop3A_192 : i32
        %parallel_loop3A_194 = arith.constant 0 : i32
        %parallel_loop3A_195 = arith.constant 2 : i32
        %parallel_loop3A_196 = arith.index_cast %parallel_loop3A_194 : i32 to index
        %parallel_loop3A_197 = arith.index_cast %parallel_loop3A_195 : i32 to index
        %parallel_loop3A_198 = arith.index_cast %parallel_loop3A_193 : i32 to index
        %parallel_loop3A_199 = tpu.vector_load %arg5[%parallel_loop3A_196, %parallel_loop3A_197, %parallel_loop3A_198] {strides = array<i32>} : memref<4x8x512xf32, #tpu.memory_space<vmem>>, vector<16xf32>,
        %parallel_loop3A_200 = arith.constant 2 : i32
        %parallel_loop3A_201 = vector.broadcast %parallel_loop3A_200 : i32 to vector<16xi32>
        %parallel_loop3A_202 = arith.addi %parallel_loop3A_169, %parallel_loop3A_201 : vector<16xi32>
        tpu.vector_store_idx %arg7[%parallel_loop3A_202], %parallel_loop3A_199 : memref<16896xf32, #tpu.memory_space<vmem>>[vector<16xi32>], vector<16xf32>,
        %parallel_loop3A_203 = arith.constant 16 : i32
        %parallel_loop3A_204 = arith.muli %parallel_loop3A_165, %parallel_loop3A_203 : i32
        %parallel_loop3A_205 = arith.constant 0 : i32
        %parallel_loop3A_206 = arith.constant 3 : i32
        %parallel_loop3A_207 = arith.index_cast %parallel_loop3A_205 : i32 to index
        %parallel_loop3A_208 = arith.index_cast %parallel_loop3A_206 : i32 to index
        %parallel_loop3A_209 = arith.index_cast %parallel_loop3A_204 : i32 to index
        %parallel_loop3A_210 = tpu.vector_load %arg5[%parallel_loop3A_207, %parallel_loop3A_208, %parallel_loop3A_209] {strides = array<i32>} : memref<4x8x512xf32, #tpu.memory_space<vmem>>, vector<16xf32>,
        %parallel_loop3A_211 = arith.constant 3 : i32
        %parallel_loop3A_212 = vector.broadcast %parallel_loop3A_211 : i32 to vector<16xi32>
        %parallel_loop3A_213 = arith.addi %parallel_loop3A_169, %parallel_loop3A_212 : vector<16xi32>
        tpu.vector_store_idx %arg7[%parallel_loop3A_213], %parallel_loop3A_210 : memref<16896xf32, #tpu.memory_space<vmem>>[vector<16xi32>], vector<16xf32>,
        %parallel_loop3A_214 = arith.constant 16 : i32
        %parallel_loop3A_215 = arith.muli %parallel_loop3A_165, %parallel_loop3A_214 : i32
        %parallel_loop3A_216 = arith.constant 0 : i32
        %parallel_loop3A_217 = arith.constant 4 : i32
        %parallel_loop3A_218 = arith.index_cast %parallel_loop3A_216 : i32 to index
        %parallel_loop3A_219 = arith.index_cast %parallel_loop3A_217 : i32 to index
        %parallel_loop3A_220 = arith.index_cast %parallel_loop3A_215 : i32 to index
        %parallel_loop3A_221 = tpu.vector_load %arg5[%parallel_loop3A_218, %parallel_loop3A_219, %parallel_loop3A_220] {strides = array<i32>} : memref<4x8x512xf32, #tpu.memory_space<vmem>>, vector<16xf32>,
        %parallel_loop3A_222 = arith.constant 4 : i32
        %parallel_loop3A_223 = vector.broadcast %parallel_loop3A_222 : i32 to vector<16xi32>
        %parallel_loop3A_224 = arith.addi %parallel_loop3A_169, %parallel_loop3A_223 : vector<16xi32>
        tpu.vector_store_idx %arg7[%parallel_loop3A_224], %parallel_loop3A_221 : memref<16896xf32, #tpu.memory_space<vmem>>[vector<16xi32>], vector<16xf32>,
        %parallel_loop3A_225 = arith.constant 16 : i32
        %parallel_loop3A_226 = arith.muli %parallel_loop3A_165, %parallel_loop3A_225 : i32
        %parallel_loop3A_227 = arith.constant 0 : i32
        %parallel_loop3A_228 = arith.constant 5 : i32
        %parallel_loop3A_229 = arith.index_cast %parallel_loop3A_227 : i32 to index
        %parallel_loop3A_230 = arith.index_cast %parallel_loop3A_228 : i32 to index
        %parallel_loop3A_231 = arith.index_cast %parallel_loop3A_226 : i32 to index
        %parallel_loop3A_232 = tpu.vector_load %arg5[%parallel_loop3A_229, %parallel_loop3A_230, %parallel_loop3A_231] {strides = array<i32>} : memref<4x8x512xf32, #tpu.memory_space<vmem>>, vector<16xf32>,
        %parallel_loop3A_233 = arith.constant 5 : i32
        %parallel_loop3A_234 = vector.broadcast %parallel_loop3A_233 : i32 to vector<16xi32>
        %parallel_loop3A_235 = arith.addi %parallel_loop3A_169, %parallel_loop3A_234 : vector<16xi32>
        tpu.vector_store_idx %arg7[%parallel_loop3A_235], %parallel_loop3A_232 : memref<16896xf32, #tpu.memory_space<vmem>>[vector<16xi32>], vector<16xf32>,
        %parallel_loop3A_236 = arith.constant 16 : i32
        %parallel_loop3A_237 = arith.muli %parallel_loop3A_165, %parallel_loop3A_236 : i32
        %parallel_loop3A_238 = arith.constant 0 : i32
        %parallel_loop3A_239 = arith.constant 6 : i32
        %parallel_loop3A_240 = arith.index_cast %parallel_loop3A_238 : i32 to index
        %parallel_loop3A_241 = arith.index_cast %parallel_loop3A_239 : i32 to index
        %parallel_loop3A_242 = arith.index_cast %parallel_loop3A_237 : i32 to index
        %parallel_loop3A_243 = tpu.vector_load %arg5[%parallel_loop3A_240, %parallel_loop3A_241, %parallel_loop3A_242] {strides = array<i32>} : memref<4x8x512xf32, #tpu.memory_space<vmem>>, vector<16xf32>,
        %parallel_loop3A_244 = arith.constant 6 : i32
        %parallel_loop3A_245 = vector.broadcast %parallel_loop3A_244 : i32 to vector<16xi32>
        %parallel_loop3A_246 = arith.addi %parallel_loop3A_169, %parallel_loop3A_245 : vector<16xi32>
        tpu.vector_store_idx %arg7[%parallel_loop3A_246], %parallel_loop3A_243 : memref<16896xf32, #tpu.memory_space<vmem>>[vector<16xi32>], vector<16xf32>,
        %parallel_loop3A_247 = arith.constant 16 : i32
        %parallel_loop3A_248 = arith.muli %parallel_loop3A_165, %parallel_loop3A_247 : i32
        %parallel_loop3A_249 = arith.constant 0 : i32
        %parallel_loop3A_250 = arith.constant 7 : i32
        %parallel_loop3A_251 = arith.index_cast %parallel_loop3A_249 : i32 to index
        %parallel_loop3A_252 = arith.index_cast %parallel_loop3A_250 : i32 to index
        %parallel_loop3A_253 = arith.index_cast %parallel_loop3A_248 : i32 to index
        %parallel_loop3A_254 = tpu.vector_load %arg5[%parallel_loop3A_251, %parallel_loop3A_252, %parallel_loop3A_253] {strides = array<i32>} : memref<4x8x512xf32, #tpu.memory_space<vmem>>, vector<16xf32>,
        %parallel_loop3A_255 = arith.constant 7 : i32
        %parallel_loop3A_256 = vector.broadcast %parallel_loop3A_255 : i32 to vector<16xi32>
        %parallel_loop3A_257 = arith.addi %parallel_loop3A_169, %parallel_loop3A_256 : vector<16xi32>
        tpu.vector_store_idx %arg7[%parallel_loop3A_257], %parallel_loop3A_254 : memref<16896xf32, #tpu.memory_space<vmem>>[vector<16xi32>], vector<16xf32>,
        %parallel_loop3A_258 = arith.constant 16 : i32
        %parallel_loop3A_259 = arith.muli %parallel_loop3A_165, %parallel_loop3A_258 : i32
        %parallel_loop3A_260 = arith.constant 1 : i32
        %parallel_loop3A_261 = arith.constant 0 : i32
        %parallel_loop3A_262 = arith.index_cast %parallel_loop3A_260 : i32 to index
        %parallel_loop3A_263 = arith.index_cast %parallel_loop3A_261 : i32 to index
        %parallel_loop3A_264 = arith.index_cast %parallel_loop3A_259 : i32 to index
        %parallel_loop3A_265 = tpu.vector_load %arg5[%parallel_loop3A_262, %parallel_loop3A_263, %parallel_loop3A_264] {strides = array<i32>} : memref<4x8x512xf32, #tpu.memory_space<vmem>>, vector<16xf32>,
        %parallel_loop3A_266 = arith.constant 8 : i32
        %parallel_loop3A_267 = vector.broadcast %parallel_loop3A_266 : i32 to vector<16xi32>
        %parallel_loop3A_268 = arith.addi %parallel_loop3A_169, %parallel_loop3A_267 : vector<16xi32>
        tpu.vector_store_idx %arg7[%parallel_loop3A_268], %parallel_loop3A_265 : memref<16896xf32, #tpu.memory_space<vmem>>[vector<16xi32>], vector<16xf32>,
        %parallel_loop3A_269 = arith.constant 16 : i32
        %parallel_loop3A_270 = arith.muli %parallel_loop3A_165, %parallel_loop3A_269 : i32
        %parallel_loop3A_271 = arith.constant 1 : i32
        %parallel_loop3A_272 = arith.constant 1 : i32
        %parallel_loop3A_273 = arith.index_cast %parallel_loop3A_271 : i32 to index
        %parallel_loop3A_274 = arith.index_cast %parallel_loop3A_272 : i32 to index
        %parallel_loop3A_275 = arith.index_cast %parallel_loop3A_270 : i32 to index
        %parallel_loop3A_276 = tpu.vector_load %arg5[%parallel_loop3A_273, %parallel_loop3A_274, %parallel_loop3A_275] {strides = array<i32>} : memref<4x8x512xf32, #tpu.memory_space<vmem>>, vector<16xf32>,
        %parallel_loop3A_277 = arith.constant 9 : i32
        %parallel_loop3A_278 = vector.broadcast %parallel_loop3A_277 : i32 to vector<16xi32>
        %parallel_loop3A_279 = arith.addi %parallel_loop3A_169, %parallel_loop3A_278 : vector<16xi32>
        tpu.vector_store_idx %arg7[%parallel_loop3A_279], %parallel_loop3A_276 : memref<16896xf32, #tpu.memory_space<vmem>>[vector<16xi32>], vector<16xf32>,
        %parallel_loop3A_280 = arith.constant 16 : i32
        %parallel_loop3A_281 = arith.muli %parallel_loop3A_165, %parallel_loop3A_280 : i32
        %parallel_loop3A_282 = arith.constant 1 : i32
        %parallel_loop3A_283 = arith.constant 2 : i32
        %parallel_loop3A_284 = arith.index_cast %parallel_loop3A_282 : i32 to index
        %parallel_loop3A_285 = arith.index_cast %parallel_loop3A_283 : i32 to index
        %parallel_loop3A_286 = arith.index_cast %parallel_loop3A_281 : i32 to index
        %parallel_loop3A_287 = tpu.vector_load %arg5[%parallel_loop3A_284, %parallel_loop3A_285, %parallel_loop3A_286] {strides = array<i32>} : memref<4x8x512xf32, #tpu.memory_space<vmem>>, vector<16xf32>,
        %parallel_loop3A_288 = arith.constant 10 : i32
        %parallel_loop3A_289 = vector.broadcast %parallel_loop3A_288 : i32 to vector<16xi32>
        %parallel_loop3A_290 = arith.addi %parallel_loop3A_169, %parallel_loop3A_289 : vector<16xi32>
        tpu.vector_store_idx %arg7[%parallel_loop3A_290], %parallel_loop3A_287 : memref<16896xf32, #tpu.memory_space<vmem>>[vector<16xi32>], vector<16xf32>,
        %parallel_loop3A_291 = arith.constant 16 : i32
        %parallel_loop3A_292 = arith.muli %parallel_loop3A_165, %parallel_loop3A_291 : i32
        %parallel_loop3A_293 = arith.constant 1 : i32
        %parallel_loop3A_294 = arith.constant 3 : i32
        %parallel_loop3A_295 = arith.index_cast %parallel_loop3A_293 : i32 to index
        %parallel_loop3A_296 = arith.index_cast %parallel_loop3A_294 : i32 to index
        %parallel_loop3A_297 = arith.index_cast %parallel_loop3A_292 : i32 to index
        %parallel_loop3A_298 = tpu.vector_load %arg5[%parallel_loop3A_295, %parallel_loop3A_296, %parallel_loop3A_297] {strides = array<i32>} : memref<4x8x512xf32, #tpu.memory_space<vmem>>, vector<16xf32>,
        %parallel_loop3A_299 = arith.constant 11 : i32
        %parallel_loop3A_300 = vector.broadcast %parallel_loop3A_299 : i32 to vector<16xi32>
        %parallel_loop3A_301 = arith.addi %parallel_loop3A_169, %parallel_loop3A_300 : vector<16xi32>
        tpu.vector_store_idx %arg7[%parallel_loop3A_301], %parallel_loop3A_298 : memref<16896xf32, #tpu.memory_space<vmem>>[vector<16xi32>], vector<16xf32>,
        %parallel_loop3A_302 = arith.constant 16 : i32
        %parallel_loop3A_303 = arith.muli %parallel_loop3A_165, %parallel_loop3A_302 : i32
        %parallel_loop3A_304 = arith.constant 1 : i32
        %parallel_loop3A_305 = arith.constant 4 : i32
        %parallel_loop3A_306 = arith.index_cast %parallel_loop3A_304 : i32 to index
        %parallel_loop3A_307 = arith.index_cast %parallel_loop3A_305 : i32 to index
        %parallel_loop3A_308 = arith.index_cast %parallel_loop3A_303 : i32 to index
        %parallel_loop3A_309 = tpu.vector_load %arg5[%parallel_loop3A_306, %parallel_loop3A_307, %parallel_loop3A_308] {strides = array<i32>} : memref<4x8x512xf32, #tpu.memory_space<vmem>>, vector<16xf32>,
        %parallel_loop3A_310 = arith.constant 12 : i32
        %parallel_loop3A_311 = vector.broadcast %parallel_loop3A_310 : i32 to vector<16xi32>
        %parallel_loop3A_312 = arith.addi %parallel_loop3A_169, %parallel_loop3A_311 : vector<16xi32>
        tpu.vector_store_idx %arg7[%parallel_loop3A_312], %parallel_loop3A_309 : memref<16896xf32, #tpu.memory_space<vmem>>[vector<16xi32>], vector<16xf32>,
        %parallel_loop3A_313 = arith.constant 16 : i32
        %parallel_loop3A_314 = arith.muli %parallel_loop3A_165, %parallel_loop3A_313 : i32
        %parallel_loop3A_315 = arith.constant 1 : i32
        %parallel_loop3A_316 = arith.constant 5 : i32
        %parallel_loop3A_317 = arith.index_cast %parallel_loop3A_315 : i32 to index
        %parallel_loop3A_318 = arith.index_cast %parallel_loop3A_316 : i32 to index
        %parallel_loop3A_319 = arith.index_cast %parallel_loop3A_314 : i32 to index
        %parallel_loop3A_320 = tpu.vector_load %arg5[%parallel_loop3A_317, %parallel_loop3A_318, %parallel_loop3A_319] {strides = array<i32>} : memref<4x8x512xf32, #tpu.memory_space<vmem>>, vector<16xf32>,
        %parallel_loop3A_321 = arith.constant 13 : i32
        %parallel_loop3A_322 = vector.broadcast %parallel_loop3A_321 : i32 to vector<16xi32>
        %parallel_loop3A_323 = arith.addi %parallel_loop3A_169, %parallel_loop3A_322 : vector<16xi32>
        tpu.vector_store_idx %arg7[%parallel_loop3A_323], %parallel_loop3A_320 : memref<16896xf32, #tpu.memory_space<vmem>>[vector<16xi32>], vector<16xf32>,
        %parallel_loop3A_324 = arith.constant 16 : i32
        %parallel_loop3A_325 = arith.muli %parallel_loop3A_165, %parallel_loop3A_324 : i32
        %parallel_loop3A_326 = arith.constant 1 : i32
        %parallel_loop3A_327 = arith.constant 6 : i32
        %parallel_loop3A_328 = arith.index_cast %parallel_loop3A_326 : i32 to index
        %parallel_loop3A_329 = arith.index_cast %parallel_loop3A_327 : i32 to index
        %parallel_loop3A_330 = arith.index_cast %parallel_loop3A_325 : i32 to index
        %parallel_loop3A_331 = tpu.vector_load %arg5[%parallel_loop3A_328, %parallel_loop3A_329, %parallel_loop3A_330] {strides = array<i32>} : memref<4x8x512xf32, #tpu.memory_space<vmem>>, vector<16xf32>,
        %parallel_loop3A_332 = arith.constant 14 : i32
        %parallel_loop3A_333 = vector.broadcast %parallel_loop3A_332 : i32 to vector<16xi32>
        %parallel_loop3A_334 = arith.addi %parallel_loop3A_169, %parallel_loop3A_333 : vector<16xi32>
        tpu.vector_store_idx %arg7[%parallel_loop3A_334], %parallel_loop3A_331 : memref<16896xf32, #tpu.memory_space<vmem>>[vector<16xi32>], vector<16xf32>,
        %parallel_loop3A_335 = arith.constant 16 : i32
        %parallel_loop3A_336 = arith.muli %parallel_loop3A_165, %parallel_loop3A_335 : i32
        %parallel_loop3A_337 = arith.constant 1 : i32
        %parallel_loop3A_338 = arith.constant 7 : i32
        %parallel_loop3A_339 = arith.index_cast %parallel_loop3A_337 : i32 to index
        %parallel_loop3A_340 = arith.index_cast %parallel_loop3A_338 : i32 to index
        %parallel_loop3A_341 = arith.index_cast %parallel_loop3A_336 : i32 to index
        %parallel_loop3A_342 = tpu.vector_load %arg5[%parallel_loop3A_339, %parallel_loop3A_340, %parallel_loop3A_341] {strides = array<i32>} : memref<4x8x512xf32, #tpu.memory_space<vmem>>, vector<16xf32>,
        %parallel_loop3A_343 = arith.constant 15 : i32
        %parallel_loop3A_344 = vector.broadcast %parallel_loop3A_343 : i32 to vector<16xi32>
        %parallel_loop3A_345 = arith.addi %parallel_loop3A_169, %parallel_loop3A_344 : vector<16xi32>
        tpu.vector_store_idx %arg7[%parallel_loop3A_345], %parallel_loop3A_342 : memref<16896xf32, #tpu.memory_space<vmem>>[vector<16xi32>], vector<16xf32>,
        %parallel_loop3A_346 = arith.constant 16 : i32
        %parallel_loop3A_347 = arith.muli %parallel_loop3A_165, %parallel_loop3A_346 : i32
        %parallel_loop3A_348 = arith.constant 2 : i32
        %parallel_loop3A_349 = arith.constant 0 : i32
        %parallel_loop3A_350 = arith.index_cast %parallel_loop3A_348 : i32 to index
        %parallel_loop3A_351 = arith.index_cast %parallel_loop3A_349 : i32 to index
        %parallel_loop3A_352 = arith.index_cast %parallel_loop3A_347 : i32 to index
        %parallel_loop3A_353 = tpu.vector_load %arg5[%parallel_loop3A_350, %parallel_loop3A_351, %parallel_loop3A_352] {strides = array<i32>} : memref<4x8x512xf32, #tpu.memory_space<vmem>>, vector<16xf32>,
        %parallel_loop3A_354 = arith.constant 16 : i32
        %parallel_loop3A_355 = vector.broadcast %parallel_loop3A_354 : i32 to vector<16xi32>
        %parallel_loop3A_356 = arith.addi %parallel_loop3A_169, %parallel_loop3A_355 : vector<16xi32>
        tpu.vector_store_idx %arg7[%parallel_loop3A_356], %parallel_loop3A_353 : memref<16896xf32, #tpu.memory_space<vmem>>[vector<16xi32>], vector<16xf32>,
        %parallel_loop3A_357 = arith.constant 16 : i32
        %parallel_loop3A_358 = arith.muli %parallel_loop3A_165, %parallel_loop3A_357 : i32
        %parallel_loop3A_359 = arith.constant 2 : i32
        %parallel_loop3A_360 = arith.constant 1 : i32
        %parallel_loop3A_361 = arith.index_cast %parallel_loop3A_359 : i32 to index
        %parallel_loop3A_362 = arith.index_cast %parallel_loop3A_360 : i32 to index
        %parallel_loop3A_363 = arith.index_cast %parallel_loop3A_358 : i32 to index
        %parallel_loop3A_364 = tpu.vector_load %arg5[%parallel_loop3A_361, %parallel_loop3A_362, %parallel_loop3A_363] {strides = array<i32>} : memref<4x8x512xf32, #tpu.memory_space<vmem>>, vector<16xf32>,
        %parallel_loop3A_365 = arith.constant 17 : i32
        %parallel_loop3A_366 = vector.broadcast %parallel_loop3A_365 : i32 to vector<16xi32>
        %parallel_loop3A_367 = arith.addi %parallel_loop3A_169, %parallel_loop3A_366 : vector<16xi32>
        tpu.vector_store_idx %arg7[%parallel_loop3A_367], %parallel_loop3A_364 : memref<16896xf32, #tpu.memory_space<vmem>>[vector<16xi32>], vector<16xf32>,
        %parallel_loop3A_368 = arith.constant 16 : i32
        %parallel_loop3A_369 = arith.muli %parallel_loop3A_165, %parallel_loop3A_368 : i32
        %parallel_loop3A_370 = arith.constant 2 : i32
        %parallel_loop3A_371 = arith.constant 2 : i32
        %parallel_loop3A_372 = arith.index_cast %parallel_loop3A_370 : i32 to index
        %parallel_loop3A_373 = arith.index_cast %parallel_loop3A_371 : i32 to index
        %parallel_loop3A_374 = arith.index_cast %parallel_loop3A_369 : i32 to index
        %parallel_loop3A_375 = tpu.vector_load %arg5[%parallel_loop3A_372, %parallel_loop3A_373, %parallel_loop3A_374] {strides = array<i32>} : memref<4x8x512xf32, #tpu.memory_space<vmem>>, vector<16xf32>,
        %parallel_loop3A_376 = arith.constant 18 : i32
        %parallel_loop3A_377 = vector.broadcast %parallel_loop3A_376 : i32 to vector<16xi32>
        %parallel_loop3A_378 = arith.addi %parallel_loop3A_169, %parallel_loop3A_377 : vector<16xi32>
        tpu.vector_store_idx %arg7[%parallel_loop3A_378], %parallel_loop3A_375 : memref<16896xf32, #tpu.memory_space<vmem>>[vector<16xi32>], vector<16xf32>,
        %parallel_loop3A_379 = arith.constant 16 : i32
        %parallel_loop3A_380 = arith.muli %parallel_loop3A_165, %parallel_loop3A_379 : i32
        %parallel_loop3A_381 = arith.constant 2 : i32
        %parallel_loop3A_382 = arith.constant 3 : i32
        %parallel_loop3A_383 = arith.index_cast %parallel_loop3A_381 : i32 to index
        %parallel_loop3A_384 = arith.index_cast %parallel_loop3A_382 : i32 to index
        %parallel_loop3A_385 = arith.index_cast %parallel_loop3A_380 : i32 to index
        %parallel_loop3A_386 = tpu.vector_load %arg5[%parallel_loop3A_383, %parallel_loop3A_384, %parallel_loop3A_385] {strides = array<i32>} : memref<4x8x512xf32, #tpu.memory_space<vmem>>, vector<16xf32>,
        %parallel_loop3A_387 = arith.constant 19 : i32
        %parallel_loop3A_388 = vector.broadcast %parallel_loop3A_387 : i32 to vector<16xi32>
        %parallel_loop3A_389 = arith.addi %parallel_loop3A_169, %parallel_loop3A_388 : vector<16xi32>
        tpu.vector_store_idx %arg7[%parallel_loop3A_389], %parallel_loop3A_386 : memref<16896xf32, #tpu.memory_space<vmem>>[vector<16xi32>], vector<16xf32>,
        %parallel_loop3A_390 = arith.constant 16 : i32
        %parallel_loop3A_391 = arith.muli %parallel_loop3A_165, %parallel_loop3A_390 : i32
        %parallel_loop3A_392 = arith.constant 2 : i32
        %parallel_loop3A_393 = arith.constant 4 : i32
        %parallel_loop3A_394 = arith.index_cast %parallel_loop3A_392 : i32 to index
        %parallel_loop3A_395 = arith.index_cast %parallel_loop3A_393 : i32 to index
        %parallel_loop3A_396 = arith.index_cast %parallel_loop3A_391 : i32 to index
        %parallel_loop3A_397 = tpu.vector_load %arg5[%parallel_loop3A_394, %parallel_loop3A_395, %parallel_loop3A_396] {strides = array<i32>} : memref<4x8x512xf32, #tpu.memory_space<vmem>>, vector<16xf32>,
        %parallel_loop3A_398 = arith.constant 20 : i32
        %parallel_loop3A_399 = vector.broadcast %parallel_loop3A_398 : i32 to vector<16xi32>
        %parallel_loop3A_400 = arith.addi %parallel_loop3A_169, %parallel_loop3A_399 : vector<16xi32>
        tpu.vector_store_idx %arg7[%parallel_loop3A_400], %parallel_loop3A_397 : memref<16896xf32, #tpu.memory_space<vmem>>[vector<16xi32>], vector<16xf32>,
        %parallel_loop3A_401 = arith.constant 16 : i32
        %parallel_loop3A_402 = arith.muli %parallel_loop3A_165, %parallel_loop3A_401 : i32
        %parallel_loop3A_403 = arith.constant 2 : i32
        %parallel_loop3A_404 = arith.constant 5 : i32
        %parallel_loop3A_405 = arith.index_cast %parallel_loop3A_403 : i32 to index
        %parallel_loop3A_406 = arith.index_cast %parallel_loop3A_404 : i32 to index
        %parallel_loop3A_407 = arith.index_cast %parallel_loop3A_402 : i32 to index
        %parallel_loop3A_408 = tpu.vector_load %arg5[%parallel_loop3A_405, %parallel_loop3A_406, %parallel_loop3A_407] {strides = array<i32>} : memref<4x8x512xf32, #tpu.memory_space<vmem>>, vector<16xf32>,
        %parallel_loop3A_409 = arith.constant 21 : i32
        %parallel_loop3A_410 = vector.broadcast %parallel_loop3A_409 : i32 to vector<16xi32>
        %parallel_loop3A_411 = arith.addi %parallel_loop3A_169, %parallel_loop3A_410 : vector<16xi32>
        tpu.vector_store_idx %arg7[%parallel_loop3A_411], %parallel_loop3A_408 : memref<16896xf32, #tpu.memory_space<vmem>>[vector<16xi32>], vector<16xf32>,
        %parallel_loop3A_412 = arith.constant 16 : i32
        %parallel_loop3A_413 = arith.muli %parallel_loop3A_165, %parallel_loop3A_412 : i32
        %parallel_loop3A_414 = arith.constant 2 : i32
        %parallel_loop3A_415 = arith.constant 6 : i32
        %parallel_loop3A_416 = arith.index_cast %parallel_loop3A_414 : i32 to index
        %parallel_loop3A_417 = arith.index_cast %parallel_loop3A_415 : i32 to index
        %parallel_loop3A_418 = arith.index_cast %parallel_loop3A_413 : i32 to index
        %parallel_loop3A_419 = tpu.vector_load %arg5[%parallel_loop3A_416, %parallel_loop3A_417, %parallel_loop3A_418] {strides = array<i32>} : memref<4x8x512xf32, #tpu.memory_space<vmem>>, vector<16xf32>,
        %parallel_loop3A_420 = arith.constant 22 : i32
        %parallel_loop3A_421 = vector.broadcast %parallel_loop3A_420 : i32 to vector<16xi32>
        %parallel_loop3A_422 = arith.addi %parallel_loop3A_169, %parallel_loop3A_421 : vector<16xi32>
        tpu.vector_store_idx %arg7[%parallel_loop3A_422], %parallel_loop3A_419 : memref<16896xf32, #tpu.memory_space<vmem>>[vector<16xi32>], vector<16xf32>,
        %parallel_loop3A_423 = arith.constant 16 : i32
        %parallel_loop3A_424 = arith.muli %parallel_loop3A_165, %parallel_loop3A_423 : i32
        %parallel_loop3A_425 = arith.constant 2 : i32
        %parallel_loop3A_426 = arith.constant 7 : i32
        %parallel_loop3A_427 = arith.index_cast %parallel_loop3A_425 : i32 to index
        %parallel_loop3A_428 = arith.index_cast %parallel_loop3A_426 : i32 to index
        %parallel_loop3A_429 = arith.index_cast %parallel_loop3A_424 : i32 to index
        %parallel_loop3A_430 = tpu.vector_load %arg5[%parallel_loop3A_427, %parallel_loop3A_428, %parallel_loop3A_429] {strides = array<i32>} : memref<4x8x512xf32, #tpu.memory_space<vmem>>, vector<16xf32>,
        %parallel_loop3A_431 = arith.constant 23 : i32
        %parallel_loop3A_432 = vector.broadcast %parallel_loop3A_431 : i32 to vector<16xi32>
        %parallel_loop3A_433 = arith.addi %parallel_loop3A_169, %parallel_loop3A_432 : vector<16xi32>
        tpu.vector_store_idx %arg7[%parallel_loop3A_433], %parallel_loop3A_430 : memref<16896xf32, #tpu.memory_space<vmem>>[vector<16xi32>], vector<16xf32>,
        %parallel_loop3A_434 = arith.constant 16 : i32
        %parallel_loop3A_435 = arith.muli %parallel_loop3A_165, %parallel_loop3A_434 : i32
        %parallel_loop3A_436 = arith.constant 3 : i32
        %parallel_loop3A_437 = arith.constant 0 : i32
        %parallel_loop3A_438 = arith.index_cast %parallel_loop3A_436 : i32 to index
        %parallel_loop3A_439 = arith.index_cast %parallel_loop3A_437 : i32 to index
        %parallel_loop3A_440 = arith.index_cast %parallel_loop3A_435 : i32 to index
        %parallel_loop3A_441 = tpu.vector_load %arg5[%parallel_loop3A_438, %parallel_loop3A_439, %parallel_loop3A_440] {strides = array<i32>} : memref<4x8x512xf32, #tpu.memory_space<vmem>>, vector<16xf32>,
        %parallel_loop3A_442 = arith.constant 24 : i32
        %parallel_loop3A_443 = vector.broadcast %parallel_loop3A_442 : i32 to vector<16xi32>
        %parallel_loop3A_444 = arith.addi %parallel_loop3A_169, %parallel_loop3A_443 : vector<16xi32>
        tpu.vector_store_idx %arg7[%parallel_loop3A_444], %parallel_loop3A_441 : memref<16896xf32, #tpu.memory_space<vmem>>[vector<16xi32>], vector<16xf32>,
        %parallel_loop3A_445 = arith.constant 16 : i32
        %parallel_loop3A_446 = arith.muli %parallel_loop3A_165, %parallel_loop3A_445 : i32
        %parallel_loop3A_447 = arith.constant 3 : i32
        %parallel_loop3A_448 = arith.constant 1 : i32
        %parallel_loop3A_449 = arith.index_cast %parallel_loop3A_447 : i32 to index
        %parallel_loop3A_450 = arith.index_cast %parallel_loop3A_448 : i32 to index
        %parallel_loop3A_451 = arith.index_cast %parallel_loop3A_446 : i32 to index
        %parallel_loop3A_452 = tpu.vector_load %arg5[%parallel_loop3A_449, %parallel_loop3A_450, %parallel_loop3A_451] {strides = array<i32>} : memref<4x8x512xf32, #tpu.memory_space<vmem>>, vector<16xf32>,
        %parallel_loop3A_453 = arith.constant 25 : i32
        %parallel_loop3A_454 = vector.broadcast %parallel_loop3A_453 : i32 to vector<16xi32>
        %parallel_loop3A_455 = arith.addi %parallel_loop3A_169, %parallel_loop3A_454 : vector<16xi32>
        tpu.vector_store_idx %arg7[%parallel_loop3A_455], %parallel_loop3A_452 : memref<16896xf32, #tpu.memory_space<vmem>>[vector<16xi32>], vector<16xf32>,
        %parallel_loop3A_456 = arith.constant 16 : i32
        %parallel_loop3A_457 = arith.muli %parallel_loop3A_165, %parallel_loop3A_456 : i32
        %parallel_loop3A_458 = arith.constant 3 : i32
        %parallel_loop3A_459 = arith.constant 2 : i32
        %parallel_loop3A_460 = arith.index_cast %parallel_loop3A_458 : i32 to index
        %parallel_loop3A_461 = arith.index_cast %parallel_loop3A_459 : i32 to index
        %parallel_loop3A_462 = arith.index_cast %parallel_loop3A_457 : i32 to index
        %parallel_loop3A_463 = tpu.vector_load %arg5[%parallel_loop3A_460, %parallel_loop3A_461, %parallel_loop3A_462] {strides = array<i32>} : memref<4x8x512xf32, #tpu.memory_space<vmem>>, vector<16xf32>,
        %parallel_loop3A_464 = arith.constant 26 : i32
        %parallel_loop3A_465 = vector.broadcast %parallel_loop3A_464 : i32 to vector<16xi32>
        %parallel_loop3A_466 = arith.addi %parallel_loop3A_169, %parallel_loop3A_465 : vector<16xi32>
        tpu.vector_store_idx %arg7[%parallel_loop3A_466], %parallel_loop3A_463 : memref<16896xf32, #tpu.memory_space<vmem>>[vector<16xi32>], vector<16xf32>,
        %parallel_loop3A_467 = arith.constant 16 : i32
        %parallel_loop3A_468 = arith.muli %parallel_loop3A_165, %parallel_loop3A_467 : i32
        %parallel_loop3A_469 = arith.constant 3 : i32
        %parallel_loop3A_470 = arith.constant 3 : i32
        %parallel_loop3A_471 = arith.index_cast %parallel_loop3A_469 : i32 to index
        %parallel_loop3A_472 = arith.index_cast %parallel_loop3A_470 : i32 to index
        %parallel_loop3A_473 = arith.index_cast %parallel_loop3A_468 : i32 to index
        %parallel_loop3A_474 = tpu.vector_load %arg5[%parallel_loop3A_471, %parallel_loop3A_472, %parallel_loop3A_473] {strides = array<i32>} : memref<4x8x512xf32, #tpu.memory_space<vmem>>, vector<16xf32>,
        %parallel_loop3A_475 = arith.constant 27 : i32
        %parallel_loop3A_476 = vector.broadcast %parallel_loop3A_475 : i32 to vector<16xi32>
        %parallel_loop3A_477 = arith.addi %parallel_loop3A_169, %parallel_loop3A_476 : vector<16xi32>
        tpu.vector_store_idx %arg7[%parallel_loop3A_477], %parallel_loop3A_474 : memref<16896xf32, #tpu.memory_space<vmem>>[vector<16xi32>], vector<16xf32>,
        %parallel_loop3A_478 = arith.constant 16 : i32
        %parallel_loop3A_479 = arith.muli %parallel_loop3A_165, %parallel_loop3A_478 : i32
        %parallel_loop3A_480 = arith.constant 3 : i32
        %parallel_loop3A_481 = arith.constant 4 : i32
        %parallel_loop3A_482 = arith.index_cast %parallel_loop3A_480 : i32 to index
        %parallel_loop3A_483 = arith.index_cast %parallel_loop3A_481 : i32 to index
        %parallel_loop3A_484 = arith.index_cast %parallel_loop3A_479 : i32 to index
        %parallel_loop3A_485 = tpu.vector_load %arg5[%parallel_loop3A_482, %parallel_loop3A_483, %parallel_loop3A_484] {strides = array<i32>} : memref<4x8x512xf32, #tpu.memory_space<vmem>>, vector<16xf32>,
        %parallel_loop3A_486 = arith.constant 28 : i32
        %parallel_loop3A_487 = vector.broadcast %parallel_loop3A_486 : i32 to vector<16xi32>
        %parallel_loop3A_488 = arith.addi %parallel_loop3A_169, %parallel_loop3A_487 : vector<16xi32>
        tpu.vector_store_idx %arg7[%parallel_loop3A_488], %parallel_loop3A_485 : memref<16896xf32, #tpu.memory_space<vmem>>[vector<16xi32>], vector<16xf32>,
        %parallel_loop3A_489 = arith.constant 16 : i32
        %parallel_loop3A_490 = arith.muli %parallel_loop3A_165, %parallel_loop3A_489 : i32
        %parallel_loop3A_491 = arith.constant 3 : i32
        %parallel_loop3A_492 = arith.constant 5 : i32
        %parallel_loop3A_493 = arith.index_cast %parallel_loop3A_491 : i32 to index
        %parallel_loop3A_494 = arith.index_cast %parallel_loop3A_492 : i32 to index
        %parallel_loop3A_495 = arith.index_cast %parallel_loop3A_490 : i32 to index
        %parallel_loop3A_496 = tpu.vector_load %arg5[%parallel_loop3A_493, %parallel_loop3A_494, %parallel_loop3A_495] {strides = array<i32>} : memref<4x8x512xf32, #tpu.memory_space<vmem>>, vector<16xf32>,
        %parallel_loop3A_497 = arith.constant 29 : i32
        %parallel_loop3A_498 = vector.broadcast %parallel_loop3A_497 : i32 to vector<16xi32>
        %parallel_loop3A_499 = arith.addi %parallel_loop3A_169, %parallel_loop3A_498 : vector<16xi32>
        tpu.vector_store_idx %arg7[%parallel_loop3A_499], %parallel_loop3A_496 : memref<16896xf32, #tpu.memory_space<vmem>>[vector<16xi32>], vector<16xf32>,
        %parallel_loop3A_500 = arith.constant 16 : i32
        %parallel_loop3A_501 = arith.muli %parallel_loop3A_165, %parallel_loop3A_500 : i32
        %parallel_loop3A_502 = arith.constant 3 : i32
        %parallel_loop3A_503 = arith.constant 6 : i32
        %parallel_loop3A_504 = arith.index_cast %parallel_loop3A_502 : i32 to index
        %parallel_loop3A_505 = arith.index_cast %parallel_loop3A_503 : i32 to index
        %parallel_loop3A_506 = arith.index_cast %parallel_loop3A_501 : i32 to index
        %parallel_loop3A_507 = tpu.vector_load %arg5[%parallel_loop3A_504, %parallel_loop3A_505, %parallel_loop3A_506] {strides = array<i32>} : memref<4x8x512xf32, #tpu.memory_space<vmem>>, vector<16xf32>,
        %parallel_loop3A_508 = arith.constant 30 : i32
        %parallel_loop3A_509 = vector.broadcast %parallel_loop3A_508 : i32 to vector<16xi32>
        %parallel_loop3A_510 = arith.addi %parallel_loop3A_169, %parallel_loop3A_509 : vector<16xi32>
        tpu.vector_store_idx %arg7[%parallel_loop3A_510], %parallel_loop3A_507 : memref<16896xf32, #tpu.memory_space<vmem>>[vector<16xi32>], vector<16xf32>,
        %parallel_loop3A_511 = arith.constant 16 : i32
        %parallel_loop3A_512 = arith.muli %parallel_loop3A_165, %parallel_loop3A_511 : i32
        %parallel_loop3A_513 = arith.constant 3 : i32
        %parallel_loop3A_514 = arith.constant 7 : i32
        %parallel_loop3A_515 = arith.index_cast %parallel_loop3A_513 : i32 to index
        %parallel_loop3A_516 = arith.index_cast %parallel_loop3A_514 : i32 to index
        %parallel_loop3A_517 = arith.index_cast %parallel_loop3A_512 : i32 to index
        %parallel_loop3A_518 = tpu.vector_load %arg5[%parallel_loop3A_515, %parallel_loop3A_516, %parallel_loop3A_517] {strides = array<i32>} : memref<4x8x512xf32, #tpu.memory_space<vmem>>, vector<16xf32>,
        %parallel_loop3A_519 = arith.constant 31 : i32
        %parallel_loop3A_520 = vector.broadcast %parallel_loop3A_519 : i32 to vector<16xi32>
        %parallel_loop3A_521 = arith.addi %parallel_loop3A_169, %parallel_loop3A_520 : vector<16xi32>
        tpu.vector_store_idx %arg7[%parallel_loop3A_521], %parallel_loop3A_518 : memref<16896xf32, #tpu.memory_space<vmem>>[vector<16xi32>], vector<16xf32>,
      } {sc.loop_unroll_factor = 8 : i64, sc.parallel_access}
      %parallel_loop3A_107 = arith.constant 0 : i32
      %parallel_loop3A_108 = arith.constant 512 : i32
      %parallel_loop3A_109 = arith.constant 4 : i32
      scf.for %parallel_loop3A_165 = %parallel_loop3A_107 to %parallel_loop3A_108 step %parallel_loop3A_109  : i32 {
        %parallel_loop3A_166 = arith.constant 0 : i32
        %parallel_loop3A_167 = arith.addi %parallel_loop3A_165, %parallel_loop3A_166 : i32
        %parallel_loop3A_168 = arith.constant 33 : i32
        %parallel_loop3A_169 = arith.muli %parallel_loop3A_167, %parallel_loop3A_168 : i32
        %parallel_loop3A_170 = arith.index_cast %parallel_loop3A_169 : i32 to index
        %parallel_loop3A_171 = tpu.vector_load %arg7[%parallel_loop3A_170] {strides = array<i32>} : memref<16896xf32, #tpu.memory_space<vmem>>, vector<16xf32>,
        %parallel_loop3A_172 = arith.constant 32 : i32
        %parallel_loop3A_173 = arith.muli %parallel_loop3A_167, %parallel_loop3A_172 : i32
        %parallel_loop3A_174 = arith.index_cast %parallel_loop3A_173 : i32 to index
        %parallel_loop3A_175 = tpu.vector_load %arg8[%parallel_loop3A_174] {strides = array<i32>} : memref<16384xf32, #tpu.memory_space<vmem>>, vector<16xf32>,
        tpu.vector_store %arg8[%parallel_loop3A_174], %parallel_loop3A_171 {strides = array<i32>} : memref<16384xf32, #tpu.memory_space<vmem>>, vector<16xf32>,
        %parallel_loop3A_176 = arith.constant 33 : i32
        %parallel_loop3A_177 = arith.muli %parallel_loop3A_167, %parallel_loop3A_176 : i32
        %parallel_loop3A_178 = arith.constant 16 : i32
        %parallel_loop3A_179 = arith.addi %parallel_loop3A_177, %parallel_loop3A_178 : i32
        %parallel_loop3A_180 = arith.index_cast %parallel_loop3A_179 : i32 to index
        %parallel_loop3A_181 = tpu.vector_load %arg7[%parallel_loop3A_180] {strides = array<i32>} : memref<16896xf32, #tpu.memory_space<vmem>>, vector<16xf32>,
        %parallel_loop3A_182 = arith.constant 32 : i32
        %parallel_loop3A_183 = arith.muli %parallel_loop3A_167, %parallel_loop3A_182 : i32
        %parallel_loop3A_184 = arith.constant 16 : i32
        %parallel_loop3A_185 = arith.addi %parallel_loop3A_183, %parallel_loop3A_184 : i32
        %parallel_loop3A_186 = arith.index_cast %parallel_loop3A_185 : i32 to index
        %parallel_loop3A_187 = tpu.vector_load %arg8[%parallel_loop3A_186] {strides = array<i32>} : memref<16384xf32, #tpu.memory_space<vmem>>, vector<16xf32>,
        tpu.vector_store %arg8[%parallel_loop3A_186], %parallel_loop3A_181 {strides = array<i32>} : memref<16384xf32, #tpu.memory_space<vmem>>, vector<16xf32>,
        %parallel_loop3A_188 = arith.constant 1 : i32
        %parallel_loop3A_189 = arith.addi %parallel_loop3A_165, %parallel_loop3A_188 : i32
        %parallel_loop3A_190 = arith.constant 33 : i32
        %parallel_loop3A_191 = arith.muli %parallel_loop3A_189, %parallel_loop3A_190 : i32
        %parallel_loop3A_192 = arith.index_cast %parallel_loop3A_191 : i32 to index
        %parallel_loop3A_193 = tpu.vector_load %arg7[%parallel_loop3A_192] {strides = array<i32>} : memref<16896xf32, #tpu.memory_space<vmem>>, vector<16xf32>,
        %parallel_loop3A_194 = arith.constant 32 : i32
        %parallel_loop3A_195 = arith.muli %parallel_loop3A_189, %parallel_loop3A_194 : i32
        %parallel_loop3A_196 = arith.index_cast %parallel_loop3A_195 : i32 to index
        %parallel_loop3A_197 = tpu.vector_load %arg8[%parallel_loop3A_196] {strides = array<i32>} : memref<16384xf32, #tpu.memory_space<vmem>>, vector<16xf32>,
        tpu.vector_store %arg8[%parallel_loop3A_196], %parallel_loop3A_193 {strides = array<i32>} : memref<16384xf32, #tpu.memory_space<vmem>>, vector<16xf32>,
        %parallel_loop3A_198 = arith.constant 33 : i32
        %parallel_loop3A_199 = arith.muli %parallel_loop3A_189, %parallel_loop3A_198 : i32
        %parallel_loop3A_200 = arith.constant 16 : i32
        %parallel_loop3A_201 = arith.addi %parallel_loop3A_199, %parallel_loop3A_200 : i32
        %parallel_loop3A_202 = arith.index_cast %parallel_loop3A_201 : i32 to index
        %parallel_loop3A_203 = tpu.vector_load %arg7[%parallel_loop3A_202] {strides = array<i32>} : memref<16896xf32, #tpu.memory_space<vmem>>, vector<16xf32>,
        %parallel_loop3A_204 = arith.constant 32 : i32
        %parallel_loop3A_205 = arith.muli %parallel_loop3A_189, %parallel_loop3A_204 : i32
        %parallel_loop3A_206 = arith.constant 16 : i32
        %parallel_loop3A_207 = arith.addi %parallel_loop3A_205, %parallel_loop3A_206 : i32
        %parallel_loop3A_208 = arith.index_cast %parallel_loop3A_207 : i32 to index
        %parallel_loop3A_209 = tpu.vector_load %arg8[%parallel_loop3A_208] {strides = array<i32>} : memref<16384xf32, #tpu.memory_space<vmem>>, vector<16xf32>,
        tpu.vector_store %arg8[%parallel_loop3A_208], %parallel_loop3A_203 {strides = array<i32>} : memref<16384xf32, #tpu.memory_space<vmem>>, vector<16xf32>,
        %parallel_loop3A_210 = arith.constant 2 : i32
        %parallel_loop3A_211 = arith.addi %parallel_loop3A_165, %parallel_loop3A_210 : i32
        %parallel_loop3A_212 = arith.constant 33 : i32
        %parallel_loop3A_213 = arith.muli %parallel_loop3A_211, %parallel_loop3A_212 : i32
        %parallel_loop3A_214 = arith.index_cast %parallel_loop3A_213 : i32 to index
        %parallel_loop3A_215 = tpu.vector_load %arg7[%parallel_loop3A_214] {strides = array<i32>} : memref<16896xf32, #tpu.memory_space<vmem>>, vector<16xf32>,
        %parallel_loop3A_216 = arith.constant 32 : i32
        %parallel_loop3A_217 = arith.muli %parallel_loop3A_211, %parallel_loop3A_216 : i32
        %parallel_loop3A_218 = arith.index_cast %parallel_loop3A_217 : i32 to index
        %parallel_loop3A_219 = tpu.vector_load %arg8[%parallel_loop3A_218] {strides = array<i32>} : memref<16384xf32, #tpu.memory_space<vmem>>, vector<16xf32>,
        tpu.vector_store %arg8[%parallel_loop3A_218], %parallel_loop3A_215 {strides = array<i32>} : memref<16384xf32, #tpu.memory_space<vmem>>, vector<16xf32>,
        %parallel_loop3A_220 = arith.constant 33 : i32
        %parallel_loop3A_221 = arith.muli %parallel_loop3A_211, %parallel_loop3A_220 : i32
        %parallel_loop3A_222 = arith.constant 16 : i32
        %parallel_loop3A_223 = arith.addi %parallel_loop3A_221, %parallel_loop3A_222 : i32
        %parallel_loop3A_224 = arith.index_cast %parallel_loop3A_223 : i32 to index
        %parallel_loop3A_225 = tpu.vector_load %arg7[%parallel_loop3A_224] {strides = array<i32>} : memref<16896xf32, #tpu.memory_space<vmem>>, vector<16xf32>,
        %parallel_loop3A_226 = arith.constant 32 : i32
        %parallel_loop3A_227 = arith.muli %parallel_loop3A_211, %parallel_loop3A_226 : i32
        %parallel_loop3A_228 = arith.constant 16 : i32
        %parallel_loop3A_229 = arith.addi %parallel_loop3A_227, %parallel_loop3A_228 : i32
        %parallel_loop3A_230 = arith.index_cast %parallel_loop3A_229 : i32 to index
        %parallel_loop3A_231 = tpu.vector_load %arg8[%parallel_loop3A_230] {strides = array<i32>} : memref<16384xf32, #tpu.memory_space<vmem>>, vector<16xf32>,
        tpu.vector_store %arg8[%parallel_loop3A_230], %parallel_loop3A_225 {strides = array<i32>} : memref<16384xf32, #tpu.memory_space<vmem>>, vector<16xf32>,
        %parallel_loop3A_232 = arith.constant 3 : i32
        %parallel_loop3A_233 = arith.addi %parallel_loop3A_165, %parallel_loop3A_232 : i32
        %parallel_loop3A_234 = arith.constant 33 : i32
        %parallel_loop3A_235 = arith.muli %parallel_loop3A_233, %parallel_loop3A_234 : i32
        %parallel_loop3A_236 = arith.index_cast %parallel_loop3A_235 : i32 to index
        %parallel_loop3A_237 = tpu.vector_load %arg7[%parallel_loop3A_236] {strides = array<i32>} : memref<16896xf32, #tpu.memory_space<vmem>>, vector<16xf32>,
        %parallel_loop3A_238 = arith.constant 32 : i32
        %parallel_loop3A_239 = arith.muli %parallel_loop3A_233, %parallel_loop3A_238 : i32
        %parallel_loop3A_240 = arith.index_cast %parallel_loop3A_239 : i32 to index
        %parallel_loop3A_241 = tpu.vector_load %arg8[%parallel_loop3A_240] {strides = array<i32>} : memref<16384xf32, #tpu.memory_space<vmem>>, vector<16xf32>,
        tpu.vector_store %arg8[%parallel_loop3A_240], %parallel_loop3A_237 {strides = array<i32>} : memref<16384xf32, #tpu.memory_space<vmem>>, vector<16xf32>,
        %parallel_loop3A_242 = arith.constant 33 : i32
        %parallel_loop3A_243 = arith.muli %parallel_loop3A_233, %parallel_loop3A_242 : i32
        %parallel_loop3A_244 = arith.constant 16 : i32
        %parallel_loop3A_245 = arith.addi %parallel_loop3A_243, %parallel_loop3A_244 : i32
        %parallel_loop3A_246 = arith.index_cast %parallel_loop3A_245 : i32 to index
        %parallel_loop3A_247 = tpu.vector_load %arg7[%parallel_loop3A_246] {strides = array<i32>} : memref<16896xf32, #tpu.memory_space<vmem>>, vector<16xf32>,
        %parallel_loop3A_248 = arith.constant 32 : i32
        %parallel_loop3A_249 = arith.muli %parallel_loop3A_233, %parallel_loop3A_248 : i32
        %parallel_loop3A_250 = arith.constant 16 : i32
        %parallel_loop3A_251 = arith.addi %parallel_loop3A_249, %parallel_loop3A_250 : i32
        %parallel_loop3A_252 = arith.index_cast %parallel_loop3A_251 : i32 to index
        %parallel_loop3A_253 = tpu.vector_load %arg8[%parallel_loop3A_252] {strides = array<i32>} : memref<16384xf32, #tpu.memory_space<vmem>>, vector<16xf32>,
        tpu.vector_store %arg8[%parallel_loop3A_252], %parallel_loop3A_247 {strides = array<i32>} : memref<16384xf32, #tpu.memory_space<vmem>>, vector<16xf32>,
      } {sc.loop_unroll_factor = 4 : i64, sc.parallel_access}
      %mul3A_110 = arith.constant 4 : i32
      %mul3A_111 = arith.muli %add3A_90, %mul3A_110 : i32
      %add3A_112 = arith.addi %mul3A_2, %mul3A_111 : i32
      %mul3A_113 = arith.constant 128 : i32
      %mul3A_114 = arith.muli %add3A_112, %mul3A_113 : i32
      %mul3A_115 = arith.constant 32 : i32
      %mul3A_116 = arith.muli %mul3A_114, %mul3A_115 : i32
      %dma_start3A_117 = tpu.memref_slice %arg4[%mul3A_116] : memref<32000000xf32, #tpu.memory_space<hbm>> -> memref<16384xf32, #tpu.memory_space<hbm>>
      %dma_start3A_118 = tpu.memref_slice %arg4[%mul3A_116] : memref<32000000xf32, #tpu.memory_space<hbm>> -> memref<16384xf32, #tpu.memory_space<hbm>>
      tpu.enqueue_dma source(%arg8 : memref<16384xf32, #tpu.memory_space<vmem>>) target(%dma_start3A_118 : memref<16384xf32, #tpu.memory_space<hbm>>) target_semaphore(%arg13 : memref<!tpu.dma_semaphore, #tpu.memory_space<semaphore_mem>>)
      %add3A_119 = arith.constant 2 : i32
      %add3A_120 = arith.addi %add3A_90, %add3A_119 : i32
      %lt3A = arith.constant 61 : i32
      %lt3A_121 = arith.cmpi slt, %add3A_120, %lt3A : i32
      %convert_element_type3A_122 = arith.extui %lt3A_121 : i1 to i32
      %cond3A_123 = arith.constant 0 : i32
      %cond3A_124 = arith.cmpi ne, %convert_element_type3A_122, %cond3A_123 : i32
      scf.if %cond3A_124 {
        %add3A_165 = arith.constant 2 : i32
        %add3A_166 = arith.addi %add3A_90, %add3A_165 : i32
        %mul3A_167 = arith.constant 4 : i32
        %mul3A_168 = arith.muli %add3A_166, %mul3A_167 : i32
        %add3A_169 = arith.addi %mul3A_2, %mul3A_168 : i32
        %mul3A_170 = arith.constant 128 : i32
        %mul3A_171 = arith.muli %add3A_169, %mul3A_170 : i32
        %dma_start3A_172 = arith.constant 0 : i32
        %dma_start3A_173 = arith.constant 0 : i32
        %dma_start3A_174 = tpu.memref_slice %arg2[%dma_start3A_172, %dma_start3A_173, %mul3A_171] : memref<4x8x1000000xf32, #tpu.memory_space<hbm>> -> memref<4x8x512xf32, #tpu.memory_space<hbm>>
        %dma_start3A_175 = arith.constant 0 : i32
        %dma_start3A_176 = arith.constant 0 : i32
        %dma_start3A_177 = tpu.memref_slice %arg2[%dma_start3A_175, %dma_start3A_176, %mul3A_171] : memref<4x8x1000000xf32, #tpu.memory_space<hbm>> -> memref<4x8x512xf32, #tpu.memory_space<hbm>>
        tpu.enqueue_dma source(%dma_start3A_177 : memref<4x8x512xf32, #tpu.memory_space<hbm>>) target(%arg5 : memref<4x8x512xf32, #tpu.memory_space<vmem>>) target_semaphore(%arg11 : memref<!tpu.dma_semaphore, #tpu.memory_space<semaphore_mem>>)
      } else {
      }
      %add3A_125 = arith.constant 1 : i32
      %add3A_126 = arith.addi %mul3A_88, %add3A_125 : i32
      %mul3A_127 = arith.constant 4 : i32
      %mul3A_128 = arith.muli %add3A_126, %mul3A_127 : i32
      %add3A_129 = arith.addi %mul3A_2, %mul3A_128 : i32
      %mul3A_130 = arith.constant 128 : i32
      %mul3A_131 = arith.muli %add3A_129, %mul3A_130 : i32
      %dma_wait3A_132 = arith.constant 0 : i32
      %dma_wait3A_133 = arith.constant 0 : i32
      %dma_wait3A_134 = tpu.memref_slice %arg2[%dma_wait3A_132, %dma_wait3A_133, %mul3A_131] : memref<4x8x1000000xf32, #tpu.memory_space<hbm>> -> memref<4x8x512xf32, #tpu.memory_space<hbm>>
      %dma_wait3A_135 = arith.constant 0 : i32
      %dma_wait3A_136 = arith.constant 0 : i32
      %dma_wait3A_137 = tpu.memref_slice %arg2[%dma_wait3A_135, %dma_wait3A_136, %mul3A_131] : memref<4x8x1000000xf32, #tpu.memory_space<hbm>> -> memref<4x8x512xf32, #tpu.memory_space<hbm>>
      tpu.wait_dma2 semaphore(%arg12 : memref<!tpu.dma_semaphore, #tpu.memory_space<semaphore_mem>>) src(%dma_wait3A_137 : memref<4x8x512xf32, #tpu.memory_space<hbm>>) dst(%arg6 : memref<4x8x512xf32, #tpu.memory_space<vmem>>)
      %ge3A_138 = arith.constant 2 : i32
      %ge3A_139 = arith.cmpi sge, %add3A_126, %ge3A_138 : i32
      %convert_element_type3A_140 = arith.extui %ge3A_139 : i1 to i32
      %cond3A_141 = arith.constant 0 : i32
      %cond3A_142 = arith.cmpi ne, %convert_element_type3A_140, %cond3A_141 : i32
      scf.if %cond3A_142 {
        %sub3A = arith.constant 2 : i32
        %sub3A_165 = arith.subi %add3A_126, %sub3A : i32
        %mul3A_166 = arith.constant 4 : i32
        %mul3A_167 = arith.muli %sub3A_165, %mul3A_166 : i32
        %add3A_168 = arith.addi %mul3A_2, %mul3A_167 : i32
        %mul3A_169 = arith.constant 128 : i32
        %mul3A_170 = arith.muli %add3A_168, %mul3A_169 : i32
        %mul3A_171 = arith.constant 32 : i32
        %mul3A_172 = arith.muli %mul3A_170, %mul3A_171 : i32
        %dma_wait3A_173 = tpu.memref_slice %arg4[%mul3A_172] : memref<32000000xf32, #tpu.memory_space<hbm>> -> memref<16384xf32, #tpu.memory_space<hbm>>
        %dma_wait3A_174 = tpu.memref_slice %arg4[%mul3A_172] : memref<32000000xf32, #tpu.memory_space<hbm>> -> memref<16384xf32, #tpu.memory_space<hbm>>
        tpu.wait_dma2 semaphore(%arg14 : memref<!tpu.dma_semaphore, #tpu.memory_space<semaphore_mem>>) src(%arg9 : memref<16384xf32, #tpu.memory_space<vmem>>) dst(%dma_wait3A_174 : memref<16384xf32, #tpu.memory_space<hbm>>)
      } else {
      }
      %parallel_loop3A_143 = arith.constant 0 : i32
      %parallel_loop3A_144 = arith.constant 32 : i32
      %parallel_loop3A_145 = arith.constant 1 : i32
      scf.for %parallel_loop3A_165 = %parallel_loop3A_143 to %parallel_loop3A_144 step %parallel_loop3A_145  : i32 {
        %parallel_loop3A_166 = arith.constant 528 : i32
        %parallel_loop3A_167 = arith.muli %parallel_loop3A_165, %parallel_loop3A_166 : i32
        %parallel_loop3A_168 = vector.broadcast %parallel_loop3A_167 : i32 to vector<16xi32>
        %parallel_loop3A_169 = arith.addi %mul3A_5, %parallel_loop3A_168 : vector<16xi32>
        %parallel_loop3A_170 = arith.constant 16 : i32
        %parallel_loop3A_171 = arith.muli %parallel_loop3A_165, %parallel_loop3A_170 : i32
        %parallel_loop3A_172 = arith.constant 0 : i32
        %parallel_loop3A_173 = arith.constant 0 : i32
        %parallel_loop3A_174 = arith.index_cast %parallel_loop3A_172 : i32 to index
        %parallel_loop3A_175 = arith.index_cast %parallel_loop3A_173 : i32 to index
        %parallel_loop3A_176 = arith.index_cast %parallel_loop3A_171 : i32 to index
        %parallel_loop3A_177 = tpu.vector_load %arg6[%parallel_loop3A_174, %parallel_loop3A_175, %parallel_loop3A_176] {strides = array<i32>} : memref<4x8x512xf32, #tpu.memory_space<vmem>>, vector<16xf32>,
        %parallel_loop3A_178 = arith.constant 0 : i32
        %parallel_loop3A_179 = vector.broadcast %parallel_loop3A_178 : i32 to vector<16xi32>
        %parallel_loop3A_180 = arith.addi %parallel_loop3A_169, %parallel_loop3A_179 : vector<16xi32>
        tpu.vector_store_idx %arg7[%parallel_loop3A_180], %parallel_loop3A_177 : memref<16896xf32, #tpu.memory_space<vmem>>[vector<16xi32>], vector<16xf32>,
        %parallel_loop3A_181 = arith.constant 16 : i32
        %parallel_loop3A_182 = arith.muli %parallel_loop3A_165, %parallel_loop3A_181 : i32
        %parallel_loop3A_183 = arith.constant 0 : i32
        %parallel_loop3A_184 = arith.constant 1 : i32
        %parallel_loop3A_185 = arith.index_cast %parallel_loop3A_183 : i32 to index
        %parallel_loop3A_186 = arith.index_cast %parallel_loop3A_184 : i32 to index
        %parallel_loop3A_187 = arith.index_cast %parallel_loop3A_182 : i32 to index
        %parallel_loop3A_188 = tpu.vector_load %arg6[%parallel_loop3A_185, %parallel_loop3A_186, %parallel_loop3A_187] {strides = array<i32>} : memref<4x8x512xf32, #tpu.memory_space<vmem>>, vector<16xf32>,
        %parallel_loop3A_189 = arith.constant 1 : i32
        %parallel_loop3A_190 = vector.broadcast %parallel_loop3A_189 : i32 to vector<16xi32>
        %parallel_loop3A_191 = arith.addi %parallel_loop3A_169, %parallel_loop3A_190 : vector<16xi32>
        tpu.vector_store_idx %arg7[%parallel_loop3A_191], %parallel_loop3A_188 : memref<16896xf32, #tpu.memory_space<vmem>>[vector<16xi32>], vector<16xf32>,
        %parallel_loop3A_192 = arith.constant 16 : i32
        %parallel_loop3A_193 = arith.muli %parallel_loop3A_165, %parallel_loop3A_192 : i32
        %parallel_loop3A_194 = arith.constant 0 : i32
        %parallel_loop3A_195 = arith.constant 2 : i32
        %parallel_loop3A_196 = arith.index_cast %parallel_loop3A_194 : i32 to index
        %parallel_loop3A_197 = arith.index_cast %parallel_loop3A_195 : i32 to index
        %parallel_loop3A_198 = arith.index_cast %parallel_loop3A_193 : i32 to index
        %parallel_loop3A_199 = tpu.vector_load %arg6[%parallel_loop3A_196, %parallel_loop3A_197, %parallel_loop3A_198] {strides = array<i32>} : memref<4x8x512xf32, #tpu.memory_space<vmem>>, vector<16xf32>,
        %parallel_loop3A_200 = arith.constant 2 : i32
        %parallel_loop3A_201 = vector.broadcast %parallel_loop3A_200 : i32 to vector<16xi32>
        %parallel_loop3A_202 = arith.addi %parallel_loop3A_169, %parallel_loop3A_201 : vector<16xi32>
        tpu.vector_store_idx %arg7[%parallel_loop3A_202], %parallel_loop3A_199 : memref<16896xf32, #tpu.memory_space<vmem>>[vector<16xi32>], vector<16xf32>,
        %parallel_loop3A_203 = arith.constant 16 : i32
        %parallel_loop3A_204 = arith.muli %parallel_loop3A_165, %parallel_loop3A_203 : i32
        %parallel_loop3A_205 = arith.constant 0 : i32
        %parallel_loop3A_206 = arith.constant 3 : i32
        %parallel_loop3A_207 = arith.index_cast %parallel_loop3A_205 : i32 to index
        %parallel_loop3A_208 = arith.index_cast %parallel_loop3A_206 : i32 to index
        %parallel_loop3A_209 = arith.index_cast %parallel_loop3A_204 : i32 to index
        %parallel_loop3A_210 = tpu.vector_load %arg6[%parallel_loop3A_207, %parallel_loop3A_208, %parallel_loop3A_209] {strides = array<i32>} : memref<4x8x512xf32, #tpu.memory_space<vmem>>, vector<16xf32>,
        %parallel_loop3A_211 = arith.constant 3 : i32
        %parallel_loop3A_212 = vector.broadcast %parallel_loop3A_211 : i32 to vector<16xi32>
        %parallel_loop3A_213 = arith.addi %parallel_loop3A_169, %parallel_loop3A_212 : vector<16xi32>
        tpu.vector_store_idx %arg7[%parallel_loop3A_213], %parallel_loop3A_210 : memref<16896xf32, #tpu.memory_space<vmem>>[vector<16xi32>], vector<16xf32>,
        %parallel_loop3A_214 = arith.constant 16 : i32
        %parallel_loop3A_215 = arith.muli %parallel_loop3A_165, %parallel_loop3A_214 : i32
        %parallel_loop3A_216 = arith.constant 0 : i32
        %parallel_loop3A_217 = arith.constant 4 : i32
        %parallel_loop3A_218 = arith.index_cast %parallel_loop3A_216 : i32 to index
        %parallel_loop3A_219 = arith.index_cast %parallel_loop3A_217 : i32 to index
        %parallel_loop3A_220 = arith.index_cast %parallel_loop3A_215 : i32 to index
        %parallel_loop3A_221 = tpu.vector_load %arg6[%parallel_loop3A_218, %parallel_loop3A_219, %parallel_loop3A_220] {strides = array<i32>} : memref<4x8x512xf32, #tpu.memory_space<vmem>>, vector<16xf32>,
        %parallel_loop3A_222 = arith.constant 4 : i32
        %parallel_loop3A_223 = vector.broadcast %parallel_loop3A_222 : i32 to vector<16xi32>
        %parallel_loop3A_224 = arith.addi %parallel_loop3A_169, %parallel_loop3A_223 : vector<16xi32>
        tpu.vector_store_idx %arg7[%parallel_loop3A_224], %parallel_loop3A_221 : memref<16896xf32, #tpu.memory_space<vmem>>[vector<16xi32>], vector<16xf32>,
        %parallel_loop3A_225 = arith.constant 16 : i32
        %parallel_loop3A_226 = arith.muli %parallel_loop3A_165, %parallel_loop3A_225 : i32
        %parallel_loop3A_227 = arith.constant 0 : i32
        %parallel_loop3A_228 = arith.constant 5 : i32
        %parallel_loop3A_229 = arith.index_cast %parallel_loop3A_227 : i32 to index
        %parallel_loop3A_230 = arith.index_cast %parallel_loop3A_228 : i32 to index
        %parallel_loop3A_231 = arith.index_cast %parallel_loop3A_226 : i32 to index
        %parallel_loop3A_232 = tpu.vector_load %arg6[%parallel_loop3A_229, %parallel_loop3A_230, %parallel_loop3A_231] {strides = array<i32>} : memref<4x8x512xf32, #tpu.memory_space<vmem>>, vector<16xf32>,
        %parallel_loop3A_233 = arith.constant 5 : i32
        %parallel_loop3A_234 = vector.broadcast %parallel_loop3A_233 : i32 to vector<16xi32>
        %parallel_loop3A_235 = arith.addi %parallel_loop3A_169, %parallel_loop3A_234 : vector<16xi32>
        tpu.vector_store_idx %arg7[%parallel_loop3A_235], %parallel_loop3A_232 : memref<16896xf32, #tpu.memory_space<vmem>>[vector<16xi32>], vector<16xf32>,
        %parallel_loop3A_236 = arith.constant 16 : i32
        %parallel_loop3A_237 = arith.muli %parallel_loop3A_165, %parallel_loop3A_236 : i32
        %parallel_loop3A_238 = arith.constant 0 : i32
        %parallel_loop3A_239 = arith.constant 6 : i32
        %parallel_loop3A_240 = arith.index_cast %parallel_loop3A_238 : i32 to index
        %parallel_loop3A_241 = arith.index_cast %parallel_loop3A_239 : i32 to index
        %parallel_loop3A_242 = arith.index_cast %parallel_loop3A_237 : i32 to index
        %parallel_loop3A_243 = tpu.vector_load %arg6[%parallel_loop3A_240, %parallel_loop3A_241, %parallel_loop3A_242] {strides = array<i32>} : memref<4x8x512xf32, #tpu.memory_space<vmem>>, vector<16xf32>,
        %parallel_loop3A_244 = arith.constant 6 : i32
        %parallel_loop3A_245 = vector.broadcast %parallel_loop3A_244 : i32 to vector<16xi32>
        %parallel_loop3A_246 = arith.addi %parallel_loop3A_169, %parallel_loop3A_245 : vector<16xi32>
        tpu.vector_store_idx %arg7[%parallel_loop3A_246], %parallel_loop3A_243 : memref<16896xf32, #tpu.memory_space<vmem>>[vector<16xi32>], vector<16xf32>,
        %parallel_loop3A_247 = arith.constant 16 : i32
        %parallel_loop3A_248 = arith.muli %parallel_loop3A_165, %parallel_loop3A_247 : i32
        %parallel_loop3A_249 = arith.constant 0 : i32
        %parallel_loop3A_250 = arith.constant 7 : i32
        %parallel_loop3A_251 = arith.index_cast %parallel_loop3A_249 : i32 to index
        %parallel_loop3A_252 = arith.index_cast %parallel_loop3A_250 : i32 to index
        %parallel_loop3A_253 = arith.index_cast %parallel_loop3A_248 : i32 to index
        %parallel_loop3A_254 = tpu.vector_load %arg6[%parallel_loop3A_251, %parallel_loop3A_252, %parallel_loop3A_253] {strides = array<i32>} : memref<4x8x512xf32, #tpu.memory_space<vmem>>, vector<16xf32>,
        %parallel_loop3A_255 = arith.constant 7 : i32
        %parallel_loop3A_256 = vector.broadcast %parallel_loop3A_255 : i32 to vector<16xi32>
        %parallel_loop3A_257 = arith.addi %parallel_loop3A_169, %parallel_loop3A_256 : vector<16xi32>
        tpu.vector_store_idx %arg7[%parallel_loop3A_257], %parallel_loop3A_254 : memref<16896xf32, #tpu.memory_space<vmem>>[vector<16xi32>], vector<16xf32>,
        %parallel_loop3A_258 = arith.constant 16 : i32
        %parallel_loop3A_259 = arith.muli %parallel_loop3A_165, %parallel_loop3A_258 : i32
        %parallel_loop3A_260 = arith.constant 1 : i32
        %parallel_loop3A_261 = arith.constant 0 : i32
        %parallel_loop3A_262 = arith.index_cast %parallel_loop3A_260 : i32 to index
        %parallel_loop3A_263 = arith.index_cast %parallel_loop3A_261 : i32 to index
        %parallel_loop3A_264 = arith.index_cast %parallel_loop3A_259 : i32 to index
        %parallel_loop3A_265 = tpu.vector_load %arg6[%parallel_loop3A_262, %parallel_loop3A_263, %parallel_loop3A_264] {strides = array<i32>} : memref<4x8x512xf32, #tpu.memory_space<vmem>>, vector<16xf32>,
        %parallel_loop3A_266 = arith.constant 8 : i32
        %parallel_loop3A_267 = vector.broadcast %parallel_loop3A_266 : i32 to vector<16xi32>
        %parallel_loop3A_268 = arith.addi %parallel_loop3A_169, %parallel_loop3A_267 : vector<16xi32>
        tpu.vector_store_idx %arg7[%parallel_loop3A_268], %parallel_loop3A_265 : memref<16896xf32, #tpu.memory_space<vmem>>[vector<16xi32>], vector<16xf32>,
        %parallel_loop3A_269 = arith.constant 16 : i32
        %parallel_loop3A_270 = arith.muli %parallel_loop3A_165, %parallel_loop3A_269 : i32
        %parallel_loop3A_271 = arith.constant 1 : i32
        %parallel_loop3A_272 = arith.constant 1 : i32
        %parallel_loop3A_273 = arith.index_cast %parallel_loop3A_271 : i32 to index
        %parallel_loop3A_274 = arith.index_cast %parallel_loop3A_272 : i32 to index
        %parallel_loop3A_275 = arith.index_cast %parallel_loop3A_270 : i32 to index
        %parallel_loop3A_276 = tpu.vector_load %arg6[%parallel_loop3A_273, %parallel_loop3A_274, %parallel_loop3A_275] {strides = array<i32>} : memref<4x8x512xf32, #tpu.memory_space<vmem>>, vector<16xf32>,
        %parallel_loop3A_277 = arith.constant 9 : i32
        %parallel_loop3A_278 = vector.broadcast %parallel_loop3A_277 : i32 to vector<16xi32>
        %parallel_loop3A_279 = arith.addi %parallel_loop3A_169, %parallel_loop3A_278 : vector<16xi32>
        tpu.vector_store_idx %arg7[%parallel_loop3A_279], %parallel_loop3A_276 : memref<16896xf32, #tpu.memory_space<vmem>>[vector<16xi32>], vector<16xf32>,
        %parallel_loop3A_280 = arith.constant 16 : i32
        %parallel_loop3A_281 = arith.muli %parallel_loop3A_165, %parallel_loop3A_280 : i32
        %parallel_loop3A_282 = arith.constant 1 : i32
        %parallel_loop3A_283 = arith.constant 2 : i32
        %parallel_loop3A_284 = arith.index_cast %parallel_loop3A_282 : i32 to index
        %parallel_loop3A_285 = arith.index_cast %parallel_loop3A_283 : i32 to index
        %parallel_loop3A_286 = arith.index_cast %parallel_loop3A_281 : i32 to index
        %parallel_loop3A_287 = tpu.vector_load %arg6[%parallel_loop3A_284, %parallel_loop3A_285, %parallel_loop3A_286] {strides = array<i32>} : memref<4x8x512xf32, #tpu.memory_space<vmem>>, vector<16xf32>,
        %parallel_loop3A_288 = arith.constant 10 : i32
        %parallel_loop3A_289 = vector.broadcast %parallel_loop3A_288 : i32 to vector<16xi32>
        %parallel_loop3A_290 = arith.addi %parallel_loop3A_169, %parallel_loop3A_289 : vector<16xi32>
        tpu.vector_store_idx %arg7[%parallel_loop3A_290], %parallel_loop3A_287 : memref<16896xf32, #tpu.memory_space<vmem>>[vector<16xi32>], vector<16xf32>,
        %parallel_loop3A_291 = arith.constant 16 : i32
        %parallel_loop3A_292 = arith.muli %parallel_loop3A_165, %parallel_loop3A_291 : i32
        %parallel_loop3A_293 = arith.constant 1 : i32
        %parallel_loop3A_294 = arith.constant 3 : i32
        %parallel_loop3A_295 = arith.index_cast %parallel_loop3A_293 : i32 to index
        %parallel_loop3A_296 = arith.index_cast %parallel_loop3A_294 : i32 to index
        %parallel_loop3A_297 = arith.index_cast %parallel_loop3A_292 : i32 to index
        %parallel_loop3A_298 = tpu.vector_load %arg6[%parallel_loop3A_295, %parallel_loop3A_296, %parallel_loop3A_297] {strides = array<i32>} : memref<4x8x512xf32, #tpu.memory_space<vmem>>, vector<16xf32>,
        %parallel_loop3A_299 = arith.constant 11 : i32
        %parallel_loop3A_300 = vector.broadcast %parallel_loop3A_299 : i32 to vector<16xi32>
        %parallel_loop3A_301 = arith.addi %parallel_loop3A_169, %parallel_loop3A_300 : vector<16xi32>
        tpu.vector_store_idx %arg7[%parallel_loop3A_301], %parallel_loop3A_298 : memref<16896xf32, #tpu.memory_space<vmem>>[vector<16xi32>], vector<16xf32>,
        %parallel_loop3A_302 = arith.constant 16 : i32
        %parallel_loop3A_303 = arith.muli %parallel_loop3A_165, %parallel_loop3A_302 : i32
        %parallel_loop3A_304 = arith.constant 1 : i32
        %parallel_loop3A_305 = arith.constant 4 : i32
        %parallel_loop3A_306 = arith.index_cast %parallel_loop3A_304 : i32 to index
        %parallel_loop3A_307 = arith.index_cast %parallel_loop3A_305 : i32 to index
        %parallel_loop3A_308 = arith.index_cast %parallel_loop3A_303 : i32 to index
        %parallel_loop3A_309 = tpu.vector_load %arg6[%parallel_loop3A_306, %parallel_loop3A_307, %parallel_loop3A_308] {strides = array<i32>} : memref<4x8x512xf32, #tpu.memory_space<vmem>>, vector<16xf32>,
        %parallel_loop3A_310 = arith.constant 12 : i32
        %parallel_loop3A_311 = vector.broadcast %parallel_loop3A_310 : i32 to vector<16xi32>
        %parallel_loop3A_312 = arith.addi %parallel_loop3A_169, %parallel_loop3A_311 : vector<16xi32>
        tpu.vector_store_idx %arg7[%parallel_loop3A_312], %parallel_loop3A_309 : memref<16896xf32, #tpu.memory_space<vmem>>[vector<16xi32>], vector<16xf32>,
        %parallel_loop3A_313 = arith.constant 16 : i32
        %parallel_loop3A_314 = arith.muli %parallel_loop3A_165, %parallel_loop3A_313 : i32
        %parallel_loop3A_315 = arith.constant 1 : i32
        %parallel_loop3A_316 = arith.constant 5 : i32
        %parallel_loop3A_317 = arith.index_cast %parallel_loop3A_315 : i32 to index
        %parallel_loop3A_318 = arith.index_cast %parallel_loop3A_316 : i32 to index
        %parallel_loop3A_319 = arith.index_cast %parallel_loop3A_314 : i32 to index
        %parallel_loop3A_320 = tpu.vector_load %arg6[%parallel_loop3A_317, %parallel_loop3A_318, %parallel_loop3A_319] {strides = array<i32>} : memref<4x8x512xf32, #tpu.memory_space<vmem>>, vector<16xf32>,
        %parallel_loop3A_321 = arith.constant 13 : i32
        %parallel_loop3A_322 = vector.broadcast %parallel_loop3A_321 : i32 to vector<16xi32>
        %parallel_loop3A_323 = arith.addi %parallel_loop3A_169, %parallel_loop3A_322 : vector<16xi32>
        tpu.vector_store_idx %arg7[%parallel_loop3A_323], %parallel_loop3A_320 : memref<16896xf32, #tpu.memory_space<vmem>>[vector<16xi32>], vector<16xf32>,
        %parallel_loop3A_324 = arith.constant 16 : i32
        %parallel_loop3A_325 = arith.muli %parallel_loop3A_165, %parallel_loop3A_324 : i32
        %parallel_loop3A_326 = arith.constant 1 : i32
        %parallel_loop3A_327 = arith.constant 6 : i32
        %parallel_loop3A_328 = arith.index_cast %parallel_loop3A_326 : i32 to index
        %parallel_loop3A_329 = arith.index_cast %parallel_loop3A_327 : i32 to index
        %parallel_loop3A_330 = arith.index_cast %parallel_loop3A_325 : i32 to index
        %parallel_loop3A_331 = tpu.vector_load %arg6[%parallel_loop3A_328, %parallel_loop3A_329, %parallel_loop3A_330] {strides = array<i32>} : memref<4x8x512xf32, #tpu.memory_space<vmem>>, vector<16xf32>,
        %parallel_loop3A_332 = arith.constant 14 : i32
        %parallel_loop3A_333 = vector.broadcast %parallel_loop3A_332 : i32 to vector<16xi32>
        %parallel_loop3A_334 = arith.addi %parallel_loop3A_169, %parallel_loop3A_333 : vector<16xi32>
        tpu.vector_store_idx %arg7[%parallel_loop3A_334], %parallel_loop3A_331 : memref<16896xf32, #tpu.memory_space<vmem>>[vector<16xi32>], vector<16xf32>,
        %parallel_loop3A_335 = arith.constant 16 : i32
        %parallel_loop3A_336 = arith.muli %parallel_loop3A_165, %parallel_loop3A_335 : i32
        %parallel_loop3A_337 = arith.constant 1 : i32
        %parallel_loop3A_338 = arith.constant 7 : i32
        %parallel_loop3A_339 = arith.index_cast %parallel_loop3A_337 : i32 to index
        %parallel_loop3A_340 = arith.index_cast %parallel_loop3A_338 : i32 to index
        %parallel_loop3A_341 = arith.index_cast %parallel_loop3A_336 : i32 to index
        %parallel_loop3A_342 = tpu.vector_load %arg6[%parallel_loop3A_339, %parallel_loop3A_340, %parallel_loop3A_341] {strides = array<i32>} : memref<4x8x512xf32, #tpu.memory_space<vmem>>, vector<16xf32>,
        %parallel_loop3A_343 = arith.constant 15 : i32
        %parallel_loop3A_344 = vector.broadcast %parallel_loop3A_343 : i32 to vector<16xi32>
        %parallel_loop3A_345 = arith.addi %parallel_loop3A_169, %parallel_loop3A_344 : vector<16xi32>
        tpu.vector_store_idx %arg7[%parallel_loop3A_345], %parallel_loop3A_342 : memref<16896xf32, #tpu.memory_space<vmem>>[vector<16xi32>], vector<16xf32>,
        %parallel_loop3A_346 = arith.constant 16 : i32
        %parallel_loop3A_347 = arith.muli %parallel_loop3A_165, %parallel_loop3A_346 : i32
        %parallel_loop3A_348 = arith.constant 2 : i32
        %parallel_loop3A_349 = arith.constant 0 : i32
        %parallel_loop3A_350 = arith.index_cast %parallel_loop3A_348 : i32 to index
        %parallel_loop3A_351 = arith.index_cast %parallel_loop3A_349 : i32 to index
        %parallel_loop3A_352 = arith.index_cast %parallel_loop3A_347 : i32 to index
        %parallel_loop3A_353 = tpu.vector_load %arg6[%parallel_loop3A_350, %parallel_loop3A_351, %parallel_loop3A_352] {strides = array<i32>} : memref<4x8x512xf32, #tpu.memory_space<vmem>>, vector<16xf32>,
        %parallel_loop3A_354 = arith.constant 16 : i32
        %parallel_loop3A_355 = vector.broadcast %parallel_loop3A_354 : i32 to vector<16xi32>
        %parallel_loop3A_356 = arith.addi %parallel_loop3A_169, %parallel_loop3A_355 : vector<16xi32>
        tpu.vector_store_idx %arg7[%parallel_loop3A_356], %parallel_loop3A_353 : memref<16896xf32, #tpu.memory_space<vmem>>[vector<16xi32>], vector<16xf32>,
        %parallel_loop3A_357 = arith.constant 16 : i32
        %parallel_loop3A_358 = arith.muli %parallel_loop3A_165, %parallel_loop3A_357 : i32
        %parallel_loop3A_359 = arith.constant 2 : i32
        %parallel_loop3A_360 = arith.constant 1 : i32
        %parallel_loop3A_361 = arith.index_cast %parallel_loop3A_359 : i32 to index
        %parallel_loop3A_362 = arith.index_cast %parallel_loop3A_360 : i32 to index
        %parallel_loop3A_363 = arith.index_cast %parallel_loop3A_358 : i32 to index
        %parallel_loop3A_364 = tpu.vector_load %arg6[%parallel_loop3A_361, %parallel_loop3A_362, %parallel_loop3A_363] {strides = array<i32>} : memref<4x8x512xf32, #tpu.memory_space<vmem>>, vector<16xf32>,
        %parallel_loop3A_365 = arith.constant 17 : i32
        %parallel_loop3A_366 = vector.broadcast %parallel_loop3A_365 : i32 to vector<16xi32>
        %parallel_loop3A_367 = arith.addi %parallel_loop3A_169, %parallel_loop3A_366 : vector<16xi32>
        tpu.vector_store_idx %arg7[%parallel_loop3A_367], %parallel_loop3A_364 : memref<16896xf32, #tpu.memory_space<vmem>>[vector<16xi32>], vector<16xf32>,
        %parallel_loop3A_368 = arith.constant 16 : i32
        %parallel_loop3A_369 = arith.muli %parallel_loop3A_165, %parallel_loop3A_368 : i32
        %parallel_loop3A_370 = arith.constant 2 : i32
        %parallel_loop3A_371 = arith.constant 2 : i32
        %parallel_loop3A_372 = arith.index_cast %parallel_loop3A_370 : i32 to index
        %parallel_loop3A_373 = arith.index_cast %parallel_loop3A_371 : i32 to index
        %parallel_loop3A_374 = arith.index_cast %parallel_loop3A_369 : i32 to index
        %parallel_loop3A_375 = tpu.vector_load %arg6[%parallel_loop3A_372, %parallel_loop3A_373, %parallel_loop3A_374] {strides = array<i32>} : memref<4x8x512xf32, #tpu.memory_space<vmem>>, vector<16xf32>,
        %parallel_loop3A_376 = arith.constant 18 : i32
        %parallel_loop3A_377 = vector.broadcast %parallel_loop3A_376 : i32 to vector<16xi32>
        %parallel_loop3A_378 = arith.addi %parallel_loop3A_169, %parallel_loop3A_377 : vector<16xi32>
        tpu.vector_store_idx %arg7[%parallel_loop3A_378], %parallel_loop3A_375 : memref<16896xf32, #tpu.memory_space<vmem>>[vector<16xi32>], vector<16xf32>,
        %parallel_loop3A_379 = arith.constant 16 : i32
        %parallel_loop3A_380 = arith.muli %parallel_loop3A_165, %parallel_loop3A_379 : i32
        %parallel_loop3A_381 = arith.constant 2 : i32
        %parallel_loop3A_382 = arith.constant 3 : i32
        %parallel_loop3A_383 = arith.index_cast %parallel_loop3A_381 : i32 to index
        %parallel_loop3A_384 = arith.index_cast %parallel_loop3A_382 : i32 to index
        %parallel_loop3A_385 = arith.index_cast %parallel_loop3A_380 : i32 to index
        %parallel_loop3A_386 = tpu.vector_load %arg6[%parallel_loop3A_383, %parallel_loop3A_384, %parallel_loop3A_385] {strides = array<i32>} : memref<4x8x512xf32, #tpu.memory_space<vmem>>, vector<16xf32>,
        %parallel_loop3A_387 = arith.constant 19 : i32
        %parallel_loop3A_388 = vector.broadcast %parallel_loop3A_387 : i32 to vector<16xi32>
        %parallel_loop3A_389 = arith.addi %parallel_loop3A_169, %parallel_loop3A_388 : vector<16xi32>
        tpu.vector_store_idx %arg7[%parallel_loop3A_389], %parallel_loop3A_386 : memref<16896xf32, #tpu.memory_space<vmem>>[vector<16xi32>], vector<16xf32>,
        %parallel_loop3A_390 = arith.constant 16 : i32
        %parallel_loop3A_391 = arith.muli %parallel_loop3A_165, %parallel_loop3A_390 : i32
        %parallel_loop3A_392 = arith.constant 2 : i32
        %parallel_loop3A_393 = arith.constant 4 : i32
        %parallel_loop3A_394 = arith.index_cast %parallel_loop3A_392 : i32 to index
        %parallel_loop3A_395 = arith.index_cast %parallel_loop3A_393 : i32 to index
        %parallel_loop3A_396 = arith.index_cast %parallel_loop3A_391 : i32 to index
        %parallel_loop3A_397 = tpu.vector_load %arg6[%parallel_loop3A_394, %parallel_loop3A_395, %parallel_loop3A_396] {strides = array<i32>} : memref<4x8x512xf32, #tpu.memory_space<vmem>>, vector<16xf32>,
        %parallel_loop3A_398 = arith.constant 20 : i32
        %parallel_loop3A_399 = vector.broadcast %parallel_loop3A_398 : i32 to vector<16xi32>
        %parallel_loop3A_400 = arith.addi %parallel_loop3A_169, %parallel_loop3A_399 : vector<16xi32>
        tpu.vector_store_idx %arg7[%parallel_loop3A_400], %parallel_loop3A_397 : memref<16896xf32, #tpu.memory_space<vmem>>[vector<16xi32>], vector<16xf32>,
        %parallel_loop3A_401 = arith.constant 16 : i32
        %parallel_loop3A_402 = arith.muli %parallel_loop3A_165, %parallel_loop3A_401 : i32
        %parallel_loop3A_403 = arith.constant 2 : i32
        %parallel_loop3A_404 = arith.constant 5 : i32
        %parallel_loop3A_405 = arith.index_cast %parallel_loop3A_403 : i32 to index
        %parallel_loop3A_406 = arith.index_cast %parallel_loop3A_404 : i32 to index
        %parallel_loop3A_407 = arith.index_cast %parallel_loop3A_402 : i32 to index
        %parallel_loop3A_408 = tpu.vector_load %arg6[%parallel_loop3A_405, %parallel_loop3A_406, %parallel_loop3A_407] {strides = array<i32>} : memref<4x8x512xf32, #tpu.memory_space<vmem>>, vector<16xf32>,
        %parallel_loop3A_409 = arith.constant 21 : i32
        %parallel_loop3A_410 = vector.broadcast %parallel_loop3A_409 : i32 to vector<16xi32>
        %parallel_loop3A_411 = arith.addi %parallel_loop3A_169, %parallel_loop3A_410 : vector<16xi32>
        tpu.vector_store_idx %arg7[%parallel_loop3A_411], %parallel_loop3A_408 : memref<16896xf32, #tpu.memory_space<vmem>>[vector<16xi32>], vector<16xf32>,
        %parallel_loop3A_412 = arith.constant 16 : i32
        %parallel_loop3A_413 = arith.muli %parallel_loop3A_165, %parallel_loop3A_412 : i32
        %parallel_loop3A_414 = arith.constant 2 : i32
        %parallel_loop3A_415 = arith.constant 6 : i32
        %parallel_loop3A_416 = arith.index_cast %parallel_loop3A_414 : i32 to index
        %parallel_loop3A_417 = arith.index_cast %parallel_loop3A_415 : i32 to index
        %parallel_loop3A_418 = arith.index_cast %parallel_loop3A_413 : i32 to index
        %parallel_loop3A_419 = tpu.vector_load %arg6[%parallel_loop3A_416, %parallel_loop3A_417, %parallel_loop3A_418] {strides = array<i32>} : memref<4x8x512xf32, #tpu.memory_space<vmem>>, vector<16xf32>,
        %parallel_loop3A_420 = arith.constant 22 : i32
        %parallel_loop3A_421 = vector.broadcast %parallel_loop3A_420 : i32 to vector<16xi32>
        %parallel_loop3A_422 = arith.addi %parallel_loop3A_169, %parallel_loop3A_421 : vector<16xi32>
        tpu.vector_store_idx %arg7[%parallel_loop3A_422], %parallel_loop3A_419 : memref<16896xf32, #tpu.memory_space<vmem>>[vector<16xi32>], vector<16xf32>,
        %parallel_loop3A_423 = arith.constant 16 : i32
        %parallel_loop3A_424 = arith.muli %parallel_loop3A_165, %parallel_loop3A_423 : i32
        %parallel_loop3A_425 = arith.constant 2 : i32
        %parallel_loop3A_426 = arith.constant 7 : i32
        %parallel_loop3A_427 = arith.index_cast %parallel_loop3A_425 : i32 to index
        %parallel_loop3A_428 = arith.index_cast %parallel_loop3A_426 : i32 to index
        %parallel_loop3A_429 = arith.index_cast %parallel_loop3A_424 : i32 to index
        %parallel_loop3A_430 = tpu.vector_load %arg6[%parallel_loop3A_427, %parallel_loop3A_428, %parallel_loop3A_429] {strides = array<i32>} : memref<4x8x512xf32, #tpu.memory_space<vmem>>, vector<16xf32>,
        %parallel_loop3A_431 = arith.constant 23 : i32
        %parallel_loop3A_432 = vector.broadcast %parallel_loop3A_431 : i32 to vector<16xi32>
        %parallel_loop3A_433 = arith.addi %parallel_loop3A_169, %parallel_loop3A_432 : vector<16xi32>
        tpu.vector_store_idx %arg7[%parallel_loop3A_433], %parallel_loop3A_430 : memref<16896xf32, #tpu.memory_space<vmem>>[vector<16xi32>], vector<16xf32>,
        %parallel_loop3A_434 = arith.constant 16 : i32
        %parallel_loop3A_435 = arith.muli %parallel_loop3A_165, %parallel_loop3A_434 : i32
        %parallel_loop3A_436 = arith.constant 3 : i32
        %parallel_loop3A_437 = arith.constant 0 : i32
        %parallel_loop3A_438 = arith.index_cast %parallel_loop3A_436 : i32 to index
        %parallel_loop3A_439 = arith.index_cast %parallel_loop3A_437 : i32 to index
        %parallel_loop3A_440 = arith.index_cast %parallel_loop3A_435 : i32 to index
        %parallel_loop3A_441 = tpu.vector_load %arg6[%parallel_loop3A_438, %parallel_loop3A_439, %parallel_loop3A_440] {strides = array<i32>} : memref<4x8x512xf32, #tpu.memory_space<vmem>>, vector<16xf32>,
        %parallel_loop3A_442 = arith.constant 24 : i32
        %parallel_loop3A_443 = vector.broadcast %parallel_loop3A_442 : i32 to vector<16xi32>
        %parallel_loop3A_444 = arith.addi %parallel_loop3A_169, %parallel_loop3A_443 : vector<16xi32>
        tpu.vector_store_idx %arg7[%parallel_loop3A_444], %parallel_loop3A_441 : memref<16896xf32, #tpu.memory_space<vmem>>[vector<16xi32>], vector<16xf32>,
        %parallel_loop3A_445 = arith.constant 16 : i32
        %parallel_loop3A_446 = arith.muli %parallel_loop3A_165, %parallel_loop3A_445 : i32
        %parallel_loop3A_447 = arith.constant 3 : i32
        %parallel_loop3A_448 = arith.constant 1 : i32
        %parallel_loop3A_449 = arith.index_cast %parallel_loop3A_447 : i32 to index
        %parallel_loop3A_450 = arith.index_cast %parallel_loop3A_448 : i32 to index
        %parallel_loop3A_451 = arith.index_cast %parallel_loop3A_446 : i32 to index
        %parallel_loop3A_452 = tpu.vector_load %arg6[%parallel_loop3A_449, %parallel_loop3A_450, %parallel_loop3A_451] {strides = array<i32>} : memref<4x8x512xf32, #tpu.memory_space<vmem>>, vector<16xf32>,
        %parallel_loop3A_453 = arith.constant 25 : i32
        %parallel_loop3A_454 = vector.broadcast %parallel_loop3A_453 : i32 to vector<16xi32>
        %parallel_loop3A_455 = arith.addi %parallel_loop3A_169, %parallel_loop3A_454 : vector<16xi32>
        tpu.vector_store_idx %arg7[%parallel_loop3A_455], %parallel_loop3A_452 : memref<16896xf32, #tpu.memory_space<vmem>>[vector<16xi32>], vector<16xf32>,
        %parallel_loop3A_456 = arith.constant 16 : i32
        %parallel_loop3A_457 = arith.muli %parallel_loop3A_165, %parallel_loop3A_456 : i32
        %parallel_loop3A_458 = arith.constant 3 : i32
        %parallel_loop3A_459 = arith.constant 2 : i32
        %parallel_loop3A_460 = arith.index_cast %parallel_loop3A_458 : i32 to index
        %parallel_loop3A_461 = arith.index_cast %parallel_loop3A_459 : i32 to index
        %parallel_loop3A_462 = arith.index_cast %parallel_loop3A_457 : i32 to index
        %parallel_loop3A_463 = tpu.vector_load %arg6[%parallel_loop3A_460, %parallel_loop3A_461, %parallel_loop3A_462] {strides = array<i32>} : memref<4x8x512xf32, #tpu.memory_space<vmem>>, vector<16xf32>,
        %parallel_loop3A_464 = arith.constant 26 : i32
        %parallel_loop3A_465 = vector.broadcast %parallel_loop3A_464 : i32 to vector<16xi32>
        %parallel_loop3A_466 = arith.addi %parallel_loop3A_169, %parallel_loop3A_465 : vector<16xi32>
        tpu.vector_store_idx %arg7[%parallel_loop3A_466], %parallel_loop3A_463 : memref<16896xf32, #tpu.memory_space<vmem>>[vector<16xi32>], vector<16xf32>,
        %parallel_loop3A_467 = arith.constant 16 : i32
        %parallel_loop3A_468 = arith.muli %parallel_loop3A_165, %parallel_loop3A_467 : i32
        %parallel_loop3A_469 = arith.constant 3 : i32
        %parallel_loop3A_470 = arith.constant 3 : i32
        %parallel_loop3A_471 = arith.index_cast %parallel_loop3A_469 : i32 to index
        %parallel_loop3A_472 = arith.index_cast %parallel_loop3A_470 : i32 to index
        %parallel_loop3A_473 = arith.index_cast %parallel_loop3A_468 : i32 to index
        %parallel_loop3A_474 = tpu.vector_load %arg6[%parallel_loop3A_471, %parallel_loop3A_472, %parallel_loop3A_473] {strides = array<i32>} : memref<4x8x512xf32, #tpu.memory_space<vmem>>, vector<16xf32>,
        %parallel_loop3A_475 = arith.constant 27 : i32
        %parallel_loop3A_476 = vector.broadcast %parallel_loop3A_475 : i32 to vector<16xi32>
        %parallel_loop3A_477 = arith.addi %parallel_loop3A_169, %parallel_loop3A_476 : vector<16xi32>
        tpu.vector_store_idx %arg7[%parallel_loop3A_477], %parallel_loop3A_474 : memref<16896xf32, #tpu.memory_space<vmem>>[vector<16xi32>], vector<16xf32>,
        %parallel_loop3A_478 = arith.constant 16 : i32
        %parallel_loop3A_479 = arith.muli %parallel_loop3A_165, %parallel_loop3A_478 : i32
        %parallel_loop3A_480 = arith.constant 3 : i32
        %parallel_loop3A_481 = arith.constant 4 : i32
        %parallel_loop3A_482 = arith.index_cast %parallel_loop3A_480 : i32 to index
        %parallel_loop3A_483 = arith.index_cast %parallel_loop3A_481 : i32 to index
        %parallel_loop3A_484 = arith.index_cast %parallel_loop3A_479 : i32 to index
        %parallel_loop3A_485 = tpu.vector_load %arg6[%parallel_loop3A_482, %parallel_loop3A_483, %parallel_loop3A_484] {strides = array<i32>} : memref<4x8x512xf32, #tpu.memory_space<vmem>>, vector<16xf32>,
        %parallel_loop3A_486 = arith.constant 28 : i32
        %parallel_loop3A_487 = vector.broadcast %parallel_loop3A_486 : i32 to vector<16xi32>
        %parallel_loop3A_488 = arith.addi %parallel_loop3A_169, %parallel_loop3A_487 : vector<16xi32>
        tpu.vector_store_idx %arg7[%parallel_loop3A_488], %parallel_loop3A_485 : memref<16896xf32, #tpu.memory_space<vmem>>[vector<16xi32>], vector<16xf32>,
        %parallel_loop3A_489 = arith.constant 16 : i32
        %parallel_loop3A_490 = arith.muli %parallel_loop3A_165, %parallel_loop3A_489 : i32
        %parallel_loop3A_491 = arith.constant 3 : i32
        %parallel_loop3A_492 = arith.constant 5 : i32
        %parallel_loop3A_493 = arith.index_cast %parallel_loop3A_491 : i32 to index
        %parallel_loop3A_494 = arith.index_cast %parallel_loop3A_492 : i32 to index
        %parallel_loop3A_495 = arith.index_cast %parallel_loop3A_490 : i32 to index
        %parallel_loop3A_496 = tpu.vector_load %arg6[%parallel_loop3A_493, %parallel_loop3A_494, %parallel_loop3A_495] {strides = array<i32>} : memref<4x8x512xf32, #tpu.memory_space<vmem>>, vector<16xf32>,
        %parallel_loop3A_497 = arith.constant 29 : i32
        %parallel_loop3A_498 = vector.broadcast %parallel_loop3A_497 : i32 to vector<16xi32>
        %parallel_loop3A_499 = arith.addi %parallel_loop3A_169, %parallel_loop3A_498 : vector<16xi32>
        tpu.vector_store_idx %arg7[%parallel_loop3A_499], %parallel_loop3A_496 : memref<16896xf32, #tpu.memory_space<vmem>>[vector<16xi32>], vector<16xf32>,
        %parallel_loop3A_500 = arith.constant 16 : i32
        %parallel_loop3A_501 = arith.muli %parallel_loop3A_165, %parallel_loop3A_500 : i32
        %parallel_loop3A_502 = arith.constant 3 : i32
        %parallel_loop3A_503 = arith.constant 6 : i32
        %parallel_loop3A_504 = arith.index_cast %parallel_loop3A_502 : i32 to index
        %parallel_loop3A_505 = arith.index_cast %parallel_loop3A_503 : i32 to index
        %parallel_loop3A_506 = arith.index_cast %parallel_loop3A_501 : i32 to index
        %parallel_loop3A_507 = tpu.vector_load %arg6[%parallel_loop3A_504, %parallel_loop3A_505, %parallel_loop3A_506] {strides = array<i32>} : memref<4x8x512xf32, #tpu.memory_space<vmem>>, vector<16xf32>,
        %parallel_loop3A_508 = arith.constant 30 : i32
        %parallel_loop3A_509 = vector.broadcast %parallel_loop3A_508 : i32 to vector<16xi32>
        %parallel_loop3A_510 = arith.addi %parallel_loop3A_169, %parallel_loop3A_509 : vector<16xi32>
        tpu.vector_store_idx %arg7[%parallel_loop3A_510], %parallel_loop3A_507 : memref<16896xf32, #tpu.memory_space<vmem>>[vector<16xi32>], vector<16xf32>,
        %parallel_loop3A_511 = arith.constant 16 : i32
        %parallel_loop3A_512 = arith.muli %parallel_loop3A_165, %parallel_loop3A_511 : i32
        %parallel_loop3A_513 = arith.constant 3 : i32
        %parallel_loop3A_514 = arith.constant 7 : i32
        %parallel_loop3A_515 = arith.index_cast %parallel_loop3A_513 : i32 to index
        %parallel_loop3A_516 = arith.index_cast %parallel_loop3A_514 : i32 to index
        %parallel_loop3A_517 = arith.index_cast %parallel_loop3A_512 : i32 to index
        %parallel_loop3A_518 = tpu.vector_load %arg6[%parallel_loop3A_515, %parallel_loop3A_516, %parallel_loop3A_517] {strides = array<i32>} : memref<4x8x512xf32, #tpu.memory_space<vmem>>, vector<16xf32>,
        %parallel_loop3A_519 = arith.constant 31 : i32
        %parallel_loop3A_520 = vector.broadcast %parallel_loop3A_519 : i32 to vector<16xi32>
        %parallel_loop3A_521 = arith.addi %parallel_loop3A_169, %parallel_loop3A_520 : vector<16xi32>
        tpu.vector_store_idx %arg7[%parallel_loop3A_521], %parallel_loop3A_518 : memref<16896xf32, #tpu.memory_space<vmem>>[vector<16xi32>], vector<16xf32>,
      } {sc.loop_unroll_factor = 8 : i64, sc.parallel_access}
      %parallel_loop3A_146 = arith.constant 0 : i32
      %parallel_loop3A_147 = arith.constant 512 : i32
      %parallel_loop3A_148 = arith.constant 4 : i32
      scf.for %parallel_loop3A_165 = %parallel_loop3A_146 to %parallel_loop3A_147 step %parallel_loop3A_148  : i32 {
        %parallel_loop3A_166 = arith.constant 0 : i32
        %parallel_loop3A_167 = arith.addi %parallel_loop3A_165, %parallel_loop3A_166 : i32
        %parallel_loop3A_168 = arith.constant 33 : i32
        %parallel_loop3A_169 = arith.muli %parallel_loop3A_167, %parallel_loop3A_168 : i32
        %parallel_loop3A_170 = arith.index_cast %parallel_loop3A_169 : i32 to index
        %parallel_loop3A_171 = tpu.vector_load %arg7[%parallel_loop3A_170] {strides = array<i32>} : memref<16896xf32, #tpu.memory_space<vmem>>, vector<16xf32>,
        %parallel_loop3A_172 = arith.constant 32 : i32
        %parallel_loop3A_173 = arith.muli %parallel_loop3A_167, %parallel_loop3A_172 : i32
        %parallel_loop3A_174 = arith.index_cast %parallel_loop3A_173 : i32 to index
        %parallel_loop3A_175 = tpu.vector_load %arg9[%parallel_loop3A_174] {strides = array<i32>} : memref<16384xf32, #tpu.memory_space<vmem>>, vector<16xf32>,
        tpu.vector_store %arg9[%parallel_loop3A_174], %parallel_loop3A_171 {strides = array<i32>} : memref<16384xf32, #tpu.memory_space<vmem>>, vector<16xf32>,
        %parallel_loop3A_176 = arith.constant 33 : i32
        %parallel_loop3A_177 = arith.muli %parallel_loop3A_167, %parallel_loop3A_176 : i32
        %parallel_loop3A_178 = arith.constant 16 : i32
        %parallel_loop3A_179 = arith.addi %parallel_loop3A_177, %parallel_loop3A_178 : i32
        %parallel_loop3A_180 = arith.index_cast %parallel_loop3A_179 : i32 to index
        %parallel_loop3A_181 = tpu.vector_load %arg7[%parallel_loop3A_180] {strides = array<i32>} : memref<16896xf32, #tpu.memory_space<vmem>>, vector<16xf32>,
        %parallel_loop3A_182 = arith.constant 32 : i32
        %parallel_loop3A_183 = arith.muli %parallel_loop3A_167, %parallel_loop3A_182 : i32
        %parallel_loop3A_184 = arith.constant 16 : i32
        %parallel_loop3A_185 = arith.addi %parallel_loop3A_183, %parallel_loop3A_184 : i32
        %parallel_loop3A_186 = arith.index_cast %parallel_loop3A_185 : i32 to index
        %parallel_loop3A_187 = tpu.vector_load %arg9[%parallel_loop3A_186] {strides = array<i32>} : memref<16384xf32, #tpu.memory_space<vmem>>, vector<16xf32>,
        tpu.vector_store %arg9[%parallel_loop3A_186], %parallel_loop3A_181 {strides = array<i32>} : memref<16384xf32, #tpu.memory_space<vmem>>, vector<16xf32>,
        %parallel_loop3A_188 = arith.constant 1 : i32
        %parallel_loop3A_189 = arith.addi %parallel_loop3A_165, %parallel_loop3A_188 : i32
        %parallel_loop3A_190 = arith.constant 33 : i32
        %parallel_loop3A_191 = arith.muli %parallel_loop3A_189, %parallel_loop3A_190 : i32
        %parallel_loop3A_192 = arith.index_cast %parallel_loop3A_191 : i32 to index
        %parallel_loop3A_193 = tpu.vector_load %arg7[%parallel_loop3A_192] {strides = array<i32>} : memref<16896xf32, #tpu.memory_space<vmem>>, vector<16xf32>,
        %parallel_loop3A_194 = arith.constant 32 : i32
        %parallel_loop3A_195 = arith.muli %parallel_loop3A_189, %parallel_loop3A_194 : i32
        %parallel_loop3A_196 = arith.index_cast %parallel_loop3A_195 : i32 to index
        %parallel_loop3A_197 = tpu.vector_load %arg9[%parallel_loop3A_196] {strides = array<i32>} : memref<16384xf32, #tpu.memory_space<vmem>>, vector<16xf32>,
        tpu.vector_store %arg9[%parallel_loop3A_196], %parallel_loop3A_193 {strides = array<i32>} : memref<16384xf32, #tpu.memory_space<vmem>>, vector<16xf32>,
        %parallel_loop3A_198 = arith.constant 33 : i32
        %parallel_loop3A_199 = arith.muli %parallel_loop3A_189, %parallel_loop3A_198 : i32
        %parallel_loop3A_200 = arith.constant 16 : i32
        %parallel_loop3A_201 = arith.addi %parallel_loop3A_199, %parallel_loop3A_200 : i32
        %parallel_loop3A_202 = arith.index_cast %parallel_loop3A_201 : i32 to index
        %parallel_loop3A_203 = tpu.vector_load %arg7[%parallel_loop3A_202] {strides = array<i32>} : memref<16896xf32, #tpu.memory_space<vmem>>, vector<16xf32>,
        %parallel_loop3A_204 = arith.constant 32 : i32
        %parallel_loop3A_205 = arith.muli %parallel_loop3A_189, %parallel_loop3A_204 : i32
        %parallel_loop3A_206 = arith.constant 16 : i32
        %parallel_loop3A_207 = arith.addi %parallel_loop3A_205, %parallel_loop3A_206 : i32
        %parallel_loop3A_208 = arith.index_cast %parallel_loop3A_207 : i32 to index
        %parallel_loop3A_209 = tpu.vector_load %arg9[%parallel_loop3A_208] {strides = array<i32>} : memref<16384xf32, #tpu.memory_space<vmem>>, vector<16xf32>,
        tpu.vector_store %arg9[%parallel_loop3A_208], %parallel_loop3A_203 {strides = array<i32>} : memref<16384xf32, #tpu.memory_space<vmem>>, vector<16xf32>,
        %parallel_loop3A_210 = arith.constant 2 : i32
        %parallel_loop3A_211 = arith.addi %parallel_loop3A_165, %parallel_loop3A_210 : i32
        %parallel_loop3A_212 = arith.constant 33 : i32
        %parallel_loop3A_213 = arith.muli %parallel_loop3A_211, %parallel_loop3A_212 : i32
        %parallel_loop3A_214 = arith.index_cast %parallel_loop3A_213 : i32 to index
        %parallel_loop3A_215 = tpu.vector_load %arg7[%parallel_loop3A_214] {strides = array<i32>} : memref<16896xf32, #tpu.memory_space<vmem>>, vector<16xf32>,
        %parallel_loop3A_216 = arith.constant 32 : i32
        %parallel_loop3A_217 = arith.muli %parallel_loop3A_211, %parallel_loop3A_216 : i32
        %parallel_loop3A_218 = arith.index_cast %parallel_loop3A_217 : i32 to index
        %parallel_loop3A_219 = tpu.vector_load %arg9[%parallel_loop3A_218] {strides = array<i32>} : memref<16384xf32, #tpu.memory_space<vmem>>, vector<16xf32>,
        tpu.vector_store %arg9[%parallel_loop3A_218], %parallel_loop3A_215 {strides = array<i32>} : memref<16384xf32, #tpu.memory_space<vmem>>, vector<16xf32>,
        %parallel_loop3A_220 = arith.constant 33 : i32
        %parallel_loop3A_221 = arith.muli %parallel_loop3A_211, %parallel_loop3A_220 : i32
        %parallel_loop3A_222 = arith.constant 16 : i32
        %parallel_loop3A_223 = arith.addi %parallel_loop3A_221, %parallel_loop3A_222 : i32
        %parallel_loop3A_224 = arith.index_cast %parallel_loop3A_223 : i32 to index
        %parallel_loop3A_225 = tpu.vector_load %arg7[%parallel_loop3A_224] {strides = array<i32>} : memref<16896xf32, #tpu.memory_space<vmem>>, vector<16xf32>,
        %parallel_loop3A_226 = arith.constant 32 : i32
        %parallel_loop3A_227 = arith.muli %parallel_loop3A_211, %parallel_loop3A_226 : i32
        %parallel_loop3A_228 = arith.constant 16 : i32
        %parallel_loop3A_229 = arith.addi %parallel_loop3A_227, %parallel_loop3A_228 : i32
        %parallel_loop3A_230 = arith.index_cast %parallel_loop3A_229 : i32 to index
        %parallel_loop3A_231 = tpu.vector_load %arg9[%parallel_loop3A_230] {strides = array<i32>} : memref<16384xf32, #tpu.memory_space<vmem>>, vector<16xf32>,
        tpu.vector_store %arg9[%parallel_loop3A_230], %parallel_loop3A_225 {strides = array<i32>} : memref<16384xf32, #tpu.memory_space<vmem>>, vector<16xf32>,
        %parallel_loop3A_232 = arith.constant 3 : i32
        %parallel_loop3A_233 = arith.addi %parallel_loop3A_165, %parallel_loop3A_232 : i32
        %parallel_loop3A_234 = arith.constant 33 : i32
        %parallel_loop3A_235 = arith.muli %parallel_loop3A_233, %parallel_loop3A_234 : i32
        %parallel_loop3A_236 = arith.index_cast %parallel_loop3A_235 : i32 to index
        %parallel_loop3A_237 = tpu.vector_load %arg7[%parallel_loop3A_236] {strides = array<i32>} : memref<16896xf32, #tpu.memory_space<vmem>>, vector<16xf32>,
        %parallel_loop3A_238 = arith.constant 32 : i32
        %parallel_loop3A_239 = arith.muli %parallel_loop3A_233, %parallel_loop3A_238 : i32
        %parallel_loop3A_240 = arith.index_cast %parallel_loop3A_239 : i32 to index
        %parallel_loop3A_241 = tpu.vector_load %arg9[%parallel_loop3A_240] {strides = array<i32>} : memref<16384xf32, #tpu.memory_space<vmem>>, vector<16xf32>,
        tpu.vector_store %arg9[%parallel_loop3A_240], %parallel_loop3A_237 {strides = array<i32>} : memref<16384xf32, #tpu.memory_space<vmem>>, vector<16xf32>,
        %parallel_loop3A_242 = arith.constant 33 : i32
        %parallel_loop3A_243 = arith.muli %parallel_loop3A_233, %parallel_loop3A_242 : i32
        %parallel_loop3A_244 = arith.constant 16 : i32
        %parallel_loop3A_245 = arith.addi %parallel_loop3A_243, %parallel_loop3A_244 : i32
        %parallel_loop3A_246 = arith.index_cast %parallel_loop3A_245 : i32 to index
        %parallel_loop3A_247 = tpu.vector_load %arg7[%parallel_loop3A_246] {strides = array<i32>} : memref<16896xf32, #tpu.memory_space<vmem>>, vector<16xf32>,
        %parallel_loop3A_248 = arith.constant 32 : i32
        %parallel_loop3A_249 = arith.muli %parallel_loop3A_233, %parallel_loop3A_248 : i32
        %parallel_loop3A_250 = arith.constant 16 : i32
        %parallel_loop3A_251 = arith.addi %parallel_loop3A_249, %parallel_loop3A_250 : i32
        %parallel_loop3A_252 = arith.index_cast %parallel_loop3A_251 : i32 to index
        %parallel_loop3A_253 = tpu.vector_load %arg9[%parallel_loop3A_252] {strides = array<i32>} : memref<16384xf32, #tpu.memory_space<vmem>>, vector<16xf32>,
        tpu.vector_store %arg9[%parallel_loop3A_252], %parallel_loop3A_247 {strides = array<i32>} : memref<16384xf32, #tpu.memory_space<vmem>>, vector<16xf32>,
      } {sc.loop_unroll_factor = 4 : i64, sc.parallel_access}
      %mul3A_149 = arith.constant 4 : i32
      %mul3A_150 = arith.muli %add3A_126, %mul3A_149 : i32
      %add3A_151 = arith.addi %mul3A_2, %mul3A_150 : i32
      %mul3A_152 = arith.constant 128 : i32
      %mul3A_153 = arith.muli %add3A_151, %mul3A_152 : i32
      %mul3A_154 = arith.constant 32 : i32
      %mul3A_155 = arith.muli %mul3A_153, %mul3A_154 : i32
      %dma_start3A_156 = tpu.memref_slice %arg4[%mul3A_155] : memref<32000000xf32, #tpu.memory_space<hbm>> -> memref<16384xf32, #tpu.memory_space<hbm>>
      %dma_start3A_157 = tpu.memref_slice %arg4[%mul3A_155] : memref<32000000xf32, #tpu.memory_space<hbm>> -> memref<16384xf32, #tpu.memory_space<hbm>>
      tpu.enqueue_dma source(%arg9 : memref<16384xf32, #tpu.memory_space<vmem>>) target(%dma_start3A_157 : memref<16384xf32, #tpu.memory_space<hbm>>) target_semaphore(%arg14 : memref<!tpu.dma_semaphore, #tpu.memory_space<semaphore_mem>>)
      %add3A_158 = arith.constant 2 : i32
      %add3A_159 = arith.addi %add3A_126, %add3A_158 : i32
      %lt3A_160 = arith.constant 61 : i32
      %lt3A_161 = arith.cmpi slt, %add3A_159, %lt3A_160 : i32
      %convert_element_type3A_162 = arith.extui %lt3A_161 : i1 to i32
      %cond3A_163 = arith.constant 0 : i32
      %cond3A_164 = arith.cmpi ne, %convert_element_type3A_162, %cond3A_163 : i32
      scf.if %cond3A_164 {
        %add3A_165 = arith.constant 2 : i32
        %add3A_166 = arith.addi %add3A_126, %add3A_165 : i32
        %mul3A_167 = arith.constant 4 : i32
        %mul3A_168 = arith.muli %add3A_166, %mul3A_167 : i32
        %add3A_169 = arith.addi %mul3A_2, %mul3A_168 : i32
        %mul3A_170 = arith.constant 128 : i32
        %mul3A_171 = arith.muli %add3A_169, %mul3A_170 : i32
        %dma_start3A_172 = arith.constant 0 : i32
        %dma_start3A_173 = arith.constant 0 : i32
        %dma_start3A_174 = tpu.memref_slice %arg2[%dma_start3A_172, %dma_start3A_173, %mul3A_171] : memref<4x8x1000000xf32, #tpu.memory_space<hbm>> -> memref<4x8x512xf32, #tpu.memory_space<hbm>>
        %dma_start3A_175 = arith.constant 0 : i32
        %dma_start3A_176 = arith.constant 0 : i32
        %dma_start3A_177 = tpu.memref_slice %arg2[%dma_start3A_175, %dma_start3A_176, %mul3A_171] : memref<4x8x1000000xf32, #tpu.memory_space<hbm>> -> memref<4x8x512xf32, #tpu.memory_space<hbm>>
        tpu.enqueue_dma source(%dma_start3A_177 : memref<4x8x512xf32, #tpu.memory_space<hbm>>) target(%arg6 : memref<4x8x512xf32, #tpu.memory_space<vmem>>) target_semaphore(%arg12 : memref<!tpu.dma_semaphore, #tpu.memory_space<semaphore_mem>>)
      } else {
      }
    }
    %scan3A_29 = arith.constant 30 : i32
    %add3A_30 = arith.constant 240 : i32
    %add3A_31 = arith.addi %mul3A_2, %add3A_30 : i32
    %mul3A_32 = arith.constant 128 : i32
    %mul3A_33 = arith.muli %add3A_31, %mul3A_32 : i32
    %dma_wait3A = arith.constant 0 : i32
    %dma_wait3A_34 = arith.constant 0 : i32
    %dma_wait3A_35 = tpu.memref_slice %arg2[%dma_wait3A, %dma_wait3A_34, %mul3A_33] : memref<4x8x1000000xf32, #tpu.memory_space<hbm>> -> memref<4x8x512xf32, #tpu.memory_space<hbm>>
    %dma_wait3A_36 = arith.constant 0 : i32
    %dma_wait3A_37 = arith.constant 0 : i32
    %dma_wait3A_38 = tpu.memref_slice %arg2[%dma_wait3A_36, %dma_wait3A_37, %mul3A_33] : memref<4x8x1000000xf32, #tpu.memory_space<hbm>> -> memref<4x8x512xf32, #tpu.memory_space<hbm>>
    tpu.wait_dma2 semaphore(%arg11 : memref<!tpu.dma_semaphore, #tpu.memory_space<semaphore_mem>>) src(%dma_wait3A_38 : memref<4x8x512xf32, #tpu.memory_space<hbm>>) dst(%arg5 : memref<4x8x512xf32, #tpu.memory_space<vmem>>)
    %add3A_39 = arith.constant 232 : i32
    %add3A_40 = arith.addi %mul3A_2, %add3A_39 : i32
    %mul3A_41 = arith.constant 128 : i32
    %mul3A_42 = arith.muli %add3A_40, %mul3A_41 : i32
    %mul3A_43 = arith.constant 32 : i32
    %mul3A_44 = arith.muli %mul3A_42, %mul3A_43 : i32
    %dma_wait3A_45 = tpu.memref_slice %arg4[%mul3A_44] : memref<32000000xf32, #tpu.memory_space<hbm>> -> memref<16384xf32, #tpu.memory_space<hbm>>
    %dma_wait3A_46 = tpu.memref_slice %arg4[%mul3A_44] : memref<32000000xf32, #tpu.memory_space<hbm>> -> memref<16384xf32, #tpu.memory_space<hbm>>
    tpu.wait_dma2 semaphore(%arg13 : memref<!tpu.dma_semaphore, #tpu.memory_space<semaphore_mem>>) src(%arg8 : memref<16384xf32, #tpu.memory_space<vmem>>) dst(%dma_wait3A_46 : memref<16384xf32, #tpu.memory_space<hbm>>)
    %parallel_loop3A = arith.constant 0 : i32
    %parallel_loop3A_47 = arith.constant 32 : i32
    %parallel_loop3A_48 = arith.constant 1 : i32
    scf.for %parallel_loop3A_86 = %parallel_loop3A to %parallel_loop3A_47 step %parallel_loop3A_48  : i32 {
      %parallel_loop3A_87 = arith.constant 528 : i32
      %parallel_loop3A_88 = arith.muli %parallel_loop3A_86, %parallel_loop3A_87 : i32
      %parallel_loop3A_89 = vector.broadcast %parallel_loop3A_88 : i32 to vector<16xi32>
      %parallel_loop3A_90 = arith.addi %mul3A_5, %parallel_loop3A_89 : vector<16xi32>
      %parallel_loop3A_91 = arith.constant 16 : i32
      %parallel_loop3A_92 = arith.muli %parallel_loop3A_86, %parallel_loop3A_91 : i32
      %parallel_loop3A_93 = arith.constant 0 : i32
      %parallel_loop3A_94 = arith.constant 0 : i32
      %parallel_loop3A_95 = arith.index_cast %parallel_loop3A_93 : i32 to index
      %parallel_loop3A_96 = arith.index_cast %parallel_loop3A_94 : i32 to index
      %parallel_loop3A_97 = arith.index_cast %parallel_loop3A_92 : i32 to index
      %parallel_loop3A_98 = tpu.vector_load %arg5[%parallel_loop3A_95, %parallel_loop3A_96, %parallel_loop3A_97] {strides = array<i32>} : memref<4x8x512xf32, #tpu.memory_space<vmem>>, vector<16xf32>,
      %parallel_loop3A_99 = arith.constant 0 : i32
      %parallel_loop3A_100 = vector.broadcast %parallel_loop3A_99 : i32 to vector<16xi32>
      %parallel_loop3A_101 = arith.addi %parallel_loop3A_90, %parallel_loop3A_100 : vector<16xi32>
      tpu.vector_store_idx %arg7[%parallel_loop3A_101], %parallel_loop3A_98 : memref<16896xf32, #tpu.memory_space<vmem>>[vector<16xi32>], vector<16xf32>,
      %parallel_loop3A_102 = arith.constant 16 : i32
      %parallel_loop3A_103 = arith.muli %parallel_loop3A_86, %parallel_loop3A_102 : i32
      %parallel_loop3A_104 = arith.constant 0 : i32
      %parallel_loop3A_105 = arith.constant 1 : i32
      %parallel_loop3A_106 = arith.index_cast %parallel_loop3A_104 : i32 to index
      %parallel_loop3A_107 = arith.index_cast %parallel_loop3A_105 : i32 to index
      %parallel_loop3A_108 = arith.index_cast %parallel_loop3A_103 : i32 to index
      %parallel_loop3A_109 = tpu.vector_load %arg5[%parallel_loop3A_106, %parallel_loop3A_107, %parallel_loop3A_108] {strides = array<i32>} : memref<4x8x512xf32, #tpu.memory_space<vmem>>, vector<16xf32>,
      %parallel_loop3A_110 = arith.constant 1 : i32
      %parallel_loop3A_111 = vector.broadcast %parallel_loop3A_110 : i32 to vector<16xi32>
      %parallel_loop3A_112 = arith.addi %parallel_loop3A_90, %parallel_loop3A_111 : vector<16xi32>
      tpu.vector_store_idx %arg7[%parallel_loop3A_112], %parallel_loop3A_109 : memref<16896xf32, #tpu.memory_space<vmem>>[vector<16xi32>], vector<16xf32>,
      %parallel_loop3A_113 = arith.constant 16 : i32
      %parallel_loop3A_114 = arith.muli %parallel_loop3A_86, %parallel_loop3A_113 : i32
      %parallel_loop3A_115 = arith.constant 0 : i32
      %parallel_loop3A_116 = arith.constant 2 : i32
      %parallel_loop3A_117 = arith.index_cast %parallel_loop3A_115 : i32 to index
      %parallel_loop3A_118 = arith.index_cast %parallel_loop3A_116 : i32 to index
      %parallel_loop3A_119 = arith.index_cast %parallel_loop3A_114 : i32 to index
      %parallel_loop3A_120 = tpu.vector_load %arg5[%parallel_loop3A_117, %parallel_loop3A_118, %parallel_loop3A_119] {strides = array<i32>} : memref<4x8x512xf32, #tpu.memory_space<vmem>>, vector<16xf32>,
      %parallel_loop3A_121 = arith.constant 2 : i32
      %parallel_loop3A_122 = vector.broadcast %parallel_loop3A_121 : i32 to vector<16xi32>
      %parallel_loop3A_123 = arith.addi %parallel_loop3A_90, %parallel_loop3A_122 : vector<16xi32>
      tpu.vector_store_idx %arg7[%parallel_loop3A_123], %parallel_loop3A_120 : memref<16896xf32, #tpu.memory_space<vmem>>[vector<16xi32>], vector<16xf32>,
      %parallel_loop3A_124 = arith.constant 16 : i32
      %parallel_loop3A_125 = arith.muli %parallel_loop3A_86, %parallel_loop3A_124 : i32
      %parallel_loop3A_126 = arith.constant 0 : i32
      %parallel_loop3A_127 = arith.constant 3 : i32
      %parallel_loop3A_128 = arith.index_cast %parallel_loop3A_126 : i32 to index
      %parallel_loop3A_129 = arith.index_cast %parallel_loop3A_127 : i32 to index
      %parallel_loop3A_130 = arith.index_cast %parallel_loop3A_125 : i32 to index
      %parallel_loop3A_131 = tpu.vector_load %arg5[%parallel_loop3A_128, %parallel_loop3A_129, %parallel_loop3A_130] {strides = array<i32>} : memref<4x8x512xf32, #tpu.memory_space<vmem>>, vector<16xf32>,
      %parallel_loop3A_132 = arith.constant 3 : i32
      %parallel_loop3A_133 = vector.broadcast %parallel_loop3A_132 : i32 to vector<16xi32>
      %parallel_loop3A_134 = arith.addi %parallel_loop3A_90, %parallel_loop3A_133 : vector<16xi32>
      tpu.vector_store_idx %arg7[%parallel_loop3A_134], %parallel_loop3A_131 : memref<16896xf32, #tpu.memory_space<vmem>>[vector<16xi32>], vector<16xf32>,
      %parallel_loop3A_135 = arith.constant 16 : i32
      %parallel_loop3A_136 = arith.muli %parallel_loop3A_86, %parallel_loop3A_135 : i32
      %parallel_loop3A_137 = arith.constant 0 : i32
      %parallel_loop3A_138 = arith.constant 4 : i32
      %parallel_loop3A_139 = arith.index_cast %parallel_loop3A_137 : i32 to index
      %parallel_loop3A_140 = arith.index_cast %parallel_loop3A_138 : i32 to index
      %parallel_loop3A_141 = arith.index_cast %parallel_loop3A_136 : i32 to index
      %parallel_loop3A_142 = tpu.vector_load %arg5[%parallel_loop3A_139, %parallel_loop3A_140, %parallel_loop3A_141] {strides = array<i32>} : memref<4x8x512xf32, #tpu.memory_space<vmem>>, vector<16xf32>,
      %parallel_loop3A_143 = arith.constant 4 : i32
      %parallel_loop3A_144 = vector.broadcast %parallel_loop3A_143 : i32 to vector<16xi32>
      %parallel_loop3A_145 = arith.addi %parallel_loop3A_90, %parallel_loop3A_144 : vector<16xi32>
      tpu.vector_store_idx %arg7[%parallel_loop3A_145], %parallel_loop3A_142 : memref<16896xf32, #tpu.memory_space<vmem>>[vector<16xi32>], vector<16xf32>,
      %parallel_loop3A_146 = arith.constant 16 : i32
      %parallel_loop3A_147 = arith.muli %parallel_loop3A_86, %parallel_loop3A_146 : i32
      %parallel_loop3A_148 = arith.constant 0 : i32
      %parallel_loop3A_149 = arith.constant 5 : i32
      %parallel_loop3A_150 = arith.index_cast %parallel_loop3A_148 : i32 to index
      %parallel_loop3A_151 = arith.index_cast %parallel_loop3A_149 : i32 to index
      %parallel_loop3A_152 = arith.index_cast %parallel_loop3A_147 : i32 to index
      %parallel_loop3A_153 = tpu.vector_load %arg5[%parallel_loop3A_150, %parallel_loop3A_151, %parallel_loop3A_152] {strides = array<i32>} : memref<4x8x512xf32, #tpu.memory_space<vmem>>, vector<16xf32>,
      %parallel_loop3A_154 = arith.constant 5 : i32
      %parallel_loop3A_155 = vector.broadcast %parallel_loop3A_154 : i32 to vector<16xi32>
      %parallel_loop3A_156 = arith.addi %parallel_loop3A_90, %parallel_loop3A_155 : vector<16xi32>
      tpu.vector_store_idx %arg7[%parallel_loop3A_156], %parallel_loop3A_153 : memref<16896xf32, #tpu.memory_space<vmem>>[vector<16xi32>], vector<16xf32>,
      %parallel_loop3A_157 = arith.constant 16 : i32
      %parallel_loop3A_158 = arith.muli %parallel_loop3A_86, %parallel_loop3A_157 : i32
      %parallel_loop3A_159 = arith.constant 0 : i32
      %parallel_loop3A_160 = arith.constant 6 : i32
      %parallel_loop3A_161 = arith.index_cast %parallel_loop3A_159 : i32 to index
      %parallel_loop3A_162 = arith.index_cast %parallel_loop3A_160 : i32 to index
      %parallel_loop3A_163 = arith.index_cast %parallel_loop3A_158 : i32 to index
      %parallel_loop3A_164 = tpu.vector_load %arg5[%parallel_loop3A_161, %parallel_loop3A_162, %parallel_loop3A_163] {strides = array<i32>} : memref<4x8x512xf32, #tpu.memory_space<vmem>>, vector<16xf32>,
      %parallel_loop3A_165 = arith.constant 6 : i32
      %parallel_loop3A_166 = vector.broadcast %parallel_loop3A_165 : i32 to vector<16xi32>
      %parallel_loop3A_167 = arith.addi %parallel_loop3A_90, %parallel_loop3A_166 : vector<16xi32>
      tpu.vector_store_idx %arg7[%parallel_loop3A_167], %parallel_loop3A_164 : memref<16896xf32, #tpu.memory_space<vmem>>[vector<16xi32>], vector<16xf32>,
      %parallel_loop3A_168 = arith.constant 16 : i32
      %parallel_loop3A_169 = arith.muli %parallel_loop3A_86, %parallel_loop3A_168 : i32
      %parallel_loop3A_170 = arith.constant 0 : i32
      %parallel_loop3A_171 = arith.constant 7 : i32
      %parallel_loop3A_172 = arith.index_cast %parallel_loop3A_170 : i32 to index
      %parallel_loop3A_173 = arith.index_cast %parallel_loop3A_171 : i32 to index
      %parallel_loop3A_174 = arith.index_cast %parallel_loop3A_169 : i32 to index
      %parallel_loop3A_175 = tpu.vector_load %arg5[%parallel_loop3A_172, %parallel_loop3A_173, %parallel_loop3A_174] {strides = array<i32>} : memref<4x8x512xf32, #tpu.memory_space<vmem>>, vector<16xf32>,
      %parallel_loop3A_176 = arith.constant 7 : i32
      %parallel_loop3A_177 = vector.broadcast %parallel_loop3A_176 : i32 to vector<16xi32>
      %parallel_loop3A_178 = arith.addi %parallel_loop3A_90, %parallel_loop3A_177 : vector<16xi32>
      tpu.vector_store_idx %arg7[%parallel_loop3A_178], %parallel_loop3A_175 : memref<16896xf32, #tpu.memory_space<vmem>>[vector<16xi32>], vector<16xf32>,
      %parallel_loop3A_179 = arith.constant 16 : i32
      %parallel_loop3A_180 = arith.muli %parallel_loop3A_86, %parallel_loop3A_179 : i32
      %parallel_loop3A_181 = arith.constant 1 : i32
      %parallel_loop3A_182 = arith.constant 0 : i32
      %parallel_loop3A_183 = arith.index_cast %parallel_loop3A_181 : i32 to index
      %parallel_loop3A_184 = arith.index_cast %parallel_loop3A_182 : i32 to index
      %parallel_loop3A_185 = arith.index_cast %parallel_loop3A_180 : i32 to index
      %parallel_loop3A_186 = tpu.vector_load %arg5[%parallel_loop3A_183, %parallel_loop3A_184, %parallel_loop3A_185] {strides = array<i32>} : memref<4x8x512xf32, #tpu.memory_space<vmem>>, vector<16xf32>,
      %parallel_loop3A_187 = arith.constant 8 : i32
      %parallel_loop3A_188 = vector.broadcast %parallel_loop3A_187 : i32 to vector<16xi32>
      %parallel_loop3A_189 = arith.addi %parallel_loop3A_90, %parallel_loop3A_188 : vector<16xi32>
      tpu.vector_store_idx %arg7[%parallel_loop3A_189], %parallel_loop3A_186 : memref<16896xf32, #tpu.memory_space<vmem>>[vector<16xi32>], vector<16xf32>,
      %parallel_loop3A_190 = arith.constant 16 : i32
      %parallel_loop3A_191 = arith.muli %parallel_loop3A_86, %parallel_loop3A_190 : i32
      %parallel_loop3A_192 = arith.constant 1 : i32
      %parallel_loop3A_193 = arith.constant 1 : i32
      %parallel_loop3A_194 = arith.index_cast %parallel_loop3A_192 : i32 to index
      %parallel_loop3A_195 = arith.index_cast %parallel_loop3A_193 : i32 to index
      %parallel_loop3A_196 = arith.index_cast %parallel_loop3A_191 : i32 to index
      %parallel_loop3A_197 = tpu.vector_load %arg5[%parallel_loop3A_194, %parallel_loop3A_195, %parallel_loop3A_196] {strides = array<i32>} : memref<4x8x512xf32, #tpu.memory_space<vmem>>, vector<16xf32>,
      %parallel_loop3A_198 = arith.constant 9 : i32
      %parallel_loop3A_199 = vector.broadcast %parallel_loop3A_198 : i32 to vector<16xi32>
      %parallel_loop3A_200 = arith.addi %parallel_loop3A_90, %parallel_loop3A_199 : vector<16xi32>
      tpu.vector_store_idx %arg7[%parallel_loop3A_200], %parallel_loop3A_197 : memref<16896xf32, #tpu.memory_space<vmem>>[vector<16xi32>], vector<16xf32>,
      %parallel_loop3A_201 = arith.constant 16 : i32
      %parallel_loop3A_202 = arith.muli %parallel_loop3A_86, %parallel_loop3A_201 : i32
      %parallel_loop3A_203 = arith.constant 1 : i32
      %parallel_loop3A_204 = arith.constant 2 : i32
      %parallel_loop3A_205 = arith.index_cast %parallel_loop3A_203 : i32 to index
      %parallel_loop3A_206 = arith.index_cast %parallel_loop3A_204 : i32 to index
      %parallel_loop3A_207 = arith.index_cast %parallel_loop3A_202 : i32 to index
      %parallel_loop3A_208 = tpu.vector_load %arg5[%parallel_loop3A_205, %parallel_loop3A_206, %parallel_loop3A_207] {strides = array<i32>} : memref<4x8x512xf32, #tpu.memory_space<vmem>>, vector<16xf32>,
      %parallel_loop3A_209 = arith.constant 10 : i32
      %parallel_loop3A_210 = vector.broadcast %parallel_loop3A_209 : i32 to vector<16xi32>
      %parallel_loop3A_211 = arith.addi %parallel_loop3A_90, %parallel_loop3A_210 : vector<16xi32>
      tpu.vector_store_idx %arg7[%parallel_loop3A_211], %parallel_loop3A_208 : memref<16896xf32, #tpu.memory_space<vmem>>[vector<16xi32>], vector<16xf32>,
      %parallel_loop3A_212 = arith.constant 16 : i32
      %parallel_loop3A_213 = arith.muli %parallel_loop3A_86, %parallel_loop3A_212 : i32
      %parallel_loop3A_214 = arith.constant 1 : i32
      %parallel_loop3A_215 = arith.constant 3 : i32
      %parallel_loop3A_216 = arith.index_cast %parallel_loop3A_214 : i32 to index
      %parallel_loop3A_217 = arith.index_cast %parallel_loop3A_215 : i32 to index
      %parallel_loop3A_218 = arith.index_cast %parallel_loop3A_213 : i32 to index
      %parallel_loop3A_219 = tpu.vector_load %arg5[%parallel_loop3A_216, %parallel_loop3A_217, %parallel_loop3A_218] {strides = array<i32>} : memref<4x8x512xf32, #tpu.memory_space<vmem>>, vector<16xf32>,
      %parallel_loop3A_220 = arith.constant 11 : i32
      %parallel_loop3A_221 = vector.broadcast %parallel_loop3A_220 : i32 to vector<16xi32>
      %parallel_loop3A_222 = arith.addi %parallel_loop3A_90, %parallel_loop3A_221 : vector<16xi32>
      tpu.vector_store_idx %arg7[%parallel_loop3A_222], %parallel_loop3A_219 : memref<16896xf32, #tpu.memory_space<vmem>>[vector<16xi32>], vector<16xf32>,
      %parallel_loop3A_223 = arith.constant 16 : i32
      %parallel_loop3A_224 = arith.muli %parallel_loop3A_86, %parallel_loop3A_223 : i32
      %parallel_loop3A_225 = arith.constant 1 : i32
      %parallel_loop3A_226 = arith.constant 4 : i32
      %parallel_loop3A_227 = arith.index_cast %parallel_loop3A_225 : i32 to index
      %parallel_loop3A_228 = arith.index_cast %parallel_loop3A_226 : i32 to index
      %parallel_loop3A_229 = arith.index_cast %parallel_loop3A_224 : i32 to index
      %parallel_loop3A_230 = tpu.vector_load %arg5[%parallel_loop3A_227, %parallel_loop3A_228, %parallel_loop3A_229] {strides = array<i32>} : memref<4x8x512xf32, #tpu.memory_space<vmem>>, vector<16xf32>,
      %parallel_loop3A_231 = arith.constant 12 : i32
      %parallel_loop3A_232 = vector.broadcast %parallel_loop3A_231 : i32 to vector<16xi32>
      %parallel_loop3A_233 = arith.addi %parallel_loop3A_90, %parallel_loop3A_232 : vector<16xi32>
      tpu.vector_store_idx %arg7[%parallel_loop3A_233], %parallel_loop3A_230 : memref<16896xf32, #tpu.memory_space<vmem>>[vector<16xi32>], vector<16xf32>,
      %parallel_loop3A_234 = arith.constant 16 : i32
      %parallel_loop3A_235 = arith.muli %parallel_loop3A_86, %parallel_loop3A_234 : i32
      %parallel_loop3A_236 = arith.constant 1 : i32
      %parallel_loop3A_237 = arith.constant 5 : i32
      %parallel_loop3A_238 = arith.index_cast %parallel_loop3A_236 : i32 to index
      %parallel_loop3A_239 = arith.index_cast %parallel_loop3A_237 : i32 to index
      %parallel_loop3A_240 = arith.index_cast %parallel_loop3A_235 : i32 to index
      %parallel_loop3A_241 = tpu.vector_load %arg5[%parallel_loop3A_238, %parallel_loop3A_239, %parallel_loop3A_240] {strides = array<i32>} : memref<4x8x512xf32, #tpu.memory_space<vmem>>, vector<16xf32>,
      %parallel_loop3A_242 = arith.constant 13 : i32
      %parallel_loop3A_243 = vector.broadcast %parallel_loop3A_242 : i32 to vector<16xi32>
      %parallel_loop3A_244 = arith.addi %parallel_loop3A_90, %parallel_loop3A_243 : vector<16xi32>
      tpu.vector_store_idx %arg7[%parallel_loop3A_244], %parallel_loop3A_241 : memref<16896xf32, #tpu.memory_space<vmem>>[vector<16xi32>], vector<16xf32>,
      %parallel_loop3A_245 = arith.constant 16 : i32
      %parallel_loop3A_246 = arith.muli %parallel_loop3A_86, %parallel_loop3A_245 : i32
      %parallel_loop3A_247 = arith.constant 1 : i32
      %parallel_loop3A_248 = arith.constant 6 : i32
      %parallel_loop3A_249 = arith.index_cast %parallel_loop3A_247 : i32 to index
      %parallel_loop3A_250 = arith.index_cast %parallel_loop3A_248 : i32 to index
      %parallel_loop3A_251 = arith.index_cast %parallel_loop3A_246 : i32 to index
      %parallel_loop3A_252 = tpu.vector_load %arg5[%parallel_loop3A_249, %parallel_loop3A_250, %parallel_loop3A_251] {strides = array<i32>} : memref<4x8x512xf32, #tpu.memory_space<vmem>>, vector<16xf32>,
      %parallel_loop3A_253 = arith.constant 14 : i32
      %parallel_loop3A_254 = vector.broadcast %parallel_loop3A_253 : i32 to vector<16xi32>
      %parallel_loop3A_255 = arith.addi %parallel_loop3A_90, %parallel_loop3A_254 : vector<16xi32>
      tpu.vector_store_idx %arg7[%parallel_loop3A_255], %parallel_loop3A_252 : memref<16896xf32, #tpu.memory_space<vmem>>[vector<16xi32>], vector<16xf32>,
      %parallel_loop3A_256 = arith.constant 16 : i32
      %parallel_loop3A_257 = arith.muli %parallel_loop3A_86, %parallel_loop3A_256 : i32
      %parallel_loop3A_258 = arith.constant 1 : i32
      %parallel_loop3A_259 = arith.constant 7 : i32
      %parallel_loop3A_260 = arith.index_cast %parallel_loop3A_258 : i32 to index
      %parallel_loop3A_261 = arith.index_cast %parallel_loop3A_259 : i32 to index
      %parallel_loop3A_262 = arith.index_cast %parallel_loop3A_257 : i32 to index
      %parallel_loop3A_263 = tpu.vector_load %arg5[%parallel_loop3A_260, %parallel_loop3A_261, %parallel_loop3A_262] {strides = array<i32>} : memref<4x8x512xf32, #tpu.memory_space<vmem>>, vector<16xf32>,
      %parallel_loop3A_264 = arith.constant 15 : i32
      %parallel_loop3A_265 = vector.broadcast %parallel_loop3A_264 : i32 to vector<16xi32>
      %parallel_loop3A_266 = arith.addi %parallel_loop3A_90, %parallel_loop3A_265 : vector<16xi32>
      tpu.vector_store_idx %arg7[%parallel_loop3A_266], %parallel_loop3A_263 : memref<16896xf32, #tpu.memory_space<vmem>>[vector<16xi32>], vector<16xf32>,
      %parallel_loop3A_267 = arith.constant 16 : i32
      %parallel_loop3A_268 = arith.muli %parallel_loop3A_86, %parallel_loop3A_267 : i32
      %parallel_loop3A_269 = arith.constant 2 : i32
      %parallel_loop3A_270 = arith.constant 0 : i32
      %parallel_loop3A_271 = arith.index_cast %parallel_loop3A_269 : i32 to index
      %parallel_loop3A_272 = arith.index_cast %parallel_loop3A_270 : i32 to index
      %parallel_loop3A_273 = arith.index_cast %parallel_loop3A_268 : i32 to index
      %parallel_loop3A_274 = tpu.vector_load %arg5[%parallel_loop3A_271, %parallel_loop3A_272, %parallel_loop3A_273] {strides = array<i32>} : memref<4x8x512xf32, #tpu.memory_space<vmem>>, vector<16xf32>,
      %parallel_loop3A_275 = arith.constant 16 : i32
      %parallel_loop3A_276 = vector.broadcast %parallel_loop3A_275 : i32 to vector<16xi32>
      %parallel_loop3A_277 = arith.addi %parallel_loop3A_90, %parallel_loop3A_276 : vector<16xi32>
      tpu.vector_store_idx %arg7[%parallel_loop3A_277], %parallel_loop3A_274 : memref<16896xf32, #tpu.memory_space<vmem>>[vector<16xi32>], vector<16xf32>,
      %parallel_loop3A_278 = arith.constant 16 : i32
      %parallel_loop3A_279 = arith.muli %parallel_loop3A_86, %parallel_loop3A_278 : i32
      %parallel_loop3A_280 = arith.constant 2 : i32
      %parallel_loop3A_281 = arith.constant 1 : i32
      %parallel_loop3A_282 = arith.index_cast %parallel_loop3A_280 : i32 to index
      %parallel_loop3A_283 = arith.index_cast %parallel_loop3A_281 : i32 to index
      %parallel_loop3A_284 = arith.index_cast %parallel_loop3A_279 : i32 to index
      %parallel_loop3A_285 = tpu.vector_load %arg5[%parallel_loop3A_282, %parallel_loop3A_283, %parallel_loop3A_284] {strides = array<i32>} : memref<4x8x512xf32, #tpu.memory_space<vmem>>, vector<16xf32>,
      %parallel_loop3A_286 = arith.constant 17 : i32
      %parallel_loop3A_287 = vector.broadcast %parallel_loop3A_286 : i32 to vector<16xi32>
      %parallel_loop3A_288 = arith.addi %parallel_loop3A_90, %parallel_loop3A_287 : vector<16xi32>
      tpu.vector_store_idx %arg7[%parallel_loop3A_288], %parallel_loop3A_285 : memref<16896xf32, #tpu.memory_space<vmem>>[vector<16xi32>], vector<16xf32>,
      %parallel_loop3A_289 = arith.constant 16 : i32
      %parallel_loop3A_290 = arith.muli %parallel_loop3A_86, %parallel_loop3A_289 : i32
      %parallel_loop3A_291 = arith.constant 2 : i32
      %parallel_loop3A_292 = arith.constant 2 : i32
      %parallel_loop3A_293 = arith.index_cast %parallel_loop3A_291 : i32 to index
      %parallel_loop3A_294 = arith.index_cast %parallel_loop3A_292 : i32 to index
      %parallel_loop3A_295 = arith.index_cast %parallel_loop3A_290 : i32 to index
      %parallel_loop3A_296 = tpu.vector_load %arg5[%parallel_loop3A_293, %parallel_loop3A_294, %parallel_loop3A_295] {strides = array<i32>} : memref<4x8x512xf32, #tpu.memory_space<vmem>>, vector<16xf32>,
      %parallel_loop3A_297 = arith.constant 18 : i32
      %parallel_loop3A_298 = vector.broadcast %parallel_loop3A_297 : i32 to vector<16xi32>
      %parallel_loop3A_299 = arith.addi %parallel_loop3A_90, %parallel_loop3A_298 : vector<16xi32>
      tpu.vector_store_idx %arg7[%parallel_loop3A_299], %parallel_loop3A_296 : memref<16896xf32, #tpu.memory_space<vmem>>[vector<16xi32>], vector<16xf32>,
      %parallel_loop3A_300 = arith.constant 16 : i32
      %parallel_loop3A_301 = arith.muli %parallel_loop3A_86, %parallel_loop3A_300 : i32
      %parallel_loop3A_302 = arith.constant 2 : i32
      %parallel_loop3A_303 = arith.constant 3 : i32
      %parallel_loop3A_304 = arith.index_cast %parallel_loop3A_302 : i32 to index
      %parallel_loop3A_305 = arith.index_cast %parallel_loop3A_303 : i32 to index
      %parallel_loop3A_306 = arith.index_cast %parallel_loop3A_301 : i32 to index
      %parallel_loop3A_307 = tpu.vector_load %arg5[%parallel_loop3A_304, %parallel_loop3A_305, %parallel_loop3A_306] {strides = array<i32>} : memref<4x8x512xf32, #tpu.memory_space<vmem>>, vector<16xf32>,
      %parallel_loop3A_308 = arith.constant 19 : i32
      %parallel_loop3A_309 = vector.broadcast %parallel_loop3A_308 : i32 to vector<16xi32>
      %parallel_loop3A_310 = arith.addi %parallel_loop3A_90, %parallel_loop3A_309 : vector<16xi32>
      tpu.vector_store_idx %arg7[%parallel_loop3A_310], %parallel_loop3A_307 : memref<16896xf32, #tpu.memory_space<vmem>>[vector<16xi32>], vector<16xf32>,
      %parallel_loop3A_311 = arith.constant 16 : i32
      %parallel_loop3A_312 = arith.muli %parallel_loop3A_86, %parallel_loop3A_311 : i32
      %parallel_loop3A_313 = arith.constant 2 : i32
      %parallel_loop3A_314 = arith.constant 4 : i32
      %parallel_loop3A_315 = arith.index_cast %parallel_loop3A_313 : i32 to index
      %parallel_loop3A_316 = arith.index_cast %parallel_loop3A_314 : i32 to index
      %parallel_loop3A_317 = arith.index_cast %parallel_loop3A_312 : i32 to index
      %parallel_loop3A_318 = tpu.vector_load %arg5[%parallel_loop3A_315, %parallel_loop3A_316, %parallel_loop3A_317] {strides = array<i32>} : memref<4x8x512xf32, #tpu.memory_space<vmem>>, vector<16xf32>,
      %parallel_loop3A_319 = arith.constant 20 : i32
      %parallel_loop3A_320 = vector.broadcast %parallel_loop3A_319 : i32 to vector<16xi32>
      %parallel_loop3A_321 = arith.addi %parallel_loop3A_90, %parallel_loop3A_320 : vector<16xi32>
      tpu.vector_store_idx %arg7[%parallel_loop3A_321], %parallel_loop3A_318 : memref<16896xf32, #tpu.memory_space<vmem>>[vector<16xi32>], vector<16xf32>,
      %parallel_loop3A_322 = arith.constant 16 : i32
      %parallel_loop3A_323 = arith.muli %parallel_loop3A_86, %parallel_loop3A_322 : i32
      %parallel_loop3A_324 = arith.constant 2 : i32
      %parallel_loop3A_325 = arith.constant 5 : i32
      %parallel_loop3A_326 = arith.index_cast %parallel_loop3A_324 : i32 to index
      %parallel_loop3A_327 = arith.index_cast %parallel_loop3A_325 : i32 to index
      %parallel_loop3A_328 = arith.index_cast %parallel_loop3A_323 : i32 to index
      %parallel_loop3A_329 = tpu.vector_load %arg5[%parallel_loop3A_326, %parallel_loop3A_327, %parallel_loop3A_328] {strides = array<i32>} : memref<4x8x512xf32, #tpu.memory_space<vmem>>, vector<16xf32>,
      %parallel_loop3A_330 = arith.constant 21 : i32
      %parallel_loop3A_331 = vector.broadcast %parallel_loop3A_330 : i32 to vector<16xi32>
      %parallel_loop3A_332 = arith.addi %parallel_loop3A_90, %parallel_loop3A_331 : vector<16xi32>
      tpu.vector_store_idx %arg7[%parallel_loop3A_332], %parallel_loop3A_329 : memref<16896xf32, #tpu.memory_space<vmem>>[vector<16xi32>], vector<16xf32>,
      %parallel_loop3A_333 = arith.constant 16 : i32
      %parallel_loop3A_334 = arith.muli %parallel_loop3A_86, %parallel_loop3A_333 : i32
      %parallel_loop3A_335 = arith.constant 2 : i32
      %parallel_loop3A_336 = arith.constant 6 : i32
      %parallel_loop3A_337 = arith.index_cast %parallel_loop3A_335 : i32 to index
      %parallel_loop3A_338 = arith.index_cast %parallel_loop3A_336 : i32 to index
      %parallel_loop3A_339 = arith.index_cast %parallel_loop3A_334 : i32 to index
      %parallel_loop3A_340 = tpu.vector_load %arg5[%parallel_loop3A_337, %parallel_loop3A_338, %parallel_loop3A_339] {strides = array<i32>} : memref<4x8x512xf32, #tpu.memory_space<vmem>>, vector<16xf32>,
      %parallel_loop3A_341 = arith.constant 22 : i32
      %parallel_loop3A_342 = vector.broadcast %parallel_loop3A_341 : i32 to vector<16xi32>
      %parallel_loop3A_343 = arith.addi %parallel_loop3A_90, %parallel_loop3A_342 : vector<16xi32>
      tpu.vector_store_idx %arg7[%parallel_loop3A_343], %parallel_loop3A_340 : memref<16896xf32, #tpu.memory_space<vmem>>[vector<16xi32>], vector<16xf32>,
      %parallel_loop3A_344 = arith.constant 16 : i32
      %parallel_loop3A_345 = arith.muli %parallel_loop3A_86, %parallel_loop3A_344 : i32
      %parallel_loop3A_346 = arith.constant 2 : i32
      %parallel_loop3A_347 = arith.constant 7 : i32
      %parallel_loop3A_348 = arith.index_cast %parallel_loop3A_346 : i32 to index
      %parallel_loop3A_349 = arith.index_cast %parallel_loop3A_347 : i32 to index
      %parallel_loop3A_350 = arith.index_cast %parallel_loop3A_345 : i32 to index
      %parallel_loop3A_351 = tpu.vector_load %arg5[%parallel_loop3A_348, %parallel_loop3A_349, %parallel_loop3A_350] {strides = array<i32>} : memref<4x8x512xf32, #tpu.memory_space<vmem>>, vector<16xf32>,
      %parallel_loop3A_352 = arith.constant 23 : i32
      %parallel_loop3A_353 = vector.broadcast %parallel_loop3A_352 : i32 to vector<16xi32>
      %parallel_loop3A_354 = arith.addi %parallel_loop3A_90, %parallel_loop3A_353 : vector<16xi32>
      tpu.vector_store_idx %arg7[%parallel_loop3A_354], %parallel_loop3A_351 : memref<16896xf32, #tpu.memory_space<vmem>>[vector<16xi32>], vector<16xf32>,
      %parallel_loop3A_355 = arith.constant 16 : i32
      %parallel_loop3A_356 = arith.muli %parallel_loop3A_86, %parallel_loop3A_355 : i32
      %parallel_loop3A_357 = arith.constant 3 : i32
      %parallel_loop3A_358 = arith.constant 0 : i32
      %parallel_loop3A_359 = arith.index_cast %parallel_loop3A_357 : i32 to index
      %parallel_loop3A_360 = arith.index_cast %parallel_loop3A_358 : i32 to index
      %parallel_loop3A_361 = arith.index_cast %parallel_loop3A_356 : i32 to index
      %parallel_loop3A_362 = tpu.vector_load %arg5[%parallel_loop3A_359, %parallel_loop3A_360, %parallel_loop3A_361] {strides = array<i32>} : memref<4x8x512xf32, #tpu.memory_space<vmem>>, vector<16xf32>,
      %parallel_loop3A_363 = arith.constant 24 : i32
      %parallel_loop3A_364 = vector.broadcast %parallel_loop3A_363 : i32 to vector<16xi32>
      %parallel_loop3A_365 = arith.addi %parallel_loop3A_90, %parallel_loop3A_364 : vector<16xi32>
      tpu.vector_store_idx %arg7[%parallel_loop3A_365], %parallel_loop3A_362 : memref<16896xf32, #tpu.memory_space<vmem>>[vector<16xi32>], vector<16xf32>,
      %parallel_loop3A_366 = arith.constant 16 : i32
      %parallel_loop3A_367 = arith.muli %parallel_loop3A_86, %parallel_loop3A_366 : i32
      %parallel_loop3A_368 = arith.constant 3 : i32
      %parallel_loop3A_369 = arith.constant 1 : i32
      %parallel_loop3A_370 = arith.index_cast %parallel_loop3A_368 : i32 to index
      %parallel_loop3A_371 = arith.index_cast %parallel_loop3A_369 : i32 to index
      %parallel_loop3A_372 = arith.index_cast %parallel_loop3A_367 : i32 to index
      %parallel_loop3A_373 = tpu.vector_load %arg5[%parallel_loop3A_370, %parallel_loop3A_371, %parallel_loop3A_372] {strides = array<i32>} : memref<4x8x512xf32, #tpu.memory_space<vmem>>, vector<16xf32>,
      %parallel_loop3A_374 = arith.constant 25 : i32
      %parallel_loop3A_375 = vector.broadcast %parallel_loop3A_374 : i32 to vector<16xi32>
      %parallel_loop3A_376 = arith.addi %parallel_loop3A_90, %parallel_loop3A_375 : vector<16xi32>
      tpu.vector_store_idx %arg7[%parallel_loop3A_376], %parallel_loop3A_373 : memref<16896xf32, #tpu.memory_space<vmem>>[vector<16xi32>], vector<16xf32>,
      %parallel_loop3A_377 = arith.constant 16 : i32
      %parallel_loop3A_378 = arith.muli %parallel_loop3A_86, %parallel_loop3A_377 : i32
      %parallel_loop3A_379 = arith.constant 3 : i32
      %parallel_loop3A_380 = arith.constant 2 : i32
      %parallel_loop3A_381 = arith.index_cast %parallel_loop3A_379 : i32 to index
      %parallel_loop3A_382 = arith.index_cast %parallel_loop3A_380 : i32 to index
      %parallel_loop3A_383 = arith.index_cast %parallel_loop3A_378 : i32 to index
      %parallel_loop3A_384 = tpu.vector_load %arg5[%parallel_loop3A_381, %parallel_loop3A_382, %parallel_loop3A_383] {strides = array<i32>} : memref<4x8x512xf32, #tpu.memory_space<vmem>>, vector<16xf32>,
      %parallel_loop3A_385 = arith.constant 26 : i32
      %parallel_loop3A_386 = vector.broadcast %parallel_loop3A_385 : i32 to vector<16xi32>
      %parallel_loop3A_387 = arith.addi %parallel_loop3A_90, %parallel_loop3A_386 : vector<16xi32>
      tpu.vector_store_idx %arg7[%parallel_loop3A_387], %parallel_loop3A_384 : memref<16896xf32, #tpu.memory_space<vmem>>[vector<16xi32>], vector<16xf32>,
      %parallel_loop3A_388 = arith.constant 16 : i32
      %parallel_loop3A_389 = arith.muli %parallel_loop3A_86, %parallel_loop3A_388 : i32
      %parallel_loop3A_390 = arith.constant 3 : i32
      %parallel_loop3A_391 = arith.constant 3 : i32
      %parallel_loop3A_392 = arith.index_cast %parallel_loop3A_390 : i32 to index
      %parallel_loop3A_393 = arith.index_cast %parallel_loop3A_391 : i32 to index
      %parallel_loop3A_394 = arith.index_cast %parallel_loop3A_389 : i32 to index
      %parallel_loop3A_395 = tpu.vector_load %arg5[%parallel_loop3A_392, %parallel_loop3A_393, %parallel_loop3A_394] {strides = array<i32>} : memref<4x8x512xf32, #tpu.memory_space<vmem>>, vector<16xf32>,
      %parallel_loop3A_396 = arith.constant 27 : i32
      %parallel_loop3A_397 = vector.broadcast %parallel_loop3A_396 : i32 to vector<16xi32>
      %parallel_loop3A_398 = arith.addi %parallel_loop3A_90, %parallel_loop3A_397 : vector<16xi32>
      tpu.vector_store_idx %arg7[%parallel_loop3A_398], %parallel_loop3A_395 : memref<16896xf32, #tpu.memory_space<vmem>>[vector<16xi32>], vector<16xf32>,
      %parallel_loop3A_399 = arith.constant 16 : i32
      %parallel_loop3A_400 = arith.muli %parallel_loop3A_86, %parallel_loop3A_399 : i32
      %parallel_loop3A_401 = arith.constant 3 : i32
      %parallel_loop3A_402 = arith.constant 4 : i32
      %parallel_loop3A_403 = arith.index_cast %parallel_loop3A_401 : i32 to index
      %parallel_loop3A_404 = arith.index_cast %parallel_loop3A_402 : i32 to index
      %parallel_loop3A_405 = arith.index_cast %parallel_loop3A_400 : i32 to index
      %parallel_loop3A_406 = tpu.vector_load %arg5[%parallel_loop3A_403, %parallel_loop3A_404, %parallel_loop3A_405] {strides = array<i32>} : memref<4x8x512xf32, #tpu.memory_space<vmem>>, vector<16xf32>,
      %parallel_loop3A_407 = arith.constant 28 : i32
      %parallel_loop3A_408 = vector.broadcast %parallel_loop3A_407 : i32 to vector<16xi32>
      %parallel_loop3A_409 = arith.addi %parallel_loop3A_90, %parallel_loop3A_408 : vector<16xi32>
      tpu.vector_store_idx %arg7[%parallel_loop3A_409], %parallel_loop3A_406 : memref<16896xf32, #tpu.memory_space<vmem>>[vector<16xi32>], vector<16xf32>,
      %parallel_loop3A_410 = arith.constant 16 : i32
      %parallel_loop3A_411 = arith.muli %parallel_loop3A_86, %parallel_loop3A_410 : i32
      %parallel_loop3A_412 = arith.constant 3 : i32
      %parallel_loop3A_413 = arith.constant 5 : i32
      %parallel_loop3A_414 = arith.index_cast %parallel_loop3A_412 : i32 to index
      %parallel_loop3A_415 = arith.index_cast %parallel_loop3A_413 : i32 to index
      %parallel_loop3A_416 = arith.index_cast %parallel_loop3A_411 : i32 to index
      %parallel_loop3A_417 = tpu.vector_load %arg5[%parallel_loop3A_414, %parallel_loop3A_415, %parallel_loop3A_416] {strides = array<i32>} : memref<4x8x512xf32, #tpu.memory_space<vmem>>, vector<16xf32>,
      %parallel_loop3A_418 = arith.constant 29 : i32
      %parallel_loop3A_419 = vector.broadcast %parallel_loop3A_418 : i32 to vector<16xi32>
      %parallel_loop3A_420 = arith.addi %parallel_loop3A_90, %parallel_loop3A_419 : vector<16xi32>
      tpu.vector_store_idx %arg7[%parallel_loop3A_420], %parallel_loop3A_417 : memref<16896xf32, #tpu.memory_space<vmem>>[vector<16xi32>], vector<16xf32>,
      %parallel_loop3A_421 = arith.constant 16 : i32
      %parallel_loop3A_422 = arith.muli %parallel_loop3A_86, %parallel_loop3A_421 : i32
      %parallel_loop3A_423 = arith.constant 3 : i32
      %parallel_loop3A_424 = arith.constant 6 : i32
      %parallel_loop3A_425 = arith.index_cast %parallel_loop3A_423 : i32 to index
      %parallel_loop3A_426 = arith.index_cast %parallel_loop3A_424 : i32 to index
      %parallel_loop3A_427 = arith.index_cast %parallel_loop3A_422 : i32 to index
      %parallel_loop3A_428 = tpu.vector_load %arg5[%parallel_loop3A_425, %parallel_loop3A_426, %parallel_loop3A_427] {strides = array<i32>} : memref<4x8x512xf32, #tpu.memory_space<vmem>>, vector<16xf32>,
      %parallel_loop3A_429 = arith.constant 30 : i32
      %parallel_loop3A_430 = vector.broadcast %parallel_loop3A_429 : i32 to vector<16xi32>
      %parallel_loop3A_431 = arith.addi %parallel_loop3A_90, %parallel_loop3A_430 : vector<16xi32>
      tpu.vector_store_idx %arg7[%parallel_loop3A_431], %parallel_loop3A_428 : memref<16896xf32, #tpu.memory_space<vmem>>[vector<16xi32>], vector<16xf32>,
      %parallel_loop3A_432 = arith.constant 16 : i32
      %parallel_loop3A_433 = arith.muli %parallel_loop3A_86, %parallel_loop3A_432 : i32
      %parallel_loop3A_434 = arith.constant 3 : i32
      %parallel_loop3A_435 = arith.constant 7 : i32
      %parallel_loop3A_436 = arith.index_cast %parallel_loop3A_434 : i32 to index
      %parallel_loop3A_437 = arith.index_cast %parallel_loop3A_435 : i32 to index
      %parallel_loop3A_438 = arith.index_cast %parallel_loop3A_433 : i32 to index
      %parallel_loop3A_439 = tpu.vector_load %arg5[%parallel_loop3A_436, %parallel_loop3A_437, %parallel_loop3A_438] {strides = array<i32>} : memref<4x8x512xf32, #tpu.memory_space<vmem>>, vector<16xf32>,
      %parallel_loop3A_440 = arith.constant 31 : i32
      %parallel_loop3A_441 = vector.broadcast %parallel_loop3A_440 : i32 to vector<16xi32>
      %parallel_loop3A_442 = arith.addi %parallel_loop3A_90, %parallel_loop3A_441 : vector<16xi32>
      tpu.vector_store_idx %arg7[%parallel_loop3A_442], %parallel_loop3A_439 : memref<16896xf32, #tpu.memory_space<vmem>>[vector<16xi32>], vector<16xf32>,
    } {sc.loop_unroll_factor = 8 : i64, sc.parallel_access}
    %parallel_loop3A_49 = arith.constant 0 : i32
    %parallel_loop3A_50 = arith.constant 512 : i32
    %parallel_loop3A_51 = arith.constant 4 : i32
    scf.for %parallel_loop3A_86 = %parallel_loop3A_49 to %parallel_loop3A_50 step %parallel_loop3A_51  : i32 {
      %parallel_loop3A_87 = arith.constant 0 : i32
      %parallel_loop3A_88 = arith.addi %parallel_loop3A_86, %parallel_loop3A_87 : i32
      %parallel_loop3A_89 = arith.constant 33 : i32
      %parallel_loop3A_90 = arith.muli %parallel_loop3A_88, %parallel_loop3A_89 : i32
      %parallel_loop3A_91 = arith.index_cast %parallel_loop3A_90 : i32 to index
      %parallel_loop3A_92 = tpu.vector_load %arg7[%parallel_loop3A_91] {strides = array<i32>} : memref<16896xf32, #tpu.memory_space<vmem>>, vector<16xf32>,
      %parallel_loop3A_93 = arith.constant 32 : i32
      %parallel_loop3A_94 = arith.muli %parallel_loop3A_88, %parallel_loop3A_93 : i32
      %parallel_loop3A_95 = arith.index_cast %parallel_loop3A_94 : i32 to index
      %parallel_loop3A_96 = tpu.vector_load %arg8[%parallel_loop3A_95] {strides = array<i32>} : memref<16384xf32, #tpu.memory_space<vmem>>, vector<16xf32>,
      tpu.vector_store %arg8[%parallel_loop3A_95], %parallel_loop3A_92 {strides = array<i32>} : memref<16384xf32, #tpu.memory_space<vmem>>, vector<16xf32>,
      %parallel_loop3A_97 = arith.constant 33 : i32
      %parallel_loop3A_98 = arith.muli %parallel_loop3A_88, %parallel_loop3A_97 : i32
      %parallel_loop3A_99 = arith.constant 16 : i32
      %parallel_loop3A_100 = arith.addi %parallel_loop3A_98, %parallel_loop3A_99 : i32
      %parallel_loop3A_101 = arith.index_cast %parallel_loop3A_100 : i32 to index
      %parallel_loop3A_102 = tpu.vector_load %arg7[%parallel_loop3A_101] {strides = array<i32>} : memref<16896xf32, #tpu.memory_space<vmem>>, vector<16xf32>,
      %parallel_loop3A_103 = arith.constant 32 : i32
      %parallel_loop3A_104 = arith.muli %parallel_loop3A_88, %parallel_loop3A_103 : i32
      %parallel_loop3A_105 = arith.constant 16 : i32
      %parallel_loop3A_106 = arith.addi %parallel_loop3A_104, %parallel_loop3A_105 : i32
      %parallel_loop3A_107 = arith.index_cast %parallel_loop3A_106 : i32 to index
      %parallel_loop3A_108 = tpu.vector_load %arg8[%parallel_loop3A_107] {strides = array<i32>} : memref<16384xf32, #tpu.memory_space<vmem>>, vector<16xf32>,
      tpu.vector_store %arg8[%parallel_loop3A_107], %parallel_loop3A_102 {strides = array<i32>} : memref<16384xf32, #tpu.memory_space<vmem>>, vector<16xf32>,
      %parallel_loop3A_109 = arith.constant 1 : i32
      %parallel_loop3A_110 = arith.addi %parallel_loop3A_86, %parallel_loop3A_109 : i32
      %parallel_loop3A_111 = arith.constant 33 : i32
      %parallel_loop3A_112 = arith.muli %parallel_loop3A_110, %parallel_loop3A_111 : i32
      %parallel_loop3A_113 = arith.index_cast %parallel_loop3A_112 : i32 to index
      %parallel_loop3A_114 = tpu.vector_load %arg7[%parallel_loop3A_113] {strides = array<i32>} : memref<16896xf32, #tpu.memory_space<vmem>>, vector<16xf32>,
      %parallel_loop3A_115 = arith.constant 32 : i32
      %parallel_loop3A_116 = arith.muli %parallel_loop3A_110, %parallel_loop3A_115 : i32
      %parallel_loop3A_117 = arith.index_cast %parallel_loop3A_116 : i32 to index
      %parallel_loop3A_118 = tpu.vector_load %arg8[%parallel_loop3A_117] {strides = array<i32>} : memref<16384xf32, #tpu.memory_space<vmem>>, vector<16xf32>,
      tpu.vector_store %arg8[%parallel_loop3A_117], %parallel_loop3A_114 {strides = array<i32>} : memref<16384xf32, #tpu.memory_space<vmem>>, vector<16xf32>,
      %parallel_loop3A_119 = arith.constant 33 : i32
      %parallel_loop3A_120 = arith.muli %parallel_loop3A_110, %parallel_loop3A_119 : i32
      %parallel_loop3A_121 = arith.constant 16 : i32
      %parallel_loop3A_122 = arith.addi %parallel_loop3A_120, %parallel_loop3A_121 : i32
      %parallel_loop3A_123 = arith.index_cast %parallel_loop3A_122 : i32 to index
      %parallel_loop3A_124 = tpu.vector_load %arg7[%parallel_loop3A_123] {strides = array<i32>} : memref<16896xf32, #tpu.memory_space<vmem>>, vector<16xf32>,
      %parallel_loop3A_125 = arith.constant 32 : i32
      %parallel_loop3A_126 = arith.muli %parallel_loop3A_110, %parallel_loop3A_125 : i32
      %parallel_loop3A_127 = arith.constant 16 : i32
      %parallel_loop3A_128 = arith.addi %parallel_loop3A_126, %parallel_loop3A_127 : i32
      %parallel_loop3A_129 = arith.index_cast %parallel_loop3A_128 : i32 to index
      %parallel_loop3A_130 = tpu.vector_load %arg8[%parallel_loop3A_129] {strides = array<i32>} : memref<16384xf32, #tpu.memory_space<vmem>>, vector<16xf32>,
      tpu.vector_store %arg8[%parallel_loop3A_129], %parallel_loop3A_124 {strides = array<i32>} : memref<16384xf32, #tpu.memory_space<vmem>>, vector<16xf32>,
      %parallel_loop3A_131 = arith.constant 2 : i32
      %parallel_loop3A_132 = arith.addi %parallel_loop3A_86, %parallel_loop3A_131 : i32
      %parallel_loop3A_133 = arith.constant 33 : i32
      %parallel_loop3A_134 = arith.muli %parallel_loop3A_132, %parallel_loop3A_133 : i32
      %parallel_loop3A_135 = arith.index_cast %parallel_loop3A_134 : i32 to index
      %parallel_loop3A_136 = tpu.vector_load %arg7[%parallel_loop3A_135] {strides = array<i32>} : memref<16896xf32, #tpu.memory_space<vmem>>, vector<16xf32>,
      %parallel_loop3A_137 = arith.constant 32 : i32
      %parallel_loop3A_138 = arith.muli %parallel_loop3A_132, %parallel_loop3A_137 : i32
      %parallel_loop3A_139 = arith.index_cast %parallel_loop3A_138 : i32 to index
      %parallel_loop3A_140 = tpu.vector_load %arg8[%parallel_loop3A_139] {strides = array<i32>} : memref<16384xf32, #tpu.memory_space<vmem>>, vector<16xf32>,
      tpu.vector_store %arg8[%parallel_loop3A_139], %parallel_loop3A_136 {strides = array<i32>} : memref<16384xf32, #tpu.memory_space<vmem>>, vector<16xf32>,
      %parallel_loop3A_141 = arith.constant 33 : i32
      %parallel_loop3A_142 = arith.muli %parallel_loop3A_132, %parallel_loop3A_141 : i32
      %parallel_loop3A_143 = arith.constant 16 : i32
      %parallel_loop3A_144 = arith.addi %parallel_loop3A_142, %parallel_loop3A_143 : i32
      %parallel_loop3A_145 = arith.index_cast %parallel_loop3A_144 : i32 to index
      %parallel_loop3A_146 = tpu.vector_load %arg7[%parallel_loop3A_145] {strides = array<i32>} : memref<16896xf32, #tpu.memory_space<vmem>>, vector<16xf32>,
      %parallel_loop3A_147 = arith.constant 32 : i32
      %parallel_loop3A_148 = arith.muli %parallel_loop3A_132, %parallel_loop3A_147 : i32
      %parallel_loop3A_149 = arith.constant 16 : i32
      %parallel_loop3A_150 = arith.addi %parallel_loop3A_148, %parallel_loop3A_149 : i32
      %parallel_loop3A_151 = arith.index_cast %parallel_loop3A_150 : i32 to index
      %parallel_loop3A_152 = tpu.vector_load %arg8[%parallel_loop3A_151] {strides = array<i32>} : memref<16384xf32, #tpu.memory_space<vmem>>, vector<16xf32>,
      tpu.vector_store %arg8[%parallel_loop3A_151], %parallel_loop3A_146 {strides = array<i32>} : memref<16384xf32, #tpu.memory_space<vmem>>, vector<16xf32>,
      %parallel_loop3A_153 = arith.constant 3 : i32
      %parallel_loop3A_154 = arith.addi %parallel_loop3A_86, %parallel_loop3A_153 : i32
      %parallel_loop3A_155 = arith.constant 33 : i32
      %parallel_loop3A_156 = arith.muli %parallel_loop3A_154, %parallel_loop3A_155 : i32
      %parallel_loop3A_157 = arith.index_cast %parallel_loop3A_156 : i32 to index
      %parallel_loop3A_158 = tpu.vector_load %arg7[%parallel_loop3A_157] {strides = array<i32>} : memref<16896xf32, #tpu.memory_space<vmem>>, vector<16xf32>,
      %parallel_loop3A_159 = arith.constant 32 : i32
      %parallel_loop3A_160 = arith.muli %parallel_loop3A_154, %parallel_loop3A_159 : i32
      %parallel_loop3A_161 = arith.index_cast %parallel_loop3A_160 : i32 to index
      %parallel_loop3A_162 = tpu.vector_load %arg8[%parallel_loop3A_161] {strides = array<i32>} : memref<16384xf32, #tpu.memory_space<vmem>>, vector<16xf32>,
      tpu.vector_store %arg8[%parallel_loop3A_161], %parallel_loop3A_158 {strides = array<i32>} : memref<16384xf32, #tpu.memory_space<vmem>>, vector<16xf32>,
      %parallel_loop3A_163 = arith.constant 33 : i32
      %parallel_loop3A_164 = arith.muli %parallel_loop3A_154, %parallel_loop3A_163 : i32
      %parallel_loop3A_165 = arith.constant 16 : i32
      %parallel_loop3A_166 = arith.addi %parallel_loop3A_164, %parallel_loop3A_165 : i32
      %parallel_loop3A_167 = arith.index_cast %parallel_loop3A_166 : i32 to index
      %parallel_loop3A_168 = tpu.vector_load %arg7[%parallel_loop3A_167] {strides = array<i32>} : memref<16896xf32, #tpu.memory_space<vmem>>, vector<16xf32>,
      %parallel_loop3A_169 = arith.constant 32 : i32
      %parallel_loop3A_170 = arith.muli %parallel_loop3A_154, %parallel_loop3A_169 : i32
      %parallel_loop3A_171 = arith.constant 16 : i32
      %parallel_loop3A_172 = arith.addi %parallel_loop3A_170, %parallel_loop3A_171 : i32
      %parallel_loop3A_173 = arith.index_cast %parallel_loop3A_172 : i32 to index
      %parallel_loop3A_174 = tpu.vector_load %arg8[%parallel_loop3A_173] {strides = array<i32>} : memref<16384xf32, #tpu.memory_space<vmem>>, vector<16xf32>,
      tpu.vector_store %arg8[%parallel_loop3A_173], %parallel_loop3A_168 {strides = array<i32>} : memref<16384xf32, #tpu.memory_space<vmem>>, vector<16xf32>,
    } {sc.loop_unroll_factor = 4 : i64, sc.parallel_access}
    %add3A_52 = arith.constant 240 : i32
    %add3A_53 = arith.addi %mul3A_2, %add3A_52 : i32
    %mul3A_54 = arith.constant 128 : i32
    %mul3A_55 = arith.muli %add3A_53, %mul3A_54 : i32
    %mul3A_56 = arith.constant 32 : i32
    %mul3A_57 = arith.muli %mul3A_55, %mul3A_56 : i32
    %dma_start3A_58 = tpu.memref_slice %arg4[%mul3A_57] : memref<32000000xf32, #tpu.memory_space<hbm>> -> memref<16384xf32, #tpu.memory_space<hbm>>
    %dma_start3A_59 = tpu.memref_slice %arg4[%mul3A_57] : memref<32000000xf32, #tpu.memory_space<hbm>> -> memref<16384xf32, #tpu.memory_space<hbm>>
    tpu.enqueue_dma source(%arg8 : memref<16384xf32, #tpu.memory_space<vmem>>) target(%dma_start3A_59 : memref<16384xf32, #tpu.memory_space<hbm>>) target_semaphore(%arg13 : memref<!tpu.dma_semaphore, #tpu.memory_space<semaphore_mem>>)
    %add3A_60 = arith.constant 236 : i32
    %add3A_61 = arith.addi %mul3A_2, %add3A_60 : i32
    %mul3A_62 = arith.constant 128 : i32
    %mul3A_63 = arith.muli %add3A_61, %mul3A_62 : i32
    %mul3A_64 = arith.constant 32 : i32
    %mul3A_65 = arith.muli %mul3A_63, %mul3A_64 : i32
    %dma_wait3A_66 = tpu.memref_slice %arg4[%mul3A_65] : memref<32000000xf32, #tpu.memory_space<hbm>> -> memref<16384xf32, #tpu.memory_space<hbm>>
    %dma_wait3A_67 = tpu.memref_slice %arg4[%mul3A_65] : memref<32000000xf32, #tpu.memory_space<hbm>> -> memref<16384xf32, #tpu.memory_space<hbm>>
    tpu.wait_dma2 semaphore(%arg14 : memref<!tpu.dma_semaphore, #tpu.memory_space<semaphore_mem>>) src(%arg9 : memref<16384xf32, #tpu.memory_space<vmem>>) dst(%dma_wait3A_67 : memref<16384xf32, #tpu.memory_space<hbm>>)
    %add3A_68 = arith.constant 240 : i32
    %add3A_69 = arith.addi %mul3A_2, %add3A_68 : i32
    %mul3A_70 = arith.constant 128 : i32
    %mul3A_71 = arith.muli %add3A_69, %mul3A_70 : i32
    %mul3A_72 = arith.constant 32 : i32
    %mul3A_73 = arith.muli %mul3A_71, %mul3A_72 : i32
    %dma_wait3A_74 = tpu.memref_slice %arg4[%mul3A_73] : memref<32000000xf32, #tpu.memory_space<hbm>> -> memref<16384xf32, #tpu.memory_space<hbm>>
    %dma_wait3A_75 = tpu.memref_slice %arg4[%mul3A_73] : memref<32000000xf32, #tpu.memory_space<hbm>> -> memref<16384xf32, #tpu.memory_space<hbm>>
    tpu.wait_dma2 semaphore(%arg13 : memref<!tpu.dma_semaphore, #tpu.memory_space<semaphore_mem>>) src(%arg8 : memref<16384xf32, #tpu.memory_space<vmem>>) dst(%dma_wait3A_75 : memref<16384xf32, #tpu.memory_space<hbm>>)
    %mul3A_76 = arith.constant 18 : i32
    %mul3A_77 = arith.muli %add3A, %mul3A_76 : i32
    %mul3A_78 = arith.constant 32 : i32
    %mul3A_79 = arith.muli %mul3A_77, %mul3A_78 : i32
    "tpu.region"() ({
      %run_scoped3A = tpu.sem_alloc : memref<!tpu.dma_semaphore, #tpu.memory_space<semaphore_mem>>
      %dma_start3A_86 = tpu.memref_slice %arg3[%mul3A_79] : memref<18432xf32, #tpu.memory_space<hbm>> -> memref<576xf32, #tpu.memory_space<hbm>>
      %dma_start3A_87 = tpu.memref_slice %arg3[%mul3A_79] : memref<18432xf32, #tpu.memory_space<hbm>> -> memref<576xf32, #tpu.memory_space<hbm>>
      tpu.enqueue_dma source(%dma_start3A_87 : memref<576xf32, #tpu.memory_space<hbm>>) target(%arg10 : memref<576xf32, #tpu.memory_space<vmem>>) target_semaphore(%run_scoped3A : memref<!tpu.dma_semaphore, #tpu.memory_space<semaphore_mem>>)
      %dma_wait3A_88 = tpu.memref_slice %arg3[%mul3A_79] : memref<18432xf32, #tpu.memory_space<hbm>> -> memref<576xf32, #tpu.memory_space<hbm>>
      %dma_wait3A_89 = tpu.memref_slice %arg3[%mul3A_79] : memref<18432xf32, #tpu.memory_space<hbm>> -> memref<576xf32, #tpu.memory_space<hbm>>
      tpu.wait_dma2 semaphore(%run_scoped3A : memref<!tpu.dma_semaphore, #tpu.memory_space<semaphore_mem>>) src(%dma_wait3A_89 : memref<576xf32, #tpu.memory_space<hbm>>) dst(%arg10 : memref<576xf32, #tpu.memory_space<vmem>>)
      tpu.yield
    }) : () -> ()
    %mul3A_80 = arith.constant 18 : i32
    %mul3A_81 = arith.muli %add3A, %mul3A_80 : i32
    %add3A_82 = arith.constant 999424 : i32
    %add3A_83 = arith.addi %add3A_82, %mul3A_81 : i32
    %mul3A_84 = arith.constant 32 : i32
    %mul3A_85 = arith.muli %add3A_83, %mul3A_84 : i32
    "tpu.region"() ({
      %run_scoped3A = tpu.sem_alloc : memref<!tpu.dma_semaphore, #tpu.memory_space<semaphore_mem>>
      %dma_start3A_86 = tpu.memref_slice %arg4[%mul3A_85] : memref<32000000xf32, #tpu.memory_space<hbm>> -> memref<576xf32, #tpu.memory_space<hbm>>
      %dma_start3A_87 = tpu.memref_slice %arg4[%mul3A_85] : memref<32000000xf32, #tpu.memory_space<hbm>> -> memref<576xf32, #tpu.memory_space<hbm>>
      tpu.enqueue_dma source(%arg10 : memref<576xf32, #tpu.memory_space<vmem>>) target(%dma_start3A_87 : memref<576xf32, #tpu.memory_space<hbm>>) target_semaphore(%run_scoped3A : memref<!tpu.dma_semaphore, #tpu.memory_space<semaphore_mem>>)
      %dma_wait3A_88 = tpu.memref_slice %arg4[%mul3A_85] : memref<32000000xf32, #tpu.memory_space<hbm>> -> memref<576xf32, #tpu.memory_space<hbm>>
      %dma_wait3A_89 = tpu.memref_slice %arg4[%mul3A_85] : memref<32000000xf32, #tpu.memory_space<hbm>> -> memref<576xf32, #tpu.memory_space<hbm>>
      tpu.wait_dma2 semaphore(%run_scoped3A : memref<!tpu.dma_semaphore, #tpu.memory_space<semaphore_mem>>) src(%arg10 : memref<576xf32, #tpu.memory_space<vmem>>) dst(%dma_wait3A_89 : memref<576xf32, #tpu.memory_space<hbm>>)
      tpu.yield
    }) : () -> ()
    return
  }
}

</mosaic_0001>

<sc_bundles>
// kernel: _detile.3.cloned.1.call-start
scs
__scs_entry_jumppad:
0x0: {  	(pc) =	sbr.rel $0x88, $3  }
0x1: {  	(tag) =	ssettag $0x0;
	lr =	simm.s32 $0x1  }
0x2: {  	[smem:$0x3F9F] =	sst lr;
	_ =	strace $0xD0000000  }
0x3: {  	_ = 	snop  }
0x4: {  	_ = 	snop  }
0x5: {  	_ = 	snop  }
0x6: {  	_ = 	snop  }
0x7: {  	_ = 	snop  }
__scs_overlays_trampoline_lowered:
0x8: {  	[smem:$0x3FAE] =	sst s0  }
0x9: {  	[smem:$0x3FAF] =	sst s1  }
0xa: {  	[smem:$0x3FB0] =	sst s2  }
0xb: {  	[smem:$0x3FB1] =	sst s3  }
0xc: {  	[smem:$0x3FB2] =	sst s4  }
0xd: {  	[smem:$0x3FB3] =	sst s5  }
0xe: {  	[smem:$0x3FB4] =	sst s6  }
0xf: {  	[smem:$0x3FB5] =	sst s7  }
0x10: {  	[smem:$0x3FB6] =	sst s8  }
0x11: {  	[smem:$0x3FB7] =	sst s9;
	s0 =	simm.s32 @!p0 $0x0  }
0x12: {  	s1 =	sld [smem:$0x3F9D];
	s0 =	simm.s32 @p0 $0x1  }
0x13: {  	[smem:$0x3FB8] =	sst s0;
	s0 =	simm.s32 @!p1 $0x0  }
0x14: {  	s2 =	sld [smem:$0x3F9C];
	s0 =	simm.s32 @p1 $0x1  }
0x15: {  	[smem:$0x3FB9] =	sst s0;
	s0 =	simm.s32 @!p2 $0x0  }
0x16: {  	s3 =	sld [smem:$0x3FDB];
	s0 =	simm.s32 @p2 $0x1  }
0x17: {  	s4 =	simm.s32 $0x1BF5;
	[smem:$0x3FBB] =	sst s0  }
0x18: {  	s0 =	sld [smem:$0x3F9E];
	_ =	swait.ge [sflag:s4], $0x0  }
0x19: {  	s7 =	sld [smem:$0x3F9F]  }
0x1a: {  	s8 =	sadd.s32 $0xFFFFE003, lr  }
0x1b: {  	s9 =	sadd.s32 $0xFFFFFEF7, lr;
	s5 =	simm.s32 $0xFFFFFFFF;
	p2 =	slt.u32 s8, $0xFFFFF086  }
0x1c: {  	p1 =	slt.u32 s9, $0xF7A;
	s5 =	simm.s32 @!p2 $0x0  }
0x1d: {  	s5 =	simm.s32 @p1 $0x1;
	p0 =	seq.s32 s7, s2  }
0x1e: {  	s7 =	smul.u32 @!p0 $0xF7A, s2;
	p2 =	seq.s32 @!p0 s5, $0x0  }
0x1f: {  	s9 =	smul.u32 $0xF7A, s1;
	s8 =	simm.s32 @!p0 $0x1BF5;
	p2 =	por !p2, p0  }
0x20: {  	[sflag:s8] =	ssyncset.s32 @!p0 $0xFFFFF086;
	s6 =	sadd.s32 @!p0 s3, s7;
	s7 =	simm.s32 @!p0 $0x108  }
0x21: {  	s3 =	sadd.s32 s3, s9;
	s6 =	sadd.s32 @!p0 $0x88, s6;
	s7 =	simm.s32 @p2 $0x1082  }
0x22: {  	[simem:s7], [sflag:s8] =	dma.local @!p0 [hbm:s6], $0xF7A  }
0x23: {  	s9 =	sor.u32 $0xD0000000, s2;
	s6 =	simm.s32 $0x108;
	_ =	swait.ge @!p0 [sflag:s8], $0x0  }
0x24: {  	s3 =	sadd.s32 $0x88, s3;
	s6 =	simm.s32 @!p1 $0x1082;
	[sflag:s4] =	ssyncset.s32 $0xFFFFF086  }
0x25: {  	[simem:s6], [sflag:s4] =	dma.local [hbm:s3], $0xF7A  }
0x26: {  	[smem:$0x3F9F] =	sst s1;
	(tag) =	ssettag s2;
	_ =	strace s9  }
0x27: {  	s1 =	sld [smem:$0x3FAF]  }
0x28: {  	s2 =	sld [smem:$0x3FB0]  }
0x29: {  	s4 =	sld [smem:$0x3FB2]  }
0x2a: {  	p0 =	seq.s32 s5, $0x0;
	s5 =	sld [smem:$0x3FB3]  }
0x2b: {  	s6 =	sld [smem:$0x3FB4]  }
0x2c: {  	s7 =	sld [smem:$0x3FB5]  }
0x2d: {  	s3 =	simm.s32 $0x108;
	s8 =	sld [smem:$0x3FB6]  }
0x2e: {  	s3 =	simm.s32 @!p0 $0x1082;
	s9 =	sld [smem:$0x3FB7]  }
0x2f: {  	lr =	sadd.s32 s0, s3;
	s0 =	sld [smem:$0x3FAE]  }
0x30: {  	s3 =	sld [smem:$0x3FB1]  }
0x31: {  	[smem:$0x3FBA] =	sst s10  }
0x32: {  	s10 =	sld [smem:$0x3FB8];
	_ =	sdelay $0x3  }
0x33: {  	p0 =	seq.s32 s10, $0x1;
	s10 =	sld [smem:$0x3FBA];
	_ =	sdelay $0x3  }
0x34: {  	[smem:$0x3FBA] =	sst s10  }
0x35: {  	s10 =	sld [smem:$0x3FB9];
	_ =	sdelay $0x3  }
0x36: {  	p1 =	seq.s32 s10, $0x1;
	s10 =	sld [smem:$0x3FBA];
	_ =	sdelay $0x3  }
0x37: {  	[smem:$0x3FBA] =	sst s10  }
0x38: {  	s10 =	sld [smem:$0x3FBB]  }
0x39: {  	_ = 	snop;
	(pc) =	sbr.ind lr, $3  }
0x3a: {  	_ = 	snop  }
0x3b: {  	_ = 	snop  }
0x3c: {  	p2 =	seq.s32 s10, $0x1;
	s10 =	sld [smem:$0x3FBA]  }
0x3d: {  	_ =	shalt  }
0x3e: {  	_ =	shalt  }
0x3f: {  	_ =	shalt  }
0x40: {  	_ =	shalt  }
0x41: {  	_ =	shalt  }
0x42: {  	_ =	shalt  }
0x43: {  	_ =	shalt  }
0x44: {  	_ =	shalt  }
0x45: {  	_ =	shalt  }
0x46: {  	_ =	shalt  }
0x47: {  	_ =	shalt  }
0x48: {  	_ =	shalt  }
0x49: {  	_ =	shalt  }
0x4a: {  	_ =	shalt  }
0x4b: {  	_ =	shalt  }
0x4c: {  	_ =	shalt  }
0x4d: {  	_ =	shalt  }
0x4e: {  	_ =	shalt  }
0x4f: {  	_ =	shalt  }
0x50: {  	_ =	shalt  }
0x51: {  	_ =	shalt  }
0x52: {  	_ =	shalt  }
0x53: {  	_ =	shalt  }
0x54: {  	_ =	shalt  }
0x55: {  	_ =	shalt  }
0x56: {  	_ =	shalt  }
0x57: {  	_ =	shalt  }
0x58: {  	_ =	shalt  }
0x59: {  	_ =	shalt  }
0x5a: {  	_ =	shalt  }
0x5b: {  	_ =	shalt  }
0x5c: {  	_ =	shalt  }
0x5d: {  	_ =	shalt  }
0x5e: {  	_ =	shalt  }
0x5f: {  	_ =	shalt  }
0x60: {  	_ =	shalt  }
0x61: {  	_ =	shalt  }
0x62: {  	_ =	shalt  }
0x63: {  	_ =	shalt  }
0x64: {  	_ =	shalt  }
0x65: {  	_ =	shalt  }
0x66: {  	_ =	shalt  }
0x67: {  	_ =	shalt  }
0x68: {  	_ =	shalt  }
0x69: {  	_ =	shalt  }
0x6a: {  	_ =	shalt  }
0x6b: {  	_ =	shalt  }
0x6c: {  	_ =	shalt  }
0x6d: {  	_ =	shalt  }
0x6e: {  	_ =	shalt  }
0x6f: {  	_ =	shalt  }
0x70: {  	_ =	shalt  }
0x71: {  	_ =	shalt  }
0x72: {  	_ =	shalt  }
0x73: {  	_ =	shalt  }
0x74: {  	_ =	shalt  }
0x75: {  	_ =	shalt  }
0x76: {  	_ =	shalt  }
0x77: {  	_ =	shalt  }
0x78: {  	_ =	shalt  }
0x79: {  	_ =	shalt  }
0x7a: {  	_ =	shalt  }
0x7b: {  	_ =	shalt  }
0x7c: {  	_ =	shalt  }
0x7d: {  	_ =	shalt  }
0x7e: {  	_ =	shalt  }
0x7f: {  	_ =	shalt  }
0x80: {  	_ =	shalt  }
0x81: {  	_ =	shalt  }
0x82: {  	_ =	shalt  }
0x83: {  	_ =	shalt  }
0x84: {  	_ =	shalt  }
0x85: {  	_ =	shalt  }
0x86: {  	_ =	shalt  }
0x87: {  	_ =	shalt  }
.Lfunc_end0:
.L_simem_size_0:
called_computation_lowered:
.L_overlay_start_0:
0x88: {  	s2 =	sld [smem:$0x3FD9]  }
0x89: {  	s3 =	sld [smem:$0x3FFE];
	_ =	sdelay $0x1  }
0x8a: {  	s1 =	srdreg.scid  }
0x8b: {  	s0 =	sand.u32 $0x1, s1  }
0x8c: {  	s18 =	sshll.u32 s0, $0xA;
	s2 =	sadd.s32 s3, s2  }
0x8d: {  	s2 =	sadd.s32 s2, s18  }
0x8e: {  	[smem:$0x3FC6] =	sst s2  }
0x8f: {  	_ = 	snop  }
0x90: {  	s2 =	sld [smem:$0x3FC9]  }
0x91: {  	s19 =	sld [smem:$0x3FC8]  }
0x92: {  	s4 =	sld [smem:$0x3FD0];
	(tm) =	ssettm $0x1  }
0x93: {  	s5 =	sld [smem:$0x3FFB];
	_ =	sdelay $0x3  }
0x94: {  	_ =	strace s5  }
0x95: {  	s5 =	sld [smem:$0x3FFC];
	_ =	sdelay $0x3  }
0x96: {  	_ =	strace s5  }
0x97: {  	s5 =	sld [smem:$0x3FFD];
	_ =	sdelay $0x3  }
0x98: {  	_ =	strace s5  }
0x99: {  	_ =	strace $0x8FFFFFFF  }
0x9a: {  	s20 =	sld [smem:$0x3FDB];
	_ =	sdelay $0x1  }
0x9b: {  	s6 =	simm.s32 $_scs_section_size  }
0x9c: {  	s7 =	simm.s32 $_size__tile_overlayer_lowered;
	s8 =	simm.s32 $_tile_overlayer_lowered  }
0x9d: {  	s23 =	simm.s32 $0x1BFF;
	s22 =	sshll.u32 s8, $0x1;
	s5 =	sadd.s32 s6, s20  }
0x9e: {  	s9 =	simm.s32 $0x0;
	s21 =	sshll.u32 s7, $0x1;
	s7 =	sadd.s32 s22, s5  }
0x9f: {  	[timem:s9], [sflag:s23] =	dma.local [hbm:s7], s21  }
0xa0: {  	_ =	swait.ge [sflag:s23], s21  }
0xa1: {  	s6 =	ssub.s32 $0x0, s21;
	[sflag:s23] =	ssyncset.done $0x0  }
0xa2: {  	[sflag:s23] =	ssyncadd.s32 s6;
	_ =	sdelay $0x1  }
0xa3: {  	s24 =	simm.s32 $0x1B8B  }
0xa4: {  	_ =	swait.ge [sflag:s24], $0x1  }
0xa5: {  	[sflag:s24] =	ssyncset.done $0x0  }
0xa6: {  	s25 =	simm.s32 $0x1B8E;
	[sflag:s24] =	ssyncadd.s32 $0xFFFFFFFF  }
0xa7: {  	s26 =	simm.s32 $execute0_lowered;
	[smem:$0x3FD2] =	sst s25  }
0xa8: {  	s6 =	sshll.u32 s26, $0x1;
	_ =	strace $0x80000046;
	[dreg:$0x1] =	wrdreg $0xFFFFFFFF  }
0xa9: {  	s28 =	simm.s32 $_size_execute0_lowered;
	s5 =	sadd.s32 s5, s6;
	[dreg:$0x0] =	wrdreg $0x0  }
0xaa: {  	s6 =	sshll.u32 s28, $0x1;
	[dreg:$0x2] =	wrdreg s5  }
0xab: {  	[dreg:$0x3] =	wrdreg s6  }
0xac: {  	[dreg:$0x4] =	wrdreg $0xC0  }
0xad: {  	_ =	task [dreg:s9], $0x5FFFF  }
0xae: {  	[dreg:$0x1] =	wrdreg $0xFFFFFFFF  }
0xaf: {  	[dreg:$0x0] =	wrdreg $0x60  }
0xb0: {  	[dreg:$0x2] =	wrdreg s2  }
0xb1: {  	[dreg:$0x3] =	wrdreg s19  }
0xb2: {  	[dreg:$0x4] =	wrdreg s4  }
0xb3: {  	[dreg:$0x5] =	wrdreg $0x9  }
0xb4: {  	_ =	task.clear_ibuf [dreg:s9], $0x6FFFF;
	_ =	strace $0x90000046  }
0xb5: {  	s29 =	simm.s32 $0x9;
	_ =	strace $0x80000048  }
0xb6: {  	_ =	swait.ge [sflag:s29], $0x1  }
0xb7: {  	[sflag:s29] =	ssyncadd.s32 $0xFFFFFFFF  }
0xb8: {  	_ =	strace $0x90000048  }
0xb9: {  	_ =	sfence  }
0xba: {  	s30 =	sld [smem:$0x0];
	_ =	sdelay $0x2  }
0xbb: {  	s31 =	sshll.u32 s1, $0xD;
	s1 =	sshrl.u32 s1, $0x2  }
0xbc: {  	s3 =	sand.u32 $0x4000, s31;
	s1 =	sadd.s32 s1, s30  }
0xbd: {  	s0 =	sor.u32 s3, s0;
	s1 =	sshll.u32 s1, $0x11  }
0xbe: {  	s0 =	sor.u32 s1, s0  }
0xbf: {  	s0 =	sadd.s32 $0x8F2B, s0  }
0xc0: {  	[sflag:s0] =	ssyncadd.remote.s32 $0x1  }
0xc1: {  	_ =	sfence.sel $0xFFFF  }
0xc2: {  	[dreg:$0x0] =	wrdreg $0xFFFFFFFF;
	(pc) =	sbr.abs _section_cstart, $3  }
0xc3: {  	[dreg:$0x1] =	wrdreg $0xFFFFFFFF  }
0xc4: {  	_ =	task.clear_ibuf [dreg:s9], $0x2FFFF;
	_ =	strace $0x9FFFFFFF  }
0xc5: {  	(tm) =	ssettm $0x7FFFFFFF  }
tec
execute0_lowered:
.L_overlay_start_1:
0x0: {  	(tag) =	ssettag $0x1  }
0x1: {  	v0 =	vimm.s32 $0x63422100;
	v1 =	vlaneseq.u32;
	v3 =	vimm.s32 $0x6B4A2908  }
0x2: {  	v4 =	vimm.s32 $0x6F4E2D0C;
	vm0 =	vcmask $0x1F10;
	v6 =	vimm.s32 $0x6C4B2A09  }
0x3: {  	v8 =	vimm.s32 $0x704F2E0D;
	v10 =	vimm.s32 $0x71502F0E;
	v18 =	vimm.s32 $0x7251300F  }
0x4: {  	v2 =	vunpack.c.0.s8.s32 v0;
	v0 =	vimm.s32 $0x67462504;
	v3 =	vunpack.c.0.s8.s32 v3  }
0x5: {  	v7 =	vunpack.c.0.s8.s32 v4;
	v4 =	vimm.s32 $0x68472605;
	v12 =	vunpack.c.0.s8.s32 v6  }
0x6: {  	v13 =	vunpack.c.0.s8.s32 v8;
	v8 =	vimm.s32 $0x6D4C2B0A;
	v17 =	vunpack.c.0.s8.s32 v10  }
0x7: {  	v10 =	vimm.s32 $0x6E4D2C0B;
	v18 =	vunpack.c.0.s8.s32 v18;
	v5 =	vunpack.c.0.s8.s32 v0  }
0x8: {  	v0 =	vmul.u32 $0x21, v1;
	v1 =	vimm.s32 $0x64432201;
	v11 =	vunpack.c.0.s8.s32 v4  }
0x9: {  	v4 =	vimm.s32 $0x65442302;
	v16 =	vunpack.c.0.s8.s32 v8;
	v8 =	vimm.s32 $0x6A492807  }
0xa: {  	v21 =	vunpack.c.0.s8.s32 v10;
	v9 =	vsel vm0, v7, v3;
	v1 =	vunpack.c.0.s8.s32 v1  }
0xb: {  	v14 =	vsel vm0, v13, v12;
	v6 =	vunpack.c.0.s8.s32 v4;
	v4 =	vimm.s32 $0x69482706  }
0xc: {  	v20 =	vunpack.c.0.s8.s32 v8;
	v8 =	vimm.s32 $0x73523110;
	v2 =	vsel vm0, v5, v2  }
0xd: {  	v15 =	vunpack.c.0.s8.s32 v4;
	v19 =	vsel vm0, v17, v16;
	v1 =	vsel vm0, v11, v1  }
0xe: {  	s1 =	rddreg [dreg:$0x0];
	v23 =	vunpack.c.0.s8.s32 v8;
	v47 =	vcombine.low v1, v14;
	v1 =	vimm.s32 $0x66452403  }
0xf: {  	s25 =	rddreg [dreg:$0x1];
	s4 =	simm.s32 $0x0;
	v22 =	vsel vm0, v18, v21;
	v3 =	vsel vm0, v3, v5;
	v1 =	vunpack.c.0.s8.s32 v1  }
0x10: {  	[smem:$0x7FF] =	sst s4;
	v46 =	vcombine.low v2, v9;
	v6 =	vsel vm0, v15, v6;
	v5 =	vsel vm0, v23, v7  }
0x11: {  	s26 =	rddreg [dreg:$0x2];
	_ =	strace $0x80000047;
	v24 =	vcombine.low v6, v19;
	v26 =	vcombine.low v3, v5;
	v1 =	vsel vm0, v20, v1  }
0x12: {  	v3 =	vimm.s32 $0x75543312;
	[tilespmem:$0x1FFE0] =	vst v46;
	v25 =	vcombine.low v1, v22;
	v1 =	vimm.s32 $0x74533211  }
0x13: {  	v3 =	vunpack.c.0.s8.s32 v3;
	[tilespmem:$0x1FFF0] =	vst v47;
	v1 =	vunpack.c.0.s8.s32 v1  }
0x14: {  	[tilespmem:$0x1FD40] =	vst v24  }
0x15: {  	v7 =	vsel vm0, v12, v11;
	[tilespmem:$0x1FD60] =	vst v26;
	v29 =	vsel vm0, v3, v17;
	v11 =	vsel vm0, v1, v13  }
0x16: {  	[tilespmem:$0x1FD80] =	vst v29;
	v13 =	vsel vm0, v16, v15;
	v15 =	vimm.s32 $0x77563514;
	v28 =	vcombine.low v7, v11  }
0x17: {  	[tilespmem:$0x1FD50] =	vst v25;
	v7 =	vimm.s32 $0x76553413;
	v31 =	vcombine.low v13, v29;
	v15 =	vunpack.c.0.s8.s32 v15  }
0x18: {  	v7 =	vunpack.c.0.s8.s32 v7;
	[tilespmem:$0x1FD70] =	vst v28  }
0x19: {  	v17 =	vimm.s32 $0x78573615;
	v32 =	vsel vm0, v15, v23;
	[tilespmem:$0x1FD90] =	vst v31  }
0x1a: {  	v13 =	vsel vm0, v21, v20;
	v20 =	vsel vm0, v7, v18;
	v33 =	vcombine.low v9, v32;
	[tilespmem:$0x1FDC0] =	vst v32  }
0x1b: {  	v21 =	vcombine.low v13, v20;
	v13 =	vunpack.c.0.s8.s32 v17;
	[tilespmem:$0x1FDA0] =	vst v20  }
0x1c: {  	v17 =	vimm.s32 $0x79583716;
	[tilespmem:$0x1FDD0] =	vst v33  }
0x1d: {  	v17 =	vunpack.c.0.s8.s32 v17;
	v34 =	vsel vm0, v13, v1;
	[tilespmem:$0x1FDB0] =	vst v21  }
0x1e: {  	[tilespmem:$0x1FDE0] =	vst v34  }
0x1f: {  	v1 =	vimm.s32 $0x7A593817;
	v14 =	vcombine.low v14, v34;
	v36 =	vsel vm0, v17, v3;
	[tilespmem:$0x1FDF0] =	vst v17  }
0x20: {  	v38 =	vunpack.c.0.s8.s32 v1;
	[tilespmem:$0x1FE10] =	vst v36  }
0x21: {  	v1 =	vimm.s32 $0x7B5A3918;
	v19 =	vcombine.low v19, v36;
	[tilespmem:$0x1FE00] =	vst v14  }
0x22: {  	v39 =	vunpack.c.0.s8.s32 v1;
	[tilespmem:$0x1FE20] =	vst v38  }
0x23: {  	v3 =	vimm.s32 $0x7E5D3C1B;
	[tilespmem:$0x1FE30] =	vst v19  }
0x24: {  	v45 =	vunpack.c.0.s8.s32 v3;
	v40 =	vsel vm0, v38, v7;
	[tilespmem:$0x1FE40] =	vst v39  }
0x25: {  	v1 =	vimm.s32 $0x7C5B3A19;
	[tilespmem:$0x1FE50] =	vst v40  }
0x26: {  	v3 =	vimm.s32 $0x5F3E1D;
	v41 =	vunpack.c.0.s8.s32 v1;
	v15 =	vsel vm0, v39, v15;
	[tilespmem:$0x1FED0] =	vst v45  }
0x27: {  	v49 =	vunpack.c.0.s8.s32 v3;
	[tilespmem:$0x1FE70] =	vst v15  }
0x28: {  	v22 =	vcombine.low v22, v40;
	[tilespmem:$0x1FE80] =	vst v41  }
0x29: {  	v1 =	vimm.s32 $0x7D5C3B1A;
	[tilespmem:$0x1FEF0] =	vst v49  }
0x2a: {  	v3 =	vimm.s32 $0x3624120;
	v44 =	vunpack.c.0.s8.s32 v1;
	v13 =	vsel vm0, v41, v13;
	[tilespmem:$0x1FE60] =	vst v22  }
0x2b: {  	v7 =	vimm.s32 $0x6654423;
	v52 =	vunpack.c.0.s8.s32 v3;
	[tilespmem:$0x1FEA0] =	vst v13  }
0x2c: {  	v7 =	vunpack.c.0.s8.s32 v7;
	[tilespmem:$0x1FEC0] =	vst v44  }
0x2d: {  	s0 =	srdreg.scid;
	s3 =	stileid.u32;
	v1 =	vimm.s32 $0x7F5E3D1C;
	v42 =	vcombine.low v5, v15;
	[tilespmem:$0x1FF20] =	vst v52  }
0x2e: {  	s2 =	sand.u32 $0x1, s0;
	s3 =	sshll.u32 s3, $0x1;
	v3 =	vimm.s32 $0x7664524;
	v48 =	vunpack.c.0.s8.s32 v1;
	[tilespmem:$0x1FF90] =	vst v7  }
0x2f: {  	s14 =	simm.s32 $0x7A1400;
	s6 =	sor.u32 s2, s3;
	v54 =	vunpack.c.0.s8.s32 v3;
	[tilespmem:$0x1FE90] =	vst v42  }
0x30: {  	s9 =	smul.u32 $0x7A00, s6;
	v5 =	vimm.s32 $0x1603F1E;
	v43 =	vcombine.low v11, v13;
	[tilespmem:$0x1FEE0] =	vst v48  }
0x31: {  	s8 =	smul.u32 $0x3D000, s6;
	v1 =	vimm.s32 $0x261401F;
	v50 =	vunpack.c.0.s8.s32 v5;
	[tilespmem:$0x1FF40] =	vst v54  }
0x32: {  	s19 =	simm.s32 $0x8000;
	s5 =	smul.u32 $0xF4000, s6;
	v4 =	vadd.s32 $0x2, v0;
	v3 =	vimm.s32 $0x9684726;
	v51 =	vunpack.c.0.s8.s32 v1;
	[tilespmem:$0x1FEB0] =	vst v43  }
0x33: {  	s20 =	simm.s32 $0xC200;
	s10 =	smul.u32 $0x48, s6;
	v8 =	vadd.s32 $0x4, v0;
	v5 =	vimm.s32 $0x4634221;
	v56 =	vunpack.c.0.s8.s32 v3;
	[tilespmem:$0x1FF00] =	vst v50  }
0x34: {  	s18 =	simm.s32 $0x1;
	s21 =	simm.s32 $0x2;
	s2 =	ssub.s32 $0x2, s2;
	v9 =	vimm.s32 $0xB6A4928;
	v1 =	vimm.s32 $0x5644322;
	v53 =	vunpack.c.0.s8.s32 v5;
	[tilespmem:$0x1FF10] =	vst v51  }
0x35: {  	s22 =	simm.s32 $0x10200;
	s6 =	smul.u32 $0x1E800, s6;
	s12 =	sshrl.u32 s2, $0x1;
	v3 =	vunpack.c.0.s8.s32 v9;
	v9 =	vimm.s32 $0xD6C4B2A;
	v1 =	vunpack.c.0.s8.s32 v1;
	[tilespmem:$0x1FF60] =	vst v56  }
0x36: {  	v10 =	vadd.s32 $0x5, v0;
	s2 =	ssub.s32 s2, s12;
	s7 =	sshrl.u32 s8, $0x3;
	s11 =	sshrl.u32 s5, $0x3;
	v11 =	vimm.s32 $0xE6D4C2B;
	v5 =	vimm.s32 $0x8674625;
	[tilespmem:$0x1FF30] =	vst v53  }
0x37: {  	s13 =	sadd.s32 s10, s26;
	s6 =	sadd.s32 s26, s6;
	s30 =	sadd.s32 s1, s9;
	v9 =	vunpack.c.0.s8.s32 v9;
	v55 =	vunpack.c.0.s8.s32 v5;
	v3 =	vsel vm0, v3, v54;
	[tilespmem:$0x1FF80] =	vst v1  }
0x38: {  	v27 =	vadd.s32 $0xA, v0;
	s0 =	sadd.s32 s25, s10;
	s31 =	smax.u32 s2, $0x1;
	[dreg:$0x7] =	wrdreg s30;
	v11 =	vunpack.c.0.s8.s32 v11;
	v5 =	vimm.s32 $0xA694827;
	[tilespmem:$0x1FFA0] =	vst v3  }
0x39: {  	s2 =	simm.s32 $0x0;
	s7 =	sadd.s32 s1, s7;
	[dreg:$0x8] =	wrdreg s0;
	v57 =	vunpack.c.0.s8.s32 v5;
	v5 =	vimm.s32 $0xC6B4A29;
	v9 =	vsel vm0, v9, v56;
	[tilespmem:$0x1FF50] =	vst v55  }
0x3a: {  	v30 =	vadd.s32 $0xB, v0;
	v35 =	vadd.s32 $0xC, v0;
	s11 =	sadd.s32 s26, s11;
	s29 =	sadd.s32 $0x3D0000, s13;
	[dreg:$0x9] =	wrdreg s31;
	v5 =	vunpack.c.0.s8.s32 v5;
	[tilespmem:$0x1FFC0] =	vst v9  }
0x3b: {  	v37 =	vadd.s32 $0xD, v0;
	v2 =	vadd.s32 $0x1, v0;
	s13 =	simm.s32 $0x1000;
	s7 =	sadd.s32 $0x200, s7;
	[dreg:$0x6] =	wrdreg s29;
	v11 =	vsel vm0, v11, v57;
	[tilespmem:$0x1FF70] =	vst v57  }
0x3c: {  	v12 =	vadd.s32 $0x6, v0;
	v6 =	vadd.s32 $0x3, v0;
	s28 =	sadd.s32 $0x1E000, s11;
	s11 =	sadd.s32 $0x800, s6;
	[dreg:$0x4] =	wrdreg s7;
	v5 =	vsel vm0, v5, v55;
	[tilespmem:$0x1FFD0] =	vst v11  }
0x3d: {  	s7 =	sadd.s32 $0x2000, s8;
	s8 =	sadd.s32 $0x3000, s8;
	[dreg:$0x5] =	wrdreg s28;
	v16 =	vadd.s32 $0x7, v0;
	v23 =	vadd.s32 $0x9, v0;
	v18 =	vadd.s32 $0x8, v0;
	[tilespmem:$0x1FFB0] =	vst v5  }
.LBB2_1:
0x3e: {  	[dreg:$0xa] =	wrdreg s2  }
0x3f: {  	s0 =	rddreg [dreg:$0x7]  }
0x40: {  	[tilespmem:s4], [sflag:$0x1] =	stream.strided.gather [hbm4b:s0+s13], $0x4000, s14, s13, $0x38;
	[tilespmem:$0x14480] =	vst v63  }
0x41: {  	s30 =	rddreg [dreg:$0x4];
	s31 =	simm.s32 $0x4000;
	s29 =	simm.s32 $0x0  }
0x42: {  	[tilespmem:s31], [sflag:$0x2] =	stream.strided.gather [hbm4b:s30+s13], $0x4000, s14, s13, $0x38;
	[tilespmem:$0x14480] =	vst v63  }
.LBB2_2:
0x43: {  	_ =	swait.ge [sflag:s18], $0x4000  }
0x44: {  	p0 =	seq.s32 s29, $0x0;
	[sflag:s18] =	ssyncset.done $0x0  }
0x45: {  	s0 =	simm.s32 @!p0 $0x3;
	[sflag:s18] =	ssyncadd.s32 $0xFFFFC000  }
0x46: {  	_ =	swait.ge @!p0 [sflag:s0], $0x4000  }
0x47: {  	v21 =	vld [tilespmem:$0x1FF20]  }
0x48: {  	v25 =	vld [tilespmem:$0x1FF30]  }
0x49: {  	[sflag:s0] =	ssyncset.done @!p0 $0x0;
	v29 =	vld [tilespmem:$0x1FF80]  }
0x4a: {  	s30 =	sshll.u32 s29, $0xD;
	s31 =	simm.s32 $0x0;
	v33 =	vld [tilespmem:$0x1FF90];
	[sflag:s0] =	ssyncadd.s32 @!p0 $0xFFFFC000  }
.LBB2_3:
0x4b: {  	s12 =	smul.u32 $0x210, s31;
	_ =	sdelay $0x1  }
0x4c: {  	s0 =	sshll.u32 s31, $0x7;
	v1 =	vadd.s32 s12, v0  }
0x4d: {  	s2 =	sand.u32 $0x3FFFFF80, s0;
	v1 =	vand.u32 $0x7F80, v1  }
0x4e: {  	v3 =	vld [tilespmem:s2+$0x0];
	v1 =	vor.u32 v46, v1;
	_ =	sdelay $0x3  }
0x4f: {  	v5 =	vadd.s32 s12, v2  }
0x50: {  	[tilespmem:v1+s19+$0x0] =	vst.idx.msk $0xffff, v3;
	v1 =	vand.u32 $0x7F80, v5  }
0x51: {  	v3 =	vld [tilespmem:s2+$0x80];
	v1 =	vor.u32 v47, v1;
	_ =	sdelay $0x3  }
0x52: {  	v5 =	vadd.s32 s12, v4  }
0x53: {  	[tilespmem:v1+s19+$0x0] =	vst.idx.msk $0xffff, v3;
	v1 =	vand.u32 $0x7F80, v5;
	v5 =	vld [tilespmem:$0x1FD40];
	_ =	sdelay $0x4  }
0x54: {  	v3 =	vld [tilespmem:s2+$0x100];
	v1 =	vor.u32 v5, v1;
	_ =	sdelay $0x3  }
0x55: {  	v5 =	vadd.s32 s12, v6  }
0x56: {  	[tilespmem:v1+s19+$0x0] =	vst.idx.msk $0xffff, v3;
	v1 =	vand.u32 $0x7F80, v5;
	v5 =	vld [tilespmem:$0x1FD50];
	_ =	sdelay $0x4  }
0x57: {  	v3 =	vld [tilespmem:s2+$0x180];
	v1 =	vor.u32 v5, v1;
	_ =	sdelay $0x3  }
0x58: {  	v5 =	vadd.s32 s12, v8  }
0x59: {  	[tilespmem:v1+s19+$0x0] =	vst.idx.msk $0xffff, v3;
	v1 =	vand.u32 $0x7F80, v5;
	v5 =	vld [tilespmem:$0x1FD60];
	_ =	sdelay $0x4  }
0x5a: {  	v3 =	vld [tilespmem:s2+$0x200];
	v1 =	vor.u32 v5, v1;
	_ =	sdelay $0x3  }
0x5b: {  	v5 =	vadd.s32 s12, v10  }
0x5c: {  	[tilespmem:v1+s19+$0x0] =	vst.idx.msk $0xffff, v3;
	v1 =	vand.u32 $0x7F80, v5;
	v5 =	vld [tilespmem:$0x1FD70];
	_ =	sdelay $0x4  }
0x5d: {  	v3 =	vld [tilespmem:s2+$0x280];
	v1 =	vor.u32 v5, v1;
	_ =	sdelay $0x3  }
0x5e: {  	s25 =	sadd.s32 $0x210, s12  }
0x5f: {  	v5 =	vld [tilespmem:s2+$0x10];
	[tilespmem:v1+s19+$0x0] =	vst.idx.msk $0xffff, v3;
	v3 =	vadd.s32 s25, v0;
	_ =	sdelay $0x4  }
0x60: {  	v9 =	vld [tilespmem:$0x1FD90];
	[tilespmem:v3+s19+$0x0] =	vst.idx.msk $0xffff, v5  }
0x61: {  	v5 =	vadd.s32 s25, v2;
	v3 =	vld [tilespmem:s2+$0x90];
	_ =	sdelay $0x2  }
0x62: {  	v7 =	vadd.s32 s12, v12  }
0x63: {  	v7 =	vand.u32 $0x7F80, v7  }
0x64: {  	v7 =	vor.u32 v9, v7;
	v1 =	vld [tilespmem:s2+$0x300];
	[tilespmem:v5+s19+$0x0] =	vst.idx.msk $0xffff, v3  }
0x65: {  	v5 =	vadd.s32 s25, v4;
	v3 =	vld [tilespmem:s2+$0x110];
	_ =	sdelay $0x3  }
0x66: {  	v9 =	vadd.s32 s12, v16;
	[tilespmem:v7+s19+$0x0] =	vst.idx.msk $0xffff, v1  }
0x67: {  	v1 =	vand.u32 $0x7F80, v9;
	v9 =	vld [tilespmem:$0x1FDB0];
	[tilespmem:v5+s19+$0x0] =	vst.idx.msk $0xffff, v3  }
0x68: {  	v5 =	vadd.s32 s25, v6;
	v3 =	vld [tilespmem:s2+$0x190];
	_ =	sdelay $0x4  }
0x69: {  	v7 =	vld [tilespmem:s2+$0x380];
	v1 =	vor.u32 v9, v1;
	[tilespmem:v5+s19+$0x0] =	vst.idx.msk $0xffff, v3  }
0x6a: {  	v5 =	vadd.s32 s25, v8;
	v3 =	vld [tilespmem:s2+$0x210];
	_ =	sdelay $0x3  }
0x6b: {  	v9 =	vadd.s32 s12, v18;
	[tilespmem:v1+s19+$0x0] =	vst.idx.msk $0xffff, v7  }
0x6c: {  	v1 =	vand.u32 $0x7F80, v9;
	v9 =	vld [tilespmem:$0x1FDD0];
	[tilespmem:v5+s19+$0x0] =	vst.idx.msk $0xffff, v3  }
0x6d: {  	v5 =	vadd.s32 s25, v10;
	v3 =	vld [tilespmem:s2+$0x290];
	_ =	sdelay $0x4  }
0x6e: {  	v7 =	vld [tilespmem:s2+$0x1000];
	v1 =	vor.u32 v9, v1;
	[tilespmem:v5+s19+$0x0] =	vst.idx.msk $0xffff, v3  }
0x6f: {  	v5 =	vadd.s32 s25, v12;
	v3 =	vld [tilespmem:s2+$0x310];
	_ =	sdelay $0x2  }
0x70: {  	v9 =	vadd.s32 s12, v23  }
0x71: {  	[tilespmem:v1+s19+$0x0] =	vst.idx.msk $0xffff, v7;
	v1 =	vand.u32 $0x7F80, v9;
	v9 =	vld [tilespmem:$0x1FE00]  }
0x72: {  	[tilespmem:v5+s19+$0x0] =	vst.idx.msk $0xffff, v3  }
0x73: {  	v5 =	vadd.s32 s25, v16;
	v3 =	vld [tilespmem:s2+$0x390];
	_ =	sdelay $0x2  }
0x74: {  	v7 =	vld [tilespmem:s2+$0x1080];
	v1 =	vor.u32 v9, v1;
	_ =	sdelay $0x1  }
0x75: {  	[tilespmem:v5+s19+$0x0] =	vst.idx.msk $0xffff, v3  }
0x76: {  	v5 =	vadd.s32 s25, v18;
	v3 =	vld [tilespmem:s2+$0x1010]  }
0x77: {  	v9 =	vadd.s32 s12, v27  }
0x78: {  	[tilespmem:v1+s19+$0x0] =	vst.idx.msk $0xffff, v7;
	v1 =	vand.u32 $0x7F80, v9;
	v9 =	vld [tilespmem:$0x1FE30];
	_ =	sdelay $0x2  }
0x79: {  	[tilespmem:v5+s19+$0x0] =	vst.idx.msk $0xffff, v3  }
0x7a: {  	v5 =	vadd.s32 s25, v23;
	v3 =	vld [tilespmem:s2+$0x1090]  }
0x7b: {  	v7 =	vld [tilespmem:s2+$0x1100];
	v1 =	vor.u32 v9, v1;
	_ =	sdelay $0x3  }
0x7c: {  	[tilespmem:v5+s19+$0x0] =	vst.idx.msk $0xffff, v3  }
0x7d: {  	[tilespmem:v1+s19+$0x0] =	vst.idx.msk $0xffff, v7;
	v3 =	vld [tilespmem:s2+$0x1110]  }
0x7e: {  	v9 =	vadd.s32 s12, v30;
	v7 =	vld [tilespmem:s2+$0x1180]  }
0x7f: {  	v1 =	vand.u32 $0x7F80, v9;
	v9 =	vld [tilespmem:$0x1FE60];
	_ =	sdelay $0x4  }
0x80: {  	v1 =	vor.u32 v9, v1;
	_ =	sdelay $0x3  }
0x81: {  	v9 =	vadd.s32 s12, v35  }
0x82: {  	[tilespmem:v1+s19+$0x0] =	vst.idx.msk $0xffff, v7;
	v1 =	vand.u32 $0x7F80, v9;
	v9 =	vld [tilespmem:$0x1FE90]  }
0x83: {  	v5 =	vadd.s32 s25, v27;
	_ =	sdelay $0x3  }
0x84: {  	v7 =	vld [tilespmem:s2+$0x1200];
	v1 =	vor.u32 v9, v1  }
0x85: {  	[tilespmem:v5+s19+$0x0] =	vst.idx.msk $0xffff, v3  }
0x86: {  	v5 =	vadd.s32 s25, v30;
	v3 =	vld [tilespmem:s2+$0x1190];
	_ =	sdelay $0x1  }
0x87: {  	v9 =	vadd.s32 s12, v37  }
0x88: {  	[tilespmem:v1+s19+$0x0] =	vst.idx.msk $0xffff, v7;
	v1 =	vand.u32 $0x7F80, v9;
	v9 =	vld [tilespmem:$0x1FEB0];
	_ =	sdelay $0x1  }
0x89: {  	[tilespmem:v5+s19+$0x0] =	vst.idx.msk $0xffff, v3  }
0x8a: {  	v5 =	vadd.s32 s25, v35;
	v3 =	vld [tilespmem:s2+$0x1210]  }
0x8b: {  	v20 =	vld [tilespmem:$0x1FEC0]  }
0x8c: {  	v1 =	vor.u32 v9, v1;
	v9 =	vld [tilespmem:$0x1FDF0]  }
0x8d: {  	v13 =	vld [tilespmem:$0x1FD80]  }
0x8e: {  	v7 =	vld [tilespmem:s2+$0x1280]  }
0x8f: {  	[tilespmem:v5+s19+$0x0] =	vst.idx.msk $0xffff, v3  }
0x90: {  	v5 =	vadd.s32 s25, v37;
	v3 =	vld [tilespmem:s2+$0x1290]  }
0x91: {  	v58 =	vadd.s32 $0xE, v0;
	v9 =	vsel vm0, v20, v9  }
0x92: {  	v11 =	vadd.s32 s12, v58;
	v38 =	vcombine.low v13, v9  }
0x93: {  	v24 =	vld [tilespmem:$0x1FED0];
	[tilespmem:v1+s19+$0x0] =	vst.idx.msk $0xffff, v7;
	v1 =	vand.u32 $0x7F80, v11  }
0x94: {  	v7 =	vld [tilespmem:s2+$0x1300];
	v1 =	vor.u32 v38, v1  }
0x95: {  	v14 =	vld [tilespmem:$0x1FDA0];
	[tilespmem:v5+s19+$0x0] =	vst.idx.msk $0xffff, v3  }
0x96: {  	v3 =	vld [tilespmem:s2+$0x1310]  }
0x97: {  	v60 =	vadd.s32 $0xF, v0;
	v5 =	vadd.s32 s25, v58;
	v11 =	vld [tilespmem:$0x1FE20]  }
0x98: {  	v28 =	vld [tilespmem:$0x1FEE0];
	v13 =	vadd.s32 s12, v60  }
0x99: {  	[tilespmem:v1+s19+$0x0] =	vst.idx.msk $0xffff, v7;
	v1 =	vand.u32 $0x7F80, v13;
	v13 =	vld [tilespmem:$0x1FE40]  }
0x9a: {  	v15 =	vld [tilespmem:$0x1FDC0];
	_ =	sdelay $0x1  }
0x9b: {  	v32 =	vld [tilespmem:$0x1FEF0];
	[tilespmem:v5+s19+$0x0] =	vst.idx.msk $0xffff, v3;
	v11 =	vsel vm0, v24, v11  }
0x9c: {  	v5 =	vadd.s32 s25, v60;
	v3 =	vld [tilespmem:s2+$0x1390];
	v49 =	vcombine.low v14, v11  }
0x9d: {  	v7 =	vld [tilespmem:s2+$0x1380];
	v14 =	vsel vm0, v28, v13  }
0x9e: {  	v1 =	vor.u32 v49, v1;
	v51 =	vcombine.low v15, v14;
	v15 =	vld [tilespmem:$0x1FE80];
	_ =	sdelay $0x2  }
0x9f: {  	v62 =	vadd.s32 $0x10, v0;
	[tilespmem:v5+s19+$0x0] =	vst.idx.msk $0xffff, v3  }
0xa0: {  	v5 =	vadd.s32 s25, v62;
	v3 =	vld [tilespmem:s2+$0x2010];
	v13 =	vadd.s32 s12, v62  }
0xa1: {  	[tilespmem:v1+s19+$0x0] =	vst.idx.msk $0xffff, v7;
	v1 =	vand.u32 $0x7F80, v13;
	v17 =	vsel vm0, v32, v15;
	v15 =	vld [tilespmem:$0x1FDE0]  }
0xa2: {  	v7 =	vld [tilespmem:s2+$0x2000];
	v1 =	vor.u32 v51, v1;
	_ =	sdelay $0x2  }
0xa3: {  	v43 =	vld [tilespmem:$0x1FF00];
	[tilespmem:v5+s19+$0x0] =	vst.idx.msk $0xffff, v3;
	v13 =	vadd.s32 $0x11, v0  }
0xa4: {  	v3 =	vld [tilespmem:s2+$0x2090];
	v19 =	vadd.s32 s12, v13;
	v5 =	vadd.s32 s25, v13;
	v55 =	vcombine.low v15, v17  }
0xa5: {  	[tilespmem:v1+s19+$0x0] =	vst.idx.msk $0xffff, v7;
	v1 =	vand.u32 $0x7F80, v19;
	v15 =	vld [tilespmem:$0x1FE10]  }
0xa6: {  	v7 =	vld [tilespmem:s2+$0x2080];
	v1 =	vor.u32 v55, v1;
	_ =	sdelay $0x2  }
0xa7: {  	v45 =	vld [tilespmem:$0x1FF10];
	v20 =	vsel vm0, v43, v20;
	[tilespmem:v5+s19+$0x0] =	vst.idx.msk $0xffff, v3;
	v19 =	vadd.s32 $0x12, v0  }
0xa8: {  	v3 =	vld [tilespmem:s2+$0x2110];
	v22 =	vadd.s32 s12, v19;
	v5 =	vadd.s32 s25, v19;
	v57 =	vcombine.low v15, v20  }
0xa9: {  	v15 =	vld [tilespmem:$0x1FE50];
	[tilespmem:v1+s19+$0x0] =	vst.idx.msk $0xffff, v7;
	v1 =	vand.u32 $0x7F80, v22  }
0xaa: {  	v7 =	vld [tilespmem:s2+$0x2100];
	v1 =	vor.u32 v57, v1;
	_ =	sdelay $0x2  }
0xab: {  	v40 =	vsel vm0, v45, v24;
	[tilespmem:v5+s19+$0x0] =	vst.idx.msk $0xffff, v3;
	v22 =	vadd.s32 $0x13, v0  }
0xac: {  	v3 =	vld [tilespmem:s2+$0x2190];
	v26 =	vadd.s32 s12, v22;
	v5 =	vadd.s32 s25, v22;
	v36 =	vcombine.low v15, v40  }
0xad: {  	v15 =	vld [tilespmem:$0x1FE70];
	[tilespmem:v1+s19+$0x0] =	vst.idx.msk $0xffff, v7;
	v1 =	vand.u32 $0x7F80, v26  }
0xae: {  	v7 =	vld [tilespmem:s2+$0x2180];
	v1 =	vor.u32 v36, v1;
	_ =	sdelay $0x2  }
0xaf: {  	v41 =	vsel vm0, v21, v28;
	v26 =	vadd.s32 $0x14, v0;
	[tilespmem:v5+s19+$0x0] =	vst.idx.msk $0xffff, v3  }
0xb0: {  	v31 =	vadd.s32 s12, v26;
	v3 =	vld [tilespmem:s2+$0x2210];
	v39 =	vcombine.low v15, v41  }
0xb1: {  	v5 =	vadd.s32 s25, v26;
	v15 =	vld [tilespmem:$0x1FEA0];
	[tilespmem:v1+s19+$0x0] =	vst.idx.msk $0xffff, v7;
	v1 =	vand.u32 $0x7F80, v31  }
0xb2: {  	v7 =	vld [tilespmem:s2+$0x2200];
	v1 =	vor.u32 v39, v1;
	_ =	sdelay $0x2  }
0xb3: {  	v42 =	vsel vm0, v25, v32;
	v31 =	vadd.s32 $0x15, v0  }
0xb4: {  	[tilespmem:v5+s19+$0x0] =	vst.idx.msk $0xffff, v3;
	v34 =	vadd.s32 s12, v31;
	v52 =	vcombine.low v15, v42  }
0xb5: {  	v3 =	vld [tilespmem:s2+$0x2290];
	v5 =	vadd.s32 s25, v31;
	[tilespmem:v1+s19+$0x0] =	vst.idx.msk $0xffff, v7;
	v1 =	vand.u32 $0x7F80, v34  }
0xb6: {  	v7 =	vld [tilespmem:s2+$0x2280];
	v1 =	vor.u32 v52, v1;
	_ =	sdelay $0x2  }
0xb7: {  	v43 =	vsel vm0, v29, v43;
	v34 =	vadd.s32 $0x16, v0  }
0xb8: {  	v53 =	vcombine.low v9, v43;
	[tilespmem:v5+s19+$0x0] =	vst.idx.msk $0xffff, v3;
	v44 =	vadd.s32 s12, v34  }
0xb9: {  	v3 =	vld [tilespmem:s2+$0x2310];
	v5 =	vadd.s32 s25, v34;
	[tilespmem:v1+s19+$0x0] =	vst.idx.msk $0xffff, v7;
	v1 =	vand.u32 $0x7F80, v44  }
0xba: {  	v7 =	vld [tilespmem:s2+$0x2300];
	v1 =	vor.u32 v53, v1;
	_ =	sdelay $0x2  }
0xbb: {  	v48 =	vadd.s32 $0x17, v0  }
0xbc: {  	v9 =	vadd.s32 s12, v48;
	v44 =	vsel vm0, v33, v45;
	[tilespmem:v5+s19+$0x0] =	vst.idx.msk $0xffff, v3  }
0xbd: {  	v59 =	vcombine.low v11, v44;
	[tilespmem:v1+s19+$0x0] =	vst.idx.msk $0xffff, v7;
	v1 =	vand.u32 $0x7F80, v9;
	v9 =	vld [tilespmem:$0x1FF40]  }
0xbe: {  	v5 =	vadd.s32 s25, v48;
	v3 =	vld [tilespmem:s2+$0x2390]  }
0xbf: {  	v7 =	vld [tilespmem:s2+$0x2380];
	v1 =	vor.u32 v59, v1;
	_ =	sdelay $0x2  }
0xc0: {  	v50 =	vadd.s32 $0x18, v0;
	v9 =	vsel vm0, v9, v21  }
0xc1: {  	v11 =	vadd.s32 s12, v50;
	[tilespmem:v5+s19+$0x0] =	vst.idx.msk $0xffff, v3;
	v61 =	vcombine.low v14, v9;
	v9 =	vld [tilespmem:$0x1FF50]  }
0xc2: {  	v5 =	vadd.s32 s25, v50;
	v3 =	vld [tilespmem:s2+$0x3010];
	[tilespmem:v1+s19+$0x0] =	vst.idx.msk $0xffff, v7;
	v1 =	vand.u32 $0x7F80, v11  }
0xc3: {  	v7 =	vld [tilespmem:s2+$0x3000];
	v1 =	vor.u32 v61, v1;
	_ =	sdelay $0x2  }
0xc4: {  	v54 =	vadd.s32 $0x19, v0;
	v9 =	vsel vm0, v9, v25  }
0xc5: {  	v11 =	vadd.s32 s12, v54;
	[tilespmem:v5+s19+$0x0] =	vst.idx.msk $0xffff, v3;
	v63 =	vcombine.low v17, v9;
	v9 =	vld [tilespmem:$0x1FF60]  }
0xc6: {  	v5 =	vadd.s32 s25, v54;
	v3 =	vld [tilespmem:s2+$0x3090];
	[tilespmem:v1+s19+$0x0] =	vst.idx.msk $0xffff, v7;
	v1 =	vand.u32 $0x7F80, v11  }
0xc7: {  	v7 =	vld [tilespmem:s2+$0x3080];
	v1 =	vor.u32 v63, v1;
	_ =	sdelay $0x2  }
0xc8: {  	v56 =	vadd.s32 $0x1A, v0;
	v9 =	vsel vm0, v9, v29  }
0xc9: {  	[tilespmem:v5+s19+$0x0] =	vst.idx.msk $0xffff, v3;
	v3 =	vld [tilespmem:$0x1FF70];
	v11 =	vadd.s32 s12, v56;
	v15 =	vcombine.low v20, v9  }
0xca: {  	v5 =	vld [tilespmem:s2+$0x3110];
	[tilespmem:v1+s19+$0x0] =	vst.idx.msk $0xffff, v7;
	v1 =	vand.u32 $0x7F80, v11;
	v11 =	vadd.s32 s25, v56  }
0xcb: {  	v7 =	vld [tilespmem:s2+$0x3100];
	v9 =	vor.u32 v15, v1;
	_ =	sdelay $0x2  }
0xcc: {  	v3 =	vsel vm0, v3, v33;
	v1 =	vadd.s32 $0x1B, v0  }
0xcd: {  	v3 =	vcombine.low v40, v3;
	v14 =	vadd.s32 s12, v1;
	[tilespmem:v11+s19+$0x0] =	vst.idx.msk $0xffff, v5  }
0xce: {  	[tilespmem:v9+s19+$0x0] =	vst.idx.msk $0xffff, v7;
	v7 =	vand.u32 $0x7F80, v14;
	v11 =	vld [tilespmem:s2+$0x3190]  }
0xcf: {  	v17 =	vadd.s32 s25, v1;
	v14 =	vor.u32 v3, v7;
	v7 =	vld [tilespmem:$0x1FFA0]  }
0xd0: {  	v9 =	vld [tilespmem:s2+$0x3180];
	_ =	sdelay $0x2  }
0xd1: {  	v5 =	vadd.s32 $0x1C, v0  }
0xd2: {  	v20 =	vadd.s32 s12, v5;
	[tilespmem:v17+s19+$0x0] =	vst.idx.msk $0xffff, v11;
	v7 =	vcombine.low v41, v7  }
0xd3: {  	v11 =	vld [tilespmem:$0x1FFB0];
	[tilespmem:v14+s19+$0x0] =	vst.idx.msk $0xffff, v9;
	v9 =	vand.u32 $0x7F80, v20  }
0xd4: {  	v14 =	vld [tilespmem:s2+$0x3200];
	v20 =	vor.u32 v7, v9  }
0xd5: {  	v46 =	vadd.s32 s25, v5;
	v17 =	vld [tilespmem:s2+$0x3210];
	_ =	sdelay $0x1  }
0xd6: {  	v9 =	vadd.s32 $0x1D, v0  }
0xd7: {  	v47 =	vadd.s32 s12, v9;
	v11 =	vcombine.low v42, v11  }
0xd8: {  	v24 =	vld [tilespmem:$0x1FFC0];
	[tilespmem:v20+s19+$0x0] =	vst.idx.msk $0xffff, v14;
	v14 =	vand.u32 $0x7F80, v47  }
0xd9: {  	[tilespmem:v46+s19+$0x0] =	vst.idx.msk $0xffff, v17;
	v20 =	vld [tilespmem:s2+$0x3280];
	v14 =	vor.u32 v11, v14  }
0xda: {  	v42 =	vadd.s32 s25, v9;
	v17 =	vld [tilespmem:s2+$0x3290];
	_ =	sdelay $0x1  }
0xdb: {  	v40 =	vadd.s32 $0x1E, v0  }
0xdc: {  	v32 =	vadd.s32 s12, v40;
	v41 =	vcombine.low v43, v24  }
0xdd: {  	v28 =	vld [tilespmem:$0x1FFD0];
	[tilespmem:v14+s19+$0x0] =	vst.idx.msk $0xffff, v20;
	v14 =	vand.u32 $0x7F80, v32  }
0xde: {  	[tilespmem:v42+s19+$0x0] =	vst.idx.msk $0xffff, v17;
	v20 =	vld [tilespmem:s2+$0x3300];
	v43 =	vor.u32 v41, v14  }
0xdf: {  	v17 =	vld [tilespmem:s2+$0x3310];
	v32 =	vadd.s32 s25, v40;
	_ =	sdelay $0x1  }
0xe0: {  	v14 =	vadd.s32 $0x1F, v0  }
0xe1: {  	v42 =	vcombine.low v44, v28;
	v24 =	vadd.s32 s12, v14  }
0xe2: {  	[tilespmem:v43+s19+$0x0] =	vst.idx.msk $0xffff, v20;
	v20 =	vand.u32 $0x7F80, v24  }
0xe3: {  	[tilespmem:v32+s19+$0x0] =	vst.idx.msk $0xffff, v17;
	v24 =	vld [tilespmem:s2+$0x3380];
	v20 =	vor.u32 v42, v20  }
0xe4: {  	s26 =	sadd.s32 $0x420, s12;
	v17 =	vld [tilespmem:s2+$0x3390];
	v43 =	vadd.s32 s25, v14  }
0xe5: {  	s6 =	sadd.s32 $0x630, s12;
	v45 =	vld [tilespmem:s2+$0x20];
	v44 =	vadd.s32 s26, v0  }
0xe6: {  	v46 =	vadd.s32 s6, v0;
	v47 =	vld [tilespmem:s2+$0x30];
	s25 =	sadd.s32 $0x840, s12  }
0xe7: {  	s9 =	sadd.s32 $0xA50, s12;
	v32 =	vld [tilespmem:s2+$0x40];
	v28 =	vadd.s32 s25, v0  }
0xe8: {  	s10 =	sadd.s32 $0xC60, s12;
	[tilespmem:v20+s19+$0x0] =	vst.idx.msk $0xffff, v24;
	v20 =	vadd.s32 s9, v0;
	v24 =	vld [tilespmem:s2+$0x50]  }
0xe9: {  	s12 =	sadd.s32 $0xE70, s12;
	[tilespmem:v43+s19+$0x0] =	vst.idx.msk $0xffff, v17;
	v17 =	vadd.s32 s10, v0;
	v43 =	vld [tilespmem:s2+$0x60]  }
0xea: {  	[tilespmem:v44+s19+$0x0] =	vst.idx.msk $0xffff, v45;
	v45 =	vld [tilespmem:s2+$0x70];
	v44 =	vadd.s32 s12, v0  }
0xeb: {  	[tilespmem:v46+s19+$0x0] =	vst.idx.msk $0xffff, v47;
	v47 =	vadd.s32 s26, v2;
	v46 =	vld [tilespmem:s2+$0xA0]  }
0xec: {  	[tilespmem:v28+s19+$0x0] =	vst.idx.msk $0xffff, v32;
	v28 =	vld [tilespmem:s2+$0xB0];
	v32 =	vadd.s32 s6, v2  }
0xed: {  	[tilespmem:v20+s19+$0x0] =	vst.idx.msk $0xffff, v24;
	v20 =	vld [tilespmem:s2+$0xC0];
	v24 =	vadd.s32 s25, v2  }
0xee: {  	[tilespmem:v17+s19+$0x0] =	vst.idx.msk $0xffff, v43;
	v43 =	vadd.s32 s9, v2;
	v17 =	vld [tilespmem:s2+$0xD0]  }
0xef: {  	[tilespmem:v44+s19+$0x0] =	vst.idx.msk $0xffff, v45;
	v45 =	vadd.s32 s10, v2;
	v44 =	vld [tilespmem:s2+$0xE0]  }
0xf0: {  	[tilespmem:v47+s19+$0x0] =	vst.idx.msk $0xffff, v46;
	v47 =	vadd.s32 s12, v2;
	v46 =	vld [tilespmem:s2+$0xF0]  }
0xf1: {  	[tilespmem:v32+s19+$0x0] =	vst.idx.msk $0xffff, v28;
	v28 =	vld [tilespmem:s2+$0x120];
	v32 =	vadd.s32 s26, v4  }
0xf2: {  	[tilespmem:v24+s19+$0x0] =	vst.idx.msk $0xffff, v20;
	v20 =	vld [tilespmem:s2+$0x130];
	v24 =	vadd.s32 s6, v4  }
0xf3: {  	[tilespmem:v43+s19+$0x0] =	vst.idx.msk $0xffff, v17;
	v17 =	vld [tilespmem:s2+$0x140];
	v43 =	vadd.s32 s25, v4  }
0xf4: {  	[tilespmem:v45+s19+$0x0] =	vst.idx.msk $0xffff, v44;
	v45 =	vadd.s32 s9, v4;
	v44 =	vld [tilespmem:s2+$0x150]  }
0xf5: {  	[tilespmem:v47+s19+$0x0] =	vst.idx.msk $0xffff, v46;
	v47 =	vadd.s32 s10, v4;
	v46 =	vld [tilespmem:s2+$0x160]  }
0xf6: {  	[tilespmem:v32+s19+$0x0] =	vst.idx.msk $0xffff, v28;
	v28 =	vld [tilespmem:s2+$0x170];
	v32 =	vadd.s32 s12, v4  }
0xf7: {  	[tilespmem:v24+s19+$0x0] =	vst.idx.msk $0xffff, v20;
	v20 =	vld [tilespmem:s2+$0x1A0];
	v24 =	vadd.s32 s26, v6  }
0xf8: {  	[tilespmem:v43+s19+$0x0] =	vst.idx.msk $0xffff, v17;
	v17 =	vld [tilespmem:s2+$0x1B0];
	v43 =	vadd.s32 s6, v6  }
0xf9: {  	[tilespmem:v45+s19+$0x0] =	vst.idx.msk $0xffff, v44;
	v44 =	vld [tilespmem:s2+$0x1C0];
	v45 =	vadd.s32 s25, v6  }
0xfa: {  	[tilespmem:v47+s19+$0x0] =	vst.idx.msk $0xffff, v46;
	v47 =	vadd.s32 s9, v6;
	v46 =	vld [tilespmem:s2+$0x1D0]  }
0xfb: {  	[tilespmem:v32+s19+$0x0] =	vst.idx.msk $0xffff, v28;
	v32 =	vadd.s32 s10, v6;
	v28 =	vld [tilespmem:s2+$0x1E0]  }
0xfc: {  	[tilespmem:v24+s19+$0x0] =	vst.idx.msk $0xffff, v20;
	v20 =	vld [tilespmem:s2+$0x1F0];
	v24 =	vadd.s32 s12, v6  }
0xfd: {  	[tilespmem:v43+s19+$0x0] =	vst.idx.msk $0xffff, v17;
	v17 =	vld [tilespmem:s2+$0x220];
	v43 =	vadd.s32 s26, v8  }
0xfe: {  	[tilespmem:v45+s19+$0x0] =	vst.idx.msk $0xffff, v44;
	v44 =	vld [tilespmem:s2+$0x230];
	v45 =	vadd.s32 s6, v8  }
0xff: {  	[tilespmem:v47+s19+$0x0] =	vst.idx.msk $0xffff, v46;
	v46 =	vld [tilespmem:s2+$0x240];
	v47 =	vadd.s32 s25, v8  }
0x100: {  	[tilespmem:v32+s19+$0x0] =	vst.idx.msk $0xffff, v28;
	v32 =	vadd.s32 s9, v8;
	v28 =	vld [tilespmem:s2+$0x250]  }
0x101: {  	[tilespmem:v24+s19+$0x0] =	vst.idx.msk $0xffff, v20;
	v20 =	vld [tilespmem:s2+$0x260];
	v24 =	vadd.s32 s10, v8  }
0x102: {  	[tilespmem:v43+s19+$0x0] =	vst.idx.msk $0xffff, v17;
	v17 =	vld [tilespmem:s2+$0x270];
	v43 =	vadd.s32 s12, v8  }
0x103: {  	[tilespmem:v45+s19+$0x0] =	vst.idx.msk $0xffff, v44;
	v44 =	vld [tilespmem:s2+$0x2A0];
	v45 =	vadd.s32 s26, v10  }
0x104: {  	[tilespmem:v47+s19+$0x0] =	vst.idx.msk $0xffff, v46;
	v46 =	vld [tilespmem:s2+$0x2B0];
	v47 =	vadd.s32 s6, v10  }
0x105: {  	[tilespmem:v32+s19+$0x0] =	vst.idx.msk $0xffff, v28;
	v28 =	vld [tilespmem:s2+$0x2C0];
	v32 =	vadd.s32 s25, v10  }
0x106: {  	[tilespmem:v24+s19+$0x0] =	vst.idx.msk $0xffff, v20;
	v20 =	vld [tilespmem:s2+$0x2D0];
	v24 =	vadd.s32 s9, v10  }
0x107: {  	[tilespmem:v43+s19+$0x0] =	vst.idx.msk $0xffff, v17;
	v17 =	vld [tilespmem:s2+$0x2E0];
	v43 =	vadd.s32 s10, v10  }
0x108: {  	[tilespmem:v45+s19+$0x0] =	vst.idx.msk $0xffff, v44;
	v44 =	vld [tilespmem:s2+$0x2F0];
	v45 =	vadd.s32 s12, v10  }
0x109: {  	[tilespmem:v47+s19+$0x0] =	vst.idx.msk $0xffff, v46;
	v46 =	vld [tilespmem:s2+$0x320];
	v47 =	vadd.s32 s26, v12  }
0x10a: {  	[tilespmem:v32+s19+$0x0] =	vst.idx.msk $0xffff, v28;
	v28 =	vld [tilespmem:s2+$0x330];
	v32 =	vadd.s32 s6, v12  }
0x10b: {  	[tilespmem:v24+s19+$0x0] =	vst.idx.msk $0xffff, v20;
	v20 =	vld [tilespmem:s2+$0x340];
	v24 =	vadd.s32 s25, v12  }
0x10c: {  	[tilespmem:v43+s19+$0x0] =	vst.idx.msk $0xffff, v17;
	v17 =	vld [tilespmem:s2+$0x350];
	v43 =	vadd.s32 s9, v12  }
0x10d: {  	[tilespmem:v45+s19+$0x0] =	vst.idx.msk $0xffff, v44;
	v44 =	vld [tilespmem:s2+$0x360];
	v45 =	vadd.s32 s10, v12  }
0x10e: {  	[tilespmem:v47+s19+$0x0] =	vst.idx.msk $0xffff, v46;
	v46 =	vld [tilespmem:s2+$0x370];
	v47 =	vadd.s32 s12, v12  }
0x10f: {  	[tilespmem:v32+s19+$0x0] =	vst.idx.msk $0xffff, v28;
	v28 =	vld [tilespmem:s2+$0x3A0];
	v32 =	vadd.s32 s26, v16  }
0x110: {  	[tilespmem:v24+s19+$0x0] =	vst.idx.msk $0xffff, v20;
	v20 =	vld [tilespmem:s2+$0x3B0];
	v24 =	vadd.s32 s6, v16  }
0x111: {  	[tilespmem:v43+s19+$0x0] =	vst.idx.msk $0xffff, v17;
	v17 =	vld [tilespmem:s2+$0x3C0];
	v43 =	vadd.s32 s25, v16  }
0x112: {  	[tilespmem:v45+s19+$0x0] =	vst.idx.msk $0xffff, v44;
	v44 =	vld [tilespmem:s2+$0x3D0];
	v45 =	vadd.s32 s9, v16  }
0x113: {  	[tilespmem:v47+s19+$0x0] =	vst.idx.msk $0xffff, v46;
	v46 =	vld [tilespmem:s2+$0x3E0];
	v47 =	vadd.s32 s10, v16  }
0x114: {  	[tilespmem:v32+s19+$0x0] =	vst.idx.msk $0xffff, v28;
	v28 =	vld [tilespmem:s2+$0x3F0];
	v32 =	vadd.s32 s12, v16  }
0x115: {  	[tilespmem:v24+s19+$0x0] =	vst.idx.msk $0xffff, v20;
	v20 =	vld [tilespmem:s2+$0x1020];
	v24 =	vadd.s32 s26, v18  }
0x116: {  	[tilespmem:v43+s19+$0x0] =	vst.idx.msk $0xffff, v17;
	v17 =	vld [tilespmem:s2+$0x1030];
	v43 =	vadd.s32 s6, v18  }
0x117: {  	[tilespmem:v45+s19+$0x0] =	vst.idx.msk $0xffff, v44;
	v44 =	vld [tilespmem:s2+$0x1040];
	v45 =	vadd.s32 s25, v18  }
0x118: {  	[tilespmem:v47+s19+$0x0] =	vst.idx.msk $0xffff, v46;
	v46 =	vld [tilespmem:s2+$0x1050];
	v47 =	vadd.s32 s9, v18  }
0x119: {  	[tilespmem:v32+s19+$0x0] =	vst.idx.msk $0xffff, v28;
	v28 =	vld [tilespmem:s2+$0x1060];
	v32 =	vadd.s32 s10, v18  }
0x11a: {  	[tilespmem:v24+s19+$0x0] =	vst.idx.msk $0xffff, v20;
	v20 =	vld [tilespmem:s2+$0x1070];
	v24 =	vadd.s32 s12, v18  }
0x11b: {  	[tilespmem:v43+s19+$0x0] =	vst.idx.msk $0xffff, v17;
	v17 =	vld [tilespmem:s2+$0x10A0];
	v43 =	vadd.s32 s26, v23  }
0x11c: {  	[tilespmem:v45+s19+$0x0] =	vst.idx.msk $0xffff, v44;
	v44 =	vld [tilespmem:s2+$0x10B0];
	v45 =	vadd.s32 s6, v23  }
0x11d: {  	[tilespmem:v47+s19+$0x0] =	vst.idx.msk $0xffff, v46;
	v46 =	vld [tilespmem:s2+$0x10C0];
	v47 =	vadd.s32 s25, v23  }
0x11e: {  	[tilespmem:v32+s19+$0x0] =	vst.idx.msk $0xffff, v28;
	v28 =	vld [tilespmem:s2+$0x10D0];
	v32 =	vadd.s32 s9, v23  }
0x11f: {  	[tilespmem:v24+s19+$0x0] =	vst.idx.msk $0xffff, v20;
	v20 =	vld [tilespmem:s2+$0x10E0];
	v24 =	vadd.s32 s10, v23  }
0x120: {  	[tilespmem:v43+s19+$0x0] =	vst.idx.msk $0xffff, v17;
	v17 =	vld [tilespmem:s2+$0x10F0];
	v43 =	vadd.s32 s12, v23  }
0x121: {  	[tilespmem:v45+s19+$0x0] =	vst.idx.msk $0xffff, v44;
	v44 =	vld [tilespmem:s2+$0x1120];
	v45 =	vadd.s32 s26, v27  }
0x122: {  	[tilespmem:v47+s19+$0x0] =	vst.idx.msk $0xffff, v46;
	v46 =	vld [tilespmem:s2+$0x1130];
	v47 =	vadd.s32 s6, v27  }
0x123: {  	[tilespmem:v32+s19+$0x0] =	vst.idx.msk $0xffff, v28;
	v28 =	vld [tilespmem:s2+$0x1140];
	v32 =	vadd.s32 s25, v27  }
0x124: {  	[tilespmem:v24+s19+$0x0] =	vst.idx.msk $0xffff, v20;
	v20 =	vld [tilespmem:s2+$0x1150];
	v24 =	vadd.s32 s9, v27  }
0x125: {  	[tilespmem:v43+s19+$0x0] =	vst.idx.msk $0xffff, v17;
	v17 =	vld [tilespmem:s2+$0x1160];
	v43 =	vadd.s32 s10, v27  }
0x126: {  	[tilespmem:v45+s19+$0x0] =	vst.idx.msk $0xffff, v44;
	v44 =	vld [tilespmem:s2+$0x1170];
	v45 =	vadd.s32 s12, v27  }
0x127: {  	[tilespmem:v47+s19+$0x0] =	vst.idx.msk $0xffff, v46;
	v46 =	vld [tilespmem:s2+$0x11A0];
	v47 =	vadd.s32 s26, v30  }
0x128: {  	[tilespmem:v32+s19+$0x0] =	vst.idx.msk $0xffff, v28;
	v28 =	vld [tilespmem:s2+$0x11B0];
	v32 =	vadd.s32 s6, v30  }
0x129: {  	[tilespmem:v24+s19+$0x0] =	vst.idx.msk $0xffff, v20;
	v20 =	vld [tilespmem:s2+$0x11C0];
	v24 =	vadd.s32 s25, v30  }
0x12a: {  	[tilespmem:v43+s19+$0x0] =	vst.idx.msk $0xffff, v17;
	v17 =	vld [tilespmem:s2+$0x11D0];
	v43 =	vadd.s32 s9, v30  }
0x12b: {  	[tilespmem:v45+s19+$0x0] =	vst.idx.msk $0xffff, v44;
	v44 =	vld [tilespmem:s2+$0x11E0];
	v45 =	vadd.s32 s10, v30  }
0x12c: {  	[tilespmem:v47+s19+$0x0] =	vst.idx.msk $0xffff, v46;
	v46 =	vld [tilespmem:s2+$0x11F0];
	v47 =	vadd.s32 s12, v30  }
0x12d: {  	[tilespmem:v32+s19+$0x0] =	vst.idx.msk $0xffff, v28;
	v28 =	vld [tilespmem:s2+$0x1220];
	v32 =	vadd.s32 s26, v35  }
0x12e: {  	[tilespmem:v24+s19+$0x0] =	vst.idx.msk $0xffff, v20;
	v20 =	vld [tilespmem:s2+$0x1230];
	v24 =	vadd.s32 s6, v35  }
0x12f: {  	[tilespmem:v43+s19+$0x0] =	vst.idx.msk $0xffff, v17;
	v17 =	vld [tilespmem:s2+$0x1240];
	v43 =	vadd.s32 s25, v35  }
0x130: {  	[tilespmem:v45+s19+$0x0] =	vst.idx.msk $0xffff, v44;
	v44 =	vld [tilespmem:s2+$0x1250];
	v45 =	vadd.s32 s9, v35  }
0x131: {  	[tilespmem:v47+s19+$0x0] =	vst.idx.msk $0xffff, v46;
	v46 =	vld [tilespmem:s2+$0x1260];
	v47 =	vadd.s32 s10, v35  }
0x132: {  	[tilespmem:v32+s19+$0x0] =	vst.idx.msk $0xffff, v28;
	v28 =	vld [tilespmem:s2+$0x1270];
	v32 =	vadd.s32 s12, v35  }
0x133: {  	[tilespmem:v24+s19+$0x0] =	vst.idx.msk $0xffff, v20;
	v20 =	vld [tilespmem:s2+$0x12A0];
	v24 =	vadd.s32 s26, v37  }
0x134: {  	[tilespmem:v43+s19+$0x0] =	vst.idx.msk $0xffff, v17;
	v17 =	vld [tilespmem:s2+$0x12B0];
	v43 =	vadd.s32 s6, v37  }
0x135: {  	[tilespmem:v45+s19+$0x0] =	vst.idx.msk $0xffff, v44;
	v44 =	vld [tilespmem:s2+$0x12C0];
	v45 =	vadd.s32 s25, v37  }
0x136: {  	[tilespmem:v47+s19+$0x0] =	vst.idx.msk $0xffff, v46;
	v46 =	vld [tilespmem:s2+$0x12D0];
	v47 =	vadd.s32 s9, v37  }
0x137: {  	[tilespmem:v32+s19+$0x0] =	vst.idx.msk $0xffff, v28;
	v28 =	vld [tilespmem:s2+$0x12E0];
	v32 =	vadd.s32 s10, v37  }
0x138: {  	[tilespmem:v24+s19+$0x0] =	vst.idx.msk $0xffff, v20;
	v20 =	vld [tilespmem:s2+$0x12F0];
	v24 =	vadd.s32 s12, v37  }
0x139: {  	[tilespmem:v43+s19+$0x0] =	vst.idx.msk $0xffff, v17;
	v17 =	vld [tilespmem:s2+$0x1320];
	v43 =	vadd.s32 s26, v58  }
0x13a: {  	[tilespmem:v45+s19+$0x0] =	vst.idx.msk $0xffff, v44;
	v44 =	vld [tilespmem:s2+$0x1330];
	v45 =	vadd.s32 s6, v58  }
0x13b: {  	[tilespmem:v47+s19+$0x0] =	vst.idx.msk $0xffff, v46;
	v46 =	vld [tilespmem:s2+$0x1340];
	v47 =	vadd.s32 s25, v58  }
0x13c: {  	[tilespmem:v32+s19+$0x0] =	vst.idx.msk $0xffff, v28;
	v28 =	vld [tilespmem:s2+$0x1350];
	v32 =	vadd.s32 s9, v58  }
0x13d: {  	[tilespmem:v24+s19+$0x0] =	vst.idx.msk $0xffff, v20;
	v20 =	vld [tilespmem:s2+$0x1360];
	v24 =	vadd.s32 s10, v58  }
0x13e: {  	[tilespmem:v43+s19+$0x0] =	vst.idx.msk $0xffff, v17;
	v17 =	vld [tilespmem:s2+$0x1370];
	v43 =	vadd.s32 s12, v58  }
0x13f: {  	[tilespmem:v45+s19+$0x0] =	vst.idx.msk $0xffff, v44;
	v44 =	vld [tilespmem:s2+$0x13A0];
	v45 =	vadd.s32 s26, v60  }
0x140: {  	[tilespmem:v47+s19+$0x0] =	vst.idx.msk $0xffff, v46;
	v46 =	vld [tilespmem:s2+$0x13B0];
	v47 =	vadd.s32 s6, v60  }
0x141: {  	[tilespmem:v32+s19+$0x0] =	vst.idx.msk $0xffff, v28;
	v28 =	vld [tilespmem:s2+$0x13C0];
	v32 =	vadd.s32 s25, v60  }
0x142: {  	[tilespmem:v24+s19+$0x0] =	vst.idx.msk $0xffff, v20;
	v20 =	vld [tilespmem:s2+$0x13D0];
	v24 =	vadd.s32 s9, v60  }
0x143: {  	[tilespmem:v43+s19+$0x0] =	vst.idx.msk $0xffff, v17;
	v17 =	vld [tilespmem:s2+$0x13E0];
	v43 =	vadd.s32 s10, v60  }
0x144: {  	[tilespmem:v45+s19+$0x0] =	vst.idx.msk $0xffff, v44;
	v44 =	vld [tilespmem:s2+$0x13F0];
	v45 =	vadd.s32 s12, v60  }
0x145: {  	[tilespmem:v47+s19+$0x0] =	vst.idx.msk $0xffff, v46;
	v46 =	vld [tilespmem:s2+$0x2020];
	v47 =	vadd.s32 s26, v62  }
0x146: {  	[tilespmem:v32+s19+$0x0] =	vst.idx.msk $0xffff, v28;
	v28 =	vld [tilespmem:s2+$0x2030];
	v32 =	vadd.s32 s6, v62  }
0x147: {  	[tilespmem:v24+s19+$0x0] =	vst.idx.msk $0xffff, v20;
	v20 =	vld [tilespmem:s2+$0x2040];
	v24 =	vadd.s32 s25, v62  }
0x148: {  	[tilespmem:v43+s19+$0x0] =	vst.idx.msk $0xffff, v17;
	v17 =	vld [tilespmem:s2+$0x2050];
	v43 =	vadd.s32 s9, v62  }
0x149: {  	[tilespmem:v45+s19+$0x0] =	vst.idx.msk $0xffff, v44;
	v44 =	vld [tilespmem:s2+$0x2060];
	v45 =	vadd.s32 s10, v62  }
0x14a: {  	[tilespmem:v47+s19+$0x0] =	vst.idx.msk $0xffff, v46;
	v46 =	vld [tilespmem:s2+$0x2070];
	v47 =	vadd.s32 s12, v62  }
0x14b: {  	[tilespmem:v32+s19+$0x0] =	vst.idx.msk $0xffff, v28;
	v28 =	vld [tilespmem:s2+$0x20A0];
	v32 =	vadd.s32 s26, v13  }
0x14c: {  	[tilespmem:v24+s19+$0x0] =	vst.idx.msk $0xffff, v20;
	v20 =	vld [tilespmem:s2+$0x20B0];
	v24 =	vadd.s32 s6, v13  }
0x14d: {  	[tilespmem:v43+s19+$0x0] =	vst.idx.msk $0xffff, v17;
	v17 =	vld [tilespmem:s2+$0x20C0];
	v43 =	vadd.s32 s25, v13  }
0x14e: {  	[tilespmem:v45+s19+$0x0] =	vst.idx.msk $0xffff, v44;
	v44 =	vld [tilespmem:s2+$0x20D0];
	v45 =	vadd.s32 s9, v13  }
0x14f: {  	[tilespmem:v47+s19+$0x0] =	vst.idx.msk $0xffff, v46;
	v46 =	vld [tilespmem:s2+$0x20E0];
	v47 =	vadd.s32 s10, v13  }
0x150: {  	[tilespmem:v32+s19+$0x0] =	vst.idx.msk $0xffff, v28;
	v28 =	vld [tilespmem:s2+$0x20F0];
	v32 =	vadd.s32 s12, v13  }
0x151: {  	[tilespmem:v24+s19+$0x0] =	vst.idx.msk $0xffff, v20;
	v20 =	vld [tilespmem:s2+$0x2120];
	v24 =	vadd.s32 s26, v19  }
0x152: {  	[tilespmem:v43+s19+$0x0] =	vst.idx.msk $0xffff, v17;
	v17 =	vld [tilespmem:s2+$0x2130];
	v43 =	vadd.s32 s6, v19  }
0x153: {  	[tilespmem:v45+s19+$0x0] =	vst.idx.msk $0xffff, v44;
	v44 =	vld [tilespmem:s2+$0x2140];
	v45 =	vadd.s32 s25, v19  }
0x154: {  	[tilespmem:v47+s19+$0x0] =	vst.idx.msk $0xffff, v46;
	v46 =	vld [tilespmem:s2+$0x2150];
	v47 =	vadd.s32 s9, v19  }
0x155: {  	[tilespmem:v32+s19+$0x0] =	vst.idx.msk $0xffff, v28;
	v28 =	vld [tilespmem:s2+$0x2160];
	v32 =	vadd.s32 s10, v19  }
0x156: {  	[tilespmem:v24+s19+$0x0] =	vst.idx.msk $0xffff, v20;
	v20 =	vld [tilespmem:s2+$0x2170];
	v24 =	vadd.s32 s12, v19  }
0x157: {  	[tilespmem:v43+s19+$0x0] =	vst.idx.msk $0xffff, v17;
	v17 =	vld [tilespmem:s2+$0x21A0];
	v43 =	vadd.s32 s26, v22  }
0x158: {  	[tilespmem:v45+s19+$0x0] =	vst.idx.msk $0xffff, v44;
	v44 =	vld [tilespmem:s2+$0x21B0];
	v45 =	vadd.s32 s6, v22  }
0x159: {  	[tilespmem:v47+s19+$0x0] =	vst.idx.msk $0xffff, v46;
	v46 =	vld [tilespmem:s2+$0x21C0];
	v47 =	vadd.s32 s25, v22  }
0x15a: {  	[tilespmem:v32+s19+$0x0] =	vst.idx.msk $0xffff, v28;
	v28 =	vld [tilespmem:s2+$0x21D0];
	v32 =	vadd.s32 s9, v22  }
0x15b: {  	[tilespmem:v24+s19+$0x0] =	vst.idx.msk $0xffff, v20;
	v20 =	vld [tilespmem:s2+$0x21E0];
	v24 =	vadd.s32 s10, v22  }
0x15c: {  	[tilespmem:v43+s19+$0x0] =	vst.idx.msk $0xffff, v17;
	v17 =	vld [tilespmem:s2+$0x21F0];
	v43 =	vadd.s32 s12, v22  }
0x15d: {  	[tilespmem:v45+s19+$0x0] =	vst.idx.msk $0xffff, v44;
	v44 =	vld [tilespmem:s2+$0x2220];
	v45 =	vadd.s32 s26, v26  }
0x15e: {  	[tilespmem:v47+s19+$0x0] =	vst.idx.msk $0xffff, v46;
	v46 =	vld [tilespmem:s2+$0x2230];
	v47 =	vadd.s32 s6, v26  }
0x15f: {  	[tilespmem:v32+s19+$0x0] =	vst.idx.msk $0xffff, v28;
	v28 =	vld [tilespmem:s2+$0x2240];
	v32 =	vadd.s32 s25, v26  }
0x160: {  	[tilespmem:v24+s19+$0x0] =	vst.idx.msk $0xffff, v20;
	v20 =	vld [tilespmem:s2+$0x2250];
	v24 =	vadd.s32 s9, v26  }
0x161: {  	[tilespmem:v43+s19+$0x0] =	vst.idx.msk $0xffff, v17;
	v17 =	vld [tilespmem:s2+$0x2260];
	v43 =	vadd.s32 s10, v26  }
0x162: {  	[tilespmem:v45+s19+$0x0] =	vst.idx.msk $0xffff, v44;
	v44 =	vld [tilespmem:s2+$0x2270];
	v45 =	vadd.s32 s12, v26  }
0x163: {  	[tilespmem:v47+s19+$0x0] =	vst.idx.msk $0xffff, v46;
	v46 =	vld [tilespmem:s2+$0x22A0];
	v47 =	vadd.s32 s26, v31  }
0x164: {  	[tilespmem:v32+s19+$0x0] =	vst.idx.msk $0xffff, v28;
	v28 =	vld [tilespmem:s2+$0x22B0];
	v32 =	vadd.s32 s6, v31  }
0x165: {  	[tilespmem:v24+s19+$0x0] =	vst.idx.msk $0xffff, v20;
	v20 =	vld [tilespmem:s2+$0x22C0];
	v24 =	vadd.s32 s25, v31  }
0x166: {  	[tilespmem:v43+s19+$0x0] =	vst.idx.msk $0xffff, v17;
	v17 =	vld [tilespmem:s2+$0x22D0];
	v43 =	vadd.s32 s9, v31  }
0x167: {  	[tilespmem:v45+s19+$0x0] =	vst.idx.msk $0xffff, v44;
	v44 =	vld [tilespmem:s2+$0x22E0];
	v45 =	vadd.s32 s10, v31  }
0x168: {  	[tilespmem:v47+s19+$0x0] =	vst.idx.msk $0xffff, v46;
	v46 =	vld [tilespmem:s2+$0x22F0];
	v47 =	vadd.s32 s12, v31  }
0x169: {  	[tilespmem:v32+s19+$0x0] =	vst.idx.msk $0xffff, v28;
	v28 =	vld [tilespmem:s2+$0x2320];
	v32 =	vadd.s32 s26, v34  }
0x16a: {  	[tilespmem:v24+s19+$0x0] =	vst.idx.msk $0xffff, v20;
	v20 =	vld [tilespmem:s2+$0x2330];
	v24 =	vadd.s32 s6, v34  }
0x16b: {  	[tilespmem:v43+s19+$0x0] =	vst.idx.msk $0xffff, v17;
	v17 =	vld [tilespmem:s2+$0x2340];
	v43 =	vadd.s32 s25, v34  }
0x16c: {  	[tilespmem:v45+s19+$0x0] =	vst.idx.msk $0xffff, v44;
	v44 =	vld [tilespmem:s2+$0x2350];
	v45 =	vadd.s32 s9, v34  }
0x16d: {  	[tilespmem:v47+s19+$0x0] =	vst.idx.msk $0xffff, v46;
	v46 =	vld [tilespmem:s2+$0x2360];
	v47 =	vadd.s32 s10, v34  }
0x16e: {  	[tilespmem:v32+s19+$0x0] =	vst.idx.msk $0xffff, v28;
	v28 =	vld [tilespmem:s2+$0x2370];
	v32 =	vadd.s32 s12, v34  }
0x16f: {  	[tilespmem:v24+s19+$0x0] =	vst.idx.msk $0xffff, v20;
	v20 =	vld [tilespmem:s2+$0x23A0];
	v24 =	vadd.s32 s26, v48  }
0x170: {  	[tilespmem:v43+s19+$0x0] =	vst.idx.msk $0xffff, v17;
	v17 =	vld [tilespmem:s2+$0x23B0];
	v43 =	vadd.s32 s6, v48  }
0x171: {  	[tilespmem:v45+s19+$0x0] =	vst.idx.msk $0xffff, v44;
	v44 =	vld [tilespmem:s2+$0x23C0];
	v45 =	vadd.s32 s25, v48  }
0x172: {  	[tilespmem:v47+s19+$0x0] =	vst.idx.msk $0xffff, v46;
	v46 =	vld [tilespmem:s2+$0x23D0];
	v47 =	vadd.s32 s9, v48  }
0x173: {  	[tilespmem:v32+s19+$0x0] =	vst.idx.msk $0xffff, v28;
	v28 =	vld [tilespmem:s2+$0x23E0];
	v32 =	vadd.s32 s10, v48  }
0x174: {  	[tilespmem:v24+s19+$0x0] =	vst.idx.msk $0xffff, v20;
	v20 =	vld [tilespmem:s2+$0x23F0];
	v24 =	vadd.s32 s12, v48  }
0x175: {  	[tilespmem:v43+s19+$0x0] =	vst.idx.msk $0xffff, v17;
	v17 =	vld [tilespmem:s2+$0x3020];
	v43 =	vadd.s32 s26, v50  }
0x176: {  	[tilespmem:v45+s19+$0x0] =	vst.idx.msk $0xffff, v44;
	v44 =	vld [tilespmem:s2+$0x3030];
	v45 =	vadd.s32 s6, v50  }
0x177: {  	[tilespmem:v47+s19+$0x0] =	vst.idx.msk $0xffff, v46;
	v46 =	vld [tilespmem:s2+$0x3040];
	v47 =	vadd.s32 s25, v50  }
0x178: {  	[tilespmem:v32+s19+$0x0] =	vst.idx.msk $0xffff, v28;
	v28 =	vld [tilespmem:s2+$0x3050];
	v32 =	vadd.s32 s9, v50  }
0x179: {  	[tilespmem:v24+s19+$0x0] =	vst.idx.msk $0xffff, v20;
	v20 =	vld [tilespmem:s2+$0x3060];
	v24 =	vadd.s32 s10, v50  }
0x17a: {  	[tilespmem:v43+s19+$0x0] =	vst.idx.msk $0xffff, v17;
	v17 =	vld [tilespmem:s2+$0x3070];
	v43 =	vadd.s32 s12, v50  }
0x17b: {  	[tilespmem:v45+s19+$0x0] =	vst.idx.msk $0xffff, v44;
	v44 =	vld [tilespmem:s2+$0x30A0];
	v45 =	vadd.s32 s26, v54  }
0x17c: {  	[tilespmem:v47+s19+$0x0] =	vst.idx.msk $0xffff, v46;
	v46 =	vld [tilespmem:s2+$0x30B0];
	v47 =	vadd.s32 s6, v54  }
0x17d: {  	[tilespmem:v32+s19+$0x0] =	vst.idx.msk $0xffff, v28;
	v28 =	vld [tilespmem:s2+$0x30C0];
	v32 =	vadd.s32 s25, v54  }
0x17e: {  	[tilespmem:v24+s19+$0x0] =	vst.idx.msk $0xffff, v20;
	v20 =	vld [tilespmem:s2+$0x30D0];
	v24 =	vadd.s32 s9, v54  }
0x17f: {  	[tilespmem:v43+s19+$0x0] =	vst.idx.msk $0xffff, v17;
	v17 =	vld [tilespmem:s2+$0x30E0];
	v43 =	vadd.s32 s10, v54  }
0x180: {  	[tilespmem:v45+s19+$0x0] =	vst.idx.msk $0xffff, v44;
	v44 =	vld [tilespmem:s2+$0x30F0];
	v45 =	vadd.s32 s12, v54  }
0x181: {  	[tilespmem:v47+s19+$0x0] =	vst.idx.msk $0xffff, v46;
	v46 =	vld [tilespmem:s2+$0x3120];
	v47 =	vadd.s32 s26, v56  }
0x182: {  	[tilespmem:v32+s19+$0x0] =	vst.idx.msk $0xffff, v28;
	v28 =	vld [tilespmem:s2+$0x3130];
	v32 =	vadd.s32 s6, v56  }
0x183: {  	[tilespmem:v24+s19+$0x0] =	vst.idx.msk $0xffff, v20;
	v20 =	vld [tilespmem:s2+$0x3140];
	v24 =	vadd.s32 s25, v56  }
0x184: {  	[tilespmem:v43+s19+$0x0] =	vst.idx.msk $0xffff, v17;
	v17 =	vld [tilespmem:s2+$0x3150];
	v43 =	vadd.s32 s9, v56  }
0x185: {  	[tilespmem:v45+s19+$0x0] =	vst.idx.msk $0xffff, v44;
	v44 =	vld [tilespmem:s2+$0x3160];
	v45 =	vadd.s32 s10, v56  }
0x186: {  	[tilespmem:v47+s19+$0x0] =	vst.idx.msk $0xffff, v46;
	v46 =	vld [tilespmem:s2+$0x3170];
	v47 =	vadd.s32 s12, v56  }
0x187: {  	[tilespmem:v32+s19+$0x0] =	vst.idx.msk $0xffff, v28;
	v28 =	vld [tilespmem:s2+$0x31A0];
	v32 =	vadd.s32 s26, v1  }
0x188: {  	[tilespmem:v24+s19+$0x0] =	vst.idx.msk $0xffff, v20;
	v20 =	vld [tilespmem:s2+$0x31B0];
	v24 =	vadd.s32 s6, v1  }
0x189: {  	[tilespmem:v43+s19+$0x0] =	vst.idx.msk $0xffff, v17;
	v17 =	vld [tilespmem:s2+$0x31C0];
	v43 =	vadd.s32 s25, v1  }
0x18a: {  	[tilespmem:v45+s19+$0x0] =	vst.idx.msk $0xffff, v44;
	v44 =	vld [tilespmem:s2+$0x31D0];
	v45 =	vadd.s32 s9, v1  }
0x18b: {  	[tilespmem:v47+s19+$0x0] =	vst.idx.msk $0xffff, v46;
	v46 =	vld [tilespmem:s2+$0x31E0];
	v47 =	vadd.s32 s10, v1  }
0x18c: {  	[tilespmem:v32+s19+$0x0] =	vst.idx.msk $0xffff, v28;
	v28 =	vld [tilespmem:s2+$0x31F0];
	v32 =	vadd.s32 s12, v1  }
0x18d: {  	[tilespmem:v24+s19+$0x0] =	vst.idx.msk $0xffff, v20;
	v20 =	vld [tilespmem:s2+$0x3220];
	v24 =	vadd.s32 s26, v5  }
0x18e: {  	[tilespmem:v43+s19+$0x0] =	vst.idx.msk $0xffff, v17;
	v17 =	vld [tilespmem:s2+$0x3230];
	v43 =	vadd.s32 s6, v5  }
0x18f: {  	[tilespmem:v45+s19+$0x0] =	vst.idx.msk $0xffff, v44;
	v44 =	vld [tilespmem:s2+$0x3240];
	v45 =	vadd.s32 s25, v5  }
0x190: {  	[tilespmem:v47+s19+$0x0] =	vst.idx.msk $0xffff, v46;
	v46 =	vld [tilespmem:s2+$0x3250];
	v47 =	vadd.s32 s9, v5  }
0x191: {  	[tilespmem:v32+s19+$0x0] =	vst.idx.msk $0xffff, v28;
	v28 =	vld [tilespmem:s2+$0x3260];
	v32 =	vadd.s32 s10, v5  }
0x192: {  	[tilespmem:v24+s19+$0x0] =	vst.idx.msk $0xffff, v20;
	v20 =	vld [tilespmem:s2+$0x3270];
	v24 =	vadd.s32 s12, v5  }
0x193: {  	[tilespmem:v43+s19+$0x0] =	vst.idx.msk $0xffff, v17;
	v17 =	vld [tilespmem:s2+$0x32A0];
	v43 =	vadd.s32 s26, v9  }
0x194: {  	[tilespmem:v45+s19+$0x0] =	vst.idx.msk $0xffff, v44;
	v44 =	vld [tilespmem:s2+$0x32B0];
	v45 =	vadd.s32 s6, v9  }
0x195: {  	[tilespmem:v47+s19+$0x0] =	vst.idx.msk $0xffff, v46;
	v46 =	vld [tilespmem:s2+$0x32C0];
	v47 =	vadd.s32 s25, v9  }
0x196: {  	[tilespmem:v32+s19+$0x0] =	vst.idx.msk $0xffff, v28;
	v28 =	vld [tilespmem:s2+$0x32D0];
	v32 =	vadd.s32 s9, v9  }
0x197: {  	[tilespmem:v24+s19+$0x0] =	vst.idx.msk $0xffff, v20;
	v20 =	vld [tilespmem:s2+$0x32E0];
	v24 =	vadd.s32 s10, v9  }
0x198: {  	[tilespmem:v43+s19+$0x0] =	vst.idx.msk $0xffff, v17;
	v17 =	vld [tilespmem:s2+$0x32F0];
	v43 =	vadd.s32 s12, v9  }
0x199: {  	[tilespmem:v45+s19+$0x0] =	vst.idx.msk $0xffff, v44;
	v44 =	vld [tilespmem:s2+$0x3320];
	v45 =	vadd.s32 s26, v40  }
0x19a: {  	[tilespmem:v47+s19+$0x0] =	vst.idx.msk $0xffff, v46;
	v46 =	vld [tilespmem:s2+$0x3330];
	v47 =	vadd.s32 s6, v40  }
0x19b: {  	[tilespmem:v32+s19+$0x0] =	vst.idx.msk $0xffff, v28;
	v28 =	vld [tilespmem:s2+$0x3340];
	v32 =	vadd.s32 s25, v40  }
0x19c: {  	[tilespmem:v24+s19+$0x0] =	vst.idx.msk $0xffff, v20;
	v20 =	vld [tilespmem:s2+$0x3350];
	v24 =	vadd.s32 s9, v40  }
0x19d: {  	[tilespmem:v43+s19+$0x0] =	vst.idx.msk $0xffff, v17;
	v17 =	vld [tilespmem:s2+$0x3360];
	v43 =	vadd.s32 s10, v40  }
0x19e: {  	[tilespmem:v45+s19+$0x0] =	vst.idx.msk $0xffff, v44;
	v44 =	vld [tilespmem:s2+$0x3370];
	v45 =	vadd.s32 s12, v40  }
0x19f: {  	[tilespmem:v47+s19+$0x0] =	vst.idx.msk $0xffff, v46;
	v46 =	vadd.s32 s26, v14;
	v47 =	vld [tilespmem:s2+$0x33A0]  }
0x1a0: {  	[tilespmem:v32+s19+$0x0] =	vst.idx.msk $0xffff, v28  }
0x1a1: {  	v28 =	vadd.s32 s6, v14;
	v32 =	vld [tilespmem:s2+$0x33B0];
	[tilespmem:v24+s19+$0x0] =	vst.idx.msk $0xffff, v20  }
0x1a2: {  	v20 =	vadd.s32 s25, v14;
	v24 =	vld [tilespmem:s2+$0x33C0];
	[tilespmem:v43+s19+$0x0] =	vst.idx.msk $0xffff, v17  }
0x1a3: {  	v17 =	vadd.s32 s9, v14;
	v43 =	vld [tilespmem:s2+$0x33D0];
	[tilespmem:v45+s19+$0x0] =	vst.idx.msk $0xffff, v44  }
0x1a4: {  	[tilespmem:v46+s19+$0x0] =	vst.idx.msk $0xffff, v47;
	v46 =	vld [tilespmem:s2+$0x33F0];
	v47 =	vadd.s32 s12, v14  }
0x1a5: {  	p1 =	slt.u32 s31, $0x18;
	v44 =	vld [tilespmem:s2+$0x33E0];
	v45 =	vadd.s32 s10, v14  }
.Ltmp0:
0x1a6: {  	[tilespmem:v28+s19+$0x0] =	vst.idx.msk $0xffff, v32;
	(pc) =	sbr.rel @p1 .LBB2_3-.Ltmp0, $4  }
0x1a7: {  	[tilespmem:v20+s19+$0x0] =	vst.idx.msk $0xffff, v24  }
0x1a8: {  	[tilespmem:v17+s19+$0x0] =	vst.idx.msk $0xffff, v43  }
0x1a9: {  	s28 =	sadd.s32 $0x8, s31;
	s16 =	simm.s32 $0xC300;
	[tilespmem:v47+s19+$0x0] =	vst.idx.msk $0xffff, v46;
	v47 =	vld [tilespmem:$0x1FFF0]  }
0x1aa: {  	s31 =	smov.u32 s28;
	s6 =	simm.s32 $0x1E0;
	s12 =	simm.s32 $0x8108;
	[tilespmem:v45+s19+$0x0] =	vst.idx.msk $0xffff, v44;
	v46 =	vld [tilespmem:$0x1FFE0]  }
0x1ab: {  	[tilespmem:$0x1FD10] =	vst v15  }
0x1ac: {  	[tilespmem:$0x1FD20] =	vst v63  }
0x1ad: {  	[tilespmem:$0x1FD30] =	vst v61  }
0x1ae: {  	v17 =	vld [tilespmem:s12+$0x84]  }
0x1af: {  	v20 =	vld [tilespmem:s12+$0xFFFFFF7C];
	_ =	sdelay $0x2  }
0x1b0: {  	v24 =	vld [tilespmem:s12+$0x0]  }
0x1b1: {  	v28 =	vld [tilespmem:s12+$0xFFFFFEF8];
	[tilespmem:s16+$0x80] =	vst v17  }
0x1b2: {  	[tilespmem:s16+$0xFFFFFF80] =	vst v20;
	v17 =	vld [tilespmem:s12+$0x94]  }
0x1b3: {  	v20 =	vld [tilespmem:s12+$0xFFFFFF8C];
	_ =	sdelay $0x1  }
0x1b4: {  	[tilespmem:s16+$0x0] =	vst v24  }
0x1b5: {  	[tilespmem:s16+$0xFFFFFF00] =	vst v28;
	v24 =	vld [tilespmem:s12+$0x10]  }
0x1b6: {  	v28 =	vld [tilespmem:s12+$0xFFFFFF08];
	[tilespmem:s16+$0x90] =	vst v17  }
0x1b7: {  	[tilespmem:s16+$0xFFFFFF90] =	vst v20;
	v17 =	vld [tilespmem:s12+$0xA5]  }
0x1b8: {  	v20 =	vld [tilespmem:s12+$0xFFFFFF9D];
	_ =	sdelay $0x1  }
0x1b9: {  	[tilespmem:s16+$0x10] =	vst v24  }
0x1ba: {  	[tilespmem:s16+$0xFFFFFF10] =	vst v28;
	v24 =	vld [tilespmem:s12+$0x21]  }
0x1bb: {  	v28 =	vld [tilespmem:s12+$0xFFFFFF19];
	[tilespmem:s16+$0xA0] =	vst v17  }
0x1bc: {  	[tilespmem:s16+$0xFFFFFFA0] =	vst v20;
	v17 =	vld [tilespmem:s12+$0xB5]  }
0x1bd: {  	v20 =	vld [tilespmem:s12+$0xFFFFFFAD];
	_ =	sdelay $0x1  }
0x1be: {  	s0 =	simm.s32 $0x1A0;
	[tilespmem:s16+$0x20] =	vst v24  }
0x1bf: {  	s2 =	simm.s32 $0xA0;
	s0 =	sor.u32 $0x30, s0;
	[tilespmem:s16+$0xFFFFFF20] =	vst v28;
	v24 =	vld [tilespmem:s12+$0x31]  }
0x1c0: {  	s2 =	sor.u32 $0x30, s2;
	v28 =	vld [tilespmem:s12+$0xFFFFFF29];
	[tilespmem:s0+$0xC200] =	vst v17  }
0x1c1: {  	[tilespmem:s2+$0xC200] =	vst v20;
	v17 =	vld [tilespmem:s12+$0xC6]  }
0x1c2: {  	s15 =	simm.s32 $0x120;
	v20 =	vld [tilespmem:s12+$0xFFFFFFBE]  }
0x1c3: {  	s17 =	simm.s32 $0x20;
	s0 =	sor.u32 $0x30, s15  }
0x1c4: {  	s2 =	sor.u32 $0x30, s17;
	[tilespmem:s0+$0xC200] =	vst v24  }
0x1c5: {  	[tilespmem:s2+$0xC200] =	vst v28;
	v24 =	vld [tilespmem:s12+$0x42]  }
0x1c6: {  	v28 =	vld [tilespmem:s12+$0xFFFFFF3A];
	[tilespmem:s16+$0xC0] =	vst v17  }
0x1c7: {  	[tilespmem:s16+$0xFFFFFFC0] =	vst v20;
	v17 =	vld [tilespmem:s12+$0xD6]  }
0x1c8: {  	s0 =	simm.s32 $0x8318;
	v20 =	vld [tilespmem:s12+$0xFFFFFFCE]  }
0x1c9: {  	v32 =	vld [tilespmem:s0+$0x84]  }
0x1ca: {  	s23 =	simm.s32 $0x1C0;
	[tilespmem:s16+$0x40] =	vst v24;
	v24 =	vld [tilespmem:s0+$0xFFFFFF7C]  }
0x1cb: {  	s9 =	simm.s32 $0xC0;
	s2 =	sor.u32 $0x50, s23;
	[tilespmem:s16+$0xFFFFFF40] =	vst v28;
	v28 =	vld [tilespmem:s0+$0x0]  }
0x1cc: {  	s9 =	sor.u32 $0x50, s9;
	v43 =	vld [tilespmem:s0+$0xFFFFFEF8];
	[tilespmem:s2+$0xC200] =	vst v17  }
0x1cd: {  	[tilespmem:s9+$0xC200] =	vst v20;
	s2 =	simm.s32 $0xC500;
	v20 =	vld [tilespmem:s12+$0xFFFFFF4A]  }
0x1ce: {  	v17 =	vld [tilespmem:s12+$0xE7];
	[tilespmem:s2+$0x80] =	vst v32  }
0x1cf: {  	[tilespmem:s2+$0xFFFFFF80] =	vst v24;
	v24 =	vld [tilespmem:s0+$0x94]  }
0x1d0: {  	v61 =	vmov v53;
	s24 =	simm.s32 $0x40;
	[tilespmem:s2+$0x0] =	vst v28;
	v53 =	vld [tilespmem:s0+$0xFFFFFF8C]  }
0x1d1: {  	s9 =	sor.u32 $0x50, s24;
	[tilespmem:s2+$0xFFFFFF00] =	vst v43;
	v28 =	vld [tilespmem:s0+$0x10]  }
0x1d2: {  	v43 =	vld [tilespmem:s0+$0xFFFFFF08];
	[tilespmem:s9+$0xC200] =	vst v20  }
0x1d3: {  	v20 =	vld [tilespmem:s12+$0x52];
	[tilespmem:s16+$0xE0] =	vst v17  }
0x1d4: {  	v17 =	vld [tilespmem:s12+$0xF7];
	[tilespmem:s2+$0x90] =	vst v24  }
0x1d5: {  	[tilespmem:s2+$0xFFFFFF90] =	vst v53;
	v24 =	vld [tilespmem:s0+$0xA5]  }
0x1d6: {  	s25 =	simm.s32 $0x140;
	[tilespmem:s2+$0x10] =	vst v28;
	v32 =	vld [tilespmem:s0+$0xFFFFFF9D]  }
0x1d7: {  	s9 =	sor.u32 $0x50, s25;
	[tilespmem:s2+$0xFFFFFF10] =	vst v43;
	v28 =	vld [tilespmem:s0+$0x21]  }
0x1d8: {  	s6 =	sor.u32 $0x70, s6;
	v43 =	vld [tilespmem:s0+$0xFFFFFF19];
	[tilespmem:s9+$0xC200] =	vst v20  }
0x1d9: {  	v20 =	vld [tilespmem:s12+$0xFFFFFFDF];
	[tilespmem:s6+$0xC200] =	vst v17  }
0x1da: {  	v17 =	vld [tilespmem:s12+$0xFFFFFF5B];
	[tilespmem:s2+$0xA0] =	vst v24  }
0x1db: {  	[tilespmem:s2+$0xFFFFFFA0] =	vst v32;
	v24 =	vld [tilespmem:s0+$0xB5]  }
0x1dc: {  	[tilespmem:s2+$0x20] =	vst v28;
	v32 =	vld [tilespmem:s0+$0xFFFFFFAD]  }
0x1dd: {  	[tilespmem:s2+$0xFFFFFF20] =	vst v43;
	v28 =	vld [tilespmem:s0+$0x31]  }
0x1de: {  	s26 =	simm.s32 $0x3A0;
	v43 =	vld [tilespmem:s0+$0xFFFFFF29];
	[tilespmem:s16+$0xFFFFFFE0] =	vst v20  }
0x1df: {  	s3 =	simm.s32 $0x2A0;
	s6 =	sor.u32 $0x30, s26;
	[tilespmem:s16+$0xFFFFFF60] =	vst v17;
	v17 =	vld [tilespmem:s12+$0x63]  }
0x1e0: {  	s10 =	simm.s32 $0x60;
	s17 =	simm.s32 $0x320;
	s9 =	sor.u32 $0x30, s3;
	v20 =	vld [tilespmem:s12+$0xFFFFFF6B];
	[tilespmem:s6+$0xC200] =	vst v24  }
0x1e1: {  	s23 =	sor.u32 $0x70, s10;
	s10 =	simm.s32 $0x220;
	s15 =	sor.u32 $0x30, s17;
	[tilespmem:s9+$0xC200] =	vst v32;
	v24 =	vld [tilespmem:s0+$0xC6]  }
0x1e2: {  	s31 =	simm.s32 $0xC500;
	s17 =	simm.s32 $0xE0;
	s24 =	sor.u32 $0x30, s10;
	[tilespmem:s15+$0xC200] =	vst v28;
	v32 =	vld [tilespmem:s0+$0xFFFFFFBE]  }
0x1e3: {  	s10 =	simm.s32 $0x3E0;
	s25 =	simm.s32 $0x160;
	s3 =	simm.s32 $0x2C0;
	[tilespmem:s24+$0xC200] =	vst v43;
	v28 =	vld [tilespmem:s0+$0x42]  }
0x1e4: {  	s26 =	simm.s32 $0x240;
	s9 =	sor.u32 $0x70, s17;
	s6 =	sor.u32 $0x70, s25;
	v44 =	vld [tilespmem:s0+$0xFFFFFF3A];
	[tilespmem:s16+$0x60] =	vst v17  }
0x1e5: {  	s25 =	simm.s32 $0x10;
	s24 =	sor.u32 $0x50, s26;
	s15 =	simm.s32 $0x340;
	v43 =	vld [tilespmem:s12+$0xFFFFFFEF];
	[tilespmem:s23+$0xC200] =	vst v20  }
0x1e6: {  	s26 =	simm.s32 $0x260;
	s17 =	sor.u32 $0x50, s15;
	s15 =	simm.s32 $0x360;
	v17 =	vld [tilespmem:s12+$0x73];
	[tilespmem:s2+$0xC0] =	vst v24  }
0x1e7: {  	s16 =	simm.s32 $0x8528;
	s23 =	sor.u32 $0x50, s3;
	s3 =	simm.s32 $0x2E0;
	[tilespmem:s2+$0xFFFFFFC0] =	vst v32;
	v45 =	vld [tilespmem:s0+$0xD6]  }
0x1e8: {  	v63 =	vmov v59;
	v59 =	vmov v52;
	s12 =	sor.u32 $0x70, s26;
	s26 =	sor.u32 $0x70, s15;
	s28 =	sor.u32 $0x70, s3;
	[tilespmem:s2+$0x40] =	vst v28;
	v20 =	vld [tilespmem:s0+$0xFFFFFFCE]  }
.LBB2_5:
0x1e9: {  	v24 =	vld [tilespmem:s16+$0x84];
	s25 =	sadd.s32 $0x10, s25;
	[tilespmem:s2+$0xFFFFFF40] =	vst v44  }
0x1ea: {  	s3 =	sadd.s32 $0xFFFFFFE0, s10;
	v28 =	vld [tilespmem:s16+$0xFFFFFF7C];
	p1 =	slt.u32 s25, $0x1F0;
	[tilespmem:s9+$0xC200] =	vst v43;
	s9 =	smov.u32 s28  }
0x1eb: {  	s3 =	sor.u32 $0x50, s3;
	v32 =	vld [tilespmem:s16+$0x0];
	[tilespmem:s6+$0xC200] =	vst v17;
	s6 =	smov.u32 s26  }
0x1ec: {  	v17 =	vld [tilespmem:s16+$0xFFFFFEF8];
	[tilespmem:s3+$0xC200] =	vst v45  }
0x1ed: {  	s2 =	sadd.s32 $0x200, s2;
	[tilespmem:s23+$0xC200] =	vst v20;
	v20 =	vld [tilespmem:s0+$0xE7]  }
0x1ee: {  	[tilespmem:s2+$0x80] =	vst v24;
	v24 =	vld [tilespmem:s0+$0xFFFFFF4A]  }
0x1ef: {  	[tilespmem:s2+$0xFFFFFF80] =	vst v28;
	v28 =	vld [tilespmem:s16+$0x94]  }
0x1f0: {  	v43 =	vld [tilespmem:s16+$0xFFFFFF8C];
	[tilespmem:s2+$0x0] =	vst v32  }
0x1f1: {  	[tilespmem:s2+$0xFFFFFF00] =	vst v17;
	v17 =	vld [tilespmem:s16+$0x10]  }
0x1f2: {  	v32 =	vld [tilespmem:s16+$0xFFFFFF08];
	[tilespmem:s31+$0xE0] =	vst v20  }
0x1f3: {  	[tilespmem:s24+$0xC200] =	vst v24;
	v20 =	vld [tilespmem:s0+$0xF7]  }
0x1f4: {  	[tilespmem:s2+$0x90] =	vst v28;
	v24 =	vld [tilespmem:s0+$0x52]  }
0x1f5: {  	[tilespmem:s2+$0xFFFFFF90] =	vst v43;
	v28 =	vld [tilespmem:s16+$0xA5]  }
0x1f6: {  	v43 =	vld [tilespmem:s16+$0xFFFFFF9D];
	[tilespmem:s2+$0x10] =	vst v17  }
0x1f7: {  	s3 =	sor.u32 $0x70, s10;
	[tilespmem:s2+$0xFFFFFF10] =	vst v32;
	v17 =	vld [tilespmem:s16+$0x21]  }
0x1f8: {  	v32 =	vld [tilespmem:s16+$0xFFFFFF19];
	[tilespmem:s3+$0xC200] =	vst v20  }
0x1f9: {  	v20 =	vld [tilespmem:s0+$0xFFFFFF5B];
	[tilespmem:s17+$0xC200] =	vst v24  }
0x1fa: {  	[tilespmem:s2+$0xA0] =	vst v28;
	v24 =	vld [tilespmem:s0+$0xFFFFFFDF]  }
0x1fb: {  	[tilespmem:s2+$0xFFFFFFA0] =	vst v43;
	v28 =	vld [tilespmem:s16+$0xB5]  }
0x1fc: {  	v43 =	vld [tilespmem:s16+$0xFFFFFFAD];
	[tilespmem:s2+$0x20] =	vst v17  }
0x1fd: {  	s10 =	sadd.s32 $0x200, s10;
	[tilespmem:s2+$0xFFFFFF20] =	vst v32;
	v17 =	vld [tilespmem:s16+$0x31]  }
0x1fe: {  	s23 =	sadd.s32 $0xFFFFFFC0, s10;
	s3 =	sadd.s32 $0xFFFFFE40, s10;
	s17 =	sadd.s32 $0xFFFFFEC0, s10;
	v32 =	vld [tilespmem:s16+$0xFFFFFF29];
	[tilespmem:s31+$0xFFFFFF60] =	vst v20  }
0x1ff: {  	s23 =	sor.u32 $0x30, s23;
	s24 =	sadd.s32 $0xFFFFFF40, s10;
	s3 =	sor.u32 $0x30, s3;
	[tilespmem:s31+$0xFFFFFFE0] =	vst v24;
	v20 =	vld [tilespmem:s0+$0x63]  }
0x200: {  	s26 =	sadd.s32 $0xFFFFFE60, s10;
	s28 =	sor.u32 $0x30, s24;
	s17 =	sor.u32 $0x30, s17;
	[tilespmem:s23+$0xC200] =	vst v28;
	v24 =	vld [tilespmem:s0+$0xFFFFFF6B]  }
0x201: {  	s24 =	sor.u32 $0x50, s26;
	s26 =	sadd.s32 $0xFFFFFF60, s10;
	[tilespmem:s17+$0xC200] =	vst v43;
	s17 =	sadd.s32 $0xFFFFFEE0, s10;
	v28 =	vld [tilespmem:s16+$0xC6]  }
0x202: {  	s15 =	sadd.s32 $0xFFFFFE80, s10;
	v45 =	vld [tilespmem:s16+$0xFFFFFFBE];
	s23 =	sor.u32 $0x50, s17;
	[tilespmem:s28+$0xC200] =	vst v17;
	s17 =	sor.u32 $0x50, s26  }
0x203: {  	s26 =	sadd.s32 $0xFFFFFF80, s10;
	[tilespmem:s3+$0xC200] =	vst v32;
	s3 =	sor.u32 $0x70, s15;
	s15 =	sadd.s32 $0xFFFFFF00, s10;
	v32 =	vld [tilespmem:s16+$0x42]  }
.Ltmp1:
0x204: {  	s26 =	sor.u32 $0x70, s26;
	v44 =	vld [tilespmem:s16+$0xFFFFFF3A];
	s28 =	sor.u32 $0x70, s15;
	[tilespmem:s31+$0x60] =	vst v20;
	(pc) =	sbr.rel @p1 .LBB2_5-.Ltmp1, $4  }
0x205: {  	s31 =	smov.u32 s2;
	[tilespmem:s12+$0xC200] =	vst v24;
	v43 =	vld [tilespmem:s0+$0xFFFFFFEF];
	s12 =	smov.u32 s3  }
0x206: {  	[tilespmem:s2+$0xC0] =	vst v28;
	v17 =	vld [tilespmem:s0+$0x73];
	s0 =	smov.u32 s16  }
0x207: {  	[tilespmem:s2+$0xFFFFFFC0] =	vst v45;
	v45 =	vld [tilespmem:s16+$0xD6]  }
0x208: {  	s16 =	sadd.s32 $0x210, s16;
	v20 =	vld [tilespmem:s0+$0xFFFFFFCE];
	[tilespmem:s2+$0x40] =	vst v32  }
0x209: {  	[tilespmem:s2+$0xFFFFFF40] =	vst v44  }
0x20a: {  	v24 =	vld [tilespmem:s0+$0xFFFFFF4A]  }
0x20b: {  	s16 =	sadd.s32 $0xFFFFFFE0, s10;
	v28 =	vld [tilespmem:s0+$0x52]  }
0x20c: {  	s2 =	sor.u32 $0x50, s16  }
0x20d: {  	[tilespmem:s2+$0xC200] =	vst v45  }
0x20e: {  	v32 =	vld [tilespmem:s0+$0xE7];
	[tilespmem:s23+$0xC200] =	vst v20  }
0x20f: {  	[tilespmem:s24+$0xC200] =	vst v24;
	v24 =	vld [tilespmem:s0+$0xFFFFFFDF]  }
0x210: {  	[tilespmem:s17+$0xC200] =	vst v28;
	v20 =	vld [tilespmem:s0+$0xFFFFFF5B]  }
0x211: {  	v28 =	vld [tilespmem:s0+$0x63];
	_ =	sdelay $0x1  }
0x212: {  	[tilespmem:s31+$0xE0] =	vst v32  }
0x213: {  	[tilespmem:s31+$0xFFFFFFE0] =	vst v24  }
0x214: {  	[tilespmem:s31+$0xFFFFFF60] =	vst v20;
	v20 =	vld [tilespmem:s0+$0xF7]  }
0x215: {  	[tilespmem:s31+$0x60] =	vst v28;
	v28 =	vld [tilespmem:s0+$0xFFFFFFEF]  }
0x216: {  	v53 =	vld [tilespmem:s0+$0x73]  }
0x217: {  	[tilespmem:s9+$0xC200] =	vst v43;
	v24 =	vld [tilespmem:s0+$0xFFFFFF6B]  }
0x218: {  	[tilespmem:s6+$0xC200] =	vst v17;
	s24 =	sor.u32 $0x70, s10  }
0x219: {  	s25 =	sshll.u32 s29, $0xF;
	[tilespmem:s24+$0xC200] =	vst v20  }
0x21a: {  	s0 =	sadd.s32 s5, s25;
	[tilespmem:s28+$0xC200] =	vst v28  }
0x21b: {  	s0 =	sshrl.u32 s0, $0x3;
	[tilespmem:s26+$0xC200] =	vst v53;
	s28 =	rddreg [dreg:$0x2]  }
0x21c: {  	s31 =	sadd.s32 s30, s7;
	[tilespmem:s12+$0xC200] =	vst v24;
	s0 =	sadd.s32 s28, s0  }
0x21d: {  	[hbm4b:s0+s4] =	stream.linear.scatter [tilespmem:s20], [sflag:$0x3], $0x4000, $0x38;
	[tilespmem:$0x14480] =	vst v63  }
0x21e: {  	s0 =	sshrl.u32 s31, $0x3  }
0x21f: {  	s0 =	sadd.s32 s1, s0  }
0x220: {  	[tilespmem:s4], [sflag:$0x1] =	stream.strided.gather [hbm4b:s0+s13], $0x4000, s14, s13, $0x38;
	[tilespmem:$0x14480] =	vst v63  }
0x221: {  	_ =	swait.ge [sflag:s21], $0x4000  }
0x222: {  	[sflag:s21] =	ssyncset.done $0x0  }
0x223: {  	s0 =	simm.s32 @!p0 $0x4;
	[sflag:s21] =	ssyncadd.s32 $0xFFFFC000  }
0x224: {  	_ =	swait.ge @!p0 [sflag:s0], $0x4000  }
0x225: {  	v17 =	vld [tilespmem:$0x1FD40]  }
0x226: {  	v20 =	vld [tilespmem:$0x1FD50]  }
0x227: {  	v52 =	vld [tilespmem:$0x1FE90]  }
0x228: {  	v15 =	vmov v38;
	v21 =	vmov v49;
	v53 =	vld [tilespmem:$0x1FEB0]  }
0x229: {  	v25 =	vmovc v51;
	v29 =	vmovc v55;
	v33 =	vmov v57;
	v38 =	vmov v36;
	v36 =	vmov v39;
	v55 =	vld [tilespmem:$0x1FD30]  }
0x22a: {  	v39 =	vmovc v59;
	v49 =	vmovc v61;
	v51 =	vmov v63;
	v61 =	vmov v3;
	v3 =	vmov v7;
	[sflag:s0] =	ssyncset.done @!p0 $0x0;
	v57 =	vld [tilespmem:$0x1FD20]  }
0x22b: {  	v7 =	vmovc v11;
	v11 =	vmovc v41;
	v41 =	vmov v42;
	s2 =	simm.s32 $0x0;
	v59 =	vld [tilespmem:$0x1FD10];
	[sflag:s0] =	ssyncadd.s32 @!p0 $0xFFFFC000;
	v63 =	vmov v20;
	v42 =	vmov v17  }
.LBB2_7:
0x22c: {  	s12 =	smul.u32 $0x210, s2;
	_ =	sdelay $0x1  }
0x22d: {  	s0 =	sshll.u32 s2, $0x7;
	v17 =	vadd.s32 s12, v0  }
0x22e: {  	s31 =	sand.u32 $0x3FFFFF80, s0;
	v17 =	vand.u32 $0x7F80, v17  }
0x22f: {  	v20 =	vld [tilespmem:s31+$0x4000];
	v17 =	vor.u32 v46, v17;
	_ =	sdelay $0x3  }
0x230: {  	v24 =	vadd.s32 s12, v2  }
0x231: {  	[tilespmem:v17+s19+$0x0] =	vst.idx.msk $0xffff, v20;
	v17 =	vand.u32 $0x7F80, v24  }
0x232: {  	v20 =	vld [tilespmem:s31+$0x4080];
	v17 =	vor.u32 v47, v17;
	_ =	sdelay $0x3  }
0x233: {  	v24 =	vadd.s32 s12, v4  }
0x234: {  	[tilespmem:v17+s19+$0x0] =	vst.idx.msk $0xffff, v20;
	v17 =	vand.u32 $0x7F80, v24  }
0x235: {  	v20 =	vld [tilespmem:s31+$0x4100];
	v17 =	vor.u32 v42, v17;
	_ =	sdelay $0x3  }
0x236: {  	v24 =	vadd.s32 s12, v6  }
0x237: {  	[tilespmem:v17+s19+$0x0] =	vst.idx.msk $0xffff, v20;
	v17 =	vand.u32 $0x7F80, v24  }
0x238: {  	v20 =	vld [tilespmem:s31+$0x4180];
	v17 =	vor.u32 v63, v17;
	_ =	sdelay $0x3  }
0x239: {  	v24 =	vadd.s32 s12, v8  }
0x23a: {  	[tilespmem:v17+s19+$0x0] =	vst.idx.msk $0xffff, v20;
	v17 =	vand.u32 $0x7F80, v24;
	v24 =	vld [tilespmem:$0x1FD60];
	_ =	sdelay $0x4  }
0x23b: {  	v20 =	vld [tilespmem:s31+$0x4200];
	v17 =	vor.u32 v24, v17;
	_ =	sdelay $0x3  }
0x23c: {  	v24 =	vadd.s32 s12, v10  }
0x23d: {  	[tilespmem:v17+s19+$0x0] =	vst.idx.msk $0xffff, v20;
	v17 =	vand.u32 $0x7F80, v24;
	v24 =	vld [tilespmem:$0x1FD70];
	_ =	sdelay $0x4  }
0x23e: {  	v20 =	vld [tilespmem:s31+$0x4280];
	v17 =	vor.u32 v24, v17;
	_ =	sdelay $0x3  }
0x23f: {  	s26 =	sadd.s32 $0x210, s12  }
0x240: {  	v24 =	vld [tilespmem:s31+$0x4010];
	[tilespmem:v17+s19+$0x0] =	vst.idx.msk $0xffff, v20;
	v20 =	vadd.s32 s26, v0;
	_ =	sdelay $0x4  }
0x241: {  	[tilespmem:v20+s19+$0x0] =	vst.idx.msk $0xffff, v24  }
0x242: {  	v24 =	vadd.s32 s26, v2;
	v20 =	vld [tilespmem:s31+$0x4090];
	_ =	sdelay $0x4  }
0x243: {  	[tilespmem:v24+s19+$0x0] =	vst.idx.msk $0xffff, v20  }
0x244: {  	v24 =	vadd.s32 s26, v4;
	v20 =	vld [tilespmem:s31+$0x4110];
	_ =	sdelay $0x4  }
0x245: {  	[tilespmem:v24+s19+$0x0] =	vst.idx.msk $0xffff, v20  }
0x246: {  	v24 =	vadd.s32 s26, v6;
	v20 =	vld [tilespmem:s31+$0x4190];
	_ =	sdelay $0x4  }
0x247: {  	v17 =	vld [tilespmem:s31+$0x4300];
	[tilespmem:v24+s19+$0x0] =	vst.idx.msk $0xffff, v20  }
0x248: {  	v24 =	vadd.s32 s26, v8;
	v20 =	vld [tilespmem:s31+$0x4210];
	_ =	sdelay $0x4  }
0x249: {  	v32 =	vld [tilespmem:$0x1FD90];
	[tilespmem:v24+s19+$0x0] =	vst.idx.msk $0xffff, v20  }
0x24a: {  	v24 =	vadd.s32 s26, v10;
	v20 =	vld [tilespmem:s31+$0x4290];
	_ =	sdelay $0x2  }
0x24b: {  	v28 =	vadd.s32 s12, v12  }
0x24c: {  	v28 =	vand.u32 $0x7F80, v28  }
0x24d: {  	v44 =	vld [tilespmem:$0x1FDB0];
	v28 =	vor.u32 v32, v28;
	[tilespmem:v24+s19+$0x0] =	vst.idx.msk $0xffff, v20  }
0x24e: {  	v24 =	vadd.s32 s26, v12;
	v20 =	vld [tilespmem:s31+$0x4310];
	_ =	sdelay $0x2  }
0x24f: {  	v43 =	vadd.s32 s12, v16  }
0x250: {  	v46 =	vld [tilespmem:$0x1FDD0];
	[tilespmem:v28+s19+$0x0] =	vst.idx.msk $0xffff, v17;
	v17 =	vand.u32 $0x7F80, v43  }
0x251: {  	v28 =	vld [tilespmem:s31+$0x4380];
	v17 =	vor.u32 v44, v17;
	[tilespmem:v24+s19+$0x0] =	vst.idx.msk $0xffff, v20  }
0x252: {  	v24 =	vadd.s32 s26, v16;
	v20 =	vld [tilespmem:s31+$0x4390];
	_ =	sdelay $0x2  }
0x253: {  	v45 =	vadd.s32 s12, v18  }
0x254: {  	v43 =	vld [tilespmem:$0x1FE00];
	[tilespmem:v17+s19+$0x0] =	vst.idx.msk $0xffff, v28;
	v17 =	vand.u32 $0x7F80, v45  }
0x255: {  	v28 =	vld [tilespmem:s31+$0x5000];
	v17 =	vor.u32 v46, v17;
	[tilespmem:v24+s19+$0x0] =	vst.idx.msk $0xffff, v20  }
0x256: {  	v24 =	vadd.s32 s26, v18;
	v20 =	vld [tilespmem:s31+$0x5010];
	_ =	sdelay $0x2  }
0x257: {  	v47 =	vadd.s32 s12, v23  }
0x258: {  	v45 =	vld [tilespmem:$0x1FE30];
	[tilespmem:v17+s19+$0x0] =	vst.idx.msk $0xffff, v28;
	v17 =	vand.u32 $0x7F80, v47  }
0x259: {  	v28 =	vld [tilespmem:s31+$0x5080];
	v17 =	vor.u32 v43, v17;
	[tilespmem:v24+s19+$0x0] =	vst.idx.msk $0xffff, v20  }
0x25a: {  	v24 =	vadd.s32 s26, v23;
	v20 =	vld [tilespmem:s31+$0x5090];
	_ =	sdelay $0x2  }
0x25b: {  	v44 =	vadd.s32 s12, v27  }
0x25c: {  	v47 =	vld [tilespmem:$0x1FE60];
	[tilespmem:v17+s19+$0x0] =	vst.idx.msk $0xffff, v28;
	v17 =	vand.u32 $0x7F80, v44  }
0x25d: {  	v28 =	vld [tilespmem:s31+$0x5100];
	v17 =	vor.u32 v45, v17;
	[tilespmem:v24+s19+$0x0] =	vst.idx.msk $0xffff, v20  }
0x25e: {  	v24 =	vadd.s32 s26, v27;
	v20 =	vld [tilespmem:s31+$0x5110];
	_ =	sdelay $0x2  }
0x25f: {  	v46 =	vadd.s32 s12, v30  }
0x260: {  	[tilespmem:v17+s19+$0x0] =	vst.idx.msk $0xffff, v28;
	v17 =	vand.u32 $0x7F80, v46  }
0x261: {  	v28 =	vld [tilespmem:s31+$0x5180];
	v17 =	vor.u32 v47, v17;
	[tilespmem:v24+s19+$0x0] =	vst.idx.msk $0xffff, v20  }
0x262: {  	v24 =	vadd.s32 s26, v30;
	v20 =	vld [tilespmem:s31+$0x5190];
	_ =	sdelay $0x2  }
0x263: {  	v43 =	vadd.s32 s12, v35  }
0x264: {  	[tilespmem:v17+s19+$0x0] =	vst.idx.msk $0xffff, v28;
	v17 =	vand.u32 $0x7F80, v43  }
0x265: {  	v28 =	vld [tilespmem:s31+$0x5200];
	v17 =	vor.u32 v52, v17;
	[tilespmem:v24+s19+$0x0] =	vst.idx.msk $0xffff, v20  }
0x266: {  	v24 =	vadd.s32 s26, v35;
	v20 =	vld [tilespmem:s31+$0x5210];
	_ =	sdelay $0x2  }
0x267: {  	v44 =	vadd.s32 s12, v37  }
0x268: {  	[tilespmem:v17+s19+$0x0] =	vst.idx.msk $0xffff, v28;
	v17 =	vand.u32 $0x7F80, v44  }
0x269: {  	v28 =	vld [tilespmem:s31+$0x5280];
	v17 =	vor.u32 v53, v17;
	[tilespmem:v24+s19+$0x0] =	vst.idx.msk $0xffff, v20  }
0x26a: {  	v24 =	vadd.s32 s26, v37;
	v20 =	vld [tilespmem:s31+$0x5290];
	_ =	sdelay $0x2  }
0x26b: {  	v45 =	vadd.s32 s12, v58  }
0x26c: {  	[tilespmem:v17+s19+$0x0] =	vst.idx.msk $0xffff, v28;
	v17 =	vand.u32 $0x7F80, v45  }
0x26d: {  	v28 =	vld [tilespmem:s31+$0x5300];
	v17 =	vor.u32 v15, v17;
	[tilespmem:v24+s19+$0x0] =	vst.idx.msk $0xffff, v20  }
0x26e: {  	v24 =	vadd.s32 s26, v58;
	v20 =	vld [tilespmem:s31+$0x5310];
	_ =	sdelay $0x2  }
0x26f: {  	v46 =	vadd.s32 s12, v60  }
0x270: {  	[tilespmem:v17+s19+$0x0] =	vst.idx.msk $0xffff, v28;
	v17 =	vand.u32 $0x7F80, v46  }
0x271: {  	v28 =	vld [tilespmem:s31+$0x5380];
	v17 =	vor.u32 v21, v17;
	[tilespmem:v24+s19+$0x0] =	vst.idx.msk $0xffff, v20  }
0x272: {  	v24 =	vadd.s32 s26, v60;
	v20 =	vld [tilespmem:s31+$0x5390];
	_ =	sdelay $0x2  }
0x273: {  	v47 =	vadd.s32 s12, v62  }
0x274: {  	[tilespmem:v17+s19+$0x0] =	vst.idx.msk $0xffff, v28;
	v17 =	vand.u32 $0x7F80, v47  }
0x275: {  	v28 =	vld [tilespmem:s31+$0x6000];
	v17 =	vor.u32 v25, v17;
	[tilespmem:v24+s19+$0x0] =	vst.idx.msk $0xffff, v20  }
0x276: {  	v24 =	vadd.s32 s26, v62;
	v20 =	vld [tilespmem:s31+$0x6010];
	_ =	sdelay $0x2  }
0x277: {  	v43 =	vadd.s32 s12, v13  }
0x278: {  	[tilespmem:v17+s19+$0x0] =	vst.idx.msk $0xffff, v28;
	v17 =	vand.u32 $0x7F80, v43  }
0x279: {  	v28 =	vld [tilespmem:s31+$0x6080];
	v17 =	vor.u32 v29, v17;
	[tilespmem:v24+s19+$0x0] =	vst.idx.msk $0xffff, v20  }
0x27a: {  	v24 =	vadd.s32 s26, v13;
	v20 =	vld [tilespmem:s31+$0x6090];
	_ =	sdelay $0x2  }
0x27b: {  	v44 =	vadd.s32 s12, v19  }
0x27c: {  	[tilespmem:v17+s19+$0x0] =	vst.idx.msk $0xffff, v28;
	v17 =	vand.u32 $0x7F80, v44  }
0x27d: {  	v28 =	vld [tilespmem:s31+$0x6100];
	v17 =	vor.u32 v33, v17;
	[tilespmem:v24+s19+$0x0] =	vst.idx.msk $0xffff, v20  }
0x27e: {  	v24 =	vadd.s32 s26, v19;
	v20 =	vld [tilespmem:s31+$0x6110];
	_ =	sdelay $0x2  }
0x27f: {  	v45 =	vadd.s32 s12, v22  }
0x280: {  	[tilespmem:v17+s19+$0x0] =	vst.idx.msk $0xffff, v28;
	v17 =	vand.u32 $0x7F80, v45  }
0x281: {  	v28 =	vld [tilespmem:s31+$0x6180];
	v17 =	vor.u32 v38, v17;
	[tilespmem:v24+s19+$0x0] =	vst.idx.msk $0xffff, v20  }
0x282: {  	v24 =	vadd.s32 s26, v22;
	v20 =	vld [tilespmem:s31+$0x6190];
	_ =	sdelay $0x2  }
0x283: {  	v46 =	vadd.s32 s12, v26  }
0x284: {  	[tilespmem:v17+s19+$0x0] =	vst.idx.msk $0xffff, v28;
	v17 =	vand.u32 $0x7F80, v46  }
0x285: {  	v28 =	vld [tilespmem:s31+$0x6200];
	v17 =	vor.u32 v36, v17;
	[tilespmem:v24+s19+$0x0] =	vst.idx.msk $0xffff, v20  }
0x286: {  	v24 =	vadd.s32 s26, v26;
	v20 =	vld [tilespmem:s31+$0x6210];
	_ =	sdelay $0x2  }
0x287: {  	v47 =	vadd.s32 s12, v31  }
0x288: {  	[tilespmem:v17+s19+$0x0] =	vst.idx.msk $0xffff, v28;
	v17 =	vand.u32 $0x7F80, v47  }
0x289: {  	v28 =	vld [tilespmem:s31+$0x6280];
	v17 =	vor.u32 v39, v17;
	[tilespmem:v24+s19+$0x0] =	vst.idx.msk $0xffff, v20  }
0x28a: {  	v24 =	vadd.s32 s26, v31;
	v20 =	vld [tilespmem:s31+$0x6290];
	_ =	sdelay $0x2  }
0x28b: {  	v43 =	vadd.s32 s12, v34  }
0x28c: {  	[tilespmem:v17+s19+$0x0] =	vst.idx.msk $0xffff, v28;
	v17 =	vand.u32 $0x7F80, v43  }
0x28d: {  	v28 =	vld [tilespmem:s31+$0x6300];
	v17 =	vor.u32 v49, v17;
	[tilespmem:v24+s19+$0x0] =	vst.idx.msk $0xffff, v20  }
0x28e: {  	v24 =	vadd.s32 s26, v34;
	v20 =	vld [tilespmem:s31+$0x6310];
	_ =	sdelay $0x2  }
0x28f: {  	v44 =	vadd.s32 s12, v48  }
0x290: {  	[tilespmem:v17+s19+$0x0] =	vst.idx.msk $0xffff, v28;
	v17 =	vand.u32 $0x7F80, v44  }
0x291: {  	v28 =	vld [tilespmem:s31+$0x6380];
	v17 =	vor.u32 v51, v17;
	[tilespmem:v24+s19+$0x0] =	vst.idx.msk $0xffff, v20  }
0x292: {  	v24 =	vadd.s32 s26, v48;
	v20 =	vld [tilespmem:s31+$0x6390];
	_ =	sdelay $0x2  }
0x293: {  	v45 =	vadd.s32 s12, v50  }
0x294: {  	[tilespmem:v17+s19+$0x0] =	vst.idx.msk $0xffff, v28;
	v17 =	vand.u32 $0x7F80, v45  }
0x295: {  	v28 =	vld [tilespmem:s31+$0x7000];
	v17 =	vor.u32 v55, v17;
	[tilespmem:v24+s19+$0x0] =	vst.idx.msk $0xffff, v20  }
0x296: {  	v24 =	vadd.s32 s26, v50;
	v20 =	vld [tilespmem:s31+$0x7010];
	_ =	sdelay $0x2  }
0x297: {  	v46 =	vadd.s32 s12, v54  }
0x298: {  	[tilespmem:v17+s19+$0x0] =	vst.idx.msk $0xffff, v28;
	v17 =	vand.u32 $0x7F80, v46  }
0x299: {  	v28 =	vld [tilespmem:s31+$0x7080];
	v17 =	vor.u32 v57, v17;
	[tilespmem:v24+s19+$0x0] =	vst.idx.msk $0xffff, v20  }
0x29a: {  	v24 =	vadd.s32 s26, v54;
	v20 =	vld [tilespmem:s31+$0x7090];
	_ =	sdelay $0x2  }
0x29b: {  	v47 =	vadd.s32 s12, v56  }
0x29c: {  	[tilespmem:v17+s19+$0x0] =	vst.idx.msk $0xffff, v28;
	v17 =	vand.u32 $0x7F80, v47  }
0x29d: {  	v28 =	vld [tilespmem:s31+$0x7100];
	v17 =	vor.u32 v59, v17;
	[tilespmem:v24+s19+$0x0] =	vst.idx.msk $0xffff, v20  }
0x29e: {  	v24 =	vadd.s32 s26, v56;
	v20 =	vld [tilespmem:s31+$0x7110];
	_ =	sdelay $0x2  }
0x29f: {  	v43 =	vadd.s32 s12, v1  }
0x2a0: {  	[tilespmem:v17+s19+$0x0] =	vst.idx.msk $0xffff, v28;
	v17 =	vand.u32 $0x7F80, v43  }
0x2a1: {  	v28 =	vld [tilespmem:s31+$0x7180];
	v17 =	vor.u32 v61, v17;
	[tilespmem:v24+s19+$0x0] =	vst.idx.msk $0xffff, v20  }
0x2a2: {  	v24 =	vadd.s32 s26, v1;
	v20 =	vld [tilespmem:s31+$0x7190];
	_ =	sdelay $0x2  }
0x2a3: {  	v44 =	vadd.s32 s12, v5  }
0x2a4: {  	[tilespmem:v17+s19+$0x0] =	vst.idx.msk $0xffff, v28;
	v17 =	vand.u32 $0x7F80, v44  }
0x2a5: {  	v28 =	vld [tilespmem:s31+$0x7200];
	v17 =	vor.u32 v3, v17;
	[tilespmem:v24+s19+$0x0] =	vst.idx.msk $0xffff, v20  }
0x2a6: {  	v24 =	vadd.s32 s26, v5;
	v20 =	vld [tilespmem:s31+$0x7210];
	_ =	sdelay $0x2  }
0x2a7: {  	v45 =	vadd.s32 s12, v9  }
0x2a8: {  	[tilespmem:v17+s19+$0x0] =	vst.idx.msk $0xffff, v28;
	v17 =	vand.u32 $0x7F80, v45  }
0x2a9: {  	v28 =	vld [tilespmem:s31+$0x7280];
	v17 =	vor.u32 v7, v17;
	[tilespmem:v24+s19+$0x0] =	vst.idx.msk $0xffff, v20  }
0x2aa: {  	v24 =	vadd.s32 s26, v9;
	v20 =	vld [tilespmem:s31+$0x7290];
	_ =	sdelay $0x2  }
0x2ab: {  	v46 =	vadd.s32 s12, v40  }
0x2ac: {  	[tilespmem:v17+s19+$0x0] =	vst.idx.msk $0xffff, v28;
	v17 =	vand.u32 $0x7F80, v46  }
0x2ad: {  	v28 =	vld [tilespmem:s31+$0x7300];
	v17 =	vor.u32 v11, v17;
	[tilespmem:v24+s19+$0x0] =	vst.idx.msk $0xffff, v20  }
0x2ae: {  	v24 =	vadd.s32 s26, v40;
	v20 =	vld [tilespmem:s31+$0x7310];
	_ =	sdelay $0x2  }
0x2af: {  	v47 =	vadd.s32 s12, v14  }
0x2b0: {  	[tilespmem:v17+s19+$0x0] =	vst.idx.msk $0xffff, v28;
	v17 =	vand.u32 $0x7F80, v47  }
0x2b1: {  	v28 =	vld [tilespmem:s31+$0x7380];
	v17 =	vor.u32 v41, v17;
	[tilespmem:v24+s19+$0x0] =	vst.idx.msk $0xffff, v20  }
0x2b2: {  	s28 =	sadd.s32 $0x420, s12;
	v24 =	vadd.s32 s26, v14;
	v20 =	vld [tilespmem:s31+$0x7390]  }
0x2b3: {  	s6 =	sadd.s32 $0x630, s12;
	v32 =	vadd.s32 s28, v0;
	v43 =	vld [tilespmem:s31+$0x4020]  }
0x2b4: {  	s9 =	sadd.s32 $0x840, s12;
	v44 =	vadd.s32 s6, v0;
	v45 =	vld [tilespmem:s31+$0x4030]  }
0x2b5: {  	s10 =	sadd.s32 $0xA50, s12;
	v46 =	vadd.s32 s9, v0;
	v47 =	vld [tilespmem:s31+$0x4040]  }
0x2b6: {  	s25 =	sadd.s32 $0xC60, s12;
	[tilespmem:v17+s19+$0x0] =	vst.idx.msk $0xffff, v28;
	v17 =	vadd.s32 s10, v0;
	v28 =	vld [tilespmem:s31+$0x4050]  }
0x2b7: {  	s12 =	sadd.s32 $0xE70, s12;
	[tilespmem:v24+s19+$0x0] =	vst.idx.msk $0xffff, v20;
	v20 =	vadd.s32 s25, v0;
	v24 =	vld [tilespmem:s31+$0x4060]  }
0x2b8: {  	[tilespmem:v32+s19+$0x0] =	vst.idx.msk $0xffff, v43;
	v32 =	vadd.s32 s12, v0;
	v43 =	vld [tilespmem:s31+$0x4070]  }
0x2b9: {  	[tilespmem:v44+s19+$0x0] =	vst.idx.msk $0xffff, v45;
	v44 =	vld [tilespmem:s31+$0x40A0];
	v45 =	vadd.s32 s28, v2  }
0x2ba: {  	[tilespmem:v46+s19+$0x0] =	vst.idx.msk $0xffff, v47;
	v46 =	vld [tilespmem:s31+$0x40B0];
	v47 =	vadd.s32 s6, v2  }
0x2bb: {  	[tilespmem:v17+s19+$0x0] =	vst.idx.msk $0xffff, v28;
	v17 =	vld [tilespmem:s31+$0x40C0];
	v28 =	vadd.s32 s9, v2  }
0x2bc: {  	[tilespmem:v20+s19+$0x0] =	vst.idx.msk $0xffff, v24;
	v20 =	vld [tilespmem:s31+$0x40D0];
	v24 =	vadd.s32 s10, v2  }
0x2bd: {  	[tilespmem:v32+s19+$0x0] =	vst.idx.msk $0xffff, v43;
	v43 =	vadd.s32 s25, v2;
	v32 =	vld [tilespmem:s31+$0x40E0]  }
0x2be: {  	[tilespmem:v45+s19+$0x0] =	vst.idx.msk $0xffff, v44;
	v44 =	vld [tilespmem:s31+$0x40F0];
	v45 =	vadd.s32 s12, v2  }
0x2bf: {  	[tilespmem:v47+s19+$0x0] =	vst.idx.msk $0xffff, v46;
	v46 =	vld [tilespmem:s31+$0x4120];
	v47 =	vadd.s32 s28, v4  }
0x2c0: {  	[tilespmem:v28+s19+$0x0] =	vst.idx.msk $0xffff, v17;
	v17 =	vld [tilespmem:s31+$0x4130];
	v28 =	vadd.s32 s6, v4  }
0x2c1: {  	[tilespmem:v24+s19+$0x0] =	vst.idx.msk $0xffff, v20;
	v20 =	vld [tilespmem:s31+$0x4140];
	v24 =	vadd.s32 s9, v4  }
0x2c2: {  	[tilespmem:v43+s19+$0x0] =	vst.idx.msk $0xffff, v32;
	v32 =	vld [tilespmem:s31+$0x4150];
	v43 =	vadd.s32 s10, v4  }
0x2c3: {  	[tilespmem:v45+s19+$0x0] =	vst.idx.msk $0xffff, v44;
	v45 =	vadd.s32 s25, v4;
	v44 =	vld [tilespmem:s31+$0x4160]  }
0x2c4: {  	[tilespmem:v47+s19+$0x0] =	vst.idx.msk $0xffff, v46;
	v46 =	vld [tilespmem:s31+$0x4170];
	v47 =	vadd.s32 s12, v4  }
0x2c5: {  	[tilespmem:v28+s19+$0x0] =	vst.idx.msk $0xffff, v17;
	v17 =	vld [tilespmem:s31+$0x41A0];
	v28 =	vadd.s32 s28, v6  }
0x2c6: {  	[tilespmem:v24+s19+$0x0] =	vst.idx.msk $0xffff, v20;
	v20 =	vld [tilespmem:s31+$0x41B0];
	v24 =	vadd.s32 s6, v6  }
0x2c7: {  	[tilespmem:v43+s19+$0x0] =	vst.idx.msk $0xffff, v32;
	v32 =	vld [tilespmem:s31+$0x41C0];
	v43 =	vadd.s32 s9, v6  }
0x2c8: {  	[tilespmem:v45+s19+$0x0] =	vst.idx.msk $0xffff, v44;
	v44 =	vld [tilespmem:s31+$0x41D0];
	v45 =	vadd.s32 s10, v6  }
0x2c9: {  	[tilespmem:v47+s19+$0x0] =	vst.idx.msk $0xffff, v46;
	v47 =	vadd.s32 s25, v6;
	v46 =	vld [tilespmem:s31+$0x41E0]  }
0x2ca: {  	[tilespmem:v28+s19+$0x0] =	vst.idx.msk $0xffff, v17;
	v17 =	vld [tilespmem:s31+$0x41F0];
	v28 =	vadd.s32 s12, v6  }
0x2cb: {  	[tilespmem:v24+s19+$0x0] =	vst.idx.msk $0xffff, v20;
	v20 =	vld [tilespmem:s31+$0x4220];
	v24 =	vadd.s32 s28, v8  }
0x2cc: {  	[tilespmem:v43+s19+$0x0] =	vst.idx.msk $0xffff, v32;
	v32 =	vld [tilespmem:s31+$0x4230];
	v43 =	vadd.s32 s6, v8  }
0x2cd: {  	[tilespmem:v45+s19+$0x0] =	vst.idx.msk $0xffff, v44;
	v44 =	vld [tilespmem:s31+$0x4240];
	v45 =	vadd.s32 s9, v8  }
0x2ce: {  	[tilespmem:v47+s19+$0x0] =	vst.idx.msk $0xffff, v46;
	v46 =	vld [tilespmem:s31+$0x4250];
	v47 =	vadd.s32 s10, v8  }
0x2cf: {  	[tilespmem:v28+s19+$0x0] =	vst.idx.msk $0xffff, v17;
	v28 =	vadd.s32 s25, v8;
	v17 =	vld [tilespmem:s31+$0x4260]  }
0x2d0: {  	[tilespmem:v24+s19+$0x0] =	vst.idx.msk $0xffff, v20;
	v20 =	vld [tilespmem:s31+$0x4270];
	v24 =	vadd.s32 s12, v8  }
0x2d1: {  	[tilespmem:v43+s19+$0x0] =	vst.idx.msk $0xffff, v32;
	v32 =	vld [tilespmem:s31+$0x42A0];
	v43 =	vadd.s32 s28, v10  }
0x2d2: {  	[tilespmem:v45+s19+$0x0] =	vst.idx.msk $0xffff, v44;
	v44 =	vld [tilespmem:s31+$0x42B0];
	v45 =	vadd.s32 s6, v10  }
0x2d3: {  	[tilespmem:v47+s19+$0x0] =	vst.idx.msk $0xffff, v46;
	v46 =	vld [tilespmem:s31+$0x42C0];
	v47 =	vadd.s32 s9, v10  }
0x2d4: {  	[tilespmem:v28+s19+$0x0] =	vst.idx.msk $0xffff, v17;
	v17 =	vld [tilespmem:s31+$0x42D0];
	v28 =	vadd.s32 s10, v10  }
0x2d5: {  	[tilespmem:v24+s19+$0x0] =	vst.idx.msk $0xffff, v20;
	v20 =	vld [tilespmem:s31+$0x42E0];
	v24 =	vadd.s32 s25, v10  }
0x2d6: {  	[tilespmem:v43+s19+$0x0] =	vst.idx.msk $0xffff, v32;
	v32 =	vld [tilespmem:s31+$0x42F0];
	v43 =	vadd.s32 s12, v10  }
0x2d7: {  	[tilespmem:v45+s19+$0x0] =	vst.idx.msk $0xffff, v44;
	v44 =	vld [tilespmem:s31+$0x4320];
	v45 =	vadd.s32 s28, v12  }
0x2d8: {  	[tilespmem:v47+s19+$0x0] =	vst.idx.msk $0xffff, v46;
	v46 =	vld [tilespmem:s31+$0x4330];
	v47 =	vadd.s32 s6, v12  }
0x2d9: {  	[tilespmem:v28+s19+$0x0] =	vst.idx.msk $0xffff, v17;
	v17 =	vld [tilespmem:s31+$0x4340];
	v28 =	vadd.s32 s9, v12  }
0x2da: {  	[tilespmem:v24+s19+$0x0] =	vst.idx.msk $0xffff, v20;
	v20 =	vld [tilespmem:s31+$0x4350];
	v24 =	vadd.s32 s10, v12  }
0x2db: {  	[tilespmem:v43+s19+$0x0] =	vst.idx.msk $0xffff, v32;
	v32 =	vld [tilespmem:s31+$0x4360];
	v43 =	vadd.s32 s25, v12  }
0x2dc: {  	[tilespmem:v45+s19+$0x0] =	vst.idx.msk $0xffff, v44;
	v44 =	vld [tilespmem:s31+$0x4370];
	v45 =	vadd.s32 s12, v12  }
0x2dd: {  	[tilespmem:v47+s19+$0x0] =	vst.idx.msk $0xffff, v46;
	v46 =	vld [tilespmem:s31+$0x43A0];
	v47 =	vadd.s32 s28, v16  }
0x2de: {  	[tilespmem:v28+s19+$0x0] =	vst.idx.msk $0xffff, v17;
	v17 =	vld [tilespmem:s31+$0x43B0];
	v28 =	vadd.s32 s6, v16  }
0x2df: {  	[tilespmem:v24+s19+$0x0] =	vst.idx.msk $0xffff, v20;
	v20 =	vld [tilespmem:s31+$0x43C0];
	v24 =	vadd.s32 s9, v16  }
0x2e0: {  	[tilespmem:v43+s19+$0x0] =	vst.idx.msk $0xffff, v32;
	v32 =	vld [tilespmem:s31+$0x43D0];
	v43 =	vadd.s32 s10, v16  }
0x2e1: {  	[tilespmem:v45+s19+$0x0] =	vst.idx.msk $0xffff, v44;
	v44 =	vld [tilespmem:s31+$0x43E0];
	v45 =	vadd.s32 s25, v16  }
0x2e2: {  	[tilespmem:v47+s19+$0x0] =	vst.idx.msk $0xffff, v46;
	v46 =	vld [tilespmem:s31+$0x43F0];
	v47 =	vadd.s32 s12, v16  }
0x2e3: {  	[tilespmem:v28+s19+$0x0] =	vst.idx.msk $0xffff, v17;
	v17 =	vld [tilespmem:s31+$0x5020];
	v28 =	vadd.s32 s28, v18  }
0x2e4: {  	[tilespmem:v24+s19+$0x0] =	vst.idx.msk $0xffff, v20;
	v20 =	vld [tilespmem:s31+$0x5030];
	v24 =	vadd.s32 s6, v18  }
0x2e5: {  	[tilespmem:v43+s19+$0x0] =	vst.idx.msk $0xffff, v32;
	v32 =	vld [tilespmem:s31+$0x5040];
	v43 =	vadd.s32 s9, v18  }
0x2e6: {  	[tilespmem:v45+s19+$0x0] =	vst.idx.msk $0xffff, v44;
	v44 =	vld [tilespmem:s31+$0x5050];
	v45 =	vadd.s32 s10, v18  }
0x2e7: {  	[tilespmem:v47+s19+$0x0] =	vst.idx.msk $0xffff, v46;
	v46 =	vld [tilespmem:s31+$0x5060];
	v47 =	vadd.s32 s25, v18  }
0x2e8: {  	[tilespmem:v28+s19+$0x0] =	vst.idx.msk $0xffff, v17;
	v17 =	vld [tilespmem:s31+$0x5070];
	v28 =	vadd.s32 s12, v18  }
0x2e9: {  	[tilespmem:v24+s19+$0x0] =	vst.idx.msk $0xffff, v20;
	v20 =	vld [tilespmem:s31+$0x50A0];
	v24 =	vadd.s32 s28, v23  }
0x2ea: {  	[tilespmem:v43+s19+$0x0] =	vst.idx.msk $0xffff, v32;
	v32 =	vld [tilespmem:s31+$0x50B0];
	v43 =	vadd.s32 s6, v23  }
0x2eb: {  	[tilespmem:v45+s19+$0x0] =	vst.idx.msk $0xffff, v44;
	v44 =	vld [tilespmem:s31+$0x50C0];
	v45 =	vadd.s32 s9, v23  }
0x2ec: {  	[tilespmem:v47+s19+$0x0] =	vst.idx.msk $0xffff, v46;
	v46 =	vld [tilespmem:s31+$0x50D0];
	v47 =	vadd.s32 s10, v23  }
0x2ed: {  	[tilespmem:v28+s19+$0x0] =	vst.idx.msk $0xffff, v17;
	v17 =	vld [tilespmem:s31+$0x50E0];
	v28 =	vadd.s32 s25, v23  }
0x2ee: {  	[tilespmem:v24+s19+$0x0] =	vst.idx.msk $0xffff, v20;
	v20 =	vld [tilespmem:s31+$0x50F0];
	v24 =	vadd.s32 s12, v23  }
0x2ef: {  	[tilespmem:v43+s19+$0x0] =	vst.idx.msk $0xffff, v32;
	v32 =	vld [tilespmem:s31+$0x5120];
	v43 =	vadd.s32 s28, v27  }
0x2f0: {  	[tilespmem:v45+s19+$0x0] =	vst.idx.msk $0xffff, v44;
	v44 =	vld [tilespmem:s31+$0x5130];
	v45 =	vadd.s32 s6, v27  }
0x2f1: {  	[tilespmem:v47+s19+$0x0] =	vst.idx.msk $0xffff, v46;
	v46 =	vld [tilespmem:s31+$0x5140];
	v47 =	vadd.s32 s9, v27  }
0x2f2: {  	[tilespmem:v28+s19+$0x0] =	vst.idx.msk $0xffff, v17;
	v17 =	vld [tilespmem:s31+$0x5150];
	v28 =	vadd.s32 s10, v27  }
0x2f3: {  	[tilespmem:v24+s19+$0x0] =	vst.idx.msk $0xffff, v20;
	v20 =	vld [tilespmem:s31+$0x5160];
	v24 =	vadd.s32 s25, v27  }
0x2f4: {  	[tilespmem:v43+s19+$0x0] =	vst.idx.msk $0xffff, v32;
	v32 =	vld [tilespmem:s31+$0x5170];
	v43 =	vadd.s32 s12, v27  }
0x2f5: {  	[tilespmem:v45+s19+$0x0] =	vst.idx.msk $0xffff, v44;
	v44 =	vld [tilespmem:s31+$0x51A0];
	v45 =	vadd.s32 s28, v30  }
0x2f6: {  	[tilespmem:v47+s19+$0x0] =	vst.idx.msk $0xffff, v46;
	v46 =	vld [tilespmem:s31+$0x51B0];
	v47 =	vadd.s32 s6, v30  }
0x2f7: {  	[tilespmem:v28+s19+$0x0] =	vst.idx.msk $0xffff, v17;
	v17 =	vld [tilespmem:s31+$0x51C0];
	v28 =	vadd.s32 s9, v30  }
0x2f8: {  	[tilespmem:v24+s19+$0x0] =	vst.idx.msk $0xffff, v20;
	v20 =	vld [tilespmem:s31+$0x51D0];
	v24 =	vadd.s32 s10, v30  }
0x2f9: {  	[tilespmem:v43+s19+$0x0] =	vst.idx.msk $0xffff, v32;
	v32 =	vld [tilespmem:s31+$0x51E0];
	v43 =	vadd.s32 s25, v30  }
0x2fa: {  	[tilespmem:v45+s19+$0x0] =	vst.idx.msk $0xffff, v44;
	v44 =	vld [tilespmem:s31+$0x51F0];
	v45 =	vadd.s32 s12, v30  }
0x2fb: {  	[tilespmem:v47+s19+$0x0] =	vst.idx.msk $0xffff, v46;
	v46 =	vld [tilespmem:s31+$0x5220];
	v47 =	vadd.s32 s28, v35  }
0x2fc: {  	[tilespmem:v28+s19+$0x0] =	vst.idx.msk $0xffff, v17;
	v17 =	vld [tilespmem:s31+$0x5230];
	v28 =	vadd.s32 s6, v35  }
0x2fd: {  	[tilespmem:v24+s19+$0x0] =	vst.idx.msk $0xffff, v20;
	v20 =	vld [tilespmem:s31+$0x5240];
	v24 =	vadd.s32 s9, v35  }
0x2fe: {  	[tilespmem:v43+s19+$0x0] =	vst.idx.msk $0xffff, v32;
	v32 =	vld [tilespmem:s31+$0x5250];
	v43 =	vadd.s32 s10, v35  }
0x2ff: {  	[tilespmem:v45+s19+$0x0] =	vst.idx.msk $0xffff, v44;
	v44 =	vld [tilespmem:s31+$0x5260];
	v45 =	vadd.s32 s25, v35  }
0x300: {  	[tilespmem:v47+s19+$0x0] =	vst.idx.msk $0xffff, v46;
	v46 =	vld [tilespmem:s31+$0x5270];
	v47 =	vadd.s32 s12, v35  }
0x301: {  	[tilespmem:v28+s19+$0x0] =	vst.idx.msk $0xffff, v17;
	v17 =	vld [tilespmem:s31+$0x52A0];
	v28 =	vadd.s32 s28, v37  }
0x302: {  	[tilespmem:v24+s19+$0x0] =	vst.idx.msk $0xffff, v20;
	v20 =	vld [tilespmem:s31+$0x52B0];
	v24 =	vadd.s32 s6, v37  }
0x303: {  	[tilespmem:v43+s19+$0x0] =	vst.idx.msk $0xffff, v32;
	v32 =	vld [tilespmem:s31+$0x52C0];
	v43 =	vadd.s32 s9, v37  }
0x304: {  	[tilespmem:v45+s19+$0x0] =	vst.idx.msk $0xffff, v44;
	v44 =	vld [tilespmem:s31+$0x52D0];
	v45 =	vadd.s32 s10, v37  }
0x305: {  	[tilespmem:v47+s19+$0x0] =	vst.idx.msk $0xffff, v46;
	v46 =	vld [tilespmem:s31+$0x52E0];
	v47 =	vadd.s32 s25, v37  }
0x306: {  	[tilespmem:v28+s19+$0x0] =	vst.idx.msk $0xffff, v17;
	v17 =	vld [tilespmem:s31+$0x52F0];
	v28 =	vadd.s32 s12, v37  }
0x307: {  	[tilespmem:v24+s19+$0x0] =	vst.idx.msk $0xffff, v20;
	v20 =	vld [tilespmem:s31+$0x5320];
	v24 =	vadd.s32 s28, v58  }
0x308: {  	[tilespmem:v43+s19+$0x0] =	vst.idx.msk $0xffff, v32;
	v32 =	vld [tilespmem:s31+$0x5330];
	v43 =	vadd.s32 s6, v58  }
0x309: {  	[tilespmem:v45+s19+$0x0] =	vst.idx.msk $0xffff, v44;
	v44 =	vld [tilespmem:s31+$0x5340];
	v45 =	vadd.s32 s9, v58  }
0x30a: {  	[tilespmem:v47+s19+$0x0] =	vst.idx.msk $0xffff, v46;
	v46 =	vld [tilespmem:s31+$0x5350];
	v47 =	vadd.s32 s10, v58  }
0x30b: {  	[tilespmem:v28+s19+$0x0] =	vst.idx.msk $0xffff, v17;
	v17 =	vld [tilespmem:s31+$0x5360];
	v28 =	vadd.s32 s25, v58  }
0x30c: {  	[tilespmem:v24+s19+$0x0] =	vst.idx.msk $0xffff, v20;
	v20 =	vld [tilespmem:s31+$0x5370];
	v24 =	vadd.s32 s12, v58  }
0x30d: {  	[tilespmem:v43+s19+$0x0] =	vst.idx.msk $0xffff, v32;
	v32 =	vld [tilespmem:s31+$0x53A0];
	v43 =	vadd.s32 s28, v60  }
0x30e: {  	[tilespmem:v45+s19+$0x0] =	vst.idx.msk $0xffff, v44;
	v44 =	vld [tilespmem:s31+$0x53B0];
	v45 =	vadd.s32 s6, v60  }
0x30f: {  	[tilespmem:v47+s19+$0x0] =	vst.idx.msk $0xffff, v46;
	v46 =	vld [tilespmem:s31+$0x53C0];
	v47 =	vadd.s32 s9, v60  }
0x310: {  	[tilespmem:v28+s19+$0x0] =	vst.idx.msk $0xffff, v17;
	v17 =	vld [tilespmem:s31+$0x53D0];
	v28 =	vadd.s32 s10, v60  }
0x311: {  	[tilespmem:v24+s19+$0x0] =	vst.idx.msk $0xffff, v20;
	v20 =	vld [tilespmem:s31+$0x53E0];
	v24 =	vadd.s32 s25, v60  }
0x312: {  	[tilespmem:v43+s19+$0x0] =	vst.idx.msk $0xffff, v32;
	v32 =	vld [tilespmem:s31+$0x53F0];
	v43 =	vadd.s32 s12, v60  }
0x313: {  	[tilespmem:v45+s19+$0x0] =	vst.idx.msk $0xffff, v44;
	v44 =	vld [tilespmem:s31+$0x6020];
	v45 =	vadd.s32 s28, v62  }
0x314: {  	[tilespmem:v47+s19+$0x0] =	vst.idx.msk $0xffff, v46;
	v46 =	vld [tilespmem:s31+$0x6030];
	v47 =	vadd.s32 s6, v62  }
0x315: {  	[tilespmem:v28+s19+$0x0] =	vst.idx.msk $0xffff, v17;
	v17 =	vld [tilespmem:s31+$0x6040];
	v28 =	vadd.s32 s9, v62  }
0x316: {  	[tilespmem:v24+s19+$0x0] =	vst.idx.msk $0xffff, v20;
	v20 =	vld [tilespmem:s31+$0x6050];
	v24 =	vadd.s32 s10, v62  }
0x317: {  	[tilespmem:v43+s19+$0x0] =	vst.idx.msk $0xffff, v32;
	v32 =	vld [tilespmem:s31+$0x6060];
	v43 =	vadd.s32 s25, v62  }
0x318: {  	[tilespmem:v45+s19+$0x0] =	vst.idx.msk $0xffff, v44;
	v44 =	vld [tilespmem:s31+$0x6070];
	v45 =	vadd.s32 s12, v62  }
0x319: {  	[tilespmem:v47+s19+$0x0] =	vst.idx.msk $0xffff, v46;
	v46 =	vld [tilespmem:s31+$0x60A0];
	v47 =	vadd.s32 s28, v13  }
0x31a: {  	[tilespmem:v28+s19+$0x0] =	vst.idx.msk $0xffff, v17;
	v17 =	vld [tilespmem:s31+$0x60B0];
	v28 =	vadd.s32 s6, v13  }
0x31b: {  	[tilespmem:v24+s19+$0x0] =	vst.idx.msk $0xffff, v20;
	v20 =	vld [tilespmem:s31+$0x60C0];
	v24 =	vadd.s32 s9, v13  }
0x31c: {  	[tilespmem:v43+s19+$0x0] =	vst.idx.msk $0xffff, v32;
	v32 =	vld [tilespmem:s31+$0x60D0];
	v43 =	vadd.s32 s10, v13  }
0x31d: {  	[tilespmem:v45+s19+$0x0] =	vst.idx.msk $0xffff, v44;
	v44 =	vld [tilespmem:s31+$0x60E0];
	v45 =	vadd.s32 s25, v13  }
0x31e: {  	[tilespmem:v47+s19+$0x0] =	vst.idx.msk $0xffff, v46;
	v46 =	vld [tilespmem:s31+$0x60F0];
	v47 =	vadd.s32 s12, v13  }
0x31f: {  	[tilespmem:v28+s19+$0x0] =	vst.idx.msk $0xffff, v17;
	v17 =	vld [tilespmem:s31+$0x6120];
	v28 =	vadd.s32 s28, v19  }
0x320: {  	[tilespmem:v24+s19+$0x0] =	vst.idx.msk $0xffff, v20;
	v20 =	vld [tilespmem:s31+$0x6130];
	v24 =	vadd.s32 s6, v19  }
0x321: {  	[tilespmem:v43+s19+$0x0] =	vst.idx.msk $0xffff, v32;
	v32 =	vld [tilespmem:s31+$0x6140];
	v43 =	vadd.s32 s9, v19  }
0x322: {  	[tilespmem:v45+s19+$0x0] =	vst.idx.msk $0xffff, v44;
	v44 =	vld [tilespmem:s31+$0x6150];
	v45 =	vadd.s32 s10, v19  }
0x323: {  	[tilespmem:v47+s19+$0x0] =	vst.idx.msk $0xffff, v46;
	v46 =	vld [tilespmem:s31+$0x6160];
	v47 =	vadd.s32 s25, v19  }
0x324: {  	[tilespmem:v28+s19+$0x0] =	vst.idx.msk $0xffff, v17;
	v17 =	vld [tilespmem:s31+$0x6170];
	v28 =	vadd.s32 s12, v19  }
0x325: {  	[tilespmem:v24+s19+$0x0] =	vst.idx.msk $0xffff, v20;
	v20 =	vld [tilespmem:s31+$0x61A0];
	v24 =	vadd.s32 s28, v22  }
0x326: {  	[tilespmem:v43+s19+$0x0] =	vst.idx.msk $0xffff, v32;
	v32 =	vld [tilespmem:s31+$0x61B0];
	v43 =	vadd.s32 s6, v22  }
0x327: {  	[tilespmem:v45+s19+$0x0] =	vst.idx.msk $0xffff, v44;
	v44 =	vld [tilespmem:s31+$0x61C0];
	v45 =	vadd.s32 s9, v22  }
0x328: {  	[tilespmem:v47+s19+$0x0] =	vst.idx.msk $0xffff, v46;
	v46 =	vld [tilespmem:s31+$0x61D0];
	v47 =	vadd.s32 s10, v22  }
0x329: {  	[tilespmem:v28+s19+$0x0] =	vst.idx.msk $0xffff, v17;
	v17 =	vld [tilespmem:s31+$0x61E0];
	v28 =	vadd.s32 s25, v22  }
0x32a: {  	[tilespmem:v24+s19+$0x0] =	vst.idx.msk $0xffff, v20;
	v20 =	vld [tilespmem:s31+$0x61F0];
	v24 =	vadd.s32 s12, v22  }
0x32b: {  	[tilespmem:v43+s19+$0x0] =	vst.idx.msk $0xffff, v32;
	v32 =	vld [tilespmem:s31+$0x6220];
	v43 =	vadd.s32 s28, v26  }
0x32c: {  	[tilespmem:v45+s19+$0x0] =	vst.idx.msk $0xffff, v44;
	v44 =	vld [tilespmem:s31+$0x6230];
	v45 =	vadd.s32 s6, v26  }
0x32d: {  	[tilespmem:v47+s19+$0x0] =	vst.idx.msk $0xffff, v46;
	v46 =	vld [tilespmem:s31+$0x6240];
	v47 =	vadd.s32 s9, v26  }
0x32e: {  	[tilespmem:v28+s19+$0x0] =	vst.idx.msk $0xffff, v17;
	v17 =	vld [tilespmem:s31+$0x6250];
	v28 =	vadd.s32 s10, v26  }
0x32f: {  	[tilespmem:v24+s19+$0x0] =	vst.idx.msk $0xffff, v20;
	v20 =	vld [tilespmem:s31+$0x6260];
	v24 =	vadd.s32 s25, v26  }
0x330: {  	[tilespmem:v43+s19+$0x0] =	vst.idx.msk $0xffff, v32;
	v32 =	vld [tilespmem:s31+$0x6270];
	v43 =	vadd.s32 s12, v26  }
0x331: {  	[tilespmem:v45+s19+$0x0] =	vst.idx.msk $0xffff, v44;
	v44 =	vld [tilespmem:s31+$0x62A0];
	v45 =	vadd.s32 s28, v31  }
0x332: {  	[tilespmem:v47+s19+$0x0] =	vst.idx.msk $0xffff, v46;
	v46 =	vld [tilespmem:s31+$0x62B0];
	v47 =	vadd.s32 s6, v31  }
0x333: {  	[tilespmem:v28+s19+$0x0] =	vst.idx.msk $0xffff, v17;
	v17 =	vld [tilespmem:s31+$0x62C0];
	v28 =	vadd.s32 s9, v31  }
0x334: {  	[tilespmem:v24+s19+$0x0] =	vst.idx.msk $0xffff, v20;
	v20 =	vld [tilespmem:s31+$0x62D0];
	v24 =	vadd.s32 s10, v31  }
0x335: {  	[tilespmem:v43+s19+$0x0] =	vst.idx.msk $0xffff, v32;
	v32 =	vld [tilespmem:s31+$0x62E0];
	v43 =	vadd.s32 s25, v31  }
0x336: {  	[tilespmem:v45+s19+$0x0] =	vst.idx.msk $0xffff, v44;
	v44 =	vld [tilespmem:s31+$0x62F0];
	v45 =	vadd.s32 s12, v31  }
0x337: {  	[tilespmem:v47+s19+$0x0] =	vst.idx.msk $0xffff, v46;
	v46 =	vld [tilespmem:s31+$0x6320];
	v47 =	vadd.s32 s28, v34  }
0x338: {  	[tilespmem:v28+s19+$0x0] =	vst.idx.msk $0xffff, v17;
	v17 =	vld [tilespmem:s31+$0x6330];
	v28 =	vadd.s32 s6, v34  }
0x339: {  	[tilespmem:v24+s19+$0x0] =	vst.idx.msk $0xffff, v20;
	v20 =	vld [tilespmem:s31+$0x6340];
	v24 =	vadd.s32 s9, v34  }
0x33a: {  	[tilespmem:v43+s19+$0x0] =	vst.idx.msk $0xffff, v32;
	v32 =	vld [tilespmem:s31+$0x6350];
	v43 =	vadd.s32 s10, v34  }
0x33b: {  	[tilespmem:v45+s19+$0x0] =	vst.idx.msk $0xffff, v44;
	v44 =	vld [tilespmem:s31+$0x6360];
	v45 =	vadd.s32 s25, v34  }
0x33c: {  	[tilespmem:v47+s19+$0x0] =	vst.idx.msk $0xffff, v46;
	v46 =	vld [tilespmem:s31+$0x6370];
	v47 =	vadd.s32 s12, v34  }
0x33d: {  	[tilespmem:v28+s19+$0x0] =	vst.idx.msk $0xffff, v17;
	v17 =	vld [tilespmem:s31+$0x63A0];
	v28 =	vadd.s32 s28, v48  }
0x33e: {  	[tilespmem:v24+s19+$0x0] =	vst.idx.msk $0xffff, v20;
	v20 =	vld [tilespmem:s31+$0x63B0];
	v24 =	vadd.s32 s6, v48  }
0x33f: {  	[tilespmem:v43+s19+$0x0] =	vst.idx.msk $0xffff, v32;
	v32 =	vld [tilespmem:s31+$0x63C0];
	v43 =	vadd.s32 s9, v48  }
0x340: {  	[tilespmem:v45+s19+$0x0] =	vst.idx.msk $0xffff, v44;
	v44 =	vld [tilespmem:s31+$0x63D0];
	v45 =	vadd.s32 s10, v48  }
0x341: {  	[tilespmem:v47+s19+$0x0] =	vst.idx.msk $0xffff, v46;
	v46 =	vld [tilespmem:s31+$0x63E0];
	v47 =	vadd.s32 s25, v48  }
0x342: {  	[tilespmem:v28+s19+$0x0] =	vst.idx.msk $0xffff, v17;
	v17 =	vld [tilespmem:s31+$0x63F0];
	v28 =	vadd.s32 s12, v48  }
0x343: {  	[tilespmem:v24+s19+$0x0] =	vst.idx.msk $0xffff, v20;
	v20 =	vld [tilespmem:s31+$0x7020];
	v24 =	vadd.s32 s28, v50  }
0x344: {  	[tilespmem:v43+s19+$0x0] =	vst.idx.msk $0xffff, v32;
	v32 =	vld [tilespmem:s31+$0x7030];
	v43 =	vadd.s32 s6, v50  }
0x345: {  	[tilespmem:v45+s19+$0x0] =	vst.idx.msk $0xffff, v44;
	v44 =	vld [tilespmem:s31+$0x7040];
	v45 =	vadd.s32 s9, v50  }
0x346: {  	[tilespmem:v47+s19+$0x0] =	vst.idx.msk $0xffff, v46;
	v46 =	vld [tilespmem:s31+$0x7050];
	v47 =	vadd.s32 s10, v50  }
0x347: {  	[tilespmem:v28+s19+$0x0] =	vst.idx.msk $0xffff, v17;
	v17 =	vld [tilespmem:s31+$0x7060];
	v28 =	vadd.s32 s25, v50  }
0x348: {  	[tilespmem:v24+s19+$0x0] =	vst.idx.msk $0xffff, v20;
	v20 =	vld [tilespmem:s31+$0x7070];
	v24 =	vadd.s32 s12, v50  }
0x349: {  	[tilespmem:v43+s19+$0x0] =	vst.idx.msk $0xffff, v32;
	v32 =	vld [tilespmem:s31+$0x70A0];
	v43 =	vadd.s32 s28, v54  }
0x34a: {  	[tilespmem:v45+s19+$0x0] =	vst.idx.msk $0xffff, v44;
	v44 =	vld [tilespmem:s31+$0x70B0];
	v45 =	vadd.s32 s6, v54  }
0x34b: {  	[tilespmem:v47+s19+$0x0] =	vst.idx.msk $0xffff, v46;
	v46 =	vld [tilespmem:s31+$0x70C0];
	v47 =	vadd.s32 s9, v54  }
0x34c: {  	[tilespmem:v28+s19+$0x0] =	vst.idx.msk $0xffff, v17;
	v17 =	vld [tilespmem:s31+$0x70D0];
	v28 =	vadd.s32 s10, v54  }
0x34d: {  	[tilespmem:v24+s19+$0x0] =	vst.idx.msk $0xffff, v20;
	v20 =	vld [tilespmem:s31+$0x70E0];
	v24 =	vadd.s32 s25, v54  }
0x34e: {  	[tilespmem:v43+s19+$0x0] =	vst.idx.msk $0xffff, v32;
	v32 =	vld [tilespmem:s31+$0x70F0];
	v43 =	vadd.s32 s12, v54  }
0x34f: {  	[tilespmem:v45+s19+$0x0] =	vst.idx.msk $0xffff, v44;
	v44 =	vld [tilespmem:s31+$0x7120];
	v45 =	vadd.s32 s28, v56  }
0x350: {  	[tilespmem:v47+s19+$0x0] =	vst.idx.msk $0xffff, v46;
	v46 =	vld [tilespmem:s31+$0x7130];
	v47 =	vadd.s32 s6, v56  }
0x351: {  	[tilespmem:v28+s19+$0x0] =	vst.idx.msk $0xffff, v17;
	v17 =	vld [tilespmem:s31+$0x7140];
	v28 =	vadd.s32 s9, v56  }
0x352: {  	[tilespmem:v24+s19+$0x0] =	vst.idx.msk $0xffff, v20;
	v20 =	vld [tilespmem:s31+$0x7150];
	v24 =	vadd.s32 s10, v56  }
0x353: {  	[tilespmem:v43+s19+$0x0] =	vst.idx.msk $0xffff, v32;
	v32 =	vld [tilespmem:s31+$0x7160];
	v43 =	vadd.s32 s25, v56  }
0x354: {  	[tilespmem:v45+s19+$0x0] =	vst.idx.msk $0xffff, v44;
	v44 =	vld [tilespmem:s31+$0x7170];
	v45 =	vadd.s32 s12, v56  }
0x355: {  	[tilespmem:v47+s19+$0x0] =	vst.idx.msk $0xffff, v46;
	v46 =	vld [tilespmem:s31+$0x71A0];
	v47 =	vadd.s32 s28, v1  }
0x356: {  	[tilespmem:v28+s19+$0x0] =	vst.idx.msk $0xffff, v17;
	v17 =	vld [tilespmem:s31+$0x71B0];
	v28 =	vadd.s32 s6, v1  }
0x357: {  	[tilespmem:v24+s19+$0x0] =	vst.idx.msk $0xffff, v20;
	v20 =	vld [tilespmem:s31+$0x71C0];
	v24 =	vadd.s32 s9, v1  }
0x358: {  	[tilespmem:v43+s19+$0x0] =	vst.idx.msk $0xffff, v32;
	v32 =	vld [tilespmem:s31+$0x71D0];
	v43 =	vadd.s32 s10, v1  }
0x359: {  	[tilespmem:v45+s19+$0x0] =	vst.idx.msk $0xffff, v44;
	v44 =	vld [tilespmem:s31+$0x71E0];
	v45 =	vadd.s32 s25, v1  }
0x35a: {  	[tilespmem:v47+s19+$0x0] =	vst.idx.msk $0xffff, v46;
	v46 =	vld [tilespmem:s31+$0x71F0];
	v47 =	vadd.s32 s12, v1  }
0x35b: {  	[tilespmem:v28+s19+$0x0] =	vst.idx.msk $0xffff, v17;
	v17 =	vld [tilespmem:s31+$0x7220];
	v28 =	vadd.s32 s28, v5  }
0x35c: {  	[tilespmem:v24+s19+$0x0] =	vst.idx.msk $0xffff, v20;
	v20 =	vld [tilespmem:s31+$0x7230];
	v24 =	vadd.s32 s6, v5  }
0x35d: {  	[tilespmem:v43+s19+$0x0] =	vst.idx.msk $0xffff, v32;
	v32 =	vld [tilespmem:s31+$0x7240];
	v43 =	vadd.s32 s9, v5  }
0x35e: {  	[tilespmem:v45+s19+$0x0] =	vst.idx.msk $0xffff, v44;
	v44 =	vld [tilespmem:s31+$0x7250];
	v45 =	vadd.s32 s10, v5  }
0x35f: {  	[tilespmem:v47+s19+$0x0] =	vst.idx.msk $0xffff, v46;
	v46 =	vld [tilespmem:s31+$0x7260];
	v47 =	vadd.s32 s25, v5  }
0x360: {  	[tilespmem:v28+s19+$0x0] =	vst.idx.msk $0xffff, v17;
	v17 =	vld [tilespmem:s31+$0x7270];
	v28 =	vadd.s32 s12, v5  }
0x361: {  	[tilespmem:v24+s19+$0x0] =	vst.idx.msk $0xffff, v20;
	v20 =	vld [tilespmem:s31+$0x72A0];
	v24 =	vadd.s32 s28, v9  }
0x362: {  	[tilespmem:v43+s19+$0x0] =	vst.idx.msk $0xffff, v32;
	v32 =	vld [tilespmem:s31+$0x72B0];
	v43 =	vadd.s32 s6, v9  }
0x363: {  	[tilespmem:v45+s19+$0x0] =	vst.idx.msk $0xffff, v44;
	v44 =	vld [tilespmem:s31+$0x72C0];
	v45 =	vadd.s32 s9, v9  }
0x364: {  	[tilespmem:v47+s19+$0x0] =	vst.idx.msk $0xffff, v46;
	v46 =	vld [tilespmem:s31+$0x72D0];
	v47 =	vadd.s32 s10, v9  }
0x365: {  	[tilespmem:v28+s19+$0x0] =	vst.idx.msk $0xffff, v17;
	v17 =	vld [tilespmem:s31+$0x72E0];
	v28 =	vadd.s32 s25, v9  }
0x366: {  	[tilespmem:v24+s19+$0x0] =	vst.idx.msk $0xffff, v20;
	v20 =	vld [tilespmem:s31+$0x72F0];
	v24 =	vadd.s32 s12, v9  }
0x367: {  	[tilespmem:v43+s19+$0x0] =	vst.idx.msk $0xffff, v32;
	v32 =	vld [tilespmem:s31+$0x7320];
	v43 =	vadd.s32 s28, v40  }
0x368: {  	[tilespmem:v45+s19+$0x0] =	vst.idx.msk $0xffff, v44;
	v44 =	vld [tilespmem:s31+$0x7330];
	v45 =	vadd.s32 s6, v40  }
0x369: {  	[tilespmem:v47+s19+$0x0] =	vst.idx.msk $0xffff, v46;
	v46 =	vld [tilespmem:s31+$0x7340];
	v47 =	vadd.s32 s9, v40  }
0x36a: {  	[tilespmem:v28+s19+$0x0] =	vst.idx.msk $0xffff, v17;
	v17 =	vld [tilespmem:s31+$0x7350];
	v28 =	vadd.s32 s10, v40  }
0x36b: {  	[tilespmem:v24+s19+$0x0] =	vst.idx.msk $0xffff, v20;
	v20 =	vld [tilespmem:s31+$0x7360];
	v24 =	vadd.s32 s25, v40  }
0x36c: {  	[tilespmem:v43+s19+$0x0] =	vst.idx.msk $0xffff, v32;
	v32 =	vld [tilespmem:s31+$0x7370];
	v43 =	vadd.s32 s12, v40  }
0x36d: {  	[tilespmem:v45+s19+$0x0] =	vst.idx.msk $0xffff, v44;
	v44 =	vadd.s32 s28, v14;
	v45 =	vld [tilespmem:s31+$0x73A0]  }
0x36e: {  	[tilespmem:v47+s19+$0x0] =	vst.idx.msk $0xffff, v46;
	v46 =	vadd.s32 s6, v14;
	v47 =	vld [tilespmem:s31+$0x73B0]  }
0x36f: {  	[tilespmem:v28+s19+$0x0] =	vst.idx.msk $0xffff, v17;
	v17 =	vadd.s32 s9, v14;
	v28 =	vld [tilespmem:s31+$0x73C0]  }
0x370: {  	[tilespmem:v24+s19+$0x0] =	vst.idx.msk $0xffff, v20;
	v20 =	vadd.s32 s10, v14;
	v24 =	vld [tilespmem:s31+$0x73D0]  }
0x371: {  	[tilespmem:v43+s19+$0x0] =	vst.idx.msk $0xffff, v32;
	v32 =	vld [tilespmem:s31+$0x73E0];
	v43 =	vadd.s32 s25, v14  }
0x372: {  	p0 =	slt.u32 s2, $0x18;
	[tilespmem:v44+s19+$0x0] =	vst.idx.msk $0xffff, v45;
	v44 =	vld [tilespmem:s31+$0x73F0];
	v45 =	vadd.s32 s12, v14  }
.Ltmp2:
0x373: {  	[tilespmem:v46+s19+$0x0] =	vst.idx.msk $0xffff, v47;
	(pc) =	sbr.rel @p0 .LBB2_7-.Ltmp2, $4  }
0x374: {  	[tilespmem:v17+s19+$0x0] =	vst.idx.msk $0xffff, v28  }
0x375: {  	[tilespmem:v20+s19+$0x0] =	vst.idx.msk $0xffff, v24  }
0x376: {  	s16 =	simm.s32 $0x10300;
	s31 =	sadd.s32 $0x8, s2;
	v47 =	vld [tilespmem:$0x1FFF0];
	[tilespmem:v43+s19+$0x0] =	vst.idx.msk $0xffff, v32  }
0x377: {  	s6 =	simm.s32 $0x1E0;
	s12 =	simm.s32 $0x8108;
	v46 =	vld [tilespmem:$0x1FFE0];
	s2 =	smov.u32 s31;
	[tilespmem:v45+s19+$0x0] =	vst.idx.msk $0xffff, v44  }
0x378: {  	v17 =	vld [tilespmem:s12+$0x84]  }
0x379: {  	v20 =	vld [tilespmem:s12+$0xFFFFFF7C];
	_ =	sdelay $0x2  }
0x37a: {  	v24 =	vld [tilespmem:s12+$0x0]  }
0x37b: {  	v28 =	vld [tilespmem:s12+$0xFFFFFEF8];
	[tilespmem:s16+$0x80] =	vst v17  }
0x37c: {  	[tilespmem:s16+$0xFFFFFF80] =	vst v20;
	v17 =	vld [tilespmem:s12+$0x94]  }
0x37d: {  	v20 =	vld [tilespmem:s12+$0xFFFFFF8C];
	_ =	sdelay $0x1  }
0x37e: {  	[tilespmem:s16+$0x0] =	vst v24  }
0x37f: {  	[tilespmem:s16+$0xFFFFFF00] =	vst v28;
	v24 =	vld [tilespmem:s12+$0x10]  }
0x380: {  	v28 =	vld [tilespmem:s12+$0xFFFFFF08];
	[tilespmem:s16+$0x90] =	vst v17  }
0x381: {  	[tilespmem:s16+$0xFFFFFF90] =	vst v20;
	v17 =	vld [tilespmem:s12+$0xA5]  }
0x382: {  	v20 =	vld [tilespmem:s12+$0xFFFFFF9D];
	_ =	sdelay $0x1  }
0x383: {  	[tilespmem:s16+$0x10] =	vst v24  }
0x384: {  	[tilespmem:s16+$0xFFFFFF10] =	vst v28;
	v24 =	vld [tilespmem:s12+$0x21]  }
0x385: {  	v28 =	vld [tilespmem:s12+$0xFFFFFF19];
	[tilespmem:s16+$0xA0] =	vst v17  }
0x386: {  	[tilespmem:s16+$0xFFFFFFA0] =	vst v20;
	v17 =	vld [tilespmem:s12+$0xB5]  }
0x387: {  	v20 =	vld [tilespmem:s12+$0xFFFFFFAD];
	_ =	sdelay $0x1  }
0x388: {  	s0 =	simm.s32 $0x1A0;
	[tilespmem:s16+$0x20] =	vst v24  }
0x389: {  	s2 =	simm.s32 $0xA0;
	s0 =	sor.u32 $0x30, s0;
	[tilespmem:s16+$0xFFFFFF20] =	vst v28;
	v24 =	vld [tilespmem:s12+$0x31]  }
0x38a: {  	s2 =	sor.u32 $0x30, s2;
	v28 =	vld [tilespmem:s12+$0xFFFFFF29];
	[tilespmem:s0+$0x10200] =	vst v17  }
0x38b: {  	[tilespmem:s2+$0x10200] =	vst v20;
	v17 =	vld [tilespmem:s12+$0xC6]  }
0x38c: {  	s24 =	simm.s32 $0x120;
	v20 =	vld [tilespmem:s12+$0xFFFFFFBE]  }
0x38d: {  	s25 =	simm.s32 $0x20;
	s0 =	sor.u32 $0x30, s24  }
0x38e: {  	s2 =	sor.u32 $0x30, s25;
	[tilespmem:s0+$0x10200] =	vst v24  }
0x38f: {  	[tilespmem:s2+$0x10200] =	vst v28;
	v24 =	vld [tilespmem:s12+$0x42]  }
0x390: {  	v28 =	vld [tilespmem:s12+$0xFFFFFF3A];
	[tilespmem:s16+$0xC0] =	vst v17  }
0x391: {  	[tilespmem:s16+$0xFFFFFFC0] =	vst v20;
	v17 =	vld [tilespmem:s12+$0xD6]  }
0x392: {  	s0 =	simm.s32 $0x8318;
	v20 =	vld [tilespmem:s12+$0xFFFFFFCE]  }
0x393: {  	v32 =	vld [tilespmem:s0+$0x84]  }
0x394: {  	s26 =	simm.s32 $0x1C0;
	[tilespmem:s16+$0x40] =	vst v24;
	v24 =	vld [tilespmem:s0+$0xFFFFFF7C]  }
0x395: {  	s3 =	simm.s32 $0xC0;
	s2 =	sor.u32 $0x50, s26;
	[tilespmem:s16+$0xFFFFFF40] =	vst v28;
	v28 =	vld [tilespmem:s0+$0x0]  }
0x396: {  	s3 =	sor.u32 $0x50, s3;
	v43 =	vld [tilespmem:s0+$0xFFFFFEF8];
	[tilespmem:s2+$0x10200] =	vst v17  }
0x397: {  	[tilespmem:s3+$0x10200] =	vst v20;
	s2 =	simm.s32 $0x10500;
	v20 =	vld [tilespmem:s12+$0xFFFFFF4A]  }
0x398: {  	v17 =	vld [tilespmem:s12+$0xE7];
	[tilespmem:s2+$0x80] =	vst v32  }
0x399: {  	[tilespmem:s2+$0xFFFFFF80] =	vst v24;
	v24 =	vld [tilespmem:s0+$0x94]  }
0x39a: {  	s9 =	simm.s32 $0x40;
	[tilespmem:s2+$0x0] =	vst v28;
	v63 =	vld [tilespmem:s0+$0xFFFFFF8C]  }
0x39b: {  	s3 =	sor.u32 $0x50, s9;
	[tilespmem:s2+$0xFFFFFF00] =	vst v43;
	v28 =	vld [tilespmem:s0+$0x10]  }
0x39c: {  	v43 =	vld [tilespmem:s0+$0xFFFFFF08];
	[tilespmem:s3+$0x10200] =	vst v20  }
0x39d: {  	v20 =	vld [tilespmem:s12+$0x52];
	[tilespmem:s16+$0xE0] =	vst v17  }
0x39e: {  	v17 =	vld [tilespmem:s12+$0xF7];
	[tilespmem:s2+$0x90] =	vst v24  }
0x39f: {  	[tilespmem:s2+$0xFFFFFF90] =	vst v63;
	v24 =	vld [tilespmem:s0+$0xA5]  }
0x3a0: {  	s10 =	simm.s32 $0x140;
	[tilespmem:s2+$0x10] =	vst v28;
	v32 =	vld [tilespmem:s0+$0xFFFFFF9D]  }
0x3a1: {  	s3 =	sor.u32 $0x50, s10;
	[tilespmem:s2+$0xFFFFFF10] =	vst v43;
	v28 =	vld [tilespmem:s0+$0x21]  }
0x3a2: {  	s6 =	sor.u32 $0x70, s6;
	v43 =	vld [tilespmem:s0+$0xFFFFFF19];
	[tilespmem:s3+$0x10200] =	vst v20  }
0x3a3: {  	v20 =	vld [tilespmem:s12+$0xFFFFFFDF];
	[tilespmem:s6+$0x10200] =	vst v17  }
0x3a4: {  	v17 =	vld [tilespmem:s12+$0xFFFFFF5B];
	[tilespmem:s2+$0xA0] =	vst v24  }
0x3a5: {  	[tilespmem:s2+$0xFFFFFFA0] =	vst v32;
	v24 =	vld [tilespmem:s0+$0xB5]  }
0x3a6: {  	[tilespmem:s2+$0x20] =	vst v28;
	v32 =	vld [tilespmem:s0+$0xFFFFFFAD]  }
0x3a7: {  	[tilespmem:s2+$0xFFFFFF20] =	vst v43;
	v28 =	vld [tilespmem:s0+$0x31]  }
0x3a8: {  	s15 =	simm.s32 $0x3A0;
	v43 =	vld [tilespmem:s0+$0xFFFFFF29];
	[tilespmem:s16+$0xFFFFFFE0] =	vst v20  }
0x3a9: {  	s17 =	simm.s32 $0x2A0;
	s3 =	sor.u32 $0x30, s15;
	[tilespmem:s16+$0xFFFFFF60] =	vst v17;
	v17 =	vld [tilespmem:s12+$0x63]  }
0x3aa: {  	s31 =	simm.s32 $0x10500;
	s10 =	simm.s32 $0x320;
	s6 =	sor.u32 $0x30, s17;
	v20 =	vld [tilespmem:s12+$0xFFFFFF6B];
	[tilespmem:s3+$0x10200] =	vst v24  }
0x3ab: {  	s24 =	simm.s32 $0x220;
	s25 =	simm.s32 $0xE0;
	s10 =	sor.u32 $0x30, s10;
	[tilespmem:s6+$0x10200] =	vst v32;
	v24 =	vld [tilespmem:s0+$0xC6]  }
0x3ac: {  	s26 =	simm.s32 $0x240;
	s9 =	simm.s32 $0x60;
	s17 =	sor.u32 $0x30, s24;
	[tilespmem:s10+$0x10200] =	vst v28;
	v32 =	vld [tilespmem:s0+$0xFFFFFFBE]  }
0x3ad: {  	s23 =	sor.u32 $0x70, s9;
	s9 =	sor.u32 $0x70, s25;
	s25 =	simm.s32 $0x10;
	[tilespmem:s17+$0x10200] =	vst v43;
	v28 =	vld [tilespmem:s0+$0x42]  }
0x3ae: {  	s15 =	simm.s32 $0x160;
	s24 =	sor.u32 $0x50, s26;
	s26 =	simm.s32 $0x260;
	v44 =	vld [tilespmem:s0+$0xFFFFFF3A];
	[tilespmem:s16+$0x60] =	vst v17  }
0x3af: {  	s6 =	sor.u32 $0x70, s15;
	s17 =	simm.s32 $0x340;
	v43 =	vld [tilespmem:s12+$0xFFFFFFEF];
	s16 =	simm.s32 $0x2C0;
	[tilespmem:s23+$0x10200] =	vst v20  }
0x3b0: {  	s10 =	simm.s32 $0x3E0;
	s17 =	sor.u32 $0x50, s17;
	s23 =	sor.u32 $0x50, s16;
	v17 =	vld [tilespmem:s12+$0x73];
	[tilespmem:s2+$0xC0] =	vst v24  }
0x3b1: {  	s16 =	simm.s32 $0x2E0;
	s12 =	sor.u32 $0x70, s26;
	s26 =	simm.s32 $0x360;
	[tilespmem:s2+$0xFFFFFFC0] =	vst v32;
	v45 =	vld [tilespmem:s0+$0xD6]  }
0x3b2: {  	s28 =	sor.u32 $0x70, s16;
	s26 =	sor.u32 $0x70, s26;
	s16 =	simm.s32 $0x8528;
	[tilespmem:s2+$0x40] =	vst v28;
	v20 =	vld [tilespmem:s0+$0xFFFFFFCE]  }
.LBB2_9:
0x3b3: {  	v24 =	vld [tilespmem:s16+$0x84];
	s25 =	sadd.s32 $0x10, s25;
	[tilespmem:s2+$0xFFFFFF40] =	vst v44  }
0x3b4: {  	s3 =	sadd.s32 $0xFFFFFFE0, s10;
	v28 =	vld [tilespmem:s16+$0xFFFFFF7C];
	p0 =	slt.u32 s25, $0x1F0;
	[tilespmem:s9+$0x10200] =	vst v43;
	s9 =	smov.u32 s28  }
0x3b5: {  	s3 =	sor.u32 $0x50, s3;
	v32 =	vld [tilespmem:s16+$0x0];
	[tilespmem:s6+$0x10200] =	vst v17;
	s6 =	smov.u32 s26  }
0x3b6: {  	v17 =	vld [tilespmem:s16+$0xFFFFFEF8];
	[tilespmem:s3+$0x10200] =	vst v45  }
0x3b7: {  	s2 =	sadd.s32 $0x200, s2;
	[tilespmem:s23+$0x10200] =	vst v20;
	v20 =	vld [tilespmem:s0+$0xE7]  }
0x3b8: {  	[tilespmem:s2+$0x80] =	vst v24;
	v24 =	vld [tilespmem:s0+$0xFFFFFF4A]  }
0x3b9: {  	[tilespmem:s2+$0xFFFFFF80] =	vst v28;
	v28 =	vld [tilespmem:s16+$0x94]  }
0x3ba: {  	v43 =	vld [tilespmem:s16+$0xFFFFFF8C];
	[tilespmem:s2+$0x0] =	vst v32  }
0x3bb: {  	[tilespmem:s2+$0xFFFFFF00] =	vst v17;
	v17 =	vld [tilespmem:s16+$0x10]  }
0x3bc: {  	v32 =	vld [tilespmem:s16+$0xFFFFFF08];
	[tilespmem:s31+$0xE0] =	vst v20  }
0x3bd: {  	[tilespmem:s24+$0x10200] =	vst v24;
	v20 =	vld [tilespmem:s0+$0xF7]  }
0x3be: {  	[tilespmem:s2+$0x90] =	vst v28;
	v24 =	vld [tilespmem:s0+$0x52]  }
0x3bf: {  	[tilespmem:s2+$0xFFFFFF90] =	vst v43;
	v28 =	vld [tilespmem:s16+$0xA5]  }
0x3c0: {  	v43 =	vld [tilespmem:s16+$0xFFFFFF9D];
	[tilespmem:s2+$0x10] =	vst v17  }
0x3c1: {  	s3 =	sor.u32 $0x70, s10;
	[tilespmem:s2+$0xFFFFFF10] =	vst v32;
	v17 =	vld [tilespmem:s16+$0x21]  }
0x3c2: {  	v32 =	vld [tilespmem:s16+$0xFFFFFF19];
	[tilespmem:s3+$0x10200] =	vst v20  }
0x3c3: {  	v20 =	vld [tilespmem:s0+$0xFFFFFF5B];
	[tilespmem:s17+$0x10200] =	vst v24  }
0x3c4: {  	[tilespmem:s2+$0xA0] =	vst v28;
	v24 =	vld [tilespmem:s0+$0xFFFFFFDF]  }
0x3c5: {  	[tilespmem:s2+$0xFFFFFFA0] =	vst v43;
	v28 =	vld [tilespmem:s16+$0xB5]  }
0x3c6: {  	v43 =	vld [tilespmem:s16+$0xFFFFFFAD];
	[tilespmem:s2+$0x20] =	vst v17  }
0x3c7: {  	s10 =	sadd.s32 $0x200, s10;
	[tilespmem:s2+$0xFFFFFF20] =	vst v32;
	v17 =	vld [tilespmem:s16+$0x31]  }
0x3c8: {  	s15 =	sadd.s32 $0xFFFFFEC0, s10;
	s3 =	sadd.s32 $0xFFFFFE40, s10;
	s17 =	sadd.s32 $0xFFFFFFC0, s10;
	v32 =	vld [tilespmem:s16+$0xFFFFFF29];
	[tilespmem:s31+$0xFFFFFF60] =	vst v20  }
0x3c9: {  	s23 =	sadd.s32 $0xFFFFFF40, s10;
	s3 =	sor.u32 $0x30, s3;
	s17 =	sor.u32 $0x30, s17;
	[tilespmem:s31+$0xFFFFFFE0] =	vst v24;
	v20 =	vld [tilespmem:s0+$0x63]  }
0x3ca: {  	s15 =	sor.u32 $0x30, s15;
	s26 =	sor.u32 $0x30, s23;
	s24 =	sadd.s32 $0xFFFFFE60, s10;
	[tilespmem:s17+$0x10200] =	vst v28;
	v24 =	vld [tilespmem:s0+$0xFFFFFF6B]  }
0x3cb: {  	s24 =	sor.u32 $0x50, s24;
	s17 =	sadd.s32 $0xFFFFFF60, s10;
	[tilespmem:s15+$0x10200] =	vst v43;
	s15 =	sadd.s32 $0xFFFFFEE0, s10;
	v28 =	vld [tilespmem:s16+$0xC6]  }
0x3cc: {  	s28 =	sadd.s32 $0xFFFFFE80, s10;
	s17 =	sor.u32 $0x50, s17;
	v45 =	vld [tilespmem:s16+$0xFFFFFFBE];
	s23 =	sor.u32 $0x50, s15;
	[tilespmem:s26+$0x10200] =	vst v17  }
0x3cd: {  	s15 =	sadd.s32 $0xFFFFFF00, s10;
	s26 =	sadd.s32 $0xFFFFFF80, s10;
	[tilespmem:s3+$0x10200] =	vst v32;
	s3 =	sor.u32 $0x70, s28;
	v32 =	vld [tilespmem:s16+$0x42]  }
.Ltmp3:
0x3ce: {  	s28 =	sor.u32 $0x70, s15;
	s26 =	sor.u32 $0x70, s26;
	v44 =	vld [tilespmem:s16+$0xFFFFFF3A];
	[tilespmem:s31+$0x60] =	vst v20;
	(pc) =	sbr.rel @p0 .LBB2_9-.Ltmp3, $4  }
0x3cf: {  	s31 =	smov.u32 s2;
	[tilespmem:s12+$0x10200] =	vst v24;
	v43 =	vld [tilespmem:s0+$0xFFFFFFEF];
	s12 =	smov.u32 s3  }
0x3d0: {  	[tilespmem:s2+$0xC0] =	vst v28;
	v17 =	vld [tilespmem:s0+$0x73];
	s0 =	smov.u32 s16  }
0x3d1: {  	[tilespmem:s2+$0xFFFFFFC0] =	vst v45;
	v45 =	vld [tilespmem:s16+$0xD6]  }
0x3d2: {  	s16 =	sadd.s32 $0x210, s16;
	v20 =	vld [tilespmem:s0+$0xFFFFFFCE];
	[tilespmem:s2+$0x40] =	vst v32  }
0x3d3: {  	[tilespmem:s2+$0xFFFFFF40] =	vst v44  }
0x3d4: {  	v24 =	vld [tilespmem:s0+$0xFFFFFF4A]  }
0x3d5: {  	s16 =	sadd.s32 $0xFFFFFFE0, s10;
	v28 =	vld [tilespmem:s0+$0x52]  }
0x3d6: {  	s2 =	sor.u32 $0x50, s16  }
0x3d7: {  	[tilespmem:s2+$0x10200] =	vst v45  }
0x3d8: {  	v32 =	vld [tilespmem:s0+$0xE7];
	[tilespmem:s23+$0x10200] =	vst v20  }
0x3d9: {  	[tilespmem:s24+$0x10200] =	vst v24;
	v24 =	vld [tilespmem:s0+$0xFFFFFFDF]  }
0x3da: {  	[tilespmem:s17+$0x10200] =	vst v28;
	v20 =	vld [tilespmem:s0+$0xFFFFFF5B]  }
0x3db: {  	v28 =	vld [tilespmem:s0+$0x63];
	_ =	sdelay $0x1  }
0x3dc: {  	[tilespmem:s31+$0xE0] =	vst v32  }
0x3dd: {  	[tilespmem:s31+$0xFFFFFFE0] =	vst v24  }
0x3de: {  	[tilespmem:s31+$0xFFFFFF60] =	vst v20;
	v20 =	vld [tilespmem:s0+$0xF7]  }
0x3df: {  	[tilespmem:s31+$0x60] =	vst v28;
	v28 =	vld [tilespmem:s0+$0xFFFFFFEF]  }
0x3e0: {  	v63 =	vld [tilespmem:s0+$0x73]  }
0x3e1: {  	[tilespmem:s9+$0x10200] =	vst v43;
	v24 =	vld [tilespmem:s0+$0xFFFFFF6B]  }
0x3e2: {  	s25 =	sor.u32 $0x70, s10;
	p0 =	seq.s32 s29, $0x1D;
	[tilespmem:s6+$0x10200] =	vst v17  }
.Ltmp4:
0x3e3: {  	[tilespmem:s25+$0x10200] =	vst v20;
	(pc) =	sbr.rel @p0 .LBB2_12-.Ltmp4, $4  }
0x3e4: {  	[tilespmem:s28+$0x10200] =	vst v28  }
0x3e5: {  	s31 =	sshll.u32 s29, $0xC;
	[tilespmem:s26+$0x10200] =	vst v63  }
0x3e6: {  	s0 =	sadd.s32 s11, s31;
	[tilespmem:s12+$0x10200] =	vst v24  }
0x3e7: {  	[hbm4b:s0+s4] =	stream.linear.scatter [tilespmem:s22], [sflag:$0x4], $0x4000, $0x38;
	[tilespmem:$0x14480] =	vst v63  }
.Ltmp5:
0x3e8: {  	(pc) =	sbr.rel .LBB2_2-.Ltmp5, $4  }
0x3e9: {  	s0 =	sadd.s32 s30, s8  }
0x3ea: {  	s0 =	sshrl.u32 s0, $0x3  }
0x3eb: {  	s2 =	simm.s32 $0x4000;
	s29 =	sadd.s32 $0x1, s29;
	s0 =	sadd.s32 s1, s0  }
0x3ec: {  	[tilespmem:s2], [sflag:$0x2] =	stream.strided.gather [hbm4b:s0+s13], $0x4000, s14, s13, $0x38;
	[tilespmem:$0x14480] =	vst v63  }
.LBB2_12:
0x3ed: {  	_ =	swait.ge [sflag:s18], $0x4000  }
0x3ee: {  	[sflag:s18] =	ssyncset.done $0x0  }
0x3ef: {  	s30 =	simm.s32 $0x3;
	[sflag:s18] =	ssyncadd.s32 $0xFFFFC000  }
0x3f0: {  	_ =	swait.ge [sflag:s30], $0x4000  }
0x3f1: {  	v42 =	vld [tilespmem:$0x1FD40]  }
0x3f2: {  	v63 =	vld [tilespmem:$0x1FD50]  }
0x3f3: {  	[sflag:s30] =	ssyncset.done $0x0;
	v52 =	vld [tilespmem:$0x1FE90]  }
0x3f4: {  	s2 =	simm.s32 $0x0;
	v53 =	vld [tilespmem:$0x1FEB0];
	[sflag:s30] =	ssyncadd.s32 $0xFFFFC000  }
.LBB2_13:
0x3f5: {  	s12 =	smul.u32 $0x210, s2;
	_ =	sdelay $0x1  }
0x3f6: {  	s0 =	sshll.u32 s2, $0x7;
	v17 =	vadd.s32 s12, v0  }
0x3f7: {  	s29 =	sand.u32 $0x3FFFFF80, s0;
	v17 =	vand.u32 $0x7F80, v17  }
0x3f8: {  	v20 =	vld [tilespmem:s29+$0x0];
	v17 =	vor.u32 v46, v17;
	_ =	sdelay $0x3  }
0x3f9: {  	v24 =	vadd.s32 s12, v2  }
0x3fa: {  	[tilespmem:v17+s19+$0x0] =	vst.idx.msk $0xffff, v20;
	v17 =	vand.u32 $0x7F80, v24  }
0x3fb: {  	v20 =	vld [tilespmem:s29+$0x80];
	v17 =	vor.u32 v47, v17;
	_ =	sdelay $0x3  }
0x3fc: {  	v24 =	vadd.s32 s12, v4  }
0x3fd: {  	[tilespmem:v17+s19+$0x0] =	vst.idx.msk $0xffff, v20;
	v17 =	vand.u32 $0x7F80, v24  }
0x3fe: {  	v20 =	vld [tilespmem:s29+$0x100];
	v17 =	vor.u32 v42, v17;
	_ =	sdelay $0x3  }
0x3ff: {  	v24 =	vadd.s32 s12, v6  }
0x400: {  	[tilespmem:v17+s19+$0x0] =	vst.idx.msk $0xffff, v20;
	v17 =	vand.u32 $0x7F80, v24  }
0x401: {  	v20 =	vld [tilespmem:s29+$0x180];
	v17 =	vor.u32 v63, v17;
	_ =	sdelay $0x3  }
0x402: {  	v24 =	vadd.s32 s12, v8  }
0x403: {  	[tilespmem:v17+s19+$0x0] =	vst.idx.msk $0xffff, v20;
	v17 =	vand.u32 $0x7F80, v24;
	v24 =	vld [tilespmem:$0x1FD60];
	_ =	sdelay $0x4  }
0x404: {  	v20 =	vld [tilespmem:s29+$0x200];
	v17 =	vor.u32 v24, v17;
	_ =	sdelay $0x3  }
0x405: {  	v24 =	vadd.s32 s12, v10  }
0x406: {  	[tilespmem:v17+s19+$0x0] =	vst.idx.msk $0xffff, v20;
	v17 =	vand.u32 $0x7F80, v24;
	v24 =	vld [tilespmem:$0x1FD70];
	_ =	sdelay $0x4  }
0x407: {  	v20 =	vld [tilespmem:s29+$0x280];
	v17 =	vor.u32 v24, v17;
	_ =	sdelay $0x3  }
0x408: {  	s26 =	sadd.s32 $0x210, s12  }
0x409: {  	v24 =	vld [tilespmem:s29+$0x10];
	[tilespmem:v17+s19+$0x0] =	vst.idx.msk $0xffff, v20;
	v20 =	vadd.s32 s26, v0;
	_ =	sdelay $0x4  }
0x40a: {  	[tilespmem:v20+s19+$0x0] =	vst.idx.msk $0xffff, v24  }
0x40b: {  	v24 =	vadd.s32 s26, v2;
	v20 =	vld [tilespmem:s29+$0x90];
	_ =	sdelay $0x4  }
0x40c: {  	[tilespmem:v24+s19+$0x0] =	vst.idx.msk $0xffff, v20  }
0x40d: {  	v24 =	vadd.s32 s26, v4;
	v20 =	vld [tilespmem:s29+$0x110];
	_ =	sdelay $0x4  }
0x40e: {  	[tilespmem:v24+s19+$0x0] =	vst.idx.msk $0xffff, v20  }
0x40f: {  	v24 =	vadd.s32 s26, v6;
	v20 =	vld [tilespmem:s29+$0x190];
	_ =	sdelay $0x4  }
0x410: {  	v17 =	vld [tilespmem:s29+$0x300];
	[tilespmem:v24+s19+$0x0] =	vst.idx.msk $0xffff, v20  }
0x411: {  	v24 =	vadd.s32 s26, v8;
	v20 =	vld [tilespmem:s29+$0x210];
	_ =	sdelay $0x4  }
0x412: {  	v32 =	vld [tilespmem:$0x1FD90];
	[tilespmem:v24+s19+$0x0] =	vst.idx.msk $0xffff, v20  }
0x413: {  	v24 =	vadd.s32 s26, v10;
	v20 =	vld [tilespmem:s29+$0x290];
	_ =	sdelay $0x2  }
0x414: {  	v28 =	vadd.s32 s12, v12  }
0x415: {  	v28 =	vand.u32 $0x7F80, v28  }
0x416: {  	v44 =	vld [tilespmem:$0x1FDB0];
	v28 =	vor.u32 v32, v28;
	[tilespmem:v24+s19+$0x0] =	vst.idx.msk $0xffff, v20  }
0x417: {  	v24 =	vadd.s32 s26, v12;
	v20 =	vld [tilespmem:s29+$0x310];
	_ =	sdelay $0x2  }
0x418: {  	v43 =	vadd.s32 s12, v16  }
0x419: {  	v46 =	vld [tilespmem:$0x1FDD0];
	[tilespmem:v28+s19+$0x0] =	vst.idx.msk $0xffff, v17;
	v17 =	vand.u32 $0x7F80, v43  }
0x41a: {  	v28 =	vld [tilespmem:s29+$0x380];
	v17 =	vor.u32 v44, v17;
	[tilespmem:v24+s19+$0x0] =	vst.idx.msk $0xffff, v20  }
0x41b: {  	v24 =	vadd.s32 s26, v16;
	v20 =	vld [tilespmem:s29+$0x390];
	_ =	sdelay $0x2  }
0x41c: {  	v45 =	vadd.s32 s12, v18  }
0x41d: {  	v43 =	vld [tilespmem:$0x1FE00];
	[tilespmem:v17+s19+$0x0] =	vst.idx.msk $0xffff, v28;
	v17 =	vand.u32 $0x7F80, v45  }
0x41e: {  	v28 =	vld [tilespmem:s29+$0x1000];
	v17 =	vor.u32 v46, v17;
	[tilespmem:v24+s19+$0x0] =	vst.idx.msk $0xffff, v20  }
0x41f: {  	v24 =	vadd.s32 s26, v18;
	v20 =	vld [tilespmem:s29+$0x1010];
	_ =	sdelay $0x2  }
0x420: {  	v47 =	vadd.s32 s12, v23  }
0x421: {  	v45 =	vld [tilespmem:$0x1FE30];
	[tilespmem:v17+s19+$0x0] =	vst.idx.msk $0xffff, v28;
	v17 =	vand.u32 $0x7F80, v47  }
0x422: {  	v28 =	vld [tilespmem:s29+$0x1080];
	v17 =	vor.u32 v43, v17;
	[tilespmem:v24+s19+$0x0] =	vst.idx.msk $0xffff, v20  }
0x423: {  	v24 =	vadd.s32 s26, v23;
	v20 =	vld [tilespmem:s29+$0x1090];
	_ =	sdelay $0x2  }
0x424: {  	v44 =	vadd.s32 s12, v27  }
0x425: {  	v47 =	vld [tilespmem:$0x1FE60];
	[tilespmem:v17+s19+$0x0] =	vst.idx.msk $0xffff, v28;
	v17 =	vand.u32 $0x7F80, v44  }
0x426: {  	v28 =	vld [tilespmem:s29+$0x1100];
	v17 =	vor.u32 v45, v17;
	[tilespmem:v24+s19+$0x0] =	vst.idx.msk $0xffff, v20  }
0x427: {  	v24 =	vadd.s32 s26, v27;
	v20 =	vld [tilespmem:s29+$0x1110];
	_ =	sdelay $0x2  }
0x428: {  	v46 =	vadd.s32 s12, v30  }
0x429: {  	[tilespmem:v17+s19+$0x0] =	vst.idx.msk $0xffff, v28;
	v17 =	vand.u32 $0x7F80, v46  }
0x42a: {  	v28 =	vld [tilespmem:s29+$0x1180];
	v17 =	vor.u32 v47, v17;
	[tilespmem:v24+s19+$0x0] =	vst.idx.msk $0xffff, v20  }
0x42b: {  	v24 =	vadd.s32 s26, v30;
	v20 =	vld [tilespmem:s29+$0x1190];
	_ =	sdelay $0x2  }
0x42c: {  	v43 =	vadd.s32 s12, v35  }
0x42d: {  	[tilespmem:v17+s19+$0x0] =	vst.idx.msk $0xffff, v28;
	v17 =	vand.u32 $0x7F80, v43  }
0x42e: {  	v28 =	vld [tilespmem:s29+$0x1200];
	v17 =	vor.u32 v52, v17;
	[tilespmem:v24+s19+$0x0] =	vst.idx.msk $0xffff, v20  }
0x42f: {  	v24 =	vadd.s32 s26, v35;
	v20 =	vld [tilespmem:s29+$0x1210];
	_ =	sdelay $0x2  }
0x430: {  	v44 =	vadd.s32 s12, v37  }
0x431: {  	[tilespmem:v17+s19+$0x0] =	vst.idx.msk $0xffff, v28;
	v17 =	vand.u32 $0x7F80, v44  }
0x432: {  	v28 =	vld [tilespmem:s29+$0x1280];
	v17 =	vor.u32 v53, v17;
	[tilespmem:v24+s19+$0x0] =	vst.idx.msk $0xffff, v20  }
0x433: {  	v24 =	vadd.s32 s26, v37;
	v20 =	vld [tilespmem:s29+$0x1290];
	_ =	sdelay $0x2  }
0x434: {  	v45 =	vadd.s32 s12, v58  }
0x435: {  	[tilespmem:v17+s19+$0x0] =	vst.idx.msk $0xffff, v28;
	v17 =	vand.u32 $0x7F80, v45  }
0x436: {  	v28 =	vld [tilespmem:s29+$0x1300];
	v17 =	vor.u32 v15, v17;
	[tilespmem:v24+s19+$0x0] =	vst.idx.msk $0xffff, v20  }
0x437: {  	v24 =	vadd.s32 s26, v58;
	v20 =	vld [tilespmem:s29+$0x1310];
	_ =	sdelay $0x2  }
0x438: {  	v46 =	vadd.s32 s12, v60  }
0x439: {  	[tilespmem:v17+s19+$0x0] =	vst.idx.msk $0xffff, v28;
	v17 =	vand.u32 $0x7F80, v46  }
0x43a: {  	v28 =	vld [tilespmem:s29+$0x1380];
	v17 =	vor.u32 v21, v17;
	[tilespmem:v24+s19+$0x0] =	vst.idx.msk $0xffff, v20  }
0x43b: {  	v24 =	vadd.s32 s26, v60;
	v20 =	vld [tilespmem:s29+$0x1390];
	_ =	sdelay $0x2  }
0x43c: {  	v47 =	vadd.s32 s12, v62  }
0x43d: {  	[tilespmem:v17+s19+$0x0] =	vst.idx.msk $0xffff, v28;
	v17 =	vand.u32 $0x7F80, v47  }
0x43e: {  	v28 =	vld [tilespmem:s29+$0x2000];
	v17 =	vor.u32 v25, v17;
	[tilespmem:v24+s19+$0x0] =	vst.idx.msk $0xffff, v20  }
0x43f: {  	v24 =	vadd.s32 s26, v62;
	v20 =	vld [tilespmem:s29+$0x2010];
	_ =	sdelay $0x2  }
0x440: {  	v43 =	vadd.s32 s12, v13  }
0x441: {  	[tilespmem:v17+s19+$0x0] =	vst.idx.msk $0xffff, v28;
	v17 =	vand.u32 $0x7F80, v43  }
0x442: {  	v28 =	vld [tilespmem:s29+$0x2080];
	v17 =	vor.u32 v29, v17;
	[tilespmem:v24+s19+$0x0] =	vst.idx.msk $0xffff, v20  }
0x443: {  	v24 =	vadd.s32 s26, v13;
	v20 =	vld [tilespmem:s29+$0x2090];
	_ =	sdelay $0x2  }
0x444: {  	v44 =	vadd.s32 s12, v19  }
0x445: {  	[tilespmem:v17+s19+$0x0] =	vst.idx.msk $0xffff, v28;
	v17 =	vand.u32 $0x7F80, v44  }
0x446: {  	v28 =	vld [tilespmem:s29+$0x2100];
	v17 =	vor.u32 v33, v17;
	[tilespmem:v24+s19+$0x0] =	vst.idx.msk $0xffff, v20  }
0x447: {  	v24 =	vadd.s32 s26, v19;
	v20 =	vld [tilespmem:s29+$0x2110];
	_ =	sdelay $0x2  }
0x448: {  	v45 =	vadd.s32 s12, v22  }
0x449: {  	[tilespmem:v17+s19+$0x0] =	vst.idx.msk $0xffff, v28;
	v17 =	vand.u32 $0x7F80, v45  }
0x44a: {  	v28 =	vld [tilespmem:s29+$0x2180];
	v17 =	vor.u32 v38, v17;
	[tilespmem:v24+s19+$0x0] =	vst.idx.msk $0xffff, v20  }
0x44b: {  	v24 =	vadd.s32 s26, v22;
	v20 =	vld [tilespmem:s29+$0x2190];
	_ =	sdelay $0x2  }
0x44c: {  	v46 =	vadd.s32 s12, v26  }
0x44d: {  	[tilespmem:v17+s19+$0x0] =	vst.idx.msk $0xffff, v28;
	v17 =	vand.u32 $0x7F80, v46  }
0x44e: {  	v28 =	vld [tilespmem:s29+$0x2200];
	v17 =	vor.u32 v36, v17;
	[tilespmem:v24+s19+$0x0] =	vst.idx.msk $0xffff, v20  }
0x44f: {  	v24 =	vadd.s32 s26, v26;
	v20 =	vld [tilespmem:s29+$0x2210];
	_ =	sdelay $0x2  }
0x450: {  	v47 =	vadd.s32 s12, v31  }
0x451: {  	[tilespmem:v17+s19+$0x0] =	vst.idx.msk $0xffff, v28;
	v17 =	vand.u32 $0x7F80, v47  }
0x452: {  	v28 =	vld [tilespmem:s29+$0x2280];
	v17 =	vor.u32 v39, v17;
	[tilespmem:v24+s19+$0x0] =	vst.idx.msk $0xffff, v20  }
0x453: {  	v24 =	vadd.s32 s26, v31;
	v20 =	vld [tilespmem:s29+$0x2290];
	_ =	sdelay $0x2  }
0x454: {  	v43 =	vadd.s32 s12, v34  }
0x455: {  	[tilespmem:v17+s19+$0x0] =	vst.idx.msk $0xffff, v28;
	v17 =	vand.u32 $0x7F80, v43  }
0x456: {  	v28 =	vld [tilespmem:s29+$0x2300];
	v17 =	vor.u32 v49, v17;
	[tilespmem:v24+s19+$0x0] =	vst.idx.msk $0xffff, v20  }
0x457: {  	v24 =	vadd.s32 s26, v34;
	v20 =	vld [tilespmem:s29+$0x2310];
	_ =	sdelay $0x2  }
0x458: {  	v44 =	vadd.s32 s12, v48  }
0x459: {  	[tilespmem:v17+s19+$0x0] =	vst.idx.msk $0xffff, v28;
	v17 =	vand.u32 $0x7F80, v44  }
0x45a: {  	v28 =	vld [tilespmem:s29+$0x2380];
	v17 =	vor.u32 v51, v17;
	[tilespmem:v24+s19+$0x0] =	vst.idx.msk $0xffff, v20  }
0x45b: {  	v24 =	vadd.s32 s26, v48;
	v20 =	vld [tilespmem:s29+$0x2390];
	_ =	sdelay $0x2  }
0x45c: {  	v45 =	vadd.s32 s12, v50  }
0x45d: {  	[tilespmem:v17+s19+$0x0] =	vst.idx.msk $0xffff, v28;
	v17 =	vand.u32 $0x7F80, v45  }
0x45e: {  	v28 =	vld [tilespmem:s29+$0x3000];
	v17 =	vor.u32 v55, v17;
	[tilespmem:v24+s19+$0x0] =	vst.idx.msk $0xffff, v20  }
0x45f: {  	v24 =	vadd.s32 s26, v50;
	v20 =	vld [tilespmem:s29+$0x3010];
	_ =	sdelay $0x2  }
0x460: {  	v46 =	vadd.s32 s12, v54  }
0x461: {  	[tilespmem:v17+s19+$0x0] =	vst.idx.msk $0xffff, v28;
	v17 =	vand.u32 $0x7F80, v46  }
0x462: {  	v28 =	vld [tilespmem:s29+$0x3080];
	v17 =	vor.u32 v57, v17;
	[tilespmem:v24+s19+$0x0] =	vst.idx.msk $0xffff, v20  }
0x463: {  	v24 =	vadd.s32 s26, v54;
	v20 =	vld [tilespmem:s29+$0x3090];
	_ =	sdelay $0x2  }
0x464: {  	v47 =	vadd.s32 s12, v56  }
0x465: {  	[tilespmem:v17+s19+$0x0] =	vst.idx.msk $0xffff, v28;
	v17 =	vand.u32 $0x7F80, v47  }
0x466: {  	v28 =	vld [tilespmem:s29+$0x3100];
	v17 =	vor.u32 v59, v17;
	[tilespmem:v24+s19+$0x0] =	vst.idx.msk $0xffff, v20  }
0x467: {  	v24 =	vadd.s32 s26, v56;
	v20 =	vld [tilespmem:s29+$0x3110];
	_ =	sdelay $0x2  }
0x468: {  	v43 =	vadd.s32 s12, v1  }
0x469: {  	[tilespmem:v17+s19+$0x0] =	vst.idx.msk $0xffff, v28;
	v17 =	vand.u32 $0x7F80, v43  }
0x46a: {  	v28 =	vld [tilespmem:s29+$0x3180];
	v17 =	vor.u32 v61, v17;
	[tilespmem:v24+s19+$0x0] =	vst.idx.msk $0xffff, v20  }
0x46b: {  	v24 =	vadd.s32 s26, v1;
	v20 =	vld [tilespmem:s29+$0x3190];
	_ =	sdelay $0x2  }
0x46c: {  	v44 =	vadd.s32 s12, v5  }
0x46d: {  	[tilespmem:v17+s19+$0x0] =	vst.idx.msk $0xffff, v28;
	v17 =	vand.u32 $0x7F80, v44  }
0x46e: {  	v28 =	vld [tilespmem:s29+$0x3200];
	v17 =	vor.u32 v3, v17;
	[tilespmem:v24+s19+$0x0] =	vst.idx.msk $0xffff, v20  }
0x46f: {  	v24 =	vadd.s32 s26, v5;
	v20 =	vld [tilespmem:s29+$0x3210];
	_ =	sdelay $0x2  }
0x470: {  	v45 =	vadd.s32 s12, v9  }
0x471: {  	[tilespmem:v17+s19+$0x0] =	vst.idx.msk $0xffff, v28;
	v17 =	vand.u32 $0x7F80, v45  }
0x472: {  	v28 =	vld [tilespmem:s29+$0x3280];
	v17 =	vor.u32 v7, v17;
	[tilespmem:v24+s19+$0x0] =	vst.idx.msk $0xffff, v20  }
0x473: {  	v24 =	vadd.s32 s26, v9;
	v20 =	vld [tilespmem:s29+$0x3290];
	_ =	sdelay $0x2  }
0x474: {  	v46 =	vadd.s32 s12, v40  }
0x475: {  	[tilespmem:v17+s19+$0x0] =	vst.idx.msk $0xffff, v28;
	v17 =	vand.u32 $0x7F80, v46  }
0x476: {  	v28 =	vld [tilespmem:s29+$0x3300];
	v17 =	vor.u32 v11, v17;
	[tilespmem:v24+s19+$0x0] =	vst.idx.msk $0xffff, v20  }
0x477: {  	v24 =	vadd.s32 s26, v40;
	v20 =	vld [tilespmem:s29+$0x3310];
	_ =	sdelay $0x2  }
0x478: {  	v47 =	vadd.s32 s12, v14  }
0x479: {  	[tilespmem:v17+s19+$0x0] =	vst.idx.msk $0xffff, v28;
	v17 =	vand.u32 $0x7F80, v47  }
0x47a: {  	v28 =	vld [tilespmem:s29+$0x3380];
	v17 =	vor.u32 v41, v17;
	[tilespmem:v24+s19+$0x0] =	vst.idx.msk $0xffff, v20  }
0x47b: {  	s28 =	sadd.s32 $0x420, s12;
	v24 =	vadd.s32 s26, v14;
	v20 =	vld [tilespmem:s29+$0x3390]  }
0x47c: {  	s6 =	sadd.s32 $0x630, s12;
	v32 =	vadd.s32 s28, v0;
	v43 =	vld [tilespmem:s29+$0x20]  }
0x47d: {  	s9 =	sadd.s32 $0x840, s12;
	v44 =	vadd.s32 s6, v0;
	v45 =	vld [tilespmem:s29+$0x30]  }
0x47e: {  	s10 =	sadd.s32 $0xA50, s12;
	v46 =	vadd.s32 s9, v0;
	v47 =	vld [tilespmem:s29+$0x40]  }
0x47f: {  	s25 =	sadd.s32 $0xC60, s12;
	[tilespmem:v17+s19+$0x0] =	vst.idx.msk $0xffff, v28;
	v17 =	vadd.s32 s10, v0;
	v28 =	vld [tilespmem:s29+$0x50]  }
0x480: {  	s12 =	sadd.s32 $0xE70, s12;
	[tilespmem:v24+s19+$0x0] =	vst.idx.msk $0xffff, v20;
	v20 =	vadd.s32 s25, v0;
	v24 =	vld [tilespmem:s29+$0x60]  }
0x481: {  	[tilespmem:v32+s19+$0x0] =	vst.idx.msk $0xffff, v43;
	v32 =	vadd.s32 s12, v0;
	v43 =	vld [tilespmem:s29+$0x70]  }
0x482: {  	[tilespmem:v44+s19+$0x0] =	vst.idx.msk $0xffff, v45;
	v44 =	vld [tilespmem:s29+$0xA0];
	v45 =	vadd.s32 s28, v2  }
0x483: {  	[tilespmem:v46+s19+$0x0] =	vst.idx.msk $0xffff, v47;
	v46 =	vld [tilespmem:s29+$0xB0];
	v47 =	vadd.s32 s6, v2  }
0x484: {  	[tilespmem:v17+s19+$0x0] =	vst.idx.msk $0xffff, v28;
	v17 =	vld [tilespmem:s29+$0xC0];
	v28 =	vadd.s32 s9, v2  }
0x485: {  	[tilespmem:v20+s19+$0x0] =	vst.idx.msk $0xffff, v24;
	v20 =	vld [tilespmem:s29+$0xD0];
	v24 =	vadd.s32 s10, v2  }
0x486: {  	[tilespmem:v32+s19+$0x0] =	vst.idx.msk $0xffff, v43;
	v43 =	vadd.s32 s25, v2;
	v32 =	vld [tilespmem:s29+$0xE0]  }
0x487: {  	[tilespmem:v45+s19+$0x0] =	vst.idx.msk $0xffff, v44;
	v44 =	vld [tilespmem:s29+$0xF0];
	v45 =	vadd.s32 s12, v2  }
0x488: {  	[tilespmem:v47+s19+$0x0] =	vst.idx.msk $0xffff, v46;
	v46 =	vld [tilespmem:s29+$0x120];
	v47 =	vadd.s32 s28, v4  }
0x489: {  	[tilespmem:v28+s19+$0x0] =	vst.idx.msk $0xffff, v17;
	v17 =	vld [tilespmem:s29+$0x130];
	v28 =	vadd.s32 s6, v4  }
0x48a: {  	[tilespmem:v24+s19+$0x0] =	vst.idx.msk $0xffff, v20;
	v20 =	vld [tilespmem:s29+$0x140];
	v24 =	vadd.s32 s9, v4  }
0x48b: {  	[tilespmem:v43+s19+$0x0] =	vst.idx.msk $0xffff, v32;
	v32 =	vld [tilespmem:s29+$0x150];
	v43 =	vadd.s32 s10, v4  }
0x48c: {  	[tilespmem:v45+s19+$0x0] =	vst.idx.msk $0xffff, v44;
	v45 =	vadd.s32 s25, v4;
	v44 =	vld [tilespmem:s29+$0x160]  }
0x48d: {  	[tilespmem:v47+s19+$0x0] =	vst.idx.msk $0xffff, v46;
	v46 =	vld [tilespmem:s29+$0x170];
	v47 =	vadd.s32 s12, v4  }
0x48e: {  	[tilespmem:v28+s19+$0x0] =	vst.idx.msk $0xffff, v17;
	v17 =	vld [tilespmem:s29+$0x1A0];
	v28 =	vadd.s32 s28, v6  }
0x48f: {  	[tilespmem:v24+s19+$0x0] =	vst.idx.msk $0xffff, v20;
	v20 =	vld [tilespmem:s29+$0x1B0];
	v24 =	vadd.s32 s6, v6  }
0x490: {  	[tilespmem:v43+s19+$0x0] =	vst.idx.msk $0xffff, v32;
	v32 =	vld [tilespmem:s29+$0x1C0];
	v43 =	vadd.s32 s9, v6  }
0x491: {  	[tilespmem:v45+s19+$0x0] =	vst.idx.msk $0xffff, v44;
	v44 =	vld [tilespmem:s29+$0x1D0];
	v45 =	vadd.s32 s10, v6  }
0x492: {  	[tilespmem:v47+s19+$0x0] =	vst.idx.msk $0xffff, v46;
	v47 =	vadd.s32 s25, v6;
	v46 =	vld [tilespmem:s29+$0x1E0]  }
0x493: {  	[tilespmem:v28+s19+$0x0] =	vst.idx.msk $0xffff, v17;
	v17 =	vld [tilespmem:s29+$0x1F0];
	v28 =	vadd.s32 s12, v6  }
0x494: {  	[tilespmem:v24+s19+$0x0] =	vst.idx.msk $0xffff, v20;
	v20 =	vld [tilespmem:s29+$0x220];
	v24 =	vadd.s32 s28, v8  }
0x495: {  	[tilespmem:v43+s19+$0x0] =	vst.idx.msk $0xffff, v32;
	v32 =	vld [tilespmem:s29+$0x230];
	v43 =	vadd.s32 s6, v8  }
0x496: {  	[tilespmem:v45+s19+$0x0] =	vst.idx.msk $0xffff, v44;
	v44 =	vld [tilespmem:s29+$0x240];
	v45 =	vadd.s32 s9, v8  }
0x497: {  	[tilespmem:v47+s19+$0x0] =	vst.idx.msk $0xffff, v46;
	v46 =	vld [tilespmem:s29+$0x250];
	v47 =	vadd.s32 s10, v8  }
0x498: {  	[tilespmem:v28+s19+$0x0] =	vst.idx.msk $0xffff, v17;
	v28 =	vadd.s32 s25, v8;
	v17 =	vld [tilespmem:s29+$0x260]  }
0x499: {  	[tilespmem:v24+s19+$0x0] =	vst.idx.msk $0xffff, v20;
	v20 =	vld [tilespmem:s29+$0x270];
	v24 =	vadd.s32 s12, v8  }
0x49a: {  	[tilespmem:v43+s19+$0x0] =	vst.idx.msk $0xffff, v32;
	v32 =	vld [tilespmem:s29+$0x2A0];
	v43 =	vadd.s32 s28, v10  }
0x49b: {  	[tilespmem:v45+s19+$0x0] =	vst.idx.msk $0xffff, v44;
	v44 =	vld [tilespmem:s29+$0x2B0];
	v45 =	vadd.s32 s6, v10  }
0x49c: {  	[tilespmem:v47+s19+$0x0] =	vst.idx.msk $0xffff, v46;
	v46 =	vld [tilespmem:s29+$0x2C0];
	v47 =	vadd.s32 s9, v10  }
0x49d: {  	[tilespmem:v28+s19+$0x0] =	vst.idx.msk $0xffff, v17;
	v17 =	vld [tilespmem:s29+$0x2D0];
	v28 =	vadd.s32 s10, v10  }
0x49e: {  	[tilespmem:v24+s19+$0x0] =	vst.idx.msk $0xffff, v20;
	v20 =	vld [tilespmem:s29+$0x2E0];
	v24 =	vadd.s32 s25, v10  }
0x49f: {  	[tilespmem:v43+s19+$0x0] =	vst.idx.msk $0xffff, v32;
	v32 =	vld [tilespmem:s29+$0x2F0];
	v43 =	vadd.s32 s12, v10  }
0x4a0: {  	[tilespmem:v45+s19+$0x0] =	vst.idx.msk $0xffff, v44;
	v44 =	vld [tilespmem:s29+$0x320];
	v45 =	vadd.s32 s28, v12  }
0x4a1: {  	[tilespmem:v47+s19+$0x0] =	vst.idx.msk $0xffff, v46;
	v46 =	vld [tilespmem:s29+$0x330];
	v47 =	vadd.s32 s6, v12  }
0x4a2: {  	[tilespmem:v28+s19+$0x0] =	vst.idx.msk $0xffff, v17;
	v17 =	vld [tilespmem:s29+$0x340];
	v28 =	vadd.s32 s9, v12  }
0x4a3: {  	[tilespmem:v24+s19+$0x0] =	vst.idx.msk $0xffff, v20;
	v20 =	vld [tilespmem:s29+$0x350];
	v24 =	vadd.s32 s10, v12  }
0x4a4: {  	[tilespmem:v43+s19+$0x0] =	vst.idx.msk $0xffff, v32;
	v32 =	vld [tilespmem:s29+$0x360];
	v43 =	vadd.s32 s25, v12  }
0x4a5: {  	[tilespmem:v45+s19+$0x0] =	vst.idx.msk $0xffff, v44;
	v44 =	vld [tilespmem:s29+$0x370];
	v45 =	vadd.s32 s12, v12  }
0x4a6: {  	[tilespmem:v47+s19+$0x0] =	vst.idx.msk $0xffff, v46;
	v46 =	vld [tilespmem:s29+$0x3A0];
	v47 =	vadd.s32 s28, v16  }
0x4a7: {  	[tilespmem:v28+s19+$0x0] =	vst.idx.msk $0xffff, v17;
	v17 =	vld [tilespmem:s29+$0x3B0];
	v28 =	vadd.s32 s6, v16  }
0x4a8: {  	[tilespmem:v24+s19+$0x0] =	vst.idx.msk $0xffff, v20;
	v20 =	vld [tilespmem:s29+$0x3C0];
	v24 =	vadd.s32 s9, v16  }
0x4a9: {  	[tilespmem:v43+s19+$0x0] =	vst.idx.msk $0xffff, v32;
	v32 =	vld [tilespmem:s29+$0x3D0];
	v43 =	vadd.s32 s10, v16  }
0x4aa: {  	[tilespmem:v45+s19+$0x0] =	vst.idx.msk $0xffff, v44;
	v44 =	vld [tilespmem:s29+$0x3E0];
	v45 =	vadd.s32 s25, v16  }
0x4ab: {  	[tilespmem:v47+s19+$0x0] =	vst.idx.msk $0xffff, v46;
	v46 =	vld [tilespmem:s29+$0x3F0];
	v47 =	vadd.s32 s12, v16  }
0x4ac: {  	[tilespmem:v28+s19+$0x0] =	vst.idx.msk $0xffff, v17;
	v17 =	vld [tilespmem:s29+$0x1020];
	v28 =	vadd.s32 s28, v18  }
0x4ad: {  	[tilespmem:v24+s19+$0x0] =	vst.idx.msk $0xffff, v20;
	v20 =	vld [tilespmem:s29+$0x1030];
	v24 =	vadd.s32 s6, v18  }
0x4ae: {  	[tilespmem:v43+s19+$0x0] =	vst.idx.msk $0xffff, v32;
	v32 =	vld [tilespmem:s29+$0x1040];
	v43 =	vadd.s32 s9, v18  }
0x4af: {  	[tilespmem:v45+s19+$0x0] =	vst.idx.msk $0xffff, v44;
	v44 =	vld [tilespmem:s29+$0x1050];
	v45 =	vadd.s32 s10, v18  }
0x4b0: {  	[tilespmem:v47+s19+$0x0] =	vst.idx.msk $0xffff, v46;
	v46 =	vld [tilespmem:s29+$0x1060];
	v47 =	vadd.s32 s25, v18  }
0x4b1: {  	[tilespmem:v28+s19+$0x0] =	vst.idx.msk $0xffff, v17;
	v17 =	vld [tilespmem:s29+$0x1070];
	v28 =	vadd.s32 s12, v18  }
0x4b2: {  	[tilespmem:v24+s19+$0x0] =	vst.idx.msk $0xffff, v20;
	v20 =	vld [tilespmem:s29+$0x10A0];
	v24 =	vadd.s32 s28, v23  }
0x4b3: {  	[tilespmem:v43+s19+$0x0] =	vst.idx.msk $0xffff, v32;
	v32 =	vld [tilespmem:s29+$0x10B0];
	v43 =	vadd.s32 s6, v23  }
0x4b4: {  	[tilespmem:v45+s19+$0x0] =	vst.idx.msk $0xffff, v44;
	v44 =	vld [tilespmem:s29+$0x10C0];
	v45 =	vadd.s32 s9, v23  }
0x4b5: {  	[tilespmem:v47+s19+$0x0] =	vst.idx.msk $0xffff, v46;
	v46 =	vld [tilespmem:s29+$0x10D0];
	v47 =	vadd.s32 s10, v23  }
0x4b6: {  	[tilespmem:v28+s19+$0x0] =	vst.idx.msk $0xffff, v17;
	v17 =	vld [tilespmem:s29+$0x10E0];
	v28 =	vadd.s32 s25, v23  }
0x4b7: {  	[tilespmem:v24+s19+$0x0] =	vst.idx.msk $0xffff, v20;
	v20 =	vld [tilespmem:s29+$0x10F0];
	v24 =	vadd.s32 s12, v23  }
0x4b8: {  	[tilespmem:v43+s19+$0x0] =	vst.idx.msk $0xffff, v32;
	v32 =	vld [tilespmem:s29+$0x1120];
	v43 =	vadd.s32 s28, v27  }
0x4b9: {  	[tilespmem:v45+s19+$0x0] =	vst.idx.msk $0xffff, v44;
	v44 =	vld [tilespmem:s29+$0x1130];
	v45 =	vadd.s32 s6, v27  }
0x4ba: {  	[tilespmem:v47+s19+$0x0] =	vst.idx.msk $0xffff, v46;
	v46 =	vld [tilespmem:s29+$0x1140];
	v47 =	vadd.s32 s9, v27  }
0x4bb: {  	[tilespmem:v28+s19+$0x0] =	vst.idx.msk $0xffff, v17;
	v17 =	vld [tilespmem:s29+$0x1150];
	v28 =	vadd.s32 s10, v27  }
0x4bc: {  	[tilespmem:v24+s19+$0x0] =	vst.idx.msk $0xffff, v20;
	v20 =	vld [tilespmem:s29+$0x1160];
	v24 =	vadd.s32 s25, v27  }
0x4bd: {  	[tilespmem:v43+s19+$0x0] =	vst.idx.msk $0xffff, v32;
	v32 =	vld [tilespmem:s29+$0x1170];
	v43 =	vadd.s32 s12, v27  }
0x4be: {  	[tilespmem:v45+s19+$0x0] =	vst.idx.msk $0xffff, v44;
	v44 =	vld [tilespmem:s29+$0x11A0];
	v45 =	vadd.s32 s28, v30  }
0x4bf: {  	[tilespmem:v47+s19+$0x0] =	vst.idx.msk $0xffff, v46;
	v46 =	vld [tilespmem:s29+$0x11B0];
	v47 =	vadd.s32 s6, v30  }
0x4c0: {  	[tilespmem:v28+s19+$0x0] =	vst.idx.msk $0xffff, v17;
	v17 =	vld [tilespmem:s29+$0x11C0];
	v28 =	vadd.s32 s9, v30  }
0x4c1: {  	[tilespmem:v24+s19+$0x0] =	vst.idx.msk $0xffff, v20;
	v20 =	vld [tilespmem:s29+$0x11D0];
	v24 =	vadd.s32 s10, v30  }
0x4c2: {  	[tilespmem:v43+s19+$0x0] =	vst.idx.msk $0xffff, v32;
	v32 =	vld [tilespmem:s29+$0x11E0];
	v43 =	vadd.s32 s25, v30  }
0x4c3: {  	[tilespmem:v45+s19+$0x0] =	vst.idx.msk $0xffff, v44;
	v44 =	vld [tilespmem:s29+$0x11F0];
	v45 =	vadd.s32 s12, v30  }
0x4c4: {  	[tilespmem:v47+s19+$0x0] =	vst.idx.msk $0xffff, v46;
	v46 =	vld [tilespmem:s29+$0x1220];
	v47 =	vadd.s32 s28, v35  }
0x4c5: {  	[tilespmem:v28+s19+$0x0] =	vst.idx.msk $0xffff, v17;
	v17 =	vld [tilespmem:s29+$0x1230];
	v28 =	vadd.s32 s6, v35  }
0x4c6: {  	[tilespmem:v24+s19+$0x0] =	vst.idx.msk $0xffff, v20;
	v20 =	vld [tilespmem:s29+$0x1240];
	v24 =	vadd.s32 s9, v35  }
0x4c7: {  	[tilespmem:v43+s19+$0x0] =	vst.idx.msk $0xffff, v32;
	v32 =	vld [tilespmem:s29+$0x1250];
	v43 =	vadd.s32 s10, v35  }
0x4c8: {  	[tilespmem:v45+s19+$0x0] =	vst.idx.msk $0xffff, v44;
	v44 =	vld [tilespmem:s29+$0x1260];
	v45 =	vadd.s32 s25, v35  }
0x4c9: {  	[tilespmem:v47+s19+$0x0] =	vst.idx.msk $0xffff, v46;
	v46 =	vld [tilespmem:s29+$0x1270];
	v47 =	vadd.s32 s12, v35  }
0x4ca: {  	[tilespmem:v28+s19+$0x0] =	vst.idx.msk $0xffff, v17;
	v17 =	vld [tilespmem:s29+$0x12A0];
	v28 =	vadd.s32 s28, v37  }
0x4cb: {  	[tilespmem:v24+s19+$0x0] =	vst.idx.msk $0xffff, v20;
	v20 =	vld [tilespmem:s29+$0x12B0];
	v24 =	vadd.s32 s6, v37  }
0x4cc: {  	[tilespmem:v43+s19+$0x0] =	vst.idx.msk $0xffff, v32;
	v32 =	vld [tilespmem:s29+$0x12C0];
	v43 =	vadd.s32 s9, v37  }
0x4cd: {  	[tilespmem:v45+s19+$0x0] =	vst.idx.msk $0xffff, v44;
	v44 =	vld [tilespmem:s29+$0x12D0];
	v45 =	vadd.s32 s10, v37  }
0x4ce: {  	[tilespmem:v47+s19+$0x0] =	vst.idx.msk $0xffff, v46;
	v46 =	vld [tilespmem:s29+$0x12E0];
	v47 =	vadd.s32 s25, v37  }
0x4cf: {  	[tilespmem:v28+s19+$0x0] =	vst.idx.msk $0xffff, v17;
	v17 =	vld [tilespmem:s29+$0x12F0];
	v28 =	vadd.s32 s12, v37  }
0x4d0: {  	[tilespmem:v24+s19+$0x0] =	vst.idx.msk $0xffff, v20;
	v20 =	vld [tilespmem:s29+$0x1320];
	v24 =	vadd.s32 s28, v58  }
0x4d1: {  	[tilespmem:v43+s19+$0x0] =	vst.idx.msk $0xffff, v32;
	v32 =	vld [tilespmem:s29+$0x1330];
	v43 =	vadd.s32 s6, v58  }
0x4d2: {  	[tilespmem:v45+s19+$0x0] =	vst.idx.msk $0xffff, v44;
	v44 =	vld [tilespmem:s29+$0x1340];
	v45 =	vadd.s32 s9, v58  }
0x4d3: {  	[tilespmem:v47+s19+$0x0] =	vst.idx.msk $0xffff, v46;
	v46 =	vld [tilespmem:s29+$0x1350];
	v47 =	vadd.s32 s10, v58  }
0x4d4: {  	[tilespmem:v28+s19+$0x0] =	vst.idx.msk $0xffff, v17;
	v17 =	vld [tilespmem:s29+$0x1360];
	v28 =	vadd.s32 s25, v58  }
0x4d5: {  	[tilespmem:v24+s19+$0x0] =	vst.idx.msk $0xffff, v20;
	v20 =	vld [tilespmem:s29+$0x1370];
	v24 =	vadd.s32 s12, v58  }
0x4d6: {  	[tilespmem:v43+s19+$0x0] =	vst.idx.msk $0xffff, v32;
	v32 =	vld [tilespmem:s29+$0x13A0];
	v43 =	vadd.s32 s28, v60  }
0x4d7: {  	[tilespmem:v45+s19+$0x0] =	vst.idx.msk $0xffff, v44;
	v44 =	vld [tilespmem:s29+$0x13B0];
	v45 =	vadd.s32 s6, v60  }
0x4d8: {  	[tilespmem:v47+s19+$0x0] =	vst.idx.msk $0xffff, v46;
	v46 =	vld [tilespmem:s29+$0x13C0];
	v47 =	vadd.s32 s9, v60  }
0x4d9: {  	[tilespmem:v28+s19+$0x0] =	vst.idx.msk $0xffff, v17;
	v17 =	vld [tilespmem:s29+$0x13D0];
	v28 =	vadd.s32 s10, v60  }
0x4da: {  	[tilespmem:v24+s19+$0x0] =	vst.idx.msk $0xffff, v20;
	v20 =	vld [tilespmem:s29+$0x13E0];
	v24 =	vadd.s32 s25, v60  }
0x4db: {  	[tilespmem:v43+s19+$0x0] =	vst.idx.msk $0xffff, v32;
	v32 =	vld [tilespmem:s29+$0x13F0];
	v43 =	vadd.s32 s12, v60  }
0x4dc: {  	[tilespmem:v45+s19+$0x0] =	vst.idx.msk $0xffff, v44;
	v44 =	vld [tilespmem:s29+$0x2020];
	v45 =	vadd.s32 s28, v62  }
0x4dd: {  	[tilespmem:v47+s19+$0x0] =	vst.idx.msk $0xffff, v46;
	v46 =	vld [tilespmem:s29+$0x2030];
	v47 =	vadd.s32 s6, v62  }
0x4de: {  	[tilespmem:v28+s19+$0x0] =	vst.idx.msk $0xffff, v17;
	v17 =	vld [tilespmem:s29+$0x2040];
	v28 =	vadd.s32 s9, v62  }
0x4df: {  	[tilespmem:v24+s19+$0x0] =	vst.idx.msk $0xffff, v20;
	v20 =	vld [tilespmem:s29+$0x2050];
	v24 =	vadd.s32 s10, v62  }
0x4e0: {  	[tilespmem:v43+s19+$0x0] =	vst.idx.msk $0xffff, v32;
	v32 =	vld [tilespmem:s29+$0x2060];
	v43 =	vadd.s32 s25, v62  }
0x4e1: {  	[tilespmem:v45+s19+$0x0] =	vst.idx.msk $0xffff, v44;
	v44 =	vld [tilespmem:s29+$0x2070];
	v45 =	vadd.s32 s12, v62  }
0x4e2: {  	[tilespmem:v47+s19+$0x0] =	vst.idx.msk $0xffff, v46;
	v46 =	vld [tilespmem:s29+$0x20A0];
	v47 =	vadd.s32 s28, v13  }
0x4e3: {  	[tilespmem:v28+s19+$0x0] =	vst.idx.msk $0xffff, v17;
	v17 =	vld [tilespmem:s29+$0x20B0];
	v28 =	vadd.s32 s6, v13  }
0x4e4: {  	[tilespmem:v24+s19+$0x0] =	vst.idx.msk $0xffff, v20;
	v20 =	vld [tilespmem:s29+$0x20C0];
	v24 =	vadd.s32 s9, v13  }
0x4e5: {  	[tilespmem:v43+s19+$0x0] =	vst.idx.msk $0xffff, v32;
	v32 =	vld [tilespmem:s29+$0x20D0];
	v43 =	vadd.s32 s10, v13  }
0x4e6: {  	[tilespmem:v45+s19+$0x0] =	vst.idx.msk $0xffff, v44;
	v44 =	vld [tilespmem:s29+$0x20E0];
	v45 =	vadd.s32 s25, v13  }
0x4e7: {  	[tilespmem:v47+s19+$0x0] =	vst.idx.msk $0xffff, v46;
	v46 =	vld [tilespmem:s29+$0x20F0];
	v47 =	vadd.s32 s12, v13  }
0x4e8: {  	[tilespmem:v28+s19+$0x0] =	vst.idx.msk $0xffff, v17;
	v17 =	vld [tilespmem:s29+$0x2120];
	v28 =	vadd.s32 s28, v19  }
0x4e9: {  	[tilespmem:v24+s19+$0x0] =	vst.idx.msk $0xffff, v20;
	v20 =	vld [tilespmem:s29+$0x2130];
	v24 =	vadd.s32 s6, v19  }
0x4ea: {  	[tilespmem:v43+s19+$0x0] =	vst.idx.msk $0xffff, v32;
	v32 =	vld [tilespmem:s29+$0x2140];
	v43 =	vadd.s32 s9, v19  }
0x4eb: {  	[tilespmem:v45+s19+$0x0] =	vst.idx.msk $0xffff, v44;
	v44 =	vld [tilespmem:s29+$0x2150];
	v45 =	vadd.s32 s10, v19  }
0x4ec: {  	[tilespmem:v47+s19+$0x0] =	vst.idx.msk $0xffff, v46;
	v46 =	vld [tilespmem:s29+$0x2160];
	v47 =	vadd.s32 s25, v19  }
0x4ed: {  	[tilespmem:v28+s19+$0x0] =	vst.idx.msk $0xffff, v17;
	v17 =	vld [tilespmem:s29+$0x2170];
	v28 =	vadd.s32 s12, v19  }
0x4ee: {  	[tilespmem:v24+s19+$0x0] =	vst.idx.msk $0xffff, v20;
	v20 =	vld [tilespmem:s29+$0x21A0];
	v24 =	vadd.s32 s28, v22  }
0x4ef: {  	[tilespmem:v43+s19+$0x0] =	vst.idx.msk $0xffff, v32;
	v32 =	vld [tilespmem:s29+$0x21B0];
	v43 =	vadd.s32 s6, v22  }
0x4f0: {  	[tilespmem:v45+s19+$0x0] =	vst.idx.msk $0xffff, v44;
	v44 =	vld [tilespmem:s29+$0x21C0];
	v45 =	vadd.s32 s9, v22  }
0x4f1: {  	[tilespmem:v47+s19+$0x0] =	vst.idx.msk $0xffff, v46;
	v46 =	vld [tilespmem:s29+$0x21D0];
	v47 =	vadd.s32 s10, v22  }
0x4f2: {  	[tilespmem:v28+s19+$0x0] =	vst.idx.msk $0xffff, v17;
	v17 =	vld [tilespmem:s29+$0x21E0];
	v28 =	vadd.s32 s25, v22  }
0x4f3: {  	[tilespmem:v24+s19+$0x0] =	vst.idx.msk $0xffff, v20;
	v20 =	vld [tilespmem:s29+$0x21F0];
	v24 =	vadd.s32 s12, v22  }
0x4f4: {  	[tilespmem:v43+s19+$0x0] =	vst.idx.msk $0xffff, v32;
	v32 =	vld [tilespmem:s29+$0x2220];
	v43 =	vadd.s32 s28, v26  }
0x4f5: {  	[tilespmem:v45+s19+$0x0] =	vst.idx.msk $0xffff, v44;
	v44 =	vld [tilespmem:s29+$0x2230];
	v45 =	vadd.s32 s6, v26  }
0x4f6: {  	[tilespmem:v47+s19+$0x0] =	vst.idx.msk $0xffff, v46;
	v46 =	vld [tilespmem:s29+$0x2240];
	v47 =	vadd.s32 s9, v26  }
0x4f7: {  	[tilespmem:v28+s19+$0x0] =	vst.idx.msk $0xffff, v17;
	v17 =	vld [tilespmem:s29+$0x2250];
	v28 =	vadd.s32 s10, v26  }
0x4f8: {  	[tilespmem:v24+s19+$0x0] =	vst.idx.msk $0xffff, v20;
	v20 =	vld [tilespmem:s29+$0x2260];
	v24 =	vadd.s32 s25, v26  }
0x4f9: {  	[tilespmem:v43+s19+$0x0] =	vst.idx.msk $0xffff, v32;
	v32 =	vld [tilespmem:s29+$0x2270];
	v43 =	vadd.s32 s12, v26  }
0x4fa: {  	[tilespmem:v45+s19+$0x0] =	vst.idx.msk $0xffff, v44;
	v44 =	vld [tilespmem:s29+$0x22A0];
	v45 =	vadd.s32 s28, v31  }
0x4fb: {  	[tilespmem:v47+s19+$0x0] =	vst.idx.msk $0xffff, v46;
	v46 =	vld [tilespmem:s29+$0x22B0];
	v47 =	vadd.s32 s6, v31  }
0x4fc: {  	[tilespmem:v28+s19+$0x0] =	vst.idx.msk $0xffff, v17;
	v17 =	vld [tilespmem:s29+$0x22C0];
	v28 =	vadd.s32 s9, v31  }
0x4fd: {  	[tilespmem:v24+s19+$0x0] =	vst.idx.msk $0xffff, v20;
	v20 =	vld [tilespmem:s29+$0x22D0];
	v24 =	vadd.s32 s10, v31  }
0x4fe: {  	[tilespmem:v43+s19+$0x0] =	vst.idx.msk $0xffff, v32;
	v32 =	vld [tilespmem:s29+$0x22E0];
	v43 =	vadd.s32 s25, v31  }
0x4ff: {  	[tilespmem:v45+s19+$0x0] =	vst.idx.msk $0xffff, v44;
	v44 =	vld [tilespmem:s29+$0x22F0];
	v45 =	vadd.s32 s12, v31  }
0x500: {  	[tilespmem:v47+s19+$0x0] =	vst.idx.msk $0xffff, v46;
	v46 =	vld [tilespmem:s29+$0x2320];
	v47 =	vadd.s32 s28, v34  }
0x501: {  	[tilespmem:v28+s19+$0x0] =	vst.idx.msk $0xffff, v17;
	v17 =	vld [tilespmem:s29+$0x2330];
	v28 =	vadd.s32 s6, v34  }
0x502: {  	[tilespmem:v24+s19+$0x0] =	vst.idx.msk $0xffff, v20;
	v20 =	vld [tilespmem:s29+$0x2340];
	v24 =	vadd.s32 s9, v34  }
0x503: {  	[tilespmem:v43+s19+$0x0] =	vst.idx.msk $0xffff, v32;
	v32 =	vld [tilespmem:s29+$0x2350];
	v43 =	vadd.s32 s10, v34  }
0x504: {  	[tilespmem:v45+s19+$0x0] =	vst.idx.msk $0xffff, v44;
	v44 =	vld [tilespmem:s29+$0x2360];
	v45 =	vadd.s32 s25, v34  }
0x505: {  	[tilespmem:v47+s19+$0x0] =	vst.idx.msk $0xffff, v46;
	v46 =	vld [tilespmem:s29+$0x2370];
	v47 =	vadd.s32 s12, v34  }
0x506: {  	[tilespmem:v28+s19+$0x0] =	vst.idx.msk $0xffff, v17;
	v17 =	vld [tilespmem:s29+$0x23A0];
	v28 =	vadd.s32 s28, v48  }
0x507: {  	[tilespmem:v24+s19+$0x0] =	vst.idx.msk $0xffff, v20;
	v20 =	vld [tilespmem:s29+$0x23B0];
	v24 =	vadd.s32 s6, v48  }
0x508: {  	[tilespmem:v43+s19+$0x0] =	vst.idx.msk $0xffff, v32;
	v32 =	vld [tilespmem:s29+$0x23C0];
	v43 =	vadd.s32 s9, v48  }
0x509: {  	[tilespmem:v45+s19+$0x0] =	vst.idx.msk $0xffff, v44;
	v44 =	vld [tilespmem:s29+$0x23D0];
	v45 =	vadd.s32 s10, v48  }
0x50a: {  	[tilespmem:v47+s19+$0x0] =	vst.idx.msk $0xffff, v46;
	v46 =	vld [tilespmem:s29+$0x23E0];
	v47 =	vadd.s32 s25, v48  }
0x50b: {  	[tilespmem:v28+s19+$0x0] =	vst.idx.msk $0xffff, v17;
	v17 =	vld [tilespmem:s29+$0x23F0];
	v28 =	vadd.s32 s12, v48  }
0x50c: {  	[tilespmem:v24+s19+$0x0] =	vst.idx.msk $0xffff, v20;
	v20 =	vld [tilespmem:s29+$0x3020];
	v24 =	vadd.s32 s28, v50  }
0x50d: {  	[tilespmem:v43+s19+$0x0] =	vst.idx.msk $0xffff, v32;
	v32 =	vld [tilespmem:s29+$0x3030];
	v43 =	vadd.s32 s6, v50  }
0x50e: {  	[tilespmem:v45+s19+$0x0] =	vst.idx.msk $0xffff, v44;
	v44 =	vld [tilespmem:s29+$0x3040];
	v45 =	vadd.s32 s9, v50  }
0x50f: {  	[tilespmem:v47+s19+$0x0] =	vst.idx.msk $0xffff, v46;
	v46 =	vld [tilespmem:s29+$0x3050];
	v47 =	vadd.s32 s10, v50  }
0x510: {  	[tilespmem:v28+s19+$0x0] =	vst.idx.msk $0xffff, v17;
	v17 =	vld [tilespmem:s29+$0x3060];
	v28 =	vadd.s32 s25, v50  }
0x511: {  	[tilespmem:v24+s19+$0x0] =	vst.idx.msk $0xffff, v20;
	v20 =	vld [tilespmem:s29+$0x3070];
	v24 =	vadd.s32 s12, v50  }
0x512: {  	[tilespmem:v43+s19+$0x0] =	vst.idx.msk $0xffff, v32;
	v32 =	vld [tilespmem:s29+$0x30A0];
	v43 =	vadd.s32 s28, v54  }
0x513: {  	[tilespmem:v45+s19+$0x0] =	vst.idx.msk $0xffff, v44;
	v44 =	vld [tilespmem:s29+$0x30B0];
	v45 =	vadd.s32 s6, v54  }
0x514: {  	[tilespmem:v47+s19+$0x0] =	vst.idx.msk $0xffff, v46;
	v46 =	vld [tilespmem:s29+$0x30C0];
	v47 =	vadd.s32 s9, v54  }
0x515: {  	[tilespmem:v28+s19+$0x0] =	vst.idx.msk $0xffff, v17;
	v17 =	vld [tilespmem:s29+$0x30D0];
	v28 =	vadd.s32 s10, v54  }
0x516: {  	[tilespmem:v24+s19+$0x0] =	vst.idx.msk $0xffff, v20;
	v20 =	vld [tilespmem:s29+$0x30E0];
	v24 =	vadd.s32 s25, v54  }
0x517: {  	[tilespmem:v43+s19+$0x0] =	vst.idx.msk $0xffff, v32;
	v32 =	vld [tilespmem:s29+$0x30F0];
	v43 =	vadd.s32 s12, v54  }
0x518: {  	[tilespmem:v45+s19+$0x0] =	vst.idx.msk $0xffff, v44;
	v44 =	vld [tilespmem:s29+$0x3120];
	v45 =	vadd.s32 s28, v56  }
0x519: {  	[tilespmem:v47+s19+$0x0] =	vst.idx.msk $0xffff, v46;
	v46 =	vld [tilespmem:s29+$0x3130];
	v47 =	vadd.s32 s6, v56  }
0x51a: {  	[tilespmem:v28+s19+$0x0] =	vst.idx.msk $0xffff, v17;
	v17 =	vld [tilespmem:s29+$0x3140];
	v28 =	vadd.s32 s9, v56  }
0x51b: {  	[tilespmem:v24+s19+$0x0] =	vst.idx.msk $0xffff, v20;
	v20 =	vld [tilespmem:s29+$0x3150];
	v24 =	vadd.s32 s10, v56  }
0x51c: {  	[tilespmem:v43+s19+$0x0] =	vst.idx.msk $0xffff, v32;
	v32 =	vld [tilespmem:s29+$0x3160];
	v43 =	vadd.s32 s25, v56  }
0x51d: {  	[tilespmem:v45+s19+$0x0] =	vst.idx.msk $0xffff, v44;
	v44 =	vld [tilespmem:s29+$0x3170];
	v45 =	vadd.s32 s12, v56  }
0x51e: {  	[tilespmem:v47+s19+$0x0] =	vst.idx.msk $0xffff, v46;
	v46 =	vld [tilespmem:s29+$0x31A0];
	v47 =	vadd.s32 s28, v1  }
0x51f: {  	[tilespmem:v28+s19+$0x0] =	vst.idx.msk $0xffff, v17;
	v17 =	vld [tilespmem:s29+$0x31B0];
	v28 =	vadd.s32 s6, v1  }
0x520: {  	[tilespmem:v24+s19+$0x0] =	vst.idx.msk $0xffff, v20;
	v20 =	vld [tilespmem:s29+$0x31C0];
	v24 =	vadd.s32 s9, v1  }
0x521: {  	[tilespmem:v43+s19+$0x0] =	vst.idx.msk $0xffff, v32;
	v32 =	vld [tilespmem:s29+$0x31D0];
	v43 =	vadd.s32 s10, v1  }
0x522: {  	[tilespmem:v45+s19+$0x0] =	vst.idx.msk $0xffff, v44;
	v44 =	vld [tilespmem:s29+$0x31E0];
	v45 =	vadd.s32 s25, v1  }
0x523: {  	[tilespmem:v47+s19+$0x0] =	vst.idx.msk $0xffff, v46;
	v46 =	vld [tilespmem:s29+$0x31F0];
	v47 =	vadd.s32 s12, v1  }
0x524: {  	[tilespmem:v28+s19+$0x0] =	vst.idx.msk $0xffff, v17;
	v17 =	vld [tilespmem:s29+$0x3220];
	v28 =	vadd.s32 s28, v5  }
0x525: {  	[tilespmem:v24+s19+$0x0] =	vst.idx.msk $0xffff, v20;
	v20 =	vld [tilespmem:s29+$0x3230];
	v24 =	vadd.s32 s6, v5  }
0x526: {  	[tilespmem:v43+s19+$0x0] =	vst.idx.msk $0xffff, v32;
	v32 =	vld [tilespmem:s29+$0x3240];
	v43 =	vadd.s32 s9, v5  }
0x527: {  	[tilespmem:v45+s19+$0x0] =	vst.idx.msk $0xffff, v44;
	v44 =	vld [tilespmem:s29+$0x3250];
	v45 =	vadd.s32 s10, v5  }
0x528: {  	[tilespmem:v47+s19+$0x0] =	vst.idx.msk $0xffff, v46;
	v46 =	vld [tilespmem:s29+$0x3260];
	v47 =	vadd.s32 s25, v5  }
0x529: {  	[tilespmem:v28+s19+$0x0] =	vst.idx.msk $0xffff, v17;
	v17 =	vld [tilespmem:s29+$0x3270];
	v28 =	vadd.s32 s12, v5  }
0x52a: {  	[tilespmem:v24+s19+$0x0] =	vst.idx.msk $0xffff, v20;
	v20 =	vld [tilespmem:s29+$0x32A0];
	v24 =	vadd.s32 s28, v9  }
0x52b: {  	[tilespmem:v43+s19+$0x0] =	vst.idx.msk $0xffff, v32;
	v32 =	vld [tilespmem:s29+$0x32B0];
	v43 =	vadd.s32 s6, v9  }
0x52c: {  	[tilespmem:v45+s19+$0x0] =	vst.idx.msk $0xffff, v44;
	v44 =	vld [tilespmem:s29+$0x32C0];
	v45 =	vadd.s32 s9, v9  }
0x52d: {  	[tilespmem:v47+s19+$0x0] =	vst.idx.msk $0xffff, v46;
	v46 =	vld [tilespmem:s29+$0x32D0];
	v47 =	vadd.s32 s10, v9  }
0x52e: {  	[tilespmem:v28+s19+$0x0] =	vst.idx.msk $0xffff, v17;
	v17 =	vld [tilespmem:s29+$0x32E0];
	v28 =	vadd.s32 s25, v9  }
0x52f: {  	[tilespmem:v24+s19+$0x0] =	vst.idx.msk $0xffff, v20;
	v20 =	vld [tilespmem:s29+$0x32F0];
	v24 =	vadd.s32 s12, v9  }
0x530: {  	[tilespmem:v43+s19+$0x0] =	vst.idx.msk $0xffff, v32;
	v32 =	vld [tilespmem:s29+$0x3320];
	v43 =	vadd.s32 s28, v40  }
0x531: {  	[tilespmem:v45+s19+$0x0] =	vst.idx.msk $0xffff, v44;
	v44 =	vld [tilespmem:s29+$0x3330];
	v45 =	vadd.s32 s6, v40  }
0x532: {  	[tilespmem:v47+s19+$0x0] =	vst.idx.msk $0xffff, v46;
	v46 =	vld [tilespmem:s29+$0x3340];
	v47 =	vadd.s32 s9, v40  }
0x533: {  	[tilespmem:v28+s19+$0x0] =	vst.idx.msk $0xffff, v17;
	v17 =	vld [tilespmem:s29+$0x3350];
	v28 =	vadd.s32 s10, v40  }
0x534: {  	[tilespmem:v24+s19+$0x0] =	vst.idx.msk $0xffff, v20;
	v20 =	vld [tilespmem:s29+$0x3360];
	v24 =	vadd.s32 s25, v40  }
0x535: {  	[tilespmem:v43+s19+$0x0] =	vst.idx.msk $0xffff, v32;
	v32 =	vld [tilespmem:s29+$0x3370];
	v43 =	vadd.s32 s12, v40  }
0x536: {  	[tilespmem:v45+s19+$0x0] =	vst.idx.msk $0xffff, v44;
	v44 =	vadd.s32 s28, v14;
	v45 =	vld [tilespmem:s29+$0x33A0]  }
0x537: {  	[tilespmem:v47+s19+$0x0] =	vst.idx.msk $0xffff, v46;
	v46 =	vadd.s32 s6, v14;
	v47 =	vld [tilespmem:s29+$0x33B0]  }
0x538: {  	[tilespmem:v28+s19+$0x0] =	vst.idx.msk $0xffff, v17;
	v17 =	vadd.s32 s9, v14;
	v28 =	vld [tilespmem:s29+$0x33C0]  }
0x539: {  	[tilespmem:v24+s19+$0x0] =	vst.idx.msk $0xffff, v20;
	v20 =	vadd.s32 s10, v14;
	v24 =	vld [tilespmem:s29+$0x33D0]  }
0x53a: {  	[tilespmem:v43+s19+$0x0] =	vst.idx.msk $0xffff, v32;
	v32 =	vld [tilespmem:s29+$0x33E0];
	v43 =	vadd.s32 s25, v14  }
0x53b: {  	p0 =	slt.u32 s2, $0x18;
	[tilespmem:v44+s19+$0x0] =	vst.idx.msk $0xffff, v45;
	v44 =	vld [tilespmem:s29+$0x33F0];
	v45 =	vadd.s32 s12, v14  }
.Ltmp6:
0x53c: {  	[tilespmem:v46+s19+$0x0] =	vst.idx.msk $0xffff, v47;
	(pc) =	sbr.rel @p0 .LBB2_13-.Ltmp6, $4  }
0x53d: {  	[tilespmem:v17+s19+$0x0] =	vst.idx.msk $0xffff, v28  }
0x53e: {  	[tilespmem:v20+s19+$0x0] =	vst.idx.msk $0xffff, v24  }
0x53f: {  	s31 =	sadd.s32 $0x8, s2;
	s16 =	simm.s32 $0xC300;
	v47 =	vld [tilespmem:$0x1FFF0];
	[tilespmem:v43+s19+$0x0] =	vst.idx.msk $0xffff, v32  }
0x540: {  	s2 =	smov.u32 s31;
	s6 =	simm.s32 $0x1E0;
	s12 =	simm.s32 $0x8108;
	v46 =	vld [tilespmem:$0x1FFE0];
	[tilespmem:v45+s19+$0x0] =	vst.idx.msk $0xffff, v44  }
0x541: {  	v1 =	vld [tilespmem:s12+$0x84]  }
0x542: {  	v3 =	vld [tilespmem:s12+$0xFFFFFF7C];
	_ =	sdelay $0x2  }
0x543: {  	v5 =	vld [tilespmem:s12+$0x0]  }
0x544: {  	v7 =	vld [tilespmem:s12+$0xFFFFFEF8];
	[tilespmem:s16+$0x80] =	vst v1  }
0x545: {  	[tilespmem:s16+$0xFFFFFF80] =	vst v3;
	v1 =	vld [tilespmem:s12+$0x94]  }
0x546: {  	v3 =	vld [tilespmem:s12+$0xFFFFFF8C];
	_ =	sdelay $0x1  }
0x547: {  	[tilespmem:s16+$0x0] =	vst v5  }
0x548: {  	[tilespmem:s16+$0xFFFFFF00] =	vst v7;
	v5 =	vld [tilespmem:s12+$0x10]  }
0x549: {  	v7 =	vld [tilespmem:s12+$0xFFFFFF08];
	[tilespmem:s16+$0x90] =	vst v1  }
0x54a: {  	[tilespmem:s16+$0xFFFFFF90] =	vst v3;
	v1 =	vld [tilespmem:s12+$0xA5]  }
0x54b: {  	v3 =	vld [tilespmem:s12+$0xFFFFFF9D];
	_ =	sdelay $0x1  }
0x54c: {  	[tilespmem:s16+$0x10] =	vst v5  }
0x54d: {  	[tilespmem:s16+$0xFFFFFF10] =	vst v7;
	v5 =	vld [tilespmem:s12+$0x21]  }
0x54e: {  	v7 =	vld [tilespmem:s12+$0xFFFFFF19];
	[tilespmem:s16+$0xA0] =	vst v1  }
0x54f: {  	[tilespmem:s16+$0xFFFFFFA0] =	vst v3;
	v1 =	vld [tilespmem:s12+$0xB5]  }
0x550: {  	v3 =	vld [tilespmem:s12+$0xFFFFFFAD];
	_ =	sdelay $0x1  }
0x551: {  	s0 =	simm.s32 $0x1A0;
	[tilespmem:s16+$0x20] =	vst v5  }
0x552: {  	s2 =	simm.s32 $0xA0;
	s0 =	sor.u32 $0x30, s0;
	[tilespmem:s16+$0xFFFFFF20] =	vst v7;
	v5 =	vld [tilespmem:s12+$0x31]  }
0x553: {  	s2 =	sor.u32 $0x30, s2;
	v7 =	vld [tilespmem:s12+$0xFFFFFF29];
	[tilespmem:s0+$0xC200] =	vst v1  }
0x554: {  	[tilespmem:s2+$0xC200] =	vst v3;
	v1 =	vld [tilespmem:s12+$0xC6]  }
0x555: {  	s3 =	simm.s32 $0x120;
	v3 =	vld [tilespmem:s12+$0xFFFFFFBE]  }
0x556: {  	s9 =	simm.s32 $0x20;
	s0 =	sor.u32 $0x30, s3  }
0x557: {  	s2 =	sor.u32 $0x30, s9;
	[tilespmem:s0+$0xC200] =	vst v5  }
0x558: {  	[tilespmem:s2+$0xC200] =	vst v7;
	v5 =	vld [tilespmem:s12+$0x42]  }
0x559: {  	v7 =	vld [tilespmem:s12+$0xFFFFFF3A];
	[tilespmem:s16+$0xC0] =	vst v1  }
0x55a: {  	[tilespmem:s16+$0xFFFFFFC0] =	vst v3;
	v1 =	vld [tilespmem:s12+$0xD6]  }
0x55b: {  	s0 =	simm.s32 $0x8318;
	v3 =	vld [tilespmem:s12+$0xFFFFFFCE]  }
0x55c: {  	v9 =	vld [tilespmem:s0+$0x84]  }
0x55d: {  	s10 =	simm.s32 $0x1C0;
	[tilespmem:s16+$0x40] =	vst v5;
	v5 =	vld [tilespmem:s0+$0xFFFFFF7C]  }
0x55e: {  	s3 =	simm.s32 $0xC0;
	s2 =	sor.u32 $0x50, s10;
	[tilespmem:s16+$0xFFFFFF40] =	vst v7;
	v7 =	vld [tilespmem:s0+$0x0]  }
0x55f: {  	s3 =	sor.u32 $0x50, s3;
	v11 =	vld [tilespmem:s0+$0xFFFFFEF8];
	[tilespmem:s2+$0xC200] =	vst v1  }
0x560: {  	[tilespmem:s3+$0xC200] =	vst v3;
	s2 =	simm.s32 $0xC500;
	v3 =	vld [tilespmem:s12+$0xFFFFFF4A]  }
0x561: {  	v1 =	vld [tilespmem:s12+$0xE7];
	[tilespmem:s2+$0x80] =	vst v9  }
0x562: {  	[tilespmem:s2+$0xFFFFFF80] =	vst v5;
	v5 =	vld [tilespmem:s0+$0x94]  }
0x563: {  	s15 =	simm.s32 $0x40;
	[tilespmem:s2+$0x0] =	vst v7;
	v9 =	vld [tilespmem:s0+$0xFFFFFF8C]  }
0x564: {  	s3 =	sor.u32 $0x50, s15;
	[tilespmem:s2+$0xFFFFFF00] =	vst v11;
	v7 =	vld [tilespmem:s0+$0x10]  }
0x565: {  	v11 =	vld [tilespmem:s0+$0xFFFFFF08];
	[tilespmem:s3+$0xC200] =	vst v3  }
0x566: {  	v3 =	vld [tilespmem:s12+$0x52];
	[tilespmem:s16+$0xE0] =	vst v1  }
0x567: {  	v1 =	vld [tilespmem:s12+$0xF7];
	[tilespmem:s2+$0x90] =	vst v5  }
0x568: {  	[tilespmem:s2+$0xFFFFFF90] =	vst v9;
	v5 =	vld [tilespmem:s0+$0xA5]  }
0x569: {  	s17 =	simm.s32 $0x140;
	[tilespmem:s2+$0x10] =	vst v7;
	v9 =	vld [tilespmem:s0+$0xFFFFFF9D]  }
0x56a: {  	s3 =	sor.u32 $0x50, s17;
	[tilespmem:s2+$0xFFFFFF10] =	vst v11;
	v7 =	vld [tilespmem:s0+$0x21]  }
0x56b: {  	s6 =	sor.u32 $0x70, s6;
	v11 =	vld [tilespmem:s0+$0xFFFFFF19];
	[tilespmem:s3+$0xC200] =	vst v3  }
0x56c: {  	v3 =	vld [tilespmem:s12+$0xFFFFFFDF];
	[tilespmem:s6+$0xC200] =	vst v1  }
0x56d: {  	v1 =	vld [tilespmem:s12+$0xFFFFFF5B];
	[tilespmem:s2+$0xA0] =	vst v5  }
0x56e: {  	[tilespmem:s2+$0xFFFFFFA0] =	vst v9;
	v5 =	vld [tilespmem:s0+$0xB5]  }
0x56f: {  	[tilespmem:s2+$0x20] =	vst v7;
	v9 =	vld [tilespmem:s0+$0xFFFFFFAD]  }
0x570: {  	[tilespmem:s2+$0xFFFFFF20] =	vst v11;
	v7 =	vld [tilespmem:s0+$0x31]  }
0x571: {  	s23 =	simm.s32 $0x3A0;
	v11 =	vld [tilespmem:s0+$0xFFFFFF29];
	[tilespmem:s16+$0xFFFFFFE0] =	vst v3  }
0x572: {  	s24 =	simm.s32 $0x2A0;
	s3 =	sor.u32 $0x30, s23;
	[tilespmem:s16+$0xFFFFFF60] =	vst v1;
	v1 =	vld [tilespmem:s12+$0x63]  }
0x573: {  	s25 =	simm.s32 $0x220;
	s10 =	simm.s32 $0x320;
	s6 =	sor.u32 $0x30, s24;
	v3 =	vld [tilespmem:s12+$0xFFFFFF6B];
	[tilespmem:s3+$0xC200] =	vst v5  }
0x574: {  	s26 =	simm.s32 $0xE0;
	s31 =	simm.s32 $0x240;
	s10 =	sor.u32 $0x30, s10;
	[tilespmem:s6+$0xC200] =	vst v9;
	v9 =	vld [tilespmem:s0+$0xC6]  }
0x575: {  	s29 =	simm.s32 $0xC500;
	s9 =	simm.s32 $0x60;
	s17 =	sor.u32 $0x30, s25;
	[tilespmem:s10+$0xC200] =	vst v7;
	v13 =	vld [tilespmem:s0+$0xFFFFFFBE]  }
0x576: {  	s15 =	simm.s32 $0x160;
	s25 =	simm.s32 $0x10;
	s23 =	simm.s32 $0x2C0;
	[tilespmem:s17+$0xC200] =	vst v11;
	v11 =	vld [tilespmem:s0+$0x42]  }
0x577: {  	s23 =	sor.u32 $0x50, s23;
	s24 =	sor.u32 $0x50, s31;
	s3 =	sor.u32 $0x70, s9;
	v5 =	vld [tilespmem:s0+$0xFFFFFF3A];
	[tilespmem:s16+$0x60] =	vst v1  }
0x578: {  	s31 =	simm.s32 $0x340;
	s9 =	sor.u32 $0x70, s26;
	s6 =	sor.u32 $0x70, s15;
	v1 =	vld [tilespmem:s12+$0xFFFFFFEF];
	[tilespmem:s3+$0xC200] =	vst v3  }
0x579: {  	s10 =	simm.s32 $0x3E0;
	s26 =	simm.s32 $0x260;
	s17 =	sor.u32 $0x50, s31;
	v3 =	vld [tilespmem:s12+$0x73];
	[tilespmem:s2+$0xC0] =	vst v9  }
0x57a: {  	s31 =	simm.s32 $0x360;
	s16 =	simm.s32 $0x2E0;
	s12 =	sor.u32 $0x70, s26;
	[tilespmem:s2+$0xFFFFFFC0] =	vst v13;
	v9 =	vld [tilespmem:s0+$0xD6]  }
0x57b: {  	s28 =	sor.u32 $0x70, s16;
	s26 =	sor.u32 $0x70, s31;
	s16 =	simm.s32 $0x8528;
	[tilespmem:s2+$0x40] =	vst v11;
	v7 =	vld [tilespmem:s0+$0xFFFFFFCE]  }
.LBB2_15:
0x57c: {  	v11 =	vld [tilespmem:s16+$0x84];
	s25 =	sadd.s32 $0x10, s25;
	[tilespmem:s2+$0xFFFFFF40] =	vst v5  }
0x57d: {  	s3 =	sadd.s32 $0xFFFFFFE0, s10;
	v5 =	vld [tilespmem:s16+$0xFFFFFF7C];
	p0 =	slt.u32 s25, $0x1F0;
	[tilespmem:s9+$0xC200] =	vst v1;
	s9 =	smov.u32 s28  }
0x57e: {  	s3 =	sor.u32 $0x50, s3;
	v1 =	vld [tilespmem:s16+$0x0];
	[tilespmem:s6+$0xC200] =	vst v3;
	s6 =	smov.u32 s26  }
0x57f: {  	v3 =	vld [tilespmem:s16+$0xFFFFFEF8];
	[tilespmem:s3+$0xC200] =	vst v9  }
0x580: {  	s2 =	sadd.s32 $0x200, s2;
	[tilespmem:s23+$0xC200] =	vst v7;
	v7 =	vld [tilespmem:s0+$0xE7]  }
0x581: {  	[tilespmem:s2+$0x80] =	vst v11;
	v9 =	vld [tilespmem:s0+$0xFFFFFF4A]  }
0x582: {  	[tilespmem:s2+$0xFFFFFF80] =	vst v5;
	v5 =	vld [tilespmem:s16+$0x94]  }
0x583: {  	v11 =	vld [tilespmem:s16+$0xFFFFFF8C];
	[tilespmem:s2+$0x0] =	vst v1  }
0x584: {  	[tilespmem:s2+$0xFFFFFF00] =	vst v3;
	v1 =	vld [tilespmem:s16+$0x10]  }
0x585: {  	v3 =	vld [tilespmem:s16+$0xFFFFFF08];
	[tilespmem:s29+$0xE0] =	vst v7  }
0x586: {  	[tilespmem:s24+$0xC200] =	vst v9;
	v7 =	vld [tilespmem:s0+$0xF7]  }
0x587: {  	[tilespmem:s2+$0x90] =	vst v5;
	v5 =	vld [tilespmem:s0+$0x52]  }
0x588: {  	[tilespmem:s2+$0xFFFFFF90] =	vst v11;
	v9 =	vld [tilespmem:s16+$0xA5]  }
0x589: {  	v11 =	vld [tilespmem:s16+$0xFFFFFF9D];
	[tilespmem:s2+$0x10] =	vst v1  }
0x58a: {  	s3 =	sor.u32 $0x70, s10;
	[tilespmem:s2+$0xFFFFFF10] =	vst v3;
	v1 =	vld [tilespmem:s16+$0x21]  }
0x58b: {  	v3 =	vld [tilespmem:s16+$0xFFFFFF19];
	[tilespmem:s3+$0xC200] =	vst v7  }
0x58c: {  	v7 =	vld [tilespmem:s0+$0xFFFFFF5B];
	[tilespmem:s17+$0xC200] =	vst v5  }
0x58d: {  	[tilespmem:s2+$0xA0] =	vst v9;
	v5 =	vld [tilespmem:s0+$0xFFFFFFDF]  }
0x58e: {  	[tilespmem:s2+$0xFFFFFFA0] =	vst v11;
	v9 =	vld [tilespmem:s16+$0xB5]  }
0x58f: {  	v11 =	vld [tilespmem:s16+$0xFFFFFFAD];
	[tilespmem:s2+$0x20] =	vst v1  }
0x590: {  	s10 =	sadd.s32 $0x200, s10;
	[tilespmem:s2+$0xFFFFFF20] =	vst v3;
	v1 =	vld [tilespmem:s16+$0x31]  }
0x591: {  	s15 =	sadd.s32 $0xFFFFFEC0, s10;
	s3 =	sadd.s32 $0xFFFFFE40, s10;
	s17 =	sadd.s32 $0xFFFFFFC0, s10;
	v3 =	vld [tilespmem:s16+$0xFFFFFF29];
	[tilespmem:s29+$0xFFFFFF60] =	vst v7  }
0x592: {  	s23 =	sadd.s32 $0xFFFFFF40, s10;
	s3 =	sor.u32 $0x30, s3;
	s17 =	sor.u32 $0x30, s17;
	[tilespmem:s29+$0xFFFFFFE0] =	vst v5;
	v7 =	vld [tilespmem:s0+$0x63]  }
0x593: {  	s15 =	sor.u32 $0x30, s15;
	s26 =	sor.u32 $0x30, s23;
	s24 =	sadd.s32 $0xFFFFFE60, s10;
	[tilespmem:s17+$0xC200] =	vst v9;
	v9 =	vld [tilespmem:s0+$0xFFFFFF6B]  }
0x594: {  	s24 =	sor.u32 $0x50, s24;
	s17 =	sadd.s32 $0xFFFFFF60, s10;
	[tilespmem:s15+$0xC200] =	vst v11;
	s15 =	sadd.s32 $0xFFFFFEE0, s10;
	v11 =	vld [tilespmem:s16+$0xC6]  }
0x595: {  	s28 =	sadd.s32 $0xFFFFFE80, s10;
	s17 =	sor.u32 $0x50, s17;
	v13 =	vld [tilespmem:s16+$0xFFFFFFBE];
	s23 =	sor.u32 $0x50, s15;
	[tilespmem:s26+$0xC200] =	vst v1  }
0x596: {  	s15 =	sadd.s32 $0xFFFFFF00, s10;
	s26 =	sadd.s32 $0xFFFFFF80, s10;
	[tilespmem:s3+$0xC200] =	vst v3;
	s3 =	sor.u32 $0x70, s28;
	v14 =	vld [tilespmem:s16+$0x42]  }
.Ltmp7:
0x597: {  	s28 =	sor.u32 $0x70, s15;
	s26 =	sor.u32 $0x70, s26;
	v5 =	vld [tilespmem:s16+$0xFFFFFF3A];
	[tilespmem:s29+$0x60] =	vst v7;
	(pc) =	sbr.rel @p0 .LBB2_15-.Ltmp7, $4  }
0x598: {  	s29 =	smov.u32 s2;
	[tilespmem:s12+$0xC200] =	vst v9;
	v1 =	vld [tilespmem:s0+$0xFFFFFFEF];
	s12 =	smov.u32 s3  }
0x599: {  	[tilespmem:s2+$0xC0] =	vst v11;
	v3 =	vld [tilespmem:s0+$0x73];
	s0 =	smov.u32 s16  }
0x59a: {  	[tilespmem:s2+$0xFFFFFFC0] =	vst v13;
	v9 =	vld [tilespmem:s16+$0xD6]  }
0x59b: {  	s16 =	sadd.s32 $0x210, s16;
	v7 =	vld [tilespmem:s0+$0xFFFFFFCE];
	[tilespmem:s2+$0x40] =	vst v14  }
0x59c: {  	[tilespmem:s2+$0xFFFFFF40] =	vst v5;
	v11 =	vld [tilespmem:s0+$0x52]  }
0x59d: {  	s16 =	sadd.s32 $0xFFFFFFE0, s10;
	v5 =	vld [tilespmem:s0+$0xFFFFFF4A]  }
0x59e: {  	s2 =	sor.u32 $0x50, s16  }
0x59f: {  	[tilespmem:s2+$0xC200] =	vst v9  }
0x5a0: {  	v9 =	vld [tilespmem:s0+$0xE7];
	[tilespmem:s23+$0xC200] =	vst v7  }
0x5a1: {  	[tilespmem:s17+$0xC200] =	vst v11;
	v7 =	vld [tilespmem:s0+$0xFFFFFFDF]  }
0x5a2: {  	[tilespmem:s24+$0xC200] =	vst v5;
	v11 =	vld [tilespmem:s0+$0x63]  }
0x5a3: {  	v5 =	vld [tilespmem:s0+$0xFFFFFF5B];
	_ =	sdelay $0x1  }
0x5a4: {  	[tilespmem:s29+$0xE0] =	vst v9  }
0x5a5: {  	[tilespmem:s29+$0xFFFFFFE0] =	vst v7  }
0x5a6: {  	[tilespmem:s29+$0x60] =	vst v11;
	v9 =	vld [tilespmem:s0+$0xFFFFFFEF]  }
0x5a7: {  	[tilespmem:s29+$0xFFFFFF60] =	vst v5;
	v5 =	vld [tilespmem:s0+$0xF7]  }
0x5a8: {  	[tilespmem:s9+$0xC200] =	vst v1;
	v1 =	vld [tilespmem:s0+$0x73]  }
0x5a9: {  	v7 =	vld [tilespmem:s0+$0xFFFFFF6B]  }
0x5aa: {  	[tilespmem:s6+$0xC200] =	vst v3  }
0x5ab: {  	s24 =	sor.u32 $0x70, s10;
	[tilespmem:s28+$0xC200] =	vst v9  }
0x5ac: {  	[tilespmem:s24+$0xC200] =	vst v5  }
0x5ad: {  	[tilespmem:s26+$0xC200] =	vst v1  }
0x5ae: {  	[tilespmem:s12+$0xC200] =	vst v7  }
0x5af: {  	s25 =	simm.s32 $0x4;
	s0 =	rddreg [dreg:$0x5]  }
0x5b0: {  	[hbm4b:s0+s4] =	stream.linear.scatter [tilespmem:s20], [sflag:$0x3], $0x4000, $0x38;
	[tilespmem:$0x14480] =	vst v63  }
0x5b1: {  	_ =	swait.ge [sflag:s25], $0x4000  }
0x5b2: {  	[sflag:s25] =	ssyncset.done $0x0  }
0x5b3: {  	[sflag:s25] =	ssyncadd.s32 $0xFFFFC000  }
0x5b4: {  	_ =	swait.ge [sflag:s30], $0x4000  }
0x5b5: {  	s3 =	simm.s32 $0x5;
	[sflag:s30] =	ssyncset.done $0x0  }
0x5b6: {  	s28 =	simm.s32 $0x14200;
	s26 =	rddreg [dreg:$0x8];
	[sflag:s30] =	ssyncadd.s32 $0xFFFFC000  }
0x5b7: {  	[tilespmem:s28], [sflag:$0x5] =	stream.linear.gather [hbm4b:s26+s4], $0x240, $0x38;
	[tilespmem:$0x14480] =	vst v63  }
0x5b8: {  	_ =	swait.ge [sflag:s3], $0x240  }
0x5b9: {  	[sflag:s3] =	ssyncset.done $0x0  }
0x5ba: {  	s29 =	rddreg [dreg:$0x6];
	[sflag:s3] =	ssyncadd.s32 $0xFFFFFDC0  }
0x5bb: {  	[hbm4b:s29+s4] =	stream.linear.scatter [tilespmem:s28], [sflag:$0x5], $0x240, $0x38;
	[tilespmem:$0x14480] =	vst v63  }
0x5bc: {  	_ =	swait.ge [sflag:s3], $0x240  }
0x5bd: {  	s30 =	rddreg [dreg:$0xa]  }
0x5be: {  	s31 =	rddreg [dreg:$0x9];
	s2 =	sadd.s32 $0x1, s30  }
0x5bf: {  	p0 =	sne.s32 s2, s31  }
.Ltmp8:
0x5c0: {  	_ = 	snop;
	(pc) =	sbr.rel @p0 .LBB2_1-.Ltmp8, $3  }
0x5c1: {  	_ =	sdelay $0x1  }
0x5c2: {  	[sflag:s3] =	ssyncset.done $0x0  }
0x5c3: {  	[sflag:s3] =	ssyncadd.s32 $0xFFFFFDC0  }
0x5c4: {  	_ =	sfence.sel $0x180000  }
0x5c5: {  	[bflag:$0x0] =	sbarrier.arrive $0xFFFF  }
0x5c6: {  	_ =	strace $0x90000047  }
0x5c7: {  	s0 =	stileid.u32;
	[bflag:$0x2] =	sbarrier.arrive $0xFFFF  }
0x5c8: {  	p0 =	sne.s32 s0, $0x0;
	s0 =	rddreg [dreg:$0x3]  }
0x5c9: {  	s0 =	sadd.s32 @!p0 $0x100000, s0  }
0x5ca: {  	[sflag:s0] =	ssyncadd.tile.s32 @!p0 $0x1;
	_ =	shalt  }
.Lfunc_end2:
_tile_overlayer_lowered:
.L_overlay_start_2:
0x5cb: {  	(tag) =	ssettag $0x2  }
0x5cc: {  	s0 =	rddreg [dreg:$0x0];
	s2 =	stileid.u32  }
0x5cd: {  	s1 =	rddreg [dreg:$0x1];
	p0 =	sne.s32 s2, $0x0  }
0x5ce: {  	s3 =	rddreg [dreg:$0x2];
	[bflag:$0x3] =	sbarrier.arrive $0xFFFF;
	s2 =	simm.s32 @!p0 $0x1C05  }
0x5cf: {  	[timem:s3], [sflag:s2] =	dma.local @!p0 [hbm:s0], s1  }
0x5d0: {  	s0 =	simm.s32 @!p0 $0x5  }
0x5d1: {  	_ =	swait.ge @!p0 [sflag:s0], s1  }
0x5d2: {  	s1 =	ssub.s32 @!p0 $0x0, s1;
	[sflag:s0] =	ssyncset.done @!p0 $0x0  }
0x5d3: {  	[sflag:s0] =	ssyncadd.s32 @!p0 s1  }
0x5d4: {  	[bflag:$0x3] =	sbarrier.arrive $0xFFFF  }
0x5d5: {  	_ =	shalt  }

</sc_bundles>
